<compile_context>
chip_gen: v7x
topology: tpu7x:2x2x1
jax: 0.10.2.dev20260603
libtpu: 0.0.44.dev20260713+nightly
codegen_flags: <defaults>
</compile_context>

<pallas_src>
import functools

import jax
import jax.numpy as jnp
from jax import lax
from jax.experimental import pallas as pl
from jax.experimental.pallas import tpu as pltpu
from jax.experimental.pallas import tpu_sc as plsc

TB = 512
GATE_ROWS = 1024


def _gate_route_body(x_ref, wg_ref, bg_ref, pos_ref, meta_ref, ex_scr,
                     *, n_experts, n_blocks, nrows):
    g = pl.program_id(0)
    lt = lax.dot_general(
        wg_ref[...], x_ref[...],
        dimension_numbers=(((0,), (1,)), ((), ())),
        preferred_element_type=jnp.float32,
    ) + bg_ref[...]
    iota_s = lax.broadcasted_iota(jnp.int32, lt.shape, 0)
    maxv = jnp.max(lt, axis=0, keepdims=True)
    idx = jnp.min(jnp.where(lt == maxv, iota_s, n_experts), axis=0, keepdims=True)
    ex_scr[pl.ds(g, 1), :] = idx.astype(jnp.int32)

    @pl.when(g == nrows - 1)
    def _():
        _routing_tail(ex_scr[...], pos_ref, meta_ref, n_experts, n_blocks)


def _gate_route(x0, wg, bg, n_experts, n_blocks):
    n, d = x0.shape
    e = wg.shape[1]
    nrows = n // GATE_ROWS
    pos, meta = pl.pallas_call(
        functools.partial(_gate_route_body, n_experts=n_experts,
                          n_blocks=n_blocks, nrows=nrows),
        grid=(nrows,),
        in_specs=[
            pl.BlockSpec((GATE_ROWS, d), lambda g: (g, 0)),
            pl.BlockSpec((d, e), lambda g: (0, 0)),
            pl.BlockSpec((e, 1), lambda g: (0, 0)),
        ],
        out_specs=[
            pl.BlockSpec((nrows, GATE_ROWS), lambda g: (0, 0)),
            pl.BlockSpec((8, 128), lambda g: (0, 0)),
        ],
        out_shape=[
            jax.ShapeDtypeStruct((nrows, GATE_ROWS), jnp.int32),
            jax.ShapeDtypeStruct((8, 128), jnp.int32),
        ],
        scratch_shapes=[pltpu.VMEM((nrows, GATE_ROWS), jnp.int32)],
    )(x0, wg, bg.reshape(e, 1))
    return pos, meta


def _routing_tail(ex, pos_ref, meta_ref, n_experts, n_blocks):
    r_dim, w_dim = ex.shape
    t_lane = (lax.broadcasted_iota(jnp.int32, (w_dim, w_dim), 0)
              < lax.broadcasted_iota(jnp.int32, (w_dim, w_dim), 1)).astype(jnp.float32)
    t_row = (lax.broadcasted_iota(jnp.int32, (r_dim, r_dim), 1)
             < lax.broadcasted_iota(jnp.int32, (r_dim, r_dim), 0)).astype(jnp.float32)
    pos = jnp.zeros(ex.shape, jnp.float32)
    poff = jnp.float32(0.0)
    pends, counts = [], []
    for e in range(n_experts):
        eq = (ex == e).astype(jnp.float32)
        lane_cum = lax.dot_general(eq, t_lane, (((1,), (0,)), ((), ())),
                                   preferred_element_type=jnp.float32)
        row_sums = jnp.sum(eq, axis=1, keepdims=True)
        row_cum = lax.dot_general(t_row, row_sums, (((1,), (0,)), ((), ())),
                                  preferred_element_type=jnp.float32)
        rank = lane_cum + row_cum
        cnt = jnp.sum(row_sums)
        pcnt = jnp.ceil(cnt / TB) * TB
        pos = pos + eq * (poff + rank)
        poff = poff + pcnt
        pends.append(poff)
        counts.append(cnt)
    pos_ref[...] = pos.astype(jnp.int32)
    lanes = meta_ref.shape[1]
    g_iota = lax.broadcasted_iota(jnp.int32, (1, lanes), 1) * TB
    zero = jnp.zeros((1, lanes), jnp.int32)
    be = zero
    emax = jnp.int32(0)
    for e in range(n_experts):
        pend_i = pends[e].astype(jnp.int32)
        be = be + (pend_i <= g_iota).astype(jnp.int32)
        nz = (counts[e] > 0).astype(jnp.int32)
        emax = jnp.maximum(emax, e * nz)
    total = pends[-1].astype(jnp.int32)
    valid = (g_iota < total).astype(jnp.int32)
    dump = jnp.minimum(total // TB, n_blocks - 1) + zero
    meta_ref[...] = jnp.concatenate(
        [jnp.minimum(be, emax), valid, dump, zero, zero, zero, zero, zero],
        axis=0)


def _sc_worker_id():
    return lax.axis_index("s") * 2 + lax.axis_index("c")


NBUF = 8


def _sc_scratch(nch, chunk, d):
    return [
        pltpu.VMEM((nch, chunk), jnp.int32),
        pltpu.VMEM((NBUF, chunk, d), jnp.float32),
    ] + [pltpu.SemaphoreType.DMA] * (2 * NBUF)


def _ring(nch, rd, wr):
    reads, writes = {}, {}
    for j in range(min(NBUF - 1, nch)):
        reads[j] = rd(j)
    for j in range(nch):
        nxt = j + NBUF - 1
        if nxt < nch:
            prev = nxt - NBUF
            if prev >= 0:
                writes.pop(prev).wait()
            reads[nxt] = rd(nxt)
        reads[j].wait()
        writes[j] = wr(j)
    for j in sorted(writes):
        writes[j].wait()


def _make_dispatch(n, d, np_rows, nw, nch, chunk):
    mesh = plsc.VectorSubcoreMesh(core_axis_name="c", subcore_axis_name="s")

    @functools.partial(
        pl.kernel,
        out_type=jax.ShapeDtypeStruct((np_rows, d), jnp.float32),
        mesh=mesh,
        scratch_types=_sc_scratch(nch, chunk, d),
    )
    def dispatch(xl_hbm, pos3_hbm, xs_hbm, idx_v, rows_v, *sems):
        w = _sc_worker_id()
        sem_r, sem_w = sems[:NBUF], sems[NBUF:]
        pltpu.sync_copy(pos3_hbm.at[w], idx_v)

        def rd(j):
            base = w * (nch * chunk) + j * chunk
            return pltpu.async_copy(
                xl_hbm.at[pl.ds(base, chunk)], rows_v.at[j % NBUF], sem_r[j % NBUF])

        def wr(j):
            return pltpu.async_copy(
                rows_v.at[j % NBUF], xs_hbm.at[idx_v.at[j]], sem_w[j % NBUF])

        _ring(nch, rd, wr)

    return dispatch


def _make_combine(n, d, np_rows, nw, nch, chunk):
    mesh = plsc.VectorSubcoreMesh(core_axis_name="c", subcore_axis_name="s")

    @functools.partial(
        pl.kernel,
        out_type=jax.ShapeDtypeStruct((n, d), jnp.float32),
        mesh=mesh,
        scratch_types=_sc_scratch(nch, chunk, d),
    )
    def combine(ys_hbm, pos3_hbm, out_hbm, idx_v, rows_v, *sems):
        w = _sc_worker_id()
        sem_r, sem_w = sems[:NBUF], sems[NBUF:]
        pltpu.sync_copy(pos3_hbm.at[w], idx_v)

        def rd(j):
            return pltpu.async_copy(
                ys_hbm.at[idx_v.at[j]], rows_v.at[j % NBUF], sem_r[j % NBUF])

        def wr(j):
            base = w * (nch * chunk) + j * chunk
            return pltpu.async_copy(
                rows_v.at[j % NBUF], out_hbm.at[pl.ds(base, chunk)], sem_w[j % NBUF])

        _ring(nch, rd, wr)

    return combine


def _mlp_body(meta_ref, x_ref, w1_ref, b1_ref, w2_ref, b2_ref, out_ref):
    t = pl.program_id(0)

    @pl.when(meta_ref[1, t] == 1)
    def _():
        e_idx = meta_ref[0, t]
        h = jnp.dot(x_ref[...], w1_ref[0], preferred_element_type=jnp.float32)
        h = jnp.maximum(h + b1_ref[pl.ds(e_idx, 1), :], 0.0)
        y = jnp.dot(h, w2_ref[0], preferred_element_type=jnp.float32)
        out_ref[...] = y + b2_ref[pl.ds(e_idx, 1), :]


def _grouped_mlp(xs, w1, b1, w2, b2, meta):
    np_rows, d = xs.shape
    e, _, dff = w1.shape
    g = np_rows // TB
    grid_spec = pltpu.PrefetchScalarGridSpec(
        num_scalar_prefetch=1,
        grid=(g,),
        in_specs=[
            pl.BlockSpec((TB, d), lambda t, m_s: (jnp.where(m_s[1, t] == 1, t, 0), 0)),
            pl.BlockSpec((1, d, dff), lambda t, m_s: (m_s[0, t], 0, 0)),
            pl.BlockSpec((e, dff), lambda t, m_s: (0, 0)),
            pl.BlockSpec((1, dff, d), lambda t, m_s: (m_s[0, t], 0, 0)),
            pl.BlockSpec((e, d), lambda t, m_s: (0, 0)),
        ],
        out_specs=pl.BlockSpec(
            (TB, d), lambda t, m_s: (jnp.where(m_s[1, t] == 1, t, m_s[2, t]), 0)),
    )
    return pl.pallas_call(
        _mlp_body,
        grid_spec=grid_spec,
        out_shape=jax.ShapeDtypeStruct((np_rows, d), jnp.float32),
    )(meta, xs, w1, b1, w2, b2)


def kernel(xl, x0, Wg, bg, W1, b1, W2, b2):
    n, d = xl.shape
    e = Wg.shape[1]
    np_rows = n + e * TB
    n_blocks = np_rows // TB
    nw = 32
    chunk = 16
    nch = n // (nw * chunk)

    pos2d, meta = _gate_route(x0, Wg, bg, e, n_blocks)
    pos3 = pos2d.reshape(nw, nch, chunk)

    xs = _make_dispatch(n, d, np_rows, nw, nch, chunk)(xl, pos3)
    ys = _grouped_mlp(xs, W1, b1, W2, b2, meta)
    out = _make_combine(n, d, np_rows, nw, nch, chunk)(ys, pos3)
    return out

# --- scband reference (transcript-rebuilt; emitter-appended) ---
"""Pipeline reference for scband-sparse-mo-e-56392920597058 (READ-ONLY COPY).

The authoritative reference and input builder live on the scoring server;
editing this copy changes nothing except your own understanding.
"""

import jax, jax.numpy as jnp
import numpy as np

N = 8192
D = 768
E = 16
K = 1
DFF = 768


def setup_inputs(seed: int = 0) -> dict:
    key = jax.random.key(seed)
    ks = jax.random.split(key, 8)
    xl = jax.random.normal(ks[0], (N, D), dtype=jnp.float32)
    x0 = jax.random.normal(ks[1], (N, D), dtype=jnp.float32)
    Wg = jax.random.normal(ks[2], (D, E), dtype=jnp.float32) * 0.02
    bg = jnp.zeros((E,), dtype=jnp.float32)
    W1 = jax.random.normal(ks[3], (E, D, DFF), dtype=jnp.float32) * 0.02
    b1 = jnp.zeros((E, DFF), dtype=jnp.float32)
    W2 = jax.random.normal(ks[4], (E, DFF, D), dtype=jnp.float32) * 0.02
    b2 = jnp.zeros((E, D), dtype=jnp.float32)
    return {"xl": xl, "x0": x0, "Wg": Wg, "bg": bg, "W1": W1, "b1": b1, "W2": W2, "b2": b2}


def _gates(x0, Wg, bg):
    # gating layer: dense logits -> top-k softmax -> sparse gates [N, E]
    logits = x0 @ Wg + bg
    top_vals, top_idx = jax.lax.top_k(logits, K)
    sm = jax.nn.softmax(top_vals, axis=-1)
    n = logits.shape[0]
    gates = jnp.zeros_like(logits).at[jnp.arange(n)[:, None], top_idx].set(sm)
    return gates


def reference(xl, x0, Wg, bg, W1, b1, W2, b2):
    # SparseMoE.call: gates from stop_gradient(x0)
    gates = _gates(jax.lax.stop_gradient(x0), Wg, bg)
    # SparseDispatcher2D: dispatch tokens to experts (expert-major nonzero order),
    # run each expert MLP, combine via unsorted_segment_sum (weight_by_gates=False).
    out = jnp.zeros((xl.shape[0], W2.shape[2]), dtype=xl.dtype)
    for e in range(E):
        mask = gates[:, e] > 0.0
        h = jax.nn.relu(xl @ W1[e] + b1[e])
        ye = h @ W2[e] + b2[e]
        out = out + jnp.where(mask[:, None], ye, jnp.zeros_like(ye))
    return out

if __name__ == "__main__":
    import jax
    _d = setup_inputs()
    print(jax.jit(kernel)(*tuple(_d.values())))

</pallas_src>

<mosaic_0001>
#map = affine_map<(d0, d1) -> (0, 0)>
#map1 = affine_map<(d0, d1) -> (0, 0, 0)>
module attributes {stable_mosaic.version = 14 : i64} {
  func.func @combine(%arg0: i32, %arg1: i32, %arg2: memref<16384x768xf32, #tpu.memory_space<hbm>>, %arg3: memref<32x16x16xi32, #tpu.memory_space<hbm>>, %arg4: memref<8192x768xf32, #tpu.memory_space<hbm>>, %arg5: memref<16x16xi32, #tpu.memory_space<vmem>>, %arg6: memref<8x16x768xf32, #tpu.memory_space<vmem>>, %arg7: memref<!tpu.dma_semaphore, #tpu.memory_space<semaphore_mem>>, %arg8: memref<!tpu.dma_semaphore, #tpu.memory_space<semaphore_mem>>, %arg9: memref<!tpu.dma_semaphore, #tpu.memory_space<semaphore_mem>>, %arg10: memref<!tpu.dma_semaphore, #tpu.memory_space<semaphore_mem>>, %arg11: memref<!tpu.dma_semaphore, #tpu.memory_space<semaphore_mem>>, %arg12: memref<!tpu.dma_semaphore, #tpu.memory_space<semaphore_mem>>, %arg13: memref<!tpu.dma_semaphore, #tpu.memory_space<semaphore_mem>>, %arg14: memref<!tpu.dma_semaphore, #tpu.memory_space<semaphore_mem>>, %arg15: memref<!tpu.dma_semaphore, #tpu.memory_space<semaphore_mem>>, %arg16: memref<!tpu.dma_semaphore, #tpu.memory_space<semaphore_mem>>, %arg17: memref<!tpu.dma_semaphore, #tpu.memory_space<semaphore_mem>>, %arg18: memref<!tpu.dma_semaphore, #tpu.memory_space<semaphore_mem>>, %arg19: memref<!tpu.dma_semaphore, #tpu.memory_space<semaphore_mem>>, %arg20: memref<!tpu.dma_semaphore, #tpu.memory_space<semaphore_mem>>, %arg21: memref<!tpu.dma_semaphore, #tpu.memory_space<semaphore_mem>>, %arg22: memref<!tpu.dma_semaphore, #tpu.memory_space<semaphore_mem>>) attributes {dimension_semantics = [#tpu.dimension_semantics<core_parallel>, #tpu.dimension_semantics<subcore_parallel>], iteration_bounds = array<i64: 2, 16>, scalar_prefetch = 0 : i64, scratch_operands = 18 : i64, tpu.core_type = #tpu.core_type<sc_vector_subcore>, window_params = [{transform_indices = #map}, {transform_indices = #map1}, {transform_indices = #map}]} {
    %mul3A = arith.constant 2 : i32
    %mul3A_0 = arith.muli %arg1, %mul3A : i32
    %add3A = arith.addi %mul3A_0, %arg0 : i32
    "tpu.region"() ({
      %run_scoped3A = tpu.sem_alloc : memref<!tpu.dma_semaphore, #tpu.memory_space<semaphore_mem>>
      %dma_start3A_863 = arith.constant 0 : i32
      %dma_start3A_864 = arith.constant 0 : i32
      %dma_start3A_865 = tpu.memref_slice %arg3[%add3A, %dma_start3A_863, %dma_start3A_864] : memref<32x16x16xi32, #tpu.memory_space<hbm>> -> memref<1x16x16xi32, #tpu.memory_space<hbm>>
      %dma_start3A_866 = tpu.memref_squeeze %dma_start3A_865 : memref<1x16x16xi32, #tpu.memory_space<hbm>> -> memref<16x16xi32, #tpu.memory_space<hbm>>
      %dma_start3A_867 = arith.constant 0 : i32
      %dma_start3A_868 = arith.constant 0 : i32
      %dma_start3A_869 = tpu.memref_slice %arg3[%add3A, %dma_start3A_867, %dma_start3A_868] : memref<32x16x16xi32, #tpu.memory_space<hbm>> -> memref<1x16x16xi32, #tpu.memory_space<hbm>>
      %dma_start3A_870 = tpu.memref_squeeze %dma_start3A_869 : memref<1x16x16xi32, #tpu.memory_space<hbm>> -> memref<16x16xi32, #tpu.memory_space<hbm>>
      tpu.enqueue_dma source(%dma_start3A_870 : memref<16x16xi32, #tpu.memory_space<hbm>>) target(%arg5 : memref<16x16xi32, #tpu.memory_space<vmem>>) target_semaphore(%run_scoped3A : memref<!tpu.dma_semaphore, #tpu.memory_space<semaphore_mem>>)
      %dma_wait3A_871 = arith.constant 0 : i32
      %dma_wait3A_872 = arith.constant 0 : i32
      %dma_wait3A_873 = tpu.memref_slice %arg3[%add3A, %dma_wait3A_871, %dma_wait3A_872] : memref<32x16x16xi32, #tpu.memory_space<hbm>> -> memref<1x16x16xi32, #tpu.memory_space<hbm>>
      %dma_wait3A_874 = tpu.memref_squeeze %dma_wait3A_873 : memref<1x16x16xi32, #tpu.memory_space<hbm>> -> memref<16x16xi32, #tpu.memory_space<hbm>>
      %dma_wait3A_875 = arith.constant 0 : i32
      %dma_wait3A_876 = arith.constant 0 : i32
      %dma_wait3A_877 = tpu.memref_slice %arg3[%add3A, %dma_wait3A_875, %dma_wait3A_876] : memref<32x16x16xi32, #tpu.memory_space<hbm>> -> memref<1x16x16xi32, #tpu.memory_space<hbm>>
      %dma_wait3A_878 = tpu.memref_squeeze %dma_wait3A_877 : memref<1x16x16xi32, #tpu.memory_space<hbm>> -> memref<16x16xi32, #tpu.memory_space<hbm>>
      tpu.wait_dma2 semaphore(%run_scoped3A : memref<!tpu.dma_semaphore, #tpu.memory_space<semaphore_mem>>) src(%dma_wait3A_878 : memref<16x16xi32, #tpu.memory_space<hbm>>) dst(%arg5 : memref<16x16xi32, #tpu.memory_space<vmem>>)
      tpu.yield
    }) : () -> ()
    %dma_start3A = arith.constant 0 : i32
    %dma_start3A_1 = arith.constant 0 : i32
    %dma_start3A_2 = arith.constant 0 : i32
    %dma_start3A_3 = arith.constant 0 : i32
    %dma_start3A_4 = tpu.memref_slice %arg6[%dma_start3A_1, %dma_start3A_2, %dma_start3A_3] : memref<8x16x768xf32, #tpu.memory_space<vmem>> -> memref<1x16x768xf32, #tpu.memory_space<vmem>>
    %dma_start3A_5 = tpu.memref_squeeze %dma_start3A_4 : memref<1x16x768xf32, #tpu.memory_space<vmem>> -> memref<16x768xf32, #tpu.memory_space<vmem>>
    %dma_start3A_6 = arith.constant 0 : i32
    %dma_start3A_7 = tpu.memref_slice %arg5[%dma_start3A, %dma_start3A_6] : memref<16x16xi32, #tpu.memory_space<vmem>> -> memref<1x16xi32, #tpu.memory_space<vmem>>
    %dma_start3A_8 = tpu.memref_squeeze %dma_start3A_7 : memref<1x16xi32, #tpu.memory_space<vmem>> -> memref<16xi32, #tpu.memory_space<vmem>>
    %dma_start3A_9 = arith.constant 0 : i32
    %dma_start3A_10 = arith.constant 0 : i32
    %dma_start3A_11 = tpu.memref_slice %arg2[%dma_start3A_9, %dma_start3A_10] : memref<16384x768xf32, #tpu.memory_space<hbm>> -> memref<16384x768xf32, #tpu.memory_space<hbm>>
    tpu.enqueue_indirect_dma source(%dma_start3A_11 : memref<16384x768xf32, #tpu.memory_space<hbm>>) target(%dma_start3A_5 : memref<16x768xf32, #tpu.memory_space<vmem>>) offsets(%dma_start3A_8 : memref<16xi32, #tpu.memory_space<vmem>>) semaphore(%arg7 : memref<!tpu.dma_semaphore, #tpu.memory_space<semaphore_mem>>)
    %dma_start3A_12 = arith.constant 1 : i32
    %dma_start3A_13 = arith.constant 1 : i32
    %dma_start3A_14 = arith.constant 0 : i32
    %dma_start3A_15 = arith.constant 0 : i32
    %dma_start3A_16 = tpu.memref_slice %arg6[%dma_start3A_13, %dma_start3A_14, %dma_start3A_15] : memref<8x16x768xf32, #tpu.memory_space<vmem>> -> memref<1x16x768xf32, #tpu.memory_space<vmem>>
    %dma_start3A_17 = tpu.memref_squeeze %dma_start3A_16 : memref<1x16x768xf32, #tpu.memory_space<vmem>> -> memref<16x768xf32, #tpu.memory_space<vmem>>
    %dma_start3A_18 = arith.constant 0 : i32
    %dma_start3A_19 = tpu.memref_slice %arg5[%dma_start3A_12, %dma_start3A_18] : memref<16x16xi32, #tpu.memory_space<vmem>> -> memref<1x16xi32, #tpu.memory_space<vmem>>
    %dma_start3A_20 = tpu.memref_squeeze %dma_start3A_19 : memref<1x16xi32, #tpu.memory_space<vmem>> -> memref<16xi32, #tpu.memory_space<vmem>>
    %dma_start3A_21 = arith.constant 0 : i32
    %dma_start3A_22 = arith.constant 0 : i32
    %dma_start3A_23 = tpu.memref_slice %arg2[%dma_start3A_21, %dma_start3A_22] : memref<16384x768xf32, #tpu.memory_space<hbm>> -> memref<16384x768xf32, #tpu.memory_space<hbm>>
    tpu.enqueue_indirect_dma source(%dma_start3A_23 : memref<16384x768xf32, #tpu.memory_space<hbm>>) target(%dma_start3A_17 : memref<16x768xf32, #tpu.memory_space<vmem>>) offsets(%dma_start3A_20 : memref<16xi32, #tpu.memory_space<vmem>>) semaphore(%arg8 : memref<!tpu.dma_semaphore, #tpu.memory_space<semaphore_mem>>)
    %dma_start3A_24 = arith.constant 2 : i32
    %dma_start3A_25 = arith.constant 2 : i32
    %dma_start3A_26 = arith.constant 0 : i32
    %dma_start3A_27 = arith.constant 0 : i32
    %dma_start3A_28 = tpu.memref_slice %arg6[%dma_start3A_25, %dma_start3A_26, %dma_start3A_27] : memref<8x16x768xf32, #tpu.memory_space<vmem>> -> memref<1x16x768xf32, #tpu.memory_space<vmem>>
    %dma_start3A_29 = tpu.memref_squeeze %dma_start3A_28 : memref<1x16x768xf32, #tpu.memory_space<vmem>> -> memref<16x768xf32, #tpu.memory_space<vmem>>
    %dma_start3A_30 = arith.constant 0 : i32
    %dma_start3A_31 = tpu.memref_slice %arg5[%dma_start3A_24, %dma_start3A_30] : memref<16x16xi32, #tpu.memory_space<vmem>> -> memref<1x16xi32, #tpu.memory_space<vmem>>
    %dma_start3A_32 = tpu.memref_squeeze %dma_start3A_31 : memref<1x16xi32, #tpu.memory_space<vmem>> -> memref<16xi32, #tpu.memory_space<vmem>>
    %dma_start3A_33 = arith.constant 0 : i32
    %dma_start3A_34 = arith.constant 0 : i32
    %dma_start3A_35 = tpu.memref_slice %arg2[%dma_start3A_33, %dma_start3A_34] : memref<16384x768xf32, #tpu.memory_space<hbm>> -> memref<16384x768xf32, #tpu.memory_space<hbm>>
    tpu.enqueue_indirect_dma source(%dma_start3A_35 : memref<16384x768xf32, #tpu.memory_space<hbm>>) target(%dma_start3A_29 : memref<16x768xf32, #tpu.memory_space<vmem>>) offsets(%dma_start3A_32 : memref<16xi32, #tpu.memory_space<vmem>>) semaphore(%arg9 : memref<!tpu.dma_semaphore, #tpu.memory_space<semaphore_mem>>)
    %dma_start3A_36 = arith.constant 3 : i32
    %dma_start3A_37 = arith.constant 3 : i32
    %dma_start3A_38 = arith.constant 0 : i32
    %dma_start3A_39 = arith.constant 0 : i32
    %dma_start3A_40 = tpu.memref_slice %arg6[%dma_start3A_37, %dma_start3A_38, %dma_start3A_39] : memref<8x16x768xf32, #tpu.memory_space<vmem>> -> memref<1x16x768xf32, #tpu.memory_space<vmem>>
    %dma_start3A_41 = tpu.memref_squeeze %dma_start3A_40 : memref<1x16x768xf32, #tpu.memory_space<vmem>> -> memref<16x768xf32, #tpu.memory_space<vmem>>
    %dma_start3A_42 = arith.constant 0 : i32
    %dma_start3A_43 = tpu.memref_slice %arg5[%dma_start3A_36, %dma_start3A_42] : memref<16x16xi32, #tpu.memory_space<vmem>> -> memref<1x16xi32, #tpu.memory_space<vmem>>
    %dma_start3A_44 = tpu.memref_squeeze %dma_start3A_43 : memref<1x16xi32, #tpu.memory_space<vmem>> -> memref<16xi32, #tpu.memory_space<vmem>>
    %dma_start3A_45 = arith.constant 0 : i32
    %dma_start3A_46 = arith.constant 0 : i32
    %dma_start3A_47 = tpu.memref_slice %arg2[%dma_start3A_45, %dma_start3A_46] : memref<16384x768xf32, #tpu.memory_space<hbm>> -> memref<16384x768xf32, #tpu.memory_space<hbm>>
    tpu.enqueue_indirect_dma source(%dma_start3A_47 : memref<16384x768xf32, #tpu.memory_space<hbm>>) target(%dma_start3A_41 : memref<16x768xf32, #tpu.memory_space<vmem>>) offsets(%dma_start3A_44 : memref<16xi32, #tpu.memory_space<vmem>>) semaphore(%arg10 : memref<!tpu.dma_semaphore, #tpu.memory_space<semaphore_mem>>)
    %dma_start3A_48 = arith.constant 4 : i32
    %dma_start3A_49 = arith.constant 4 : i32
    %dma_start3A_50 = arith.constant 0 : i32
    %dma_start3A_51 = arith.constant 0 : i32
    %dma_start3A_52 = tpu.memref_slice %arg6[%dma_start3A_49, %dma_start3A_50, %dma_start3A_51] : memref<8x16x768xf32, #tpu.memory_space<vmem>> -> memref<1x16x768xf32, #tpu.memory_space<vmem>>
    %dma_start3A_53 = tpu.memref_squeeze %dma_start3A_52 : memref<1x16x768xf32, #tpu.memory_space<vmem>> -> memref<16x768xf32, #tpu.memory_space<vmem>>
    %dma_start3A_54 = arith.constant 0 : i32
    %dma_start3A_55 = tpu.memref_slice %arg5[%dma_start3A_48, %dma_start3A_54] : memref<16x16xi32, #tpu.memory_space<vmem>> -> memref<1x16xi32, #tpu.memory_space<vmem>>
    %dma_start3A_56 = tpu.memref_squeeze %dma_start3A_55 : memref<1x16xi32, #tpu.memory_space<vmem>> -> memref<16xi32, #tpu.memory_space<vmem>>
    %dma_start3A_57 = arith.constant 0 : i32
    %dma_start3A_58 = arith.constant 0 : i32
    %dma_start3A_59 = tpu.memref_slice %arg2[%dma_start3A_57, %dma_start3A_58] : memref<16384x768xf32, #tpu.memory_space<hbm>> -> memref<16384x768xf32, #tpu.memory_space<hbm>>
    tpu.enqueue_indirect_dma source(%dma_start3A_59 : memref<16384x768xf32, #tpu.memory_space<hbm>>) target(%dma_start3A_53 : memref<16x768xf32, #tpu.memory_space<vmem>>) offsets(%dma_start3A_56 : memref<16xi32, #tpu.memory_space<vmem>>) semaphore(%arg11 : memref<!tpu.dma_semaphore, #tpu.memory_space<semaphore_mem>>)
    %dma_start3A_60 = arith.constant 5 : i32
    %dma_start3A_61 = arith.constant 5 : i32
    %dma_start3A_62 = arith.constant 0 : i32
    %dma_start3A_63 = arith.constant 0 : i32
    %dma_start3A_64 = tpu.memref_slice %arg6[%dma_start3A_61, %dma_start3A_62, %dma_start3A_63] : memref<8x16x768xf32, #tpu.memory_space<vmem>> -> memref<1x16x768xf32, #tpu.memory_space<vmem>>
    %dma_start3A_65 = tpu.memref_squeeze %dma_start3A_64 : memref<1x16x768xf32, #tpu.memory_space<vmem>> -> memref<16x768xf32, #tpu.memory_space<vmem>>
    %dma_start3A_66 = arith.constant 0 : i32
    %dma_start3A_67 = tpu.memref_slice %arg5[%dma_start3A_60, %dma_start3A_66] : memref<16x16xi32, #tpu.memory_space<vmem>> -> memref<1x16xi32, #tpu.memory_space<vmem>>
    %dma_start3A_68 = tpu.memref_squeeze %dma_start3A_67 : memref<1x16xi32, #tpu.memory_space<vmem>> -> memref<16xi32, #tpu.memory_space<vmem>>
    %dma_start3A_69 = arith.constant 0 : i32
    %dma_start3A_70 = arith.constant 0 : i32
    %dma_start3A_71 = tpu.memref_slice %arg2[%dma_start3A_69, %dma_start3A_70] : memref<16384x768xf32, #tpu.memory_space<hbm>> -> memref<16384x768xf32, #tpu.memory_space<hbm>>
    tpu.enqueue_indirect_dma source(%dma_start3A_71 : memref<16384x768xf32, #tpu.memory_space<hbm>>) target(%dma_start3A_65 : memref<16x768xf32, #tpu.memory_space<vmem>>) offsets(%dma_start3A_68 : memref<16xi32, #tpu.memory_space<vmem>>) semaphore(%arg12 : memref<!tpu.dma_semaphore, #tpu.memory_space<semaphore_mem>>)
    %dma_start3A_72 = arith.constant 6 : i32
    %dma_start3A_73 = arith.constant 6 : i32
    %dma_start3A_74 = arith.constant 0 : i32
    %dma_start3A_75 = arith.constant 0 : i32
    %dma_start3A_76 = tpu.memref_slice %arg6[%dma_start3A_73, %dma_start3A_74, %dma_start3A_75] : memref<8x16x768xf32, #tpu.memory_space<vmem>> -> memref<1x16x768xf32, #tpu.memory_space<vmem>>
    %dma_start3A_77 = tpu.memref_squeeze %dma_start3A_76 : memref<1x16x768xf32, #tpu.memory_space<vmem>> -> memref<16x768xf32, #tpu.memory_space<vmem>>
    %dma_start3A_78 = arith.constant 0 : i32
    %dma_start3A_79 = tpu.memref_slice %arg5[%dma_start3A_72, %dma_start3A_78] : memref<16x16xi32, #tpu.memory_space<vmem>> -> memref<1x16xi32, #tpu.memory_space<vmem>>
    %dma_start3A_80 = tpu.memref_squeeze %dma_start3A_79 : memref<1x16xi32, #tpu.memory_space<vmem>> -> memref<16xi32, #tpu.memory_space<vmem>>
    %dma_start3A_81 = arith.constant 0 : i32
    %dma_start3A_82 = arith.constant 0 : i32
    %dma_start3A_83 = tpu.memref_slice %arg2[%dma_start3A_81, %dma_start3A_82] : memref<16384x768xf32, #tpu.memory_space<hbm>> -> memref<16384x768xf32, #tpu.memory_space<hbm>>
    tpu.enqueue_indirect_dma source(%dma_start3A_83 : memref<16384x768xf32, #tpu.memory_space<hbm>>) target(%dma_start3A_77 : memref<16x768xf32, #tpu.memory_space<vmem>>) offsets(%dma_start3A_80 : memref<16xi32, #tpu.memory_space<vmem>>) semaphore(%arg13 : memref<!tpu.dma_semaphore, #tpu.memory_space<semaphore_mem>>)
    %dma_start3A_84 = arith.constant 7 : i32
    %dma_start3A_85 = arith.constant 7 : i32
    %dma_start3A_86 = arith.constant 0 : i32
    %dma_start3A_87 = arith.constant 0 : i32
    %dma_start3A_88 = tpu.memref_slice %arg6[%dma_start3A_85, %dma_start3A_86, %dma_start3A_87] : memref<8x16x768xf32, #tpu.memory_space<vmem>> -> memref<1x16x768xf32, #tpu.memory_space<vmem>>
    %dma_start3A_89 = tpu.memref_squeeze %dma_start3A_88 : memref<1x16x768xf32, #tpu.memory_space<vmem>> -> memref<16x768xf32, #tpu.memory_space<vmem>>
    %dma_start3A_90 = arith.constant 0 : i32
    %dma_start3A_91 = tpu.memref_slice %arg5[%dma_start3A_84, %dma_start3A_90] : memref<16x16xi32, #tpu.memory_space<vmem>> -> memref<1x16xi32, #tpu.memory_space<vmem>>
    %dma_start3A_92 = tpu.memref_squeeze %dma_start3A_91 : memref<1x16xi32, #tpu.memory_space<vmem>> -> memref<16xi32, #tpu.memory_space<vmem>>
    %dma_start3A_93 = arith.constant 0 : i32
    %dma_start3A_94 = arith.constant 0 : i32
    %dma_start3A_95 = tpu.memref_slice %arg2[%dma_start3A_93, %dma_start3A_94] : memref<16384x768xf32, #tpu.memory_space<hbm>> -> memref<16384x768xf32, #tpu.memory_space<hbm>>
    tpu.enqueue_indirect_dma source(%dma_start3A_95 : memref<16384x768xf32, #tpu.memory_space<hbm>>) target(%dma_start3A_89 : memref<16x768xf32, #tpu.memory_space<vmem>>) offsets(%dma_start3A_92 : memref<16xi32, #tpu.memory_space<vmem>>) semaphore(%arg14 : memref<!tpu.dma_semaphore, #tpu.memory_space<semaphore_mem>>)
    %dma_wait3A = arith.constant 0 : i32
    %dma_wait3A_96 = arith.constant 0 : i32
    %dma_wait3A_97 = arith.constant 0 : i32
    %dma_wait3A_98 = arith.constant 0 : i32
    %dma_wait3A_99 = tpu.memref_slice %arg6[%dma_wait3A_96, %dma_wait3A_97, %dma_wait3A_98] : memref<8x16x768xf32, #tpu.memory_space<vmem>> -> memref<1x16x768xf32, #tpu.memory_space<vmem>>
    %dma_wait3A_100 = tpu.memref_squeeze %dma_wait3A_99 : memref<1x16x768xf32, #tpu.memory_space<vmem>> -> memref<16x768xf32, #tpu.memory_space<vmem>>
    %dma_wait3A_101 = arith.constant 0 : i32
    %dma_wait3A_102 = tpu.memref_slice %arg5[%dma_wait3A, %dma_wait3A_101] : memref<16x16xi32, #tpu.memory_space<vmem>> -> memref<1x16xi32, #tpu.memory_space<vmem>>
    %dma_wait3A_103 = tpu.memref_squeeze %dma_wait3A_102 : memref<1x16xi32, #tpu.memory_space<vmem>> -> memref<16xi32, #tpu.memory_space<vmem>>
    %dma_wait3A_104 = arith.constant 0 : i32
    %dma_wait3A_105 = arith.constant 0 : i32
    %dma_wait3A_106 = tpu.memref_slice %arg2[%dma_wait3A_104, %dma_wait3A_105] : memref<16384x768xf32, #tpu.memory_space<hbm>> -> memref<16384x768xf32, #tpu.memory_space<hbm>>
    tpu.wait_indirect_dma semaphore(%arg7 : memref<!tpu.dma_semaphore, #tpu.memory_space<semaphore_mem>>) src(%dma_wait3A_106 : memref<16384x768xf32, #tpu.memory_space<hbm>>) dst(%dma_wait3A_100 : memref<16x768xf32, #tpu.memory_space<vmem>>)
    %mul3A_107 = arith.constant 256 : i32
    %mul3A_108 = arith.muli %add3A, %mul3A_107 : i32
    %add3A_109 = arith.constant 0 : i32
    %add3A_110 = arith.addi %mul3A_108, %add3A_109 : i32
    %dma_start3A_111 = arith.constant 0 : i32
    %dma_start3A_112 = arith.constant 0 : i32
    %dma_start3A_113 = arith.constant 0 : i32
    %dma_start3A_114 = tpu.memref_slice %arg6[%dma_start3A_111, %dma_start3A_112, %dma_start3A_113] : memref<8x16x768xf32, #tpu.memory_space<vmem>> -> memref<1x16x768xf32, #tpu.memory_space<vmem>>
    %dma_start3A_115 = tpu.memref_squeeze %dma_start3A_114 : memref<1x16x768xf32, #tpu.memory_space<vmem>> -> memref<16x768xf32, #tpu.memory_space<vmem>>
    %dma_start3A_116 = arith.constant 0 : i32
    %dma_start3A_117 = tpu.memref_slice %arg4[%add3A_110, %dma_start3A_116] : memref<8192x768xf32, #tpu.memory_space<hbm>> -> memref<16x768xf32, #tpu.memory_space<hbm>>
    %dma_start3A_118 = arith.constant 0 : i32
    %dma_start3A_119 = tpu.memref_slice %arg4[%add3A_110, %dma_start3A_118] : memref<8192x768xf32, #tpu.memory_space<hbm>> -> memref<16x768xf32, #tpu.memory_space<hbm>>
    %dma_start3A_120 = arith.constant 0 : i32
    %dma_start3A_121 = arith.constant 0 : i32
    %dma_start3A_122 = tpu.memref_slice %arg6[%dma_start3A_111, %dma_start3A_120, %dma_start3A_121] : memref<8x16x768xf32, #tpu.memory_space<vmem>> -> memref<1x16x768xf32, #tpu.memory_space<vmem>>
    %dma_start3A_123 = tpu.memref_squeeze %dma_start3A_122 : memref<1x16x768xf32, #tpu.memory_space<vmem>> -> memref<16x768xf32, #tpu.memory_space<vmem>>
    tpu.enqueue_dma source(%dma_start3A_123 : memref<16x768xf32, #tpu.memory_space<vmem>>) target(%dma_start3A_119 : memref<16x768xf32, #tpu.memory_space<hbm>>) target_semaphore(%arg15 : memref<!tpu.dma_semaphore, #tpu.memory_space<semaphore_mem>>)
    %dma_wait3A_124 = arith.constant 0 : i32
    %dma_wait3A_125 = arith.constant 0 : i32
    %dma_wait3A_126 = arith.constant 0 : i32
    %dma_wait3A_127 = tpu.memref_slice %arg6[%dma_wait3A_124, %dma_wait3A_125, %dma_wait3A_126] : memref<8x16x768xf32, #tpu.memory_space<vmem>> -> memref<1x16x768xf32, #tpu.memory_space<vmem>>
    %dma_wait3A_128 = tpu.memref_squeeze %dma_wait3A_127 : memref<1x16x768xf32, #tpu.memory_space<vmem>> -> memref<16x768xf32, #tpu.memory_space<vmem>>
    %dma_wait3A_129 = arith.constant 0 : i32
    %dma_wait3A_130 = tpu.memref_slice %arg4[%add3A_110, %dma_wait3A_129] : memref<8192x768xf32, #tpu.memory_space<hbm>> -> memref<16x768xf32, #tpu.memory_space<hbm>>
    %dma_wait3A_131 = arith.constant 0 : i32
    %dma_wait3A_132 = tpu.memref_slice %arg4[%add3A_110, %dma_wait3A_131] : memref<8192x768xf32, #tpu.memory_space<hbm>> -> memref<16x768xf32, #tpu.memory_space<hbm>>
    %dma_wait3A_133 = arith.constant 0 : i32
    %dma_wait3A_134 = arith.constant 0 : i32
    %dma_wait3A_135 = tpu.memref_slice %arg6[%dma_wait3A_124, %dma_wait3A_133, %dma_wait3A_134] : memref<8x16x768xf32, #tpu.memory_space<vmem>> -> memref<1x16x768xf32, #tpu.memory_space<vmem>>
    %dma_wait3A_136 = tpu.memref_squeeze %dma_wait3A_135 : memref<1x16x768xf32, #tpu.memory_space<vmem>> -> memref<16x768xf32, #tpu.memory_space<vmem>>
    tpu.wait_dma2 semaphore(%arg15 : memref<!tpu.dma_semaphore, #tpu.memory_space<semaphore_mem>>) src(%dma_wait3A_136 : memref<16x768xf32, #tpu.memory_space<vmem>>) dst(%dma_wait3A_132 : memref<16x768xf32, #tpu.memory_space<hbm>>)
    %dma_start3A_137 = arith.constant 8 : i32
    %dma_start3A_138 = arith.constant 0 : i32
    %dma_start3A_139 = arith.constant 0 : i32
    %dma_start3A_140 = arith.constant 0 : i32
    %dma_start3A_141 = tpu.memref_slice %arg6[%dma_start3A_138, %dma_start3A_139, %dma_start3A_140] : memref<8x16x768xf32, #tpu.memory_space<vmem>> -> memref<1x16x768xf32, #tpu.memory_space<vmem>>
    %dma_start3A_142 = tpu.memref_squeeze %dma_start3A_141 : memref<1x16x768xf32, #tpu.memory_space<vmem>> -> memref<16x768xf32, #tpu.memory_space<vmem>>
    %dma_start3A_143 = arith.constant 0 : i32
    %dma_start3A_144 = tpu.memref_slice %arg5[%dma_start3A_137, %dma_start3A_143] : memref<16x16xi32, #tpu.memory_space<vmem>> -> memref<1x16xi32, #tpu.memory_space<vmem>>
    %dma_start3A_145 = tpu.memref_squeeze %dma_start3A_144 : memref<1x16xi32, #tpu.memory_space<vmem>> -> memref<16xi32, #tpu.memory_space<vmem>>
    %dma_start3A_146 = arith.constant 0 : i32
    %dma_start3A_147 = arith.constant 0 : i32
    %dma_start3A_148 = tpu.memref_slice %arg2[%dma_start3A_146, %dma_start3A_147] : memref<16384x768xf32, #tpu.memory_space<hbm>> -> memref<16384x768xf32, #tpu.memory_space<hbm>>
    tpu.enqueue_indirect_dma source(%dma_start3A_148 : memref<16384x768xf32, #tpu.memory_space<hbm>>) target(%dma_start3A_142 : memref<16x768xf32, #tpu.memory_space<vmem>>) offsets(%dma_start3A_145 : memref<16xi32, #tpu.memory_space<vmem>>) semaphore(%arg7 : memref<!tpu.dma_semaphore, #tpu.memory_space<semaphore_mem>>)
    %dma_wait3A_149 = arith.constant 1 : i32
    %dma_wait3A_150 = arith.constant 1 : i32
    %dma_wait3A_151 = arith.constant 0 : i32
    %dma_wait3A_152 = arith.constant 0 : i32
    %dma_wait3A_153 = tpu.memref_slice %arg6[%dma_wait3A_150, %dma_wait3A_151, %dma_wait3A_152] : memref<8x16x768xf32, #tpu.memory_space<vmem>> -> memref<1x16x768xf32, #tpu.memory_space<vmem>>
    %dma_wait3A_154 = tpu.memref_squeeze %dma_wait3A_153 : memref<1x16x768xf32, #tpu.memory_space<vmem>> -> memref<16x768xf32, #tpu.memory_space<vmem>>
    %dma_wait3A_155 = arith.constant 0 : i32
    %dma_wait3A_156 = tpu.memref_slice %arg5[%dma_wait3A_149, %dma_wait3A_155] : memref<16x16xi32, #tpu.memory_space<vmem>> -> memref<1x16xi32, #tpu.memory_space<vmem>>
    %dma_wait3A_157 = tpu.memref_squeeze %dma_wait3A_156 : memref<1x16xi32, #tpu.memory_space<vmem>> -> memref<16xi32, #tpu.memory_space<vmem>>
    %dma_wait3A_158 = arith.constant 0 : i32
    %dma_wait3A_159 = arith.constant 0 : i32
    %dma_wait3A_160 = tpu.memref_slice %arg2[%dma_wait3A_158, %dma_wait3A_159] : memref<16384x768xf32, #tpu.memory_space<hbm>> -> memref<16384x768xf32, #tpu.memory_space<hbm>>
    tpu.wait_indirect_dma semaphore(%arg8 : memref<!tpu.dma_semaphore, #tpu.memory_space<semaphore_mem>>) src(%dma_wait3A_160 : memref<16384x768xf32, #tpu.memory_space<hbm>>) dst(%dma_wait3A_154 : memref<16x768xf32, #tpu.memory_space<vmem>>)
    %mul3A_161 = arith.constant 256 : i32
    %mul3A_162 = arith.muli %add3A, %mul3A_161 : i32
    %add3A_163 = arith.constant 16 : i32
    %add3A_164 = arith.addi %mul3A_162, %add3A_163 : i32
    %dma_start3A_165 = arith.constant 1 : i32
    %dma_start3A_166 = arith.constant 0 : i32
    %dma_start3A_167 = arith.constant 0 : i32
    %dma_start3A_168 = tpu.memref_slice %arg6[%dma_start3A_165, %dma_start3A_166, %dma_start3A_167] : memref<8x16x768xf32, #tpu.memory_space<vmem>> -> memref<1x16x768xf32, #tpu.memory_space<vmem>>
    %dma_start3A_169 = tpu.memref_squeeze %dma_start3A_168 : memref<1x16x768xf32, #tpu.memory_space<vmem>> -> memref<16x768xf32, #tpu.memory_space<vmem>>
    %dma_start3A_170 = arith.constant 0 : i32
    %dma_start3A_171 = tpu.memref_slice %arg4[%add3A_164, %dma_start3A_170] : memref<8192x768xf32, #tpu.memory_space<hbm>> -> memref<16x768xf32, #tpu.memory_space<hbm>>
    %dma_start3A_172 = arith.constant 0 : i32
    %dma_start3A_173 = tpu.memref_slice %arg4[%add3A_164, %dma_start3A_172] : memref<8192x768xf32, #tpu.memory_space<hbm>> -> memref<16x768xf32, #tpu.memory_space<hbm>>
    %dma_start3A_174 = arith.constant 0 : i32
    %dma_start3A_175 = arith.constant 0 : i32
    %dma_start3A_176 = tpu.memref_slice %arg6[%dma_start3A_165, %dma_start3A_174, %dma_start3A_175] : memref<8x16x768xf32, #tpu.memory_space<vmem>> -> memref<1x16x768xf32, #tpu.memory_space<vmem>>
    %dma_start3A_177 = tpu.memref_squeeze %dma_start3A_176 : memref<1x16x768xf32, #tpu.memory_space<vmem>> -> memref<16x768xf32, #tpu.memory_space<vmem>>
    tpu.enqueue_dma source(%dma_start3A_177 : memref<16x768xf32, #tpu.memory_space<vmem>>) target(%dma_start3A_173 : memref<16x768xf32, #tpu.memory_space<hbm>>) target_semaphore(%arg16 : memref<!tpu.dma_semaphore, #tpu.memory_space<semaphore_mem>>)
    %dma_wait3A_178 = arith.constant 1 : i32
    %dma_wait3A_179 = arith.constant 0 : i32
    %dma_wait3A_180 = arith.constant 0 : i32
    %dma_wait3A_181 = tpu.memref_slice %arg6[%dma_wait3A_178, %dma_wait3A_179, %dma_wait3A_180] : memref<8x16x768xf32, #tpu.memory_space<vmem>> -> memref<1x16x768xf32, #tpu.memory_space<vmem>>
    %dma_wait3A_182 = tpu.memref_squeeze %dma_wait3A_181 : memref<1x16x768xf32, #tpu.memory_space<vmem>> -> memref<16x768xf32, #tpu.memory_space<vmem>>
    %dma_wait3A_183 = arith.constant 0 : i32
    %dma_wait3A_184 = tpu.memref_slice %arg4[%add3A_164, %dma_wait3A_183] : memref<8192x768xf32, #tpu.memory_space<hbm>> -> memref<16x768xf32, #tpu.memory_space<hbm>>
    %dma_wait3A_185 = arith.constant 0 : i32
    %dma_wait3A_186 = tpu.memref_slice %arg4[%add3A_164, %dma_wait3A_185] : memref<8192x768xf32, #tpu.memory_space<hbm>> -> memref<16x768xf32, #tpu.memory_space<hbm>>
    %dma_wait3A_187 = arith.constant 0 : i32
    %dma_wait3A_188 = arith.constant 0 : i32
    %dma_wait3A_189 = tpu.memref_slice %arg6[%dma_wait3A_178, %dma_wait3A_187, %dma_wait3A_188] : memref<8x16x768xf32, #tpu.memory_space<vmem>> -> memref<1x16x768xf32, #tpu.memory_space<vmem>>
    %dma_wait3A_190 = tpu.memref_squeeze %dma_wait3A_189 : memref<1x16x768xf32, #tpu.memory_space<vmem>> -> memref<16x768xf32, #tpu.memory_space<vmem>>
    tpu.wait_dma2 semaphore(%arg16 : memref<!tpu.dma_semaphore, #tpu.memory_space<semaphore_mem>>) src(%dma_wait3A_190 : memref<16x768xf32, #tpu.memory_space<vmem>>) dst(%dma_wait3A_186 : memref<16x768xf32, #tpu.memory_space<hbm>>)
    %dma_start3A_191 = arith.constant 9 : i32
    %dma_start3A_192 = arith.constant 1 : i32
    %dma_start3A_193 = arith.constant 0 : i32
    %dma_start3A_194 = arith.constant 0 : i32
    %dma_start3A_195 = tpu.memref_slice %arg6[%dma_start3A_192, %dma_start3A_193, %dma_start3A_194] : memref<8x16x768xf32, #tpu.memory_space<vmem>> -> memref<1x16x768xf32, #tpu.memory_space<vmem>>
    %dma_start3A_196 = tpu.memref_squeeze %dma_start3A_195 : memref<1x16x768xf32, #tpu.memory_space<vmem>> -> memref<16x768xf32, #tpu.memory_space<vmem>>
    %dma_start3A_197 = arith.constant 0 : i32
    %dma_start3A_198 = tpu.memref_slice %arg5[%dma_start3A_191, %dma_start3A_197] : memref<16x16xi32, #tpu.memory_space<vmem>> -> memref<1x16xi32, #tpu.memory_space<vmem>>
    %dma_start3A_199 = tpu.memref_squeeze %dma_start3A_198 : memref<1x16xi32, #tpu.memory_space<vmem>> -> memref<16xi32, #tpu.memory_space<vmem>>
    %dma_start3A_200 = arith.constant 0 : i32
    %dma_start3A_201 = arith.constant 0 : i32
    %dma_start3A_202 = tpu.memref_slice %arg2[%dma_start3A_200, %dma_start3A_201] : memref<16384x768xf32, #tpu.memory_space<hbm>> -> memref<16384x768xf32, #tpu.memory_space<hbm>>
    tpu.enqueue_indirect_dma source(%dma_start3A_202 : memref<16384x768xf32, #tpu.memory_space<hbm>>) target(%dma_start3A_196 : memref<16x768xf32, #tpu.memory_space<vmem>>) offsets(%dma_start3A_199 : memref<16xi32, #tpu.memory_space<vmem>>) semaphore(%arg8 : memref<!tpu.dma_semaphore, #tpu.memory_space<semaphore_mem>>)
    %dma_wait3A_203 = arith.constant 2 : i32
    %dma_wait3A_204 = arith.constant 2 : i32
    %dma_wait3A_205 = arith.constant 0 : i32
    %dma_wait3A_206 = arith.constant 0 : i32
    %dma_wait3A_207 = tpu.memref_slice %arg6[%dma_wait3A_204, %dma_wait3A_205, %dma_wait3A_206] : memref<8x16x768xf32, #tpu.memory_space<vmem>> -> memref<1x16x768xf32, #tpu.memory_space<vmem>>
    %dma_wait3A_208 = tpu.memref_squeeze %dma_wait3A_207 : memref<1x16x768xf32, #tpu.memory_space<vmem>> -> memref<16x768xf32, #tpu.memory_space<vmem>>
    %dma_wait3A_209 = arith.constant 0 : i32
    %dma_wait3A_210 = tpu.memref_slice %arg5[%dma_wait3A_203, %dma_wait3A_209] : memref<16x16xi32, #tpu.memory_space<vmem>> -> memref<1x16xi32, #tpu.memory_space<vmem>>
    %dma_wait3A_211 = tpu.memref_squeeze %dma_wait3A_210 : memref<1x16xi32, #tpu.memory_space<vmem>> -> memref<16xi32, #tpu.memory_space<vmem>>
    %dma_wait3A_212 = arith.constant 0 : i32
    %dma_wait3A_213 = arith.constant 0 : i32
    %dma_wait3A_214 = tpu.memref_slice %arg2[%dma_wait3A_212, %dma_wait3A_213] : memref<16384x768xf32, #tpu.memory_space<hbm>> -> memref<16384x768xf32, #tpu.memory_space<hbm>>
    tpu.wait_indirect_dma semaphore(%arg9 : memref<!tpu.dma_semaphore, #tpu.memory_space<semaphore_mem>>) src(%dma_wait3A_214 : memref<16384x768xf32, #tpu.memory_space<hbm>>) dst(%dma_wait3A_208 : memref<16x768xf32, #tpu.memory_space<vmem>>)
    %mul3A_215 = arith.constant 256 : i32
    %mul3A_216 = arith.muli %add3A, %mul3A_215 : i32
    %add3A_217 = arith.constant 32 : i32
    %add3A_218 = arith.addi %mul3A_216, %add3A_217 : i32
    %dma_start3A_219 = arith.constant 2 : i32
    %dma_start3A_220 = arith.constant 0 : i32
    %dma_start3A_221 = arith.constant 0 : i32
    %dma_start3A_222 = tpu.memref_slice %arg6[%dma_start3A_219, %dma_start3A_220, %dma_start3A_221] : memref<8x16x768xf32, #tpu.memory_space<vmem>> -> memref<1x16x768xf32, #tpu.memory_space<vmem>>
    %dma_start3A_223 = tpu.memref_squeeze %dma_start3A_222 : memref<1x16x768xf32, #tpu.memory_space<vmem>> -> memref<16x768xf32, #tpu.memory_space<vmem>>
    %dma_start3A_224 = arith.constant 0 : i32
    %dma_start3A_225 = tpu.memref_slice %arg4[%add3A_218, %dma_start3A_224] : memref<8192x768xf32, #tpu.memory_space<hbm>> -> memref<16x768xf32, #tpu.memory_space<hbm>>
    %dma_start3A_226 = arith.constant 0 : i32
    %dma_start3A_227 = tpu.memref_slice %arg4[%add3A_218, %dma_start3A_226] : memref<8192x768xf32, #tpu.memory_space<hbm>> -> memref<16x768xf32, #tpu.memory_space<hbm>>
    %dma_start3A_228 = arith.constant 0 : i32
    %dma_start3A_229 = arith.constant 0 : i32
    %dma_start3A_230 = tpu.memref_slice %arg6[%dma_start3A_219, %dma_start3A_228, %dma_start3A_229] : memref<8x16x768xf32, #tpu.memory_space<vmem>> -> memref<1x16x768xf32, #tpu.memory_space<vmem>>
    %dma_start3A_231 = tpu.memref_squeeze %dma_start3A_230 : memref<1x16x768xf32, #tpu.memory_space<vmem>> -> memref<16x768xf32, #tpu.memory_space<vmem>>
    tpu.enqueue_dma source(%dma_start3A_231 : memref<16x768xf32, #tpu.memory_space<vmem>>) target(%dma_start3A_227 : memref<16x768xf32, #tpu.memory_space<hbm>>) target_semaphore(%arg17 : memref<!tpu.dma_semaphore, #tpu.memory_space<semaphore_mem>>)
    %dma_wait3A_232 = arith.constant 2 : i32
    %dma_wait3A_233 = arith.constant 0 : i32
    %dma_wait3A_234 = arith.constant 0 : i32
    %dma_wait3A_235 = tpu.memref_slice %arg6[%dma_wait3A_232, %dma_wait3A_233, %dma_wait3A_234] : memref<8x16x768xf32, #tpu.memory_space<vmem>> -> memref<1x16x768xf32, #tpu.memory_space<vmem>>
    %dma_wait3A_236 = tpu.memref_squeeze %dma_wait3A_235 : memref<1x16x768xf32, #tpu.memory_space<vmem>> -> memref<16x768xf32, #tpu.memory_space<vmem>>
    %dma_wait3A_237 = arith.constant 0 : i32
    %dma_wait3A_238 = tpu.memref_slice %arg4[%add3A_218, %dma_wait3A_237] : memref<8192x768xf32, #tpu.memory_space<hbm>> -> memref<16x768xf32, #tpu.memory_space<hbm>>
    %dma_wait3A_239 = arith.constant 0 : i32
    %dma_wait3A_240 = tpu.memref_slice %arg4[%add3A_218, %dma_wait3A_239] : memref<8192x768xf32, #tpu.memory_space<hbm>> -> memref<16x768xf32, #tpu.memory_space<hbm>>
    %dma_wait3A_241 = arith.constant 0 : i32
    %dma_wait3A_242 = arith.constant 0 : i32
    %dma_wait3A_243 = tpu.memref_slice %arg6[%dma_wait3A_232, %dma_wait3A_241, %dma_wait3A_242] : memref<8x16x768xf32, #tpu.memory_space<vmem>> -> memref<1x16x768xf32, #tpu.memory_space<vmem>>
    %dma_wait3A_244 = tpu.memref_squeeze %dma_wait3A_243 : memref<1x16x768xf32, #tpu.memory_space<vmem>> -> memref<16x768xf32, #tpu.memory_space<vmem>>
    tpu.wait_dma2 semaphore(%arg17 : memref<!tpu.dma_semaphore, #tpu.memory_space<semaphore_mem>>) src(%dma_wait3A_244 : memref<16x768xf32, #tpu.memory_space<vmem>>) dst(%dma_wait3A_240 : memref<16x768xf32, #tpu.memory_space<hbm>>)
    %dma_start3A_245 = arith.constant 10 : i32
    %dma_start3A_246 = arith.constant 2 : i32
    %dma_start3A_247 = arith.constant 0 : i32
    %dma_start3A_248 = arith.constant 0 : i32
    %dma_start3A_249 = tpu.memref_slice %arg6[%dma_start3A_246, %dma_start3A_247, %dma_start3A_248] : memref<8x16x768xf32, #tpu.memory_space<vmem>> -> memref<1x16x768xf32, #tpu.memory_space<vmem>>
    %dma_start3A_250 = tpu.memref_squeeze %dma_start3A_249 : memref<1x16x768xf32, #tpu.memory_space<vmem>> -> memref<16x768xf32, #tpu.memory_space<vmem>>
    %dma_start3A_251 = arith.constant 0 : i32
    %dma_start3A_252 = tpu.memref_slice %arg5[%dma_start3A_245, %dma_start3A_251] : memref<16x16xi32, #tpu.memory_space<vmem>> -> memref<1x16xi32, #tpu.memory_space<vmem>>
    %dma_start3A_253 = tpu.memref_squeeze %dma_start3A_252 : memref<1x16xi32, #tpu.memory_space<vmem>> -> memref<16xi32, #tpu.memory_space<vmem>>
    %dma_start3A_254 = arith.constant 0 : i32
    %dma_start3A_255 = arith.constant 0 : i32
    %dma_start3A_256 = tpu.memref_slice %arg2[%dma_start3A_254, %dma_start3A_255] : memref<16384x768xf32, #tpu.memory_space<hbm>> -> memref<16384x768xf32, #tpu.memory_space<hbm>>
    tpu.enqueue_indirect_dma source(%dma_start3A_256 : memref<16384x768xf32, #tpu.memory_space<hbm>>) target(%dma_start3A_250 : memref<16x768xf32, #tpu.memory_space<vmem>>) offsets(%dma_start3A_253 : memref<16xi32, #tpu.memory_space<vmem>>) semaphore(%arg9 : memref<!tpu.dma_semaphore, #tpu.memory_space<semaphore_mem>>)
    %dma_wait3A_257 = arith.constant 3 : i32
    %dma_wait3A_258 = arith.constant 3 : i32
    %dma_wait3A_259 = arith.constant 0 : i32
    %dma_wait3A_260 = arith.constant 0 : i32
    %dma_wait3A_261 = tpu.memref_slice %arg6[%dma_wait3A_258, %dma_wait3A_259, %dma_wait3A_260] : memref<8x16x768xf32, #tpu.memory_space<vmem>> -> memref<1x16x768xf32, #tpu.memory_space<vmem>>
    %dma_wait3A_262 = tpu.memref_squeeze %dma_wait3A_261 : memref<1x16x768xf32, #tpu.memory_space<vmem>> -> memref<16x768xf32, #tpu.memory_space<vmem>>
    %dma_wait3A_263 = arith.constant 0 : i32
    %dma_wait3A_264 = tpu.memref_slice %arg5[%dma_wait3A_257, %dma_wait3A_263] : memref<16x16xi32, #tpu.memory_space<vmem>> -> memref<1x16xi32, #tpu.memory_space<vmem>>
    %dma_wait3A_265 = tpu.memref_squeeze %dma_wait3A_264 : memref<1x16xi32, #tpu.memory_space<vmem>> -> memref<16xi32, #tpu.memory_space<vmem>>
    %dma_wait3A_266 = arith.constant 0 : i32
    %dma_wait3A_267 = arith.constant 0 : i32
    %dma_wait3A_268 = tpu.memref_slice %arg2[%dma_wait3A_266, %dma_wait3A_267] : memref<16384x768xf32, #tpu.memory_space<hbm>> -> memref<16384x768xf32, #tpu.memory_space<hbm>>
    tpu.wait_indirect_dma semaphore(%arg10 : memref<!tpu.dma_semaphore, #tpu.memory_space<semaphore_mem>>) src(%dma_wait3A_268 : memref<16384x768xf32, #tpu.memory_space<hbm>>) dst(%dma_wait3A_262 : memref<16x768xf32, #tpu.memory_space<vmem>>)
    %mul3A_269 = arith.constant 256 : i32
    %mul3A_270 = arith.muli %add3A, %mul3A_269 : i32
    %add3A_271 = arith.constant 48 : i32
    %add3A_272 = arith.addi %mul3A_270, %add3A_271 : i32
    %dma_start3A_273 = arith.constant 3 : i32
    %dma_start3A_274 = arith.constant 0 : i32
    %dma_start3A_275 = arith.constant 0 : i32
    %dma_start3A_276 = tpu.memref_slice %arg6[%dma_start3A_273, %dma_start3A_274, %dma_start3A_275] : memref<8x16x768xf32, #tpu.memory_space<vmem>> -> memref<1x16x768xf32, #tpu.memory_space<vmem>>
    %dma_start3A_277 = tpu.memref_squeeze %dma_start3A_276 : memref<1x16x768xf32, #tpu.memory_space<vmem>> -> memref<16x768xf32, #tpu.memory_space<vmem>>
    %dma_start3A_278 = arith.constant 0 : i32
    %dma_start3A_279 = tpu.memref_slice %arg4[%add3A_272, %dma_start3A_278] : memref<8192x768xf32, #tpu.memory_space<hbm>> -> memref<16x768xf32, #tpu.memory_space<hbm>>
    %dma_start3A_280 = arith.constant 0 : i32
    %dma_start3A_281 = tpu.memref_slice %arg4[%add3A_272, %dma_start3A_280] : memref<8192x768xf32, #tpu.memory_space<hbm>> -> memref<16x768xf32, #tpu.memory_space<hbm>>
    %dma_start3A_282 = arith.constant 0 : i32
    %dma_start3A_283 = arith.constant 0 : i32
    %dma_start3A_284 = tpu.memref_slice %arg6[%dma_start3A_273, %dma_start3A_282, %dma_start3A_283] : memref<8x16x768xf32, #tpu.memory_space<vmem>> -> memref<1x16x768xf32, #tpu.memory_space<vmem>>
    %dma_start3A_285 = tpu.memref_squeeze %dma_start3A_284 : memref<1x16x768xf32, #tpu.memory_space<vmem>> -> memref<16x768xf32, #tpu.memory_space<vmem>>
    tpu.enqueue_dma source(%dma_start3A_285 : memref<16x768xf32, #tpu.memory_space<vmem>>) target(%dma_start3A_281 : memref<16x768xf32, #tpu.memory_space<hbm>>) target_semaphore(%arg18 : memref<!tpu.dma_semaphore, #tpu.memory_space<semaphore_mem>>)
    %dma_wait3A_286 = arith.constant 3 : i32
    %dma_wait3A_287 = arith.constant 0 : i32
    %dma_wait3A_288 = arith.constant 0 : i32
    %dma_wait3A_289 = tpu.memref_slice %arg6[%dma_wait3A_286, %dma_wait3A_287, %dma_wait3A_288] : memref<8x16x768xf32, #tpu.memory_space<vmem>> -> memref<1x16x768xf32, #tpu.memory_space<vmem>>
    %dma_wait3A_290 = tpu.memref_squeeze %dma_wait3A_289 : memref<1x16x768xf32, #tpu.memory_space<vmem>> -> memref<16x768xf32, #tpu.memory_space<vmem>>
    %dma_wait3A_291 = arith.constant 0 : i32
    %dma_wait3A_292 = tpu.memref_slice %arg4[%add3A_272, %dma_wait3A_291] : memref<8192x768xf32, #tpu.memory_space<hbm>> -> memref<16x768xf32, #tpu.memory_space<hbm>>
    %dma_wait3A_293 = arith.constant 0 : i32
    %dma_wait3A_294 = tpu.memref_slice %arg4[%add3A_272, %dma_wait3A_293] : memref<8192x768xf32, #tpu.memory_space<hbm>> -> memref<16x768xf32, #tpu.memory_space<hbm>>
    %dma_wait3A_295 = arith.constant 0 : i32
    %dma_wait3A_296 = arith.constant 0 : i32
    %dma_wait3A_297 = tpu.memref_slice %arg6[%dma_wait3A_286, %dma_wait3A_295, %dma_wait3A_296] : memref<8x16x768xf32, #tpu.memory_space<vmem>> -> memref<1x16x768xf32, #tpu.memory_space<vmem>>
    %dma_wait3A_298 = tpu.memref_squeeze %dma_wait3A_297 : memref<1x16x768xf32, #tpu.memory_space<vmem>> -> memref<16x768xf32, #tpu.memory_space<vmem>>
    tpu.wait_dma2 semaphore(%arg18 : memref<!tpu.dma_semaphore, #tpu.memory_space<semaphore_mem>>) src(%dma_wait3A_298 : memref<16x768xf32, #tpu.memory_space<vmem>>) dst(%dma_wait3A_294 : memref<16x768xf32, #tpu.memory_space<hbm>>)
    %dma_start3A_299 = arith.constant 11 : i32
    %dma_start3A_300 = arith.constant 3 : i32
    %dma_start3A_301 = arith.constant 0 : i32
    %dma_start3A_302 = arith.constant 0 : i32
    %dma_start3A_303 = tpu.memref_slice %arg6[%dma_start3A_300, %dma_start3A_301, %dma_start3A_302] : memref<8x16x768xf32, #tpu.memory_space<vmem>> -> memref<1x16x768xf32, #tpu.memory_space<vmem>>
    %dma_start3A_304 = tpu.memref_squeeze %dma_start3A_303 : memref<1x16x768xf32, #tpu.memory_space<vmem>> -> memref<16x768xf32, #tpu.memory_space<vmem>>
    %dma_start3A_305 = arith.constant 0 : i32
    %dma_start3A_306 = tpu.memref_slice %arg5[%dma_start3A_299, %dma_start3A_305] : memref<16x16xi32, #tpu.memory_space<vmem>> -> memref<1x16xi32, #tpu.memory_space<vmem>>
    %dma_start3A_307 = tpu.memref_squeeze %dma_start3A_306 : memref<1x16xi32, #tpu.memory_space<vmem>> -> memref<16xi32, #tpu.memory_space<vmem>>
    %dma_start3A_308 = arith.constant 0 : i32
    %dma_start3A_309 = arith.constant 0 : i32
    %dma_start3A_310 = tpu.memref_slice %arg2[%dma_start3A_308, %dma_start3A_309] : memref<16384x768xf32, #tpu.memory_space<hbm>> -> memref<16384x768xf32, #tpu.memory_space<hbm>>
    tpu.enqueue_indirect_dma source(%dma_start3A_310 : memref<16384x768xf32, #tpu.memory_space<hbm>>) target(%dma_start3A_304 : memref<16x768xf32, #tpu.memory_space<vmem>>) offsets(%dma_start3A_307 : memref<16xi32, #tpu.memory_space<vmem>>) semaphore(%arg10 : memref<!tpu.dma_semaphore, #tpu.memory_space<semaphore_mem>>)
    %dma_wait3A_311 = arith.constant 4 : i32
    %dma_wait3A_312 = arith.constant 4 : i32
    %dma_wait3A_313 = arith.constant 0 : i32
    %dma_wait3A_314 = arith.constant 0 : i32
    %dma_wait3A_315 = tpu.memref_slice %arg6[%dma_wait3A_312, %dma_wait3A_313, %dma_wait3A_314] : memref<8x16x768xf32, #tpu.memory_space<vmem>> -> memref<1x16x768xf32, #tpu.memory_space<vmem>>
    %dma_wait3A_316 = tpu.memref_squeeze %dma_wait3A_315 : memref<1x16x768xf32, #tpu.memory_space<vmem>> -> memref<16x768xf32, #tpu.memory_space<vmem>>
    %dma_wait3A_317 = arith.constant 0 : i32
    %dma_wait3A_318 = tpu.memref_slice %arg5[%dma_wait3A_311, %dma_wait3A_317] : memref<16x16xi32, #tpu.memory_space<vmem>> -> memref<1x16xi32, #tpu.memory_space<vmem>>
    %dma_wait3A_319 = tpu.memref_squeeze %dma_wait3A_318 : memref<1x16xi32, #tpu.memory_space<vmem>> -> memref<16xi32, #tpu.memory_space<vmem>>
    %dma_wait3A_320 = arith.constant 0 : i32
    %dma_wait3A_321 = arith.constant 0 : i32
    %dma_wait3A_322 = tpu.memref_slice %arg2[%dma_wait3A_320, %dma_wait3A_321] : memref<16384x768xf32, #tpu.memory_space<hbm>> -> memref<16384x768xf32, #tpu.memory_space<hbm>>
    tpu.wait_indirect_dma semaphore(%arg11 : memref<!tpu.dma_semaphore, #tpu.memory_space<semaphore_mem>>) src(%dma_wait3A_322 : memref<16384x768xf32, #tpu.memory_space<hbm>>) dst(%dma_wait3A_316 : memref<16x768xf32, #tpu.memory_space<vmem>>)
    %mul3A_323 = arith.constant 256 : i32
    %mul3A_324 = arith.muli %add3A, %mul3A_323 : i32
    %add3A_325 = arith.constant 64 : i32
    %add3A_326 = arith.addi %mul3A_324, %add3A_325 : i32
    %dma_start3A_327 = arith.constant 4 : i32
    %dma_start3A_328 = arith.constant 0 : i32
    %dma_start3A_329 = arith.constant 0 : i32
    %dma_start3A_330 = tpu.memref_slice %arg6[%dma_start3A_327, %dma_start3A_328, %dma_start3A_329] : memref<8x16x768xf32, #tpu.memory_space<vmem>> -> memref<1x16x768xf32, #tpu.memory_space<vmem>>
    %dma_start3A_331 = tpu.memref_squeeze %dma_start3A_330 : memref<1x16x768xf32, #tpu.memory_space<vmem>> -> memref<16x768xf32, #tpu.memory_space<vmem>>
    %dma_start3A_332 = arith.constant 0 : i32
    %dma_start3A_333 = tpu.memref_slice %arg4[%add3A_326, %dma_start3A_332] : memref<8192x768xf32, #tpu.memory_space<hbm>> -> memref<16x768xf32, #tpu.memory_space<hbm>>
    %dma_start3A_334 = arith.constant 0 : i32
    %dma_start3A_335 = tpu.memref_slice %arg4[%add3A_326, %dma_start3A_334] : memref<8192x768xf32, #tpu.memory_space<hbm>> -> memref<16x768xf32, #tpu.memory_space<hbm>>
    %dma_start3A_336 = arith.constant 0 : i32
    %dma_start3A_337 = arith.constant 0 : i32
    %dma_start3A_338 = tpu.memref_slice %arg6[%dma_start3A_327, %dma_start3A_336, %dma_start3A_337] : memref<8x16x768xf32, #tpu.memory_space<vmem>> -> memref<1x16x768xf32, #tpu.memory_space<vmem>>
    %dma_start3A_339 = tpu.memref_squeeze %dma_start3A_338 : memref<1x16x768xf32, #tpu.memory_space<vmem>> -> memref<16x768xf32, #tpu.memory_space<vmem>>
    tpu.enqueue_dma source(%dma_start3A_339 : memref<16x768xf32, #tpu.memory_space<vmem>>) target(%dma_start3A_335 : memref<16x768xf32, #tpu.memory_space<hbm>>) target_semaphore(%arg19 : memref<!tpu.dma_semaphore, #tpu.memory_space<semaphore_mem>>)
    %dma_wait3A_340 = arith.constant 4 : i32
    %dma_wait3A_341 = arith.constant 0 : i32
    %dma_wait3A_342 = arith.constant 0 : i32
    %dma_wait3A_343 = tpu.memref_slice %arg6[%dma_wait3A_340, %dma_wait3A_341, %dma_wait3A_342] : memref<8x16x768xf32, #tpu.memory_space<vmem>> -> memref<1x16x768xf32, #tpu.memory_space<vmem>>
    %dma_wait3A_344 = tpu.memref_squeeze %dma_wait3A_343 : memref<1x16x768xf32, #tpu.memory_space<vmem>> -> memref<16x768xf32, #tpu.memory_space<vmem>>
    %dma_wait3A_345 = arith.constant 0 : i32
    %dma_wait3A_346 = tpu.memref_slice %arg4[%add3A_326, %dma_wait3A_345] : memref<8192x768xf32, #tpu.memory_space<hbm>> -> memref<16x768xf32, #tpu.memory_space<hbm>>
    %dma_wait3A_347 = arith.constant 0 : i32
    %dma_wait3A_348 = tpu.memref_slice %arg4[%add3A_326, %dma_wait3A_347] : memref<8192x768xf32, #tpu.memory_space<hbm>> -> memref<16x768xf32, #tpu.memory_space<hbm>>
    %dma_wait3A_349 = arith.constant 0 : i32
    %dma_wait3A_350 = arith.constant 0 : i32
    %dma_wait3A_351 = tpu.memref_slice %arg6[%dma_wait3A_340, %dma_wait3A_349, %dma_wait3A_350] : memref<8x16x768xf32, #tpu.memory_space<vmem>> -> memref<1x16x768xf32, #tpu.memory_space<vmem>>
    %dma_wait3A_352 = tpu.memref_squeeze %dma_wait3A_351 : memref<1x16x768xf32, #tpu.memory_space<vmem>> -> memref<16x768xf32, #tpu.memory_space<vmem>>
    tpu.wait_dma2 semaphore(%arg19 : memref<!tpu.dma_semaphore, #tpu.memory_space<semaphore_mem>>) src(%dma_wait3A_352 : memref<16x768xf32, #tpu.memory_space<vmem>>) dst(%dma_wait3A_348 : memref<16x768xf32, #tpu.memory_space<hbm>>)
    %dma_start3A_353 = arith.constant 12 : i32
    %dma_start3A_354 = arith.constant 4 : i32
    %dma_start3A_355 = arith.constant 0 : i32
    %dma_start3A_356 = arith.constant 0 : i32
    %dma_start3A_357 = tpu.memref_slice %arg6[%dma_start3A_354, %dma_start3A_355, %dma_start3A_356] : memref<8x16x768xf32, #tpu.memory_space<vmem>> -> memref<1x16x768xf32, #tpu.memory_space<vmem>>
    %dma_start3A_358 = tpu.memref_squeeze %dma_start3A_357 : memref<1x16x768xf32, #tpu.memory_space<vmem>> -> memref<16x768xf32, #tpu.memory_space<vmem>>
    %dma_start3A_359 = arith.constant 0 : i32
    %dma_start3A_360 = tpu.memref_slice %arg5[%dma_start3A_353, %dma_start3A_359] : memref<16x16xi32, #tpu.memory_space<vmem>> -> memref<1x16xi32, #tpu.memory_space<vmem>>
    %dma_start3A_361 = tpu.memref_squeeze %dma_start3A_360 : memref<1x16xi32, #tpu.memory_space<vmem>> -> memref<16xi32, #tpu.memory_space<vmem>>
    %dma_start3A_362 = arith.constant 0 : i32
    %dma_start3A_363 = arith.constant 0 : i32
    %dma_start3A_364 = tpu.memref_slice %arg2[%dma_start3A_362, %dma_start3A_363] : memref<16384x768xf32, #tpu.memory_space<hbm>> -> memref<16384x768xf32, #tpu.memory_space<hbm>>
    tpu.enqueue_indirect_dma source(%dma_start3A_364 : memref<16384x768xf32, #tpu.memory_space<hbm>>) target(%dma_start3A_358 : memref<16x768xf32, #tpu.memory_space<vmem>>) offsets(%dma_start3A_361 : memref<16xi32, #tpu.memory_space<vmem>>) semaphore(%arg11 : memref<!tpu.dma_semaphore, #tpu.memory_space<semaphore_mem>>)
    %dma_wait3A_365 = arith.constant 5 : i32
    %dma_wait3A_366 = arith.constant 5 : i32
    %dma_wait3A_367 = arith.constant 0 : i32
    %dma_wait3A_368 = arith.constant 0 : i32
    %dma_wait3A_369 = tpu.memref_slice %arg6[%dma_wait3A_366, %dma_wait3A_367, %dma_wait3A_368] : memref<8x16x768xf32, #tpu.memory_space<vmem>> -> memref<1x16x768xf32, #tpu.memory_space<vmem>>
    %dma_wait3A_370 = tpu.memref_squeeze %dma_wait3A_369 : memref<1x16x768xf32, #tpu.memory_space<vmem>> -> memref<16x768xf32, #tpu.memory_space<vmem>>
    %dma_wait3A_371 = arith.constant 0 : i32
    %dma_wait3A_372 = tpu.memref_slice %arg5[%dma_wait3A_365, %dma_wait3A_371] : memref<16x16xi32, #tpu.memory_space<vmem>> -> memref<1x16xi32, #tpu.memory_space<vmem>>
    %dma_wait3A_373 = tpu.memref_squeeze %dma_wait3A_372 : memref<1x16xi32, #tpu.memory_space<vmem>> -> memref<16xi32, #tpu.memory_space<vmem>>
    %dma_wait3A_374 = arith.constant 0 : i32
    %dma_wait3A_375 = arith.constant 0 : i32
    %dma_wait3A_376 = tpu.memref_slice %arg2[%dma_wait3A_374, %dma_wait3A_375] : memref<16384x768xf32, #tpu.memory_space<hbm>> -> memref<16384x768xf32, #tpu.memory_space<hbm>>
    tpu.wait_indirect_dma semaphore(%arg12 : memref<!tpu.dma_semaphore, #tpu.memory_space<semaphore_mem>>) src(%dma_wait3A_376 : memref<16384x768xf32, #tpu.memory_space<hbm>>) dst(%dma_wait3A_370 : memref<16x768xf32, #tpu.memory_space<vmem>>)
    %mul3A_377 = arith.constant 256 : i32
    %mul3A_378 = arith.muli %add3A, %mul3A_377 : i32
    %add3A_379 = arith.constant 80 : i32
    %add3A_380 = arith.addi %mul3A_378, %add3A_379 : i32
    %dma_start3A_381 = arith.constant 5 : i32
    %dma_start3A_382 = arith.constant 0 : i32
    %dma_start3A_383 = arith.constant 0 : i32
    %dma_start3A_384 = tpu.memref_slice %arg6[%dma_start3A_381, %dma_start3A_382, %dma_start3A_383] : memref<8x16x768xf32, #tpu.memory_space<vmem>> -> memref<1x16x768xf32, #tpu.memory_space<vmem>>
    %dma_start3A_385 = tpu.memref_squeeze %dma_start3A_384 : memref<1x16x768xf32, #tpu.memory_space<vmem>> -> memref<16x768xf32, #tpu.memory_space<vmem>>
    %dma_start3A_386 = arith.constant 0 : i32
    %dma_start3A_387 = tpu.memref_slice %arg4[%add3A_380, %dma_start3A_386] : memref<8192x768xf32, #tpu.memory_space<hbm>> -> memref<16x768xf32, #tpu.memory_space<hbm>>
    %dma_start3A_388 = arith.constant 0 : i32
    %dma_start3A_389 = tpu.memref_slice %arg4[%add3A_380, %dma_start3A_388] : memref<8192x768xf32, #tpu.memory_space<hbm>> -> memref<16x768xf32, #tpu.memory_space<hbm>>
    %dma_start3A_390 = arith.constant 0 : i32
    %dma_start3A_391 = arith.constant 0 : i32
    %dma_start3A_392 = tpu.memref_slice %arg6[%dma_start3A_381, %dma_start3A_390, %dma_start3A_391] : memref<8x16x768xf32, #tpu.memory_space<vmem>> -> memref<1x16x768xf32, #tpu.memory_space<vmem>>
    %dma_start3A_393 = tpu.memref_squeeze %dma_start3A_392 : memref<1x16x768xf32, #tpu.memory_space<vmem>> -> memref<16x768xf32, #tpu.memory_space<vmem>>
    tpu.enqueue_dma source(%dma_start3A_393 : memref<16x768xf32, #tpu.memory_space<vmem>>) target(%dma_start3A_389 : memref<16x768xf32, #tpu.memory_space<hbm>>) target_semaphore(%arg20 : memref<!tpu.dma_semaphore, #tpu.memory_space<semaphore_mem>>)
    %dma_wait3A_394 = arith.constant 5 : i32
    %dma_wait3A_395 = arith.constant 0 : i32
    %dma_wait3A_396 = arith.constant 0 : i32
    %dma_wait3A_397 = tpu.memref_slice %arg6[%dma_wait3A_394, %dma_wait3A_395, %dma_wait3A_396] : memref<8x16x768xf32, #tpu.memory_space<vmem>> -> memref<1x16x768xf32, #tpu.memory_space<vmem>>
    %dma_wait3A_398 = tpu.memref_squeeze %dma_wait3A_397 : memref<1x16x768xf32, #tpu.memory_space<vmem>> -> memref<16x768xf32, #tpu.memory_space<vmem>>
    %dma_wait3A_399 = arith.constant 0 : i32
    %dma_wait3A_400 = tpu.memref_slice %arg4[%add3A_380, %dma_wait3A_399] : memref<8192x768xf32, #tpu.memory_space<hbm>> -> memref<16x768xf32, #tpu.memory_space<hbm>>
    %dma_wait3A_401 = arith.constant 0 : i32
    %dma_wait3A_402 = tpu.memref_slice %arg4[%add3A_380, %dma_wait3A_401] : memref<8192x768xf32, #tpu.memory_space<hbm>> -> memref<16x768xf32, #tpu.memory_space<hbm>>
    %dma_wait3A_403 = arith.constant 0 : i32
    %dma_wait3A_404 = arith.constant 0 : i32
    %dma_wait3A_405 = tpu.memref_slice %arg6[%dma_wait3A_394, %dma_wait3A_403, %dma_wait3A_404] : memref<8x16x768xf32, #tpu.memory_space<vmem>> -> memref<1x16x768xf32, #tpu.memory_space<vmem>>
    %dma_wait3A_406 = tpu.memref_squeeze %dma_wait3A_405 : memref<1x16x768xf32, #tpu.memory_space<vmem>> -> memref<16x768xf32, #tpu.memory_space<vmem>>
    tpu.wait_dma2 semaphore(%arg20 : memref<!tpu.dma_semaphore, #tpu.memory_space<semaphore_mem>>) src(%dma_wait3A_406 : memref<16x768xf32, #tpu.memory_space<vmem>>) dst(%dma_wait3A_402 : memref<16x768xf32, #tpu.memory_space<hbm>>)
    %dma_start3A_407 = arith.constant 13 : i32
    %dma_start3A_408 = arith.constant 5 : i32
    %dma_start3A_409 = arith.constant 0 : i32
    %dma_start3A_410 = arith.constant 0 : i32
    %dma_start3A_411 = tpu.memref_slice %arg6[%dma_start3A_408, %dma_start3A_409, %dma_start3A_410] : memref<8x16x768xf32, #tpu.memory_space<vmem>> -> memref<1x16x768xf32, #tpu.memory_space<vmem>>
    %dma_start3A_412 = tpu.memref_squeeze %dma_start3A_411 : memref<1x16x768xf32, #tpu.memory_space<vmem>> -> memref<16x768xf32, #tpu.memory_space<vmem>>
    %dma_start3A_413 = arith.constant 0 : i32
    %dma_start3A_414 = tpu.memref_slice %arg5[%dma_start3A_407, %dma_start3A_413] : memref<16x16xi32, #tpu.memory_space<vmem>> -> memref<1x16xi32, #tpu.memory_space<vmem>>
    %dma_start3A_415 = tpu.memref_squeeze %dma_start3A_414 : memref<1x16xi32, #tpu.memory_space<vmem>> -> memref<16xi32, #tpu.memory_space<vmem>>
    %dma_start3A_416 = arith.constant 0 : i32
    %dma_start3A_417 = arith.constant 0 : i32
    %dma_start3A_418 = tpu.memref_slice %arg2[%dma_start3A_416, %dma_start3A_417] : memref<16384x768xf32, #tpu.memory_space<hbm>> -> memref<16384x768xf32, #tpu.memory_space<hbm>>
    tpu.enqueue_indirect_dma source(%dma_start3A_418 : memref<16384x768xf32, #tpu.memory_space<hbm>>) target(%dma_start3A_412 : memref<16x768xf32, #tpu.memory_space<vmem>>) offsets(%dma_start3A_415 : memref<16xi32, #tpu.memory_space<vmem>>) semaphore(%arg12 : memref<!tpu.dma_semaphore, #tpu.memory_space<semaphore_mem>>)
    %dma_wait3A_419 = arith.constant 6 : i32
    %dma_wait3A_420 = arith.constant 6 : i32
    %dma_wait3A_421 = arith.constant 0 : i32
    %dma_wait3A_422 = arith.constant 0 : i32
    %dma_wait3A_423 = tpu.memref_slice %arg6[%dma_wait3A_420, %dma_wait3A_421, %dma_wait3A_422] : memref<8x16x768xf32, #tpu.memory_space<vmem>> -> memref<1x16x768xf32, #tpu.memory_space<vmem>>
    %dma_wait3A_424 = tpu.memref_squeeze %dma_wait3A_423 : memref<1x16x768xf32, #tpu.memory_space<vmem>> -> memref<16x768xf32, #tpu.memory_space<vmem>>
    %dma_wait3A_425 = arith.constant 0 : i32
    %dma_wait3A_426 = tpu.memref_slice %arg5[%dma_wait3A_419, %dma_wait3A_425] : memref<16x16xi32, #tpu.memory_space<vmem>> -> memref<1x16xi32, #tpu.memory_space<vmem>>
    %dma_wait3A_427 = tpu.memref_squeeze %dma_wait3A_426 : memref<1x16xi32, #tpu.memory_space<vmem>> -> memref<16xi32, #tpu.memory_space<vmem>>
    %dma_wait3A_428 = arith.constant 0 : i32
    %dma_wait3A_429 = arith.constant 0 : i32
    %dma_wait3A_430 = tpu.memref_slice %arg2[%dma_wait3A_428, %dma_wait3A_429] : memref<16384x768xf32, #tpu.memory_space<hbm>> -> memref<16384x768xf32, #tpu.memory_space<hbm>>
    tpu.wait_indirect_dma semaphore(%arg13 : memref<!tpu.dma_semaphore, #tpu.memory_space<semaphore_mem>>) src(%dma_wait3A_430 : memref<16384x768xf32, #tpu.memory_space<hbm>>) dst(%dma_wait3A_424 : memref<16x768xf32, #tpu.memory_space<vmem>>)
    %mul3A_431 = arith.constant 256 : i32
    %mul3A_432 = arith.muli %add3A, %mul3A_431 : i32
    %add3A_433 = arith.constant 96 : i32
    %add3A_434 = arith.addi %mul3A_432, %add3A_433 : i32
    %dma_start3A_435 = arith.constant 6 : i32
    %dma_start3A_436 = arith.constant 0 : i32
    %dma_start3A_437 = arith.constant 0 : i32
    %dma_start3A_438 = tpu.memref_slice %arg6[%dma_start3A_435, %dma_start3A_436, %dma_start3A_437] : memref<8x16x768xf32, #tpu.memory_space<vmem>> -> memref<1x16x768xf32, #tpu.memory_space<vmem>>
    %dma_start3A_439 = tpu.memref_squeeze %dma_start3A_438 : memref<1x16x768xf32, #tpu.memory_space<vmem>> -> memref<16x768xf32, #tpu.memory_space<vmem>>
    %dma_start3A_440 = arith.constant 0 : i32
    %dma_start3A_441 = tpu.memref_slice %arg4[%add3A_434, %dma_start3A_440] : memref<8192x768xf32, #tpu.memory_space<hbm>> -> memref<16x768xf32, #tpu.memory_space<hbm>>
    %dma_start3A_442 = arith.constant 0 : i32
    %dma_start3A_443 = tpu.memref_slice %arg4[%add3A_434, %dma_start3A_442] : memref<8192x768xf32, #tpu.memory_space<hbm>> -> memref<16x768xf32, #tpu.memory_space<hbm>>
    %dma_start3A_444 = arith.constant 0 : i32
    %dma_start3A_445 = arith.constant 0 : i32
    %dma_start3A_446 = tpu.memref_slice %arg6[%dma_start3A_435, %dma_start3A_444, %dma_start3A_445] : memref<8x16x768xf32, #tpu.memory_space<vmem>> -> memref<1x16x768xf32, #tpu.memory_space<vmem>>
    %dma_start3A_447 = tpu.memref_squeeze %dma_start3A_446 : memref<1x16x768xf32, #tpu.memory_space<vmem>> -> memref<16x768xf32, #tpu.memory_space<vmem>>
    tpu.enqueue_dma source(%dma_start3A_447 : memref<16x768xf32, #tpu.memory_space<vmem>>) target(%dma_start3A_443 : memref<16x768xf32, #tpu.memory_space<hbm>>) target_semaphore(%arg21 : memref<!tpu.dma_semaphore, #tpu.memory_space<semaphore_mem>>)
    %dma_wait3A_448 = arith.constant 6 : i32
    %dma_wait3A_449 = arith.constant 0 : i32
    %dma_wait3A_450 = arith.constant 0 : i32
    %dma_wait3A_451 = tpu.memref_slice %arg6[%dma_wait3A_448, %dma_wait3A_449, %dma_wait3A_450] : memref<8x16x768xf32, #tpu.memory_space<vmem>> -> memref<1x16x768xf32, #tpu.memory_space<vmem>>
    %dma_wait3A_452 = tpu.memref_squeeze %dma_wait3A_451 : memref<1x16x768xf32, #tpu.memory_space<vmem>> -> memref<16x768xf32, #tpu.memory_space<vmem>>
    %dma_wait3A_453 = arith.constant 0 : i32
    %dma_wait3A_454 = tpu.memref_slice %arg4[%add3A_434, %dma_wait3A_453] : memref<8192x768xf32, #tpu.memory_space<hbm>> -> memref<16x768xf32, #tpu.memory_space<hbm>>
    %dma_wait3A_455 = arith.constant 0 : i32
    %dma_wait3A_456 = tpu.memref_slice %arg4[%add3A_434, %dma_wait3A_455] : memref<8192x768xf32, #tpu.memory_space<hbm>> -> memref<16x768xf32, #tpu.memory_space<hbm>>
    %dma_wait3A_457 = arith.constant 0 : i32
    %dma_wait3A_458 = arith.constant 0 : i32
    %dma_wait3A_459 = tpu.memref_slice %arg6[%dma_wait3A_448, %dma_wait3A_457, %dma_wait3A_458] : memref<8x16x768xf32, #tpu.memory_space<vmem>> -> memref<1x16x768xf32, #tpu.memory_space<vmem>>
    %dma_wait3A_460 = tpu.memref_squeeze %dma_wait3A_459 : memref<1x16x768xf32, #tpu.memory_space<vmem>> -> memref<16x768xf32, #tpu.memory_space<vmem>>
    tpu.wait_dma2 semaphore(%arg21 : memref<!tpu.dma_semaphore, #tpu.memory_space<semaphore_mem>>) src(%dma_wait3A_460 : memref<16x768xf32, #tpu.memory_space<vmem>>) dst(%dma_wait3A_456 : memref<16x768xf32, #tpu.memory_space<hbm>>)
    %dma_start3A_461 = arith.constant 14 : i32
    %dma_start3A_462 = arith.constant 6 : i32
    %dma_start3A_463 = arith.constant 0 : i32
    %dma_start3A_464 = arith.constant 0 : i32
    %dma_start3A_465 = tpu.memref_slice %arg6[%dma_start3A_462, %dma_start3A_463, %dma_start3A_464] : memref<8x16x768xf32, #tpu.memory_space<vmem>> -> memref<1x16x768xf32, #tpu.memory_space<vmem>>
    %dma_start3A_466 = tpu.memref_squeeze %dma_start3A_465 : memref<1x16x768xf32, #tpu.memory_space<vmem>> -> memref<16x768xf32, #tpu.memory_space<vmem>>
    %dma_start3A_467 = arith.constant 0 : i32
    %dma_start3A_468 = tpu.memref_slice %arg5[%dma_start3A_461, %dma_start3A_467] : memref<16x16xi32, #tpu.memory_space<vmem>> -> memref<1x16xi32, #tpu.memory_space<vmem>>
    %dma_start3A_469 = tpu.memref_squeeze %dma_start3A_468 : memref<1x16xi32, #tpu.memory_space<vmem>> -> memref<16xi32, #tpu.memory_space<vmem>>
    %dma_start3A_470 = arith.constant 0 : i32
    %dma_start3A_471 = arith.constant 0 : i32
    %dma_start3A_472 = tpu.memref_slice %arg2[%dma_start3A_470, %dma_start3A_471] : memref<16384x768xf32, #tpu.memory_space<hbm>> -> memref<16384x768xf32, #tpu.memory_space<hbm>>
    tpu.enqueue_indirect_dma source(%dma_start3A_472 : memref<16384x768xf32, #tpu.memory_space<hbm>>) target(%dma_start3A_466 : memref<16x768xf32, #tpu.memory_space<vmem>>) offsets(%dma_start3A_469 : memref<16xi32, #tpu.memory_space<vmem>>) semaphore(%arg13 : memref<!tpu.dma_semaphore, #tpu.memory_space<semaphore_mem>>)
    %dma_wait3A_473 = arith.constant 7 : i32
    %dma_wait3A_474 = arith.constant 7 : i32
    %dma_wait3A_475 = arith.constant 0 : i32
    %dma_wait3A_476 = arith.constant 0 : i32
    %dma_wait3A_477 = tpu.memref_slice %arg6[%dma_wait3A_474, %dma_wait3A_475, %dma_wait3A_476] : memref<8x16x768xf32, #tpu.memory_space<vmem>> -> memref<1x16x768xf32, #tpu.memory_space<vmem>>
    %dma_wait3A_478 = tpu.memref_squeeze %dma_wait3A_477 : memref<1x16x768xf32, #tpu.memory_space<vmem>> -> memref<16x768xf32, #tpu.memory_space<vmem>>
    %dma_wait3A_479 = arith.constant 0 : i32
    %dma_wait3A_480 = tpu.memref_slice %arg5[%dma_wait3A_473, %dma_wait3A_479] : memref<16x16xi32, #tpu.memory_space<vmem>> -> memref<1x16xi32, #tpu.memory_space<vmem>>
    %dma_wait3A_481 = tpu.memref_squeeze %dma_wait3A_480 : memref<1x16xi32, #tpu.memory_space<vmem>> -> memref<16xi32, #tpu.memory_space<vmem>>
    %dma_wait3A_482 = arith.constant 0 : i32
    %dma_wait3A_483 = arith.constant 0 : i32
    %dma_wait3A_484 = tpu.memref_slice %arg2[%dma_wait3A_482, %dma_wait3A_483] : memref<16384x768xf32, #tpu.memory_space<hbm>> -> memref<16384x768xf32, #tpu.memory_space<hbm>>
    tpu.wait_indirect_dma semaphore(%arg14 : memref<!tpu.dma_semaphore, #tpu.memory_space<semaphore_mem>>) src(%dma_wait3A_484 : memref<16384x768xf32, #tpu.memory_space<hbm>>) dst(%dma_wait3A_478 : memref<16x768xf32, #tpu.memory_space<vmem>>)
    %mul3A_485 = arith.constant 256 : i32
    %mul3A_486 = arith.muli %add3A, %mul3A_485 : i32
    %add3A_487 = arith.constant 112 : i32
    %add3A_488 = arith.addi %mul3A_486, %add3A_487 : i32
    %dma_start3A_489 = arith.constant 7 : i32
    %dma_start3A_490 = arith.constant 0 : i32
    %dma_start3A_491 = arith.constant 0 : i32
    %dma_start3A_492 = tpu.memref_slice %arg6[%dma_start3A_489, %dma_start3A_490, %dma_start3A_491] : memref<8x16x768xf32, #tpu.memory_space<vmem>> -> memref<1x16x768xf32, #tpu.memory_space<vmem>>
    %dma_start3A_493 = tpu.memref_squeeze %dma_start3A_492 : memref<1x16x768xf32, #tpu.memory_space<vmem>> -> memref<16x768xf32, #tpu.memory_space<vmem>>
    %dma_start3A_494 = arith.constant 0 : i32
    %dma_start3A_495 = tpu.memref_slice %arg4[%add3A_488, %dma_start3A_494] : memref<8192x768xf32, #tpu.memory_space<hbm>> -> memref<16x768xf32, #tpu.memory_space<hbm>>
    %dma_start3A_496 = arith.constant 0 : i32
    %dma_start3A_497 = tpu.memref_slice %arg4[%add3A_488, %dma_start3A_496] : memref<8192x768xf32, #tpu.memory_space<hbm>> -> memref<16x768xf32, #tpu.memory_space<hbm>>
    %dma_start3A_498 = arith.constant 0 : i32
    %dma_start3A_499 = arith.constant 0 : i32
    %dma_start3A_500 = tpu.memref_slice %arg6[%dma_start3A_489, %dma_start3A_498, %dma_start3A_499] : memref<8x16x768xf32, #tpu.memory_space<vmem>> -> memref<1x16x768xf32, #tpu.memory_space<vmem>>
    %dma_start3A_501 = tpu.memref_squeeze %dma_start3A_500 : memref<1x16x768xf32, #tpu.memory_space<vmem>> -> memref<16x768xf32, #tpu.memory_space<vmem>>
    tpu.enqueue_dma source(%dma_start3A_501 : memref<16x768xf32, #tpu.memory_space<vmem>>) target(%dma_start3A_497 : memref<16x768xf32, #tpu.memory_space<hbm>>) target_semaphore(%arg22 : memref<!tpu.dma_semaphore, #tpu.memory_space<semaphore_mem>>)
    %dma_wait3A_502 = arith.constant 7 : i32
    %dma_wait3A_503 = arith.constant 0 : i32
    %dma_wait3A_504 = arith.constant 0 : i32
    %dma_wait3A_505 = tpu.memref_slice %arg6[%dma_wait3A_502, %dma_wait3A_503, %dma_wait3A_504] : memref<8x16x768xf32, #tpu.memory_space<vmem>> -> memref<1x16x768xf32, #tpu.memory_space<vmem>>
    %dma_wait3A_506 = tpu.memref_squeeze %dma_wait3A_505 : memref<1x16x768xf32, #tpu.memory_space<vmem>> -> memref<16x768xf32, #tpu.memory_space<vmem>>
    %dma_wait3A_507 = arith.constant 0 : i32
    %dma_wait3A_508 = tpu.memref_slice %arg4[%add3A_488, %dma_wait3A_507] : memref<8192x768xf32, #tpu.memory_space<hbm>> -> memref<16x768xf32, #tpu.memory_space<hbm>>
    %dma_wait3A_509 = arith.constant 0 : i32
    %dma_wait3A_510 = tpu.memref_slice %arg4[%add3A_488, %dma_wait3A_509] : memref<8192x768xf32, #tpu.memory_space<hbm>> -> memref<16x768xf32, #tpu.memory_space<hbm>>
    %dma_wait3A_511 = arith.constant 0 : i32
    %dma_wait3A_512 = arith.constant 0 : i32
    %dma_wait3A_513 = tpu.memref_slice %arg6[%dma_wait3A_502, %dma_wait3A_511, %dma_wait3A_512] : memref<8x16x768xf32, #tpu.memory_space<vmem>> -> memref<1x16x768xf32, #tpu.memory_space<vmem>>
    %dma_wait3A_514 = tpu.memref_squeeze %dma_wait3A_513 : memref<1x16x768xf32, #tpu.memory_space<vmem>> -> memref<16x768xf32, #tpu.memory_space<vmem>>
    tpu.wait_dma2 semaphore(%arg22 : memref<!tpu.dma_semaphore, #tpu.memory_space<semaphore_mem>>) src(%dma_wait3A_514 : memref<16x768xf32, #tpu.memory_space<vmem>>) dst(%dma_wait3A_510 : memref<16x768xf32, #tpu.memory_space<hbm>>)
    %dma_start3A_515 = arith.constant 15 : i32
    %dma_start3A_516 = arith.constant 7 : i32
    %dma_start3A_517 = arith.constant 0 : i32
    %dma_start3A_518 = arith.constant 0 : i32
    %dma_start3A_519 = tpu.memref_slice %arg6[%dma_start3A_516, %dma_start3A_517, %dma_start3A_518] : memref<8x16x768xf32, #tpu.memory_space<vmem>> -> memref<1x16x768xf32, #tpu.memory_space<vmem>>
    %dma_start3A_520 = tpu.memref_squeeze %dma_start3A_519 : memref<1x16x768xf32, #tpu.memory_space<vmem>> -> memref<16x768xf32, #tpu.memory_space<vmem>>
    %dma_start3A_521 = arith.constant 0 : i32
    %dma_start3A_522 = tpu.memref_slice %arg5[%dma_start3A_515, %dma_start3A_521] : memref<16x16xi32, #tpu.memory_space<vmem>> -> memref<1x16xi32, #tpu.memory_space<vmem>>
    %dma_start3A_523 = tpu.memref_squeeze %dma_start3A_522 : memref<1x16xi32, #tpu.memory_space<vmem>> -> memref<16xi32, #tpu.memory_space<vmem>>
    %dma_start3A_524 = arith.constant 0 : i32
    %dma_start3A_525 = arith.constant 0 : i32
    %dma_start3A_526 = tpu.memref_slice %arg2[%dma_start3A_524, %dma_start3A_525] : memref<16384x768xf32, #tpu.memory_space<hbm>> -> memref<16384x768xf32, #tpu.memory_space<hbm>>
    tpu.enqueue_indirect_dma source(%dma_start3A_526 : memref<16384x768xf32, #tpu.memory_space<hbm>>) target(%dma_start3A_520 : memref<16x768xf32, #tpu.memory_space<vmem>>) offsets(%dma_start3A_523 : memref<16xi32, #tpu.memory_space<vmem>>) semaphore(%arg14 : memref<!tpu.dma_semaphore, #tpu.memory_space<semaphore_mem>>)
    %dma_wait3A_527 = arith.constant 8 : i32
    %dma_wait3A_528 = arith.constant 0 : i32
    %dma_wait3A_529 = arith.constant 0 : i32
    %dma_wait3A_530 = arith.constant 0 : i32
    %dma_wait3A_531 = tpu.memref_slice %arg6[%dma_wait3A_528, %dma_wait3A_529, %dma_wait3A_530] : memref<8x16x768xf32, #tpu.memory_space<vmem>> -> memref<1x16x768xf32, #tpu.memory_space<vmem>>
    %dma_wait3A_532 = tpu.memref_squeeze %dma_wait3A_531 : memref<1x16x768xf32, #tpu.memory_space<vmem>> -> memref<16x768xf32, #tpu.memory_space<vmem>>
    %dma_wait3A_533 = arith.constant 0 : i32
    %dma_wait3A_534 = tpu.memref_slice %arg5[%dma_wait3A_527, %dma_wait3A_533] : memref<16x16xi32, #tpu.memory_space<vmem>> -> memref<1x16xi32, #tpu.memory_space<vmem>>
    %dma_wait3A_535 = tpu.memref_squeeze %dma_wait3A_534 : memref<1x16xi32, #tpu.memory_space<vmem>> -> memref<16xi32, #tpu.memory_space<vmem>>
    %dma_wait3A_536 = arith.constant 0 : i32
    %dma_wait3A_537 = arith.constant 0 : i32
    %dma_wait3A_538 = tpu.memref_slice %arg2[%dma_wait3A_536, %dma_wait3A_537] : memref<16384x768xf32, #tpu.memory_space<hbm>> -> memref<16384x768xf32, #tpu.memory_space<hbm>>
    tpu.wait_indirect_dma semaphore(%arg7 : memref<!tpu.dma_semaphore, #tpu.memory_space<semaphore_mem>>) src(%dma_wait3A_538 : memref<16384x768xf32, #tpu.memory_space<hbm>>) dst(%dma_wait3A_532 : memref<16x768xf32, #tpu.memory_space<vmem>>)
    %mul3A_539 = arith.constant 256 : i32
    %mul3A_540 = arith.muli %add3A, %mul3A_539 : i32
    %add3A_541 = arith.constant 128 : i32
    %add3A_542 = arith.addi %mul3A_540, %add3A_541 : i32
    %dma_start3A_543 = arith.constant 0 : i32
    %dma_start3A_544 = arith.constant 0 : i32
    %dma_start3A_545 = arith.constant 0 : i32
    %dma_start3A_546 = tpu.memref_slice %arg6[%dma_start3A_543, %dma_start3A_544, %dma_start3A_545] : memref<8x16x768xf32, #tpu.memory_space<vmem>> -> memref<1x16x768xf32, #tpu.memory_space<vmem>>
    %dma_start3A_547 = tpu.memref_squeeze %dma_start3A_546 : memref<1x16x768xf32, #tpu.memory_space<vmem>> -> memref<16x768xf32, #tpu.memory_space<vmem>>
    %dma_start3A_548 = arith.constant 0 : i32
    %dma_start3A_549 = tpu.memref_slice %arg4[%add3A_542, %dma_start3A_548] : memref<8192x768xf32, #tpu.memory_space<hbm>> -> memref<16x768xf32, #tpu.memory_space<hbm>>
    %dma_start3A_550 = arith.constant 0 : i32
    %dma_start3A_551 = tpu.memref_slice %arg4[%add3A_542, %dma_start3A_550] : memref<8192x768xf32, #tpu.memory_space<hbm>> -> memref<16x768xf32, #tpu.memory_space<hbm>>
    %dma_start3A_552 = arith.constant 0 : i32
    %dma_start3A_553 = arith.constant 0 : i32
    %dma_start3A_554 = tpu.memref_slice %arg6[%dma_start3A_543, %dma_start3A_552, %dma_start3A_553] : memref<8x16x768xf32, #tpu.memory_space<vmem>> -> memref<1x16x768xf32, #tpu.memory_space<vmem>>
    %dma_start3A_555 = tpu.memref_squeeze %dma_start3A_554 : memref<1x16x768xf32, #tpu.memory_space<vmem>> -> memref<16x768xf32, #tpu.memory_space<vmem>>
    tpu.enqueue_dma source(%dma_start3A_555 : memref<16x768xf32, #tpu.memory_space<vmem>>) target(%dma_start3A_551 : memref<16x768xf32, #tpu.memory_space<hbm>>) target_semaphore(%arg15 : memref<!tpu.dma_semaphore, #tpu.memory_space<semaphore_mem>>)
    %dma_wait3A_556 = arith.constant 9 : i32
    %dma_wait3A_557 = arith.constant 1 : i32
    %dma_wait3A_558 = arith.constant 0 : i32
    %dma_wait3A_559 = arith.constant 0 : i32
    %dma_wait3A_560 = tpu.memref_slice %arg6[%dma_wait3A_557, %dma_wait3A_558, %dma_wait3A_559] : memref<8x16x768xf32, #tpu.memory_space<vmem>> -> memref<1x16x768xf32, #tpu.memory_space<vmem>>
    %dma_wait3A_561 = tpu.memref_squeeze %dma_wait3A_560 : memref<1x16x768xf32, #tpu.memory_space<vmem>> -> memref<16x768xf32, #tpu.memory_space<vmem>>
    %dma_wait3A_562 = arith.constant 0 : i32
    %dma_wait3A_563 = tpu.memref_slice %arg5[%dma_wait3A_556, %dma_wait3A_562] : memref<16x16xi32, #tpu.memory_space<vmem>> -> memref<1x16xi32, #tpu.memory_space<vmem>>
    %dma_wait3A_564 = tpu.memref_squeeze %dma_wait3A_563 : memref<1x16xi32, #tpu.memory_space<vmem>> -> memref<16xi32, #tpu.memory_space<vmem>>
    %dma_wait3A_565 = arith.constant 0 : i32
    %dma_wait3A_566 = arith.constant 0 : i32
    %dma_wait3A_567 = tpu.memref_slice %arg2[%dma_wait3A_565, %dma_wait3A_566] : memref<16384x768xf32, #tpu.memory_space<hbm>> -> memref<16384x768xf32, #tpu.memory_space<hbm>>
    tpu.wait_indirect_dma semaphore(%arg8 : memref<!tpu.dma_semaphore, #tpu.memory_space<semaphore_mem>>) src(%dma_wait3A_567 : memref<16384x768xf32, #tpu.memory_space<hbm>>) dst(%dma_wait3A_561 : memref<16x768xf32, #tpu.memory_space<vmem>>)
    %mul3A_568 = arith.constant 256 : i32
    %mul3A_569 = arith.muli %add3A, %mul3A_568 : i32
    %add3A_570 = arith.constant 144 : i32
    %add3A_571 = arith.addi %mul3A_569, %add3A_570 : i32
    %dma_start3A_572 = arith.constant 1 : i32
    %dma_start3A_573 = arith.constant 0 : i32
    %dma_start3A_574 = arith.constant 0 : i32
    %dma_start3A_575 = tpu.memref_slice %arg6[%dma_start3A_572, %dma_start3A_573, %dma_start3A_574] : memref<8x16x768xf32, #tpu.memory_space<vmem>> -> memref<1x16x768xf32, #tpu.memory_space<vmem>>
    %dma_start3A_576 = tpu.memref_squeeze %dma_start3A_575 : memref<1x16x768xf32, #tpu.memory_space<vmem>> -> memref<16x768xf32, #tpu.memory_space<vmem>>
    %dma_start3A_577 = arith.constant 0 : i32
    %dma_start3A_578 = tpu.memref_slice %arg4[%add3A_571, %dma_start3A_577] : memref<8192x768xf32, #tpu.memory_space<hbm>> -> memref<16x768xf32, #tpu.memory_space<hbm>>
    %dma_start3A_579 = arith.constant 0 : i32
    %dma_start3A_580 = tpu.memref_slice %arg4[%add3A_571, %dma_start3A_579] : memref<8192x768xf32, #tpu.memory_space<hbm>> -> memref<16x768xf32, #tpu.memory_space<hbm>>
    %dma_start3A_581 = arith.constant 0 : i32
    %dma_start3A_582 = arith.constant 0 : i32
    %dma_start3A_583 = tpu.memref_slice %arg6[%dma_start3A_572, %dma_start3A_581, %dma_start3A_582] : memref<8x16x768xf32, #tpu.memory_space<vmem>> -> memref<1x16x768xf32, #tpu.memory_space<vmem>>
    %dma_start3A_584 = tpu.memref_squeeze %dma_start3A_583 : memref<1x16x768xf32, #tpu.memory_space<vmem>> -> memref<16x768xf32, #tpu.memory_space<vmem>>
    tpu.enqueue_dma source(%dma_start3A_584 : memref<16x768xf32, #tpu.memory_space<vmem>>) target(%dma_start3A_580 : memref<16x768xf32, #tpu.memory_space<hbm>>) target_semaphore(%arg16 : memref<!tpu.dma_semaphore, #tpu.memory_space<semaphore_mem>>)
    %dma_wait3A_585 = arith.constant 10 : i32
    %dma_wait3A_586 = arith.constant 2 : i32
    %dma_wait3A_587 = arith.constant 0 : i32
    %dma_wait3A_588 = arith.constant 0 : i32
    %dma_wait3A_589 = tpu.memref_slice %arg6[%dma_wait3A_586, %dma_wait3A_587, %dma_wait3A_588] : memref<8x16x768xf32, #tpu.memory_space<vmem>> -> memref<1x16x768xf32, #tpu.memory_space<vmem>>
    %dma_wait3A_590 = tpu.memref_squeeze %dma_wait3A_589 : memref<1x16x768xf32, #tpu.memory_space<vmem>> -> memref<16x768xf32, #tpu.memory_space<vmem>>
    %dma_wait3A_591 = arith.constant 0 : i32
    %dma_wait3A_592 = tpu.memref_slice %arg5[%dma_wait3A_585, %dma_wait3A_591] : memref<16x16xi32, #tpu.memory_space<vmem>> -> memref<1x16xi32, #tpu.memory_space<vmem>>
    %dma_wait3A_593 = tpu.memref_squeeze %dma_wait3A_592 : memref<1x16xi32, #tpu.memory_space<vmem>> -> memref<16xi32, #tpu.memory_space<vmem>>
    %dma_wait3A_594 = arith.constant 0 : i32
    %dma_wait3A_595 = arith.constant 0 : i32
    %dma_wait3A_596 = tpu.memref_slice %arg2[%dma_wait3A_594, %dma_wait3A_595] : memref<16384x768xf32, #tpu.memory_space<hbm>> -> memref<16384x768xf32, #tpu.memory_space<hbm>>
    tpu.wait_indirect_dma semaphore(%arg9 : memref<!tpu.dma_semaphore, #tpu.memory_space<semaphore_mem>>) src(%dma_wait3A_596 : memref<16384x768xf32, #tpu.memory_space<hbm>>) dst(%dma_wait3A_590 : memref<16x768xf32, #tpu.memory_space<vmem>>)
    %mul3A_597 = arith.constant 256 : i32
    %mul3A_598 = arith.muli %add3A, %mul3A_597 : i32
    %add3A_599 = arith.constant 160 : i32
    %add3A_600 = arith.addi %mul3A_598, %add3A_599 : i32
    %dma_start3A_601 = arith.constant 2 : i32
    %dma_start3A_602 = arith.constant 0 : i32
    %dma_start3A_603 = arith.constant 0 : i32
    %dma_start3A_604 = tpu.memref_slice %arg6[%dma_start3A_601, %dma_start3A_602, %dma_start3A_603] : memref<8x16x768xf32, #tpu.memory_space<vmem>> -> memref<1x16x768xf32, #tpu.memory_space<vmem>>
    %dma_start3A_605 = tpu.memref_squeeze %dma_start3A_604 : memref<1x16x768xf32, #tpu.memory_space<vmem>> -> memref<16x768xf32, #tpu.memory_space<vmem>>
    %dma_start3A_606 = arith.constant 0 : i32
    %dma_start3A_607 = tpu.memref_slice %arg4[%add3A_600, %dma_start3A_606] : memref<8192x768xf32, #tpu.memory_space<hbm>> -> memref<16x768xf32, #tpu.memory_space<hbm>>
    %dma_start3A_608 = arith.constant 0 : i32
    %dma_start3A_609 = tpu.memref_slice %arg4[%add3A_600, %dma_start3A_608] : memref<8192x768xf32, #tpu.memory_space<hbm>> -> memref<16x768xf32, #tpu.memory_space<hbm>>
    %dma_start3A_610 = arith.constant 0 : i32
    %dma_start3A_611 = arith.constant 0 : i32
    %dma_start3A_612 = tpu.memref_slice %arg6[%dma_start3A_601, %dma_start3A_610, %dma_start3A_611] : memref<8x16x768xf32, #tpu.memory_space<vmem>> -> memref<1x16x768xf32, #tpu.memory_space<vmem>>
    %dma_start3A_613 = tpu.memref_squeeze %dma_start3A_612 : memref<1x16x768xf32, #tpu.memory_space<vmem>> -> memref<16x768xf32, #tpu.memory_space<vmem>>
    tpu.enqueue_dma source(%dma_start3A_613 : memref<16x768xf32, #tpu.memory_space<vmem>>) target(%dma_start3A_609 : memref<16x768xf32, #tpu.memory_space<hbm>>) target_semaphore(%arg17 : memref<!tpu.dma_semaphore, #tpu.memory_space<semaphore_mem>>)
    %dma_wait3A_614 = arith.constant 11 : i32
    %dma_wait3A_615 = arith.constant 3 : i32
    %dma_wait3A_616 = arith.constant 0 : i32
    %dma_wait3A_617 = arith.constant 0 : i32
    %dma_wait3A_618 = tpu.memref_slice %arg6[%dma_wait3A_615, %dma_wait3A_616, %dma_wait3A_617] : memref<8x16x768xf32, #tpu.memory_space<vmem>> -> memref<1x16x768xf32, #tpu.memory_space<vmem>>
    %dma_wait3A_619 = tpu.memref_squeeze %dma_wait3A_618 : memref<1x16x768xf32, #tpu.memory_space<vmem>> -> memref<16x768xf32, #tpu.memory_space<vmem>>
    %dma_wait3A_620 = arith.constant 0 : i32
    %dma_wait3A_621 = tpu.memref_slice %arg5[%dma_wait3A_614, %dma_wait3A_620] : memref<16x16xi32, #tpu.memory_space<vmem>> -> memref<1x16xi32, #tpu.memory_space<vmem>>
    %dma_wait3A_622 = tpu.memref_squeeze %dma_wait3A_621 : memref<1x16xi32, #tpu.memory_space<vmem>> -> memref<16xi32, #tpu.memory_space<vmem>>
    %dma_wait3A_623 = arith.constant 0 : i32
    %dma_wait3A_624 = arith.constant 0 : i32
    %dma_wait3A_625 = tpu.memref_slice %arg2[%dma_wait3A_623, %dma_wait3A_624] : memref<16384x768xf32, #tpu.memory_space<hbm>> -> memref<16384x768xf32, #tpu.memory_space<hbm>>
    tpu.wait_indirect_dma semaphore(%arg10 : memref<!tpu.dma_semaphore, #tpu.memory_space<semaphore_mem>>) src(%dma_wait3A_625 : memref<16384x768xf32, #tpu.memory_space<hbm>>) dst(%dma_wait3A_619 : memref<16x768xf32, #tpu.memory_space<vmem>>)
    %mul3A_626 = arith.constant 256 : i32
    %mul3A_627 = arith.muli %add3A, %mul3A_626 : i32
    %add3A_628 = arith.constant 176 : i32
    %add3A_629 = arith.addi %mul3A_627, %add3A_628 : i32
    %dma_start3A_630 = arith.constant 3 : i32
    %dma_start3A_631 = arith.constant 0 : i32
    %dma_start3A_632 = arith.constant 0 : i32
    %dma_start3A_633 = tpu.memref_slice %arg6[%dma_start3A_630, %dma_start3A_631, %dma_start3A_632] : memref<8x16x768xf32, #tpu.memory_space<vmem>> -> memref<1x16x768xf32, #tpu.memory_space<vmem>>
    %dma_start3A_634 = tpu.memref_squeeze %dma_start3A_633 : memref<1x16x768xf32, #tpu.memory_space<vmem>> -> memref<16x768xf32, #tpu.memory_space<vmem>>
    %dma_start3A_635 = arith.constant 0 : i32
    %dma_start3A_636 = tpu.memref_slice %arg4[%add3A_629, %dma_start3A_635] : memref<8192x768xf32, #tpu.memory_space<hbm>> -> memref<16x768xf32, #tpu.memory_space<hbm>>
    %dma_start3A_637 = arith.constant 0 : i32
    %dma_start3A_638 = tpu.memref_slice %arg4[%add3A_629, %dma_start3A_637] : memref<8192x768xf32, #tpu.memory_space<hbm>> -> memref<16x768xf32, #tpu.memory_space<hbm>>
    %dma_start3A_639 = arith.constant 0 : i32
    %dma_start3A_640 = arith.constant 0 : i32
    %dma_start3A_641 = tpu.memref_slice %arg6[%dma_start3A_630, %dma_start3A_639, %dma_start3A_640] : memref<8x16x768xf32, #tpu.memory_space<vmem>> -> memref<1x16x768xf32, #tpu.memory_space<vmem>>
    %dma_start3A_642 = tpu.memref_squeeze %dma_start3A_641 : memref<1x16x768xf32, #tpu.memory_space<vmem>> -> memref<16x768xf32, #tpu.memory_space<vmem>>
    tpu.enqueue_dma source(%dma_start3A_642 : memref<16x768xf32, #tpu.memory_space<vmem>>) target(%dma_start3A_638 : memref<16x768xf32, #tpu.memory_space<hbm>>) target_semaphore(%arg18 : memref<!tpu.dma_semaphore, #tpu.memory_space<semaphore_mem>>)
    %dma_wait3A_643 = arith.constant 12 : i32
    %dma_wait3A_644 = arith.constant 4 : i32
    %dma_wait3A_645 = arith.constant 0 : i32
    %dma_wait3A_646 = arith.constant 0 : i32
    %dma_wait3A_647 = tpu.memref_slice %arg6[%dma_wait3A_644, %dma_wait3A_645, %dma_wait3A_646] : memref<8x16x768xf32, #tpu.memory_space<vmem>> -> memref<1x16x768xf32, #tpu.memory_space<vmem>>
    %dma_wait3A_648 = tpu.memref_squeeze %dma_wait3A_647 : memref<1x16x768xf32, #tpu.memory_space<vmem>> -> memref<16x768xf32, #tpu.memory_space<vmem>>
    %dma_wait3A_649 = arith.constant 0 : i32
    %dma_wait3A_650 = tpu.memref_slice %arg5[%dma_wait3A_643, %dma_wait3A_649] : memref<16x16xi32, #tpu.memory_space<vmem>> -> memref<1x16xi32, #tpu.memory_space<vmem>>
    %dma_wait3A_651 = tpu.memref_squeeze %dma_wait3A_650 : memref<1x16xi32, #tpu.memory_space<vmem>> -> memref<16xi32, #tpu.memory_space<vmem>>
    %dma_wait3A_652 = arith.constant 0 : i32
    %dma_wait3A_653 = arith.constant 0 : i32
    %dma_wait3A_654 = tpu.memref_slice %arg2[%dma_wait3A_652, %dma_wait3A_653] : memref<16384x768xf32, #tpu.memory_space<hbm>> -> memref<16384x768xf32, #tpu.memory_space<hbm>>
    tpu.wait_indirect_dma semaphore(%arg11 : memref<!tpu.dma_semaphore, #tpu.memory_space<semaphore_mem>>) src(%dma_wait3A_654 : memref<16384x768xf32, #tpu.memory_space<hbm>>) dst(%dma_wait3A_648 : memref<16x768xf32, #tpu.memory_space<vmem>>)
    %mul3A_655 = arith.constant 256 : i32
    %mul3A_656 = arith.muli %add3A, %mul3A_655 : i32
    %add3A_657 = arith.constant 192 : i32
    %add3A_658 = arith.addi %mul3A_656, %add3A_657 : i32
    %dma_start3A_659 = arith.constant 4 : i32
    %dma_start3A_660 = arith.constant 0 : i32
    %dma_start3A_661 = arith.constant 0 : i32
    %dma_start3A_662 = tpu.memref_slice %arg6[%dma_start3A_659, %dma_start3A_660, %dma_start3A_661] : memref<8x16x768xf32, #tpu.memory_space<vmem>> -> memref<1x16x768xf32, #tpu.memory_space<vmem>>
    %dma_start3A_663 = tpu.memref_squeeze %dma_start3A_662 : memref<1x16x768xf32, #tpu.memory_space<vmem>> -> memref<16x768xf32, #tpu.memory_space<vmem>>
    %dma_start3A_664 = arith.constant 0 : i32
    %dma_start3A_665 = tpu.memref_slice %arg4[%add3A_658, %dma_start3A_664] : memref<8192x768xf32, #tpu.memory_space<hbm>> -> memref<16x768xf32, #tpu.memory_space<hbm>>
    %dma_start3A_666 = arith.constant 0 : i32
    %dma_start3A_667 = tpu.memref_slice %arg4[%add3A_658, %dma_start3A_666] : memref<8192x768xf32, #tpu.memory_space<hbm>> -> memref<16x768xf32, #tpu.memory_space<hbm>>
    %dma_start3A_668 = arith.constant 0 : i32
    %dma_start3A_669 = arith.constant 0 : i32
    %dma_start3A_670 = tpu.memref_slice %arg6[%dma_start3A_659, %dma_start3A_668, %dma_start3A_669] : memref<8x16x768xf32, #tpu.memory_space<vmem>> -> memref<1x16x768xf32, #tpu.memory_space<vmem>>
    %dma_start3A_671 = tpu.memref_squeeze %dma_start3A_670 : memref<1x16x768xf32, #tpu.memory_space<vmem>> -> memref<16x768xf32, #tpu.memory_space<vmem>>
    tpu.enqueue_dma source(%dma_start3A_671 : memref<16x768xf32, #tpu.memory_space<vmem>>) target(%dma_start3A_667 : memref<16x768xf32, #tpu.memory_space<hbm>>) target_semaphore(%arg19 : memref<!tpu.dma_semaphore, #tpu.memory_space<semaphore_mem>>)
    %dma_wait3A_672 = arith.constant 13 : i32
    %dma_wait3A_673 = arith.constant 5 : i32
    %dma_wait3A_674 = arith.constant 0 : i32
    %dma_wait3A_675 = arith.constant 0 : i32
    %dma_wait3A_676 = tpu.memref_slice %arg6[%dma_wait3A_673, %dma_wait3A_674, %dma_wait3A_675] : memref<8x16x768xf32, #tpu.memory_space<vmem>> -> memref<1x16x768xf32, #tpu.memory_space<vmem>>
    %dma_wait3A_677 = tpu.memref_squeeze %dma_wait3A_676 : memref<1x16x768xf32, #tpu.memory_space<vmem>> -> memref<16x768xf32, #tpu.memory_space<vmem>>
    %dma_wait3A_678 = arith.constant 0 : i32
    %dma_wait3A_679 = tpu.memref_slice %arg5[%dma_wait3A_672, %dma_wait3A_678] : memref<16x16xi32, #tpu.memory_space<vmem>> -> memref<1x16xi32, #tpu.memory_space<vmem>>
    %dma_wait3A_680 = tpu.memref_squeeze %dma_wait3A_679 : memref<1x16xi32, #tpu.memory_space<vmem>> -> memref<16xi32, #tpu.memory_space<vmem>>
    %dma_wait3A_681 = arith.constant 0 : i32
    %dma_wait3A_682 = arith.constant 0 : i32
    %dma_wait3A_683 = tpu.memref_slice %arg2[%dma_wait3A_681, %dma_wait3A_682] : memref<16384x768xf32, #tpu.memory_space<hbm>> -> memref<16384x768xf32, #tpu.memory_space<hbm>>
    tpu.wait_indirect_dma semaphore(%arg12 : memref<!tpu.dma_semaphore, #tpu.memory_space<semaphore_mem>>) src(%dma_wait3A_683 : memref<16384x768xf32, #tpu.memory_space<hbm>>) dst(%dma_wait3A_677 : memref<16x768xf32, #tpu.memory_space<vmem>>)
    %mul3A_684 = arith.constant 256 : i32
    %mul3A_685 = arith.muli %add3A, %mul3A_684 : i32
    %add3A_686 = arith.constant 208 : i32
    %add3A_687 = arith.addi %mul3A_685, %add3A_686 : i32
    %dma_start3A_688 = arith.constant 5 : i32
    %dma_start3A_689 = arith.constant 0 : i32
    %dma_start3A_690 = arith.constant 0 : i32
    %dma_start3A_691 = tpu.memref_slice %arg6[%dma_start3A_688, %dma_start3A_689, %dma_start3A_690] : memref<8x16x768xf32, #tpu.memory_space<vmem>> -> memref<1x16x768xf32, #tpu.memory_space<vmem>>
    %dma_start3A_692 = tpu.memref_squeeze %dma_start3A_691 : memref<1x16x768xf32, #tpu.memory_space<vmem>> -> memref<16x768xf32, #tpu.memory_space<vmem>>
    %dma_start3A_693 = arith.constant 0 : i32
    %dma_start3A_694 = tpu.memref_slice %arg4[%add3A_687, %dma_start3A_693] : memref<8192x768xf32, #tpu.memory_space<hbm>> -> memref<16x768xf32, #tpu.memory_space<hbm>>
    %dma_start3A_695 = arith.constant 0 : i32
    %dma_start3A_696 = tpu.memref_slice %arg4[%add3A_687, %dma_start3A_695] : memref<8192x768xf32, #tpu.memory_space<hbm>> -> memref<16x768xf32, #tpu.memory_space<hbm>>
    %dma_start3A_697 = arith.constant 0 : i32
    %dma_start3A_698 = arith.constant 0 : i32
    %dma_start3A_699 = tpu.memref_slice %arg6[%dma_start3A_688, %dma_start3A_697, %dma_start3A_698] : memref<8x16x768xf32, #tpu.memory_space<vmem>> -> memref<1x16x768xf32, #tpu.memory_space<vmem>>
    %dma_start3A_700 = tpu.memref_squeeze %dma_start3A_699 : memref<1x16x768xf32, #tpu.memory_space<vmem>> -> memref<16x768xf32, #tpu.memory_space<vmem>>
    tpu.enqueue_dma source(%dma_start3A_700 : memref<16x768xf32, #tpu.memory_space<vmem>>) target(%dma_start3A_696 : memref<16x768xf32, #tpu.memory_space<hbm>>) target_semaphore(%arg20 : memref<!tpu.dma_semaphore, #tpu.memory_space<semaphore_mem>>)
    %dma_wait3A_701 = arith.constant 14 : i32
    %dma_wait3A_702 = arith.constant 6 : i32
    %dma_wait3A_703 = arith.constant 0 : i32
    %dma_wait3A_704 = arith.constant 0 : i32
    %dma_wait3A_705 = tpu.memref_slice %arg6[%dma_wait3A_702, %dma_wait3A_703, %dma_wait3A_704] : memref<8x16x768xf32, #tpu.memory_space<vmem>> -> memref<1x16x768xf32, #tpu.memory_space<vmem>>
    %dma_wait3A_706 = tpu.memref_squeeze %dma_wait3A_705 : memref<1x16x768xf32, #tpu.memory_space<vmem>> -> memref<16x768xf32, #tpu.memory_space<vmem>>
    %dma_wait3A_707 = arith.constant 0 : i32
    %dma_wait3A_708 = tpu.memref_slice %arg5[%dma_wait3A_701, %dma_wait3A_707] : memref<16x16xi32, #tpu.memory_space<vmem>> -> memref<1x16xi32, #tpu.memory_space<vmem>>
    %dma_wait3A_709 = tpu.memref_squeeze %dma_wait3A_708 : memref<1x16xi32, #tpu.memory_space<vmem>> -> memref<16xi32, #tpu.memory_space<vmem>>
    %dma_wait3A_710 = arith.constant 0 : i32
    %dma_wait3A_711 = arith.constant 0 : i32
    %dma_wait3A_712 = tpu.memref_slice %arg2[%dma_wait3A_710, %dma_wait3A_711] : memref<16384x768xf32, #tpu.memory_space<hbm>> -> memref<16384x768xf32, #tpu.memory_space<hbm>>
    tpu.wait_indirect_dma semaphore(%arg13 : memref<!tpu.dma_semaphore, #tpu.memory_space<semaphore_mem>>) src(%dma_wait3A_712 : memref<16384x768xf32, #tpu.memory_space<hbm>>) dst(%dma_wait3A_706 : memref<16x768xf32, #tpu.memory_space<vmem>>)
    %mul3A_713 = arith.constant 256 : i32
    %mul3A_714 = arith.muli %add3A, %mul3A_713 : i32
    %add3A_715 = arith.constant 224 : i32
    %add3A_716 = arith.addi %mul3A_714, %add3A_715 : i32
    %dma_start3A_717 = arith.constant 6 : i32
    %dma_start3A_718 = arith.constant 0 : i32
    %dma_start3A_719 = arith.constant 0 : i32
    %dma_start3A_720 = tpu.memref_slice %arg6[%dma_start3A_717, %dma_start3A_718, %dma_start3A_719] : memref<8x16x768xf32, #tpu.memory_space<vmem>> -> memref<1x16x768xf32, #tpu.memory_space<vmem>>
    %dma_start3A_721 = tpu.memref_squeeze %dma_start3A_720 : memref<1x16x768xf32, #tpu.memory_space<vmem>> -> memref<16x768xf32, #tpu.memory_space<vmem>>
    %dma_start3A_722 = arith.constant 0 : i32
    %dma_start3A_723 = tpu.memref_slice %arg4[%add3A_716, %dma_start3A_722] : memref<8192x768xf32, #tpu.memory_space<hbm>> -> memref<16x768xf32, #tpu.memory_space<hbm>>
    %dma_start3A_724 = arith.constant 0 : i32
    %dma_start3A_725 = tpu.memref_slice %arg4[%add3A_716, %dma_start3A_724] : memref<8192x768xf32, #tpu.memory_space<hbm>> -> memref<16x768xf32, #tpu.memory_space<hbm>>
    %dma_start3A_726 = arith.constant 0 : i32
    %dma_start3A_727 = arith.constant 0 : i32
    %dma_start3A_728 = tpu.memref_slice %arg6[%dma_start3A_717, %dma_start3A_726, %dma_start3A_727] : memref<8x16x768xf32, #tpu.memory_space<vmem>> -> memref<1x16x768xf32, #tpu.memory_space<vmem>>
    %dma_start3A_729 = tpu.memref_squeeze %dma_start3A_728 : memref<1x16x768xf32, #tpu.memory_space<vmem>> -> memref<16x768xf32, #tpu.memory_space<vmem>>
    tpu.enqueue_dma source(%dma_start3A_729 : memref<16x768xf32, #tpu.memory_space<vmem>>) target(%dma_start3A_725 : memref<16x768xf32, #tpu.memory_space<hbm>>) target_semaphore(%arg21 : memref<!tpu.dma_semaphore, #tpu.memory_space<semaphore_mem>>)
    %dma_wait3A_730 = arith.constant 15 : i32
    %dma_wait3A_731 = arith.constant 7 : i32
    %dma_wait3A_732 = arith.constant 0 : i32
    %dma_wait3A_733 = arith.constant 0 : i32
    %dma_wait3A_734 = tpu.memref_slice %arg6[%dma_wait3A_731, %dma_wait3A_732, %dma_wait3A_733] : memref<8x16x768xf32, #tpu.memory_space<vmem>> -> memref<1x16x768xf32, #tpu.memory_space<vmem>>
    %dma_wait3A_735 = tpu.memref_squeeze %dma_wait3A_734 : memref<1x16x768xf32, #tpu.memory_space<vmem>> -> memref<16x768xf32, #tpu.memory_space<vmem>>
    %dma_wait3A_736 = arith.constant 0 : i32
    %dma_wait3A_737 = tpu.memref_slice %arg5[%dma_wait3A_730, %dma_wait3A_736] : memref<16x16xi32, #tpu.memory_space<vmem>> -> memref<1x16xi32, #tpu.memory_space<vmem>>
    %dma_wait3A_738 = tpu.memref_squeeze %dma_wait3A_737 : memref<1x16xi32, #tpu.memory_space<vmem>> -> memref<16xi32, #tpu.memory_space<vmem>>
    %dma_wait3A_739 = arith.constant 0 : i32
    %dma_wait3A_740 = arith.constant 0 : i32
    %dma_wait3A_741 = tpu.memref_slice %arg2[%dma_wait3A_739, %dma_wait3A_740] : memref<16384x768xf32, #tpu.memory_space<hbm>> -> memref<16384x768xf32, #tpu.memory_space<hbm>>
    tpu.wait_indirect_dma semaphore(%arg14 : memref<!tpu.dma_semaphore, #tpu.memory_space<semaphore_mem>>) src(%dma_wait3A_741 : memref<16384x768xf32, #tpu.memory_space<hbm>>) dst(%dma_wait3A_735 : memref<16x768xf32, #tpu.memory_space<vmem>>)
    %mul3A_742 = arith.constant 256 : i32
    %mul3A_743 = arith.muli %add3A, %mul3A_742 : i32
    %add3A_744 = arith.constant 240 : i32
    %add3A_745 = arith.addi %mul3A_743, %add3A_744 : i32
    %dma_start3A_746 = arith.constant 7 : i32
    %dma_start3A_747 = arith.constant 0 : i32
    %dma_start3A_748 = arith.constant 0 : i32
    %dma_start3A_749 = tpu.memref_slice %arg6[%dma_start3A_746, %dma_start3A_747, %dma_start3A_748] : memref<8x16x768xf32, #tpu.memory_space<vmem>> -> memref<1x16x768xf32, #tpu.memory_space<vmem>>
    %dma_start3A_750 = tpu.memref_squeeze %dma_start3A_749 : memref<1x16x768xf32, #tpu.memory_space<vmem>> -> memref<16x768xf32, #tpu.memory_space<vmem>>
    %dma_start3A_751 = arith.constant 0 : i32
    %dma_start3A_752 = tpu.memref_slice %arg4[%add3A_745, %dma_start3A_751] : memref<8192x768xf32, #tpu.memory_space<hbm>> -> memref<16x768xf32, #tpu.memory_space<hbm>>
    %dma_start3A_753 = arith.constant 0 : i32
    %dma_start3A_754 = tpu.memref_slice %arg4[%add3A_745, %dma_start3A_753] : memref<8192x768xf32, #tpu.memory_space<hbm>> -> memref<16x768xf32, #tpu.memory_space<hbm>>
    %dma_start3A_755 = arith.constant 0 : i32
    %dma_start3A_756 = arith.constant 0 : i32
    %dma_start3A_757 = tpu.memref_slice %arg6[%dma_start3A_746, %dma_start3A_755, %dma_start3A_756] : memref<8x16x768xf32, #tpu.memory_space<vmem>> -> memref<1x16x768xf32, #tpu.memory_space<vmem>>
    %dma_start3A_758 = tpu.memref_squeeze %dma_start3A_757 : memref<1x16x768xf32, #tpu.memory_space<vmem>> -> memref<16x768xf32, #tpu.memory_space<vmem>>
    tpu.enqueue_dma source(%dma_start3A_758 : memref<16x768xf32, #tpu.memory_space<vmem>>) target(%dma_start3A_754 : memref<16x768xf32, #tpu.memory_space<hbm>>) target_semaphore(%arg22 : memref<!tpu.dma_semaphore, #tpu.memory_space<semaphore_mem>>)
    %dma_wait3A_759 = arith.constant 0 : i32
    %dma_wait3A_760 = arith.constant 0 : i32
    %dma_wait3A_761 = arith.constant 0 : i32
    %dma_wait3A_762 = tpu.memref_slice %arg6[%dma_wait3A_759, %dma_wait3A_760, %dma_wait3A_761] : memref<8x16x768xf32, #tpu.memory_space<vmem>> -> memref<1x16x768xf32, #tpu.memory_space<vmem>>
    %dma_wait3A_763 = tpu.memref_squeeze %dma_wait3A_762 : memref<1x16x768xf32, #tpu.memory_space<vmem>> -> memref<16x768xf32, #tpu.memory_space<vmem>>
    %dma_wait3A_764 = arith.constant 0 : i32
    %dma_wait3A_765 = tpu.memref_slice %arg4[%add3A_542, %dma_wait3A_764] : memref<8192x768xf32, #tpu.memory_space<hbm>> -> memref<16x768xf32, #tpu.memory_space<hbm>>
    %dma_wait3A_766 = arith.constant 0 : i32
    %dma_wait3A_767 = tpu.memref_slice %arg4[%add3A_542, %dma_wait3A_766] : memref<8192x768xf32, #tpu.memory_space<hbm>> -> memref<16x768xf32, #tpu.memory_space<hbm>>
    %dma_wait3A_768 = arith.constant 0 : i32
    %dma_wait3A_769 = arith.constant 0 : i32
    %dma_wait3A_770 = tpu.memref_slice %arg6[%dma_wait3A_759, %dma_wait3A_768, %dma_wait3A_769] : memref<8x16x768xf32, #tpu.memory_space<vmem>> -> memref<1x16x768xf32, #tpu.memory_space<vmem>>
    %dma_wait3A_771 = tpu.memref_squeeze %dma_wait3A_770 : memref<1x16x768xf32, #tpu.memory_space<vmem>> -> memref<16x768xf32, #tpu.memory_space<vmem>>
    tpu.wait_dma2 semaphore(%arg15 : memref<!tpu.dma_semaphore, #tpu.memory_space<semaphore_mem>>) src(%dma_wait3A_771 : memref<16x768xf32, #tpu.memory_space<vmem>>) dst(%dma_wait3A_767 : memref<16x768xf32, #tpu.memory_space<hbm>>)
    %dma_wait3A_772 = arith.constant 1 : i32
    %dma_wait3A_773 = arith.constant 0 : i32
    %dma_wait3A_774 = arith.constant 0 : i32
    %dma_wait3A_775 = tpu.memref_slice %arg6[%dma_wait3A_772, %dma_wait3A_773, %dma_wait3A_774] : memref<8x16x768xf32, #tpu.memory_space<vmem>> -> memref<1x16x768xf32, #tpu.memory_space<vmem>>
    %dma_wait3A_776 = tpu.memref_squeeze %dma_wait3A_775 : memref<1x16x768xf32, #tpu.memory_space<vmem>> -> memref<16x768xf32, #tpu.memory_space<vmem>>
    %dma_wait3A_777 = arith.constant 0 : i32
    %dma_wait3A_778 = tpu.memref_slice %arg4[%add3A_571, %dma_wait3A_777] : memref<8192x768xf32, #tpu.memory_space<hbm>> -> memref<16x768xf32, #tpu.memory_space<hbm>>
    %dma_wait3A_779 = arith.constant 0 : i32
    %dma_wait3A_780 = tpu.memref_slice %arg4[%add3A_571, %dma_wait3A_779] : memref<8192x768xf32, #tpu.memory_space<hbm>> -> memref<16x768xf32, #tpu.memory_space<hbm>>
    %dma_wait3A_781 = arith.constant 0 : i32
    %dma_wait3A_782 = arith.constant 0 : i32
    %dma_wait3A_783 = tpu.memref_slice %arg6[%dma_wait3A_772, %dma_wait3A_781, %dma_wait3A_782] : memref<8x16x768xf32, #tpu.memory_space<vmem>> -> memref<1x16x768xf32, #tpu.memory_space<vmem>>
    %dma_wait3A_784 = tpu.memref_squeeze %dma_wait3A_783 : memref<1x16x768xf32, #tpu.memory_space<vmem>> -> memref<16x768xf32, #tpu.memory_space<vmem>>
    tpu.wait_dma2 semaphore(%arg16 : memref<!tpu.dma_semaphore, #tpu.memory_space<semaphore_mem>>) src(%dma_wait3A_784 : memref<16x768xf32, #tpu.memory_space<vmem>>) dst(%dma_wait3A_780 : memref<16x768xf32, #tpu.memory_space<hbm>>)
    %dma_wait3A_785 = arith.constant 2 : i32
    %dma_wait3A_786 = arith.constant 0 : i32
    %dma_wait3A_787 = arith.constant 0 : i32
    %dma_wait3A_788 = tpu.memref_slice %arg6[%dma_wait3A_785, %dma_wait3A_786, %dma_wait3A_787] : memref<8x16x768xf32, #tpu.memory_space<vmem>> -> memref<1x16x768xf32, #tpu.memory_space<vmem>>
    %dma_wait3A_789 = tpu.memref_squeeze %dma_wait3A_788 : memref<1x16x768xf32, #tpu.memory_space<vmem>> -> memref<16x768xf32, #tpu.memory_space<vmem>>
    %dma_wait3A_790 = arith.constant 0 : i32
    %dma_wait3A_791 = tpu.memref_slice %arg4[%add3A_600, %dma_wait3A_790] : memref<8192x768xf32, #tpu.memory_space<hbm>> -> memref<16x768xf32, #tpu.memory_space<hbm>>
    %dma_wait3A_792 = arith.constant 0 : i32
    %dma_wait3A_793 = tpu.memref_slice %arg4[%add3A_600, %dma_wait3A_792] : memref<8192x768xf32, #tpu.memory_space<hbm>> -> memref<16x768xf32, #tpu.memory_space<hbm>>
    %dma_wait3A_794 = arith.constant 0 : i32
    %dma_wait3A_795 = arith.constant 0 : i32
    %dma_wait3A_796 = tpu.memref_slice %arg6[%dma_wait3A_785, %dma_wait3A_794, %dma_wait3A_795] : memref<8x16x768xf32, #tpu.memory_space<vmem>> -> memref<1x16x768xf32, #tpu.memory_space<vmem>>
    %dma_wait3A_797 = tpu.memref_squeeze %dma_wait3A_796 : memref<1x16x768xf32, #tpu.memory_space<vmem>> -> memref<16x768xf32, #tpu.memory_space<vmem>>
    tpu.wait_dma2 semaphore(%arg17 : memref<!tpu.dma_semaphore, #tpu.memory_space<semaphore_mem>>) src(%dma_wait3A_797 : memref<16x768xf32, #tpu.memory_space<vmem>>) dst(%dma_wait3A_793 : memref<16x768xf32, #tpu.memory_space<hbm>>)
    %dma_wait3A_798 = arith.constant 3 : i32
    %dma_wait3A_799 = arith.constant 0 : i32
    %dma_wait3A_800 = arith.constant 0 : i32
    %dma_wait3A_801 = tpu.memref_slice %arg6[%dma_wait3A_798, %dma_wait3A_799, %dma_wait3A_800] : memref<8x16x768xf32, #tpu.memory_space<vmem>> -> memref<1x16x768xf32, #tpu.memory_space<vmem>>
    %dma_wait3A_802 = tpu.memref_squeeze %dma_wait3A_801 : memref<1x16x768xf32, #tpu.memory_space<vmem>> -> memref<16x768xf32, #tpu.memory_space<vmem>>
    %dma_wait3A_803 = arith.constant 0 : i32
    %dma_wait3A_804 = tpu.memref_slice %arg4[%add3A_629, %dma_wait3A_803] : memref<8192x768xf32, #tpu.memory_space<hbm>> -> memref<16x768xf32, #tpu.memory_space<hbm>>
    %dma_wait3A_805 = arith.constant 0 : i32
    %dma_wait3A_806 = tpu.memref_slice %arg4[%add3A_629, %dma_wait3A_805] : memref<8192x768xf32, #tpu.memory_space<hbm>> -> memref<16x768xf32, #tpu.memory_space<hbm>>
    %dma_wait3A_807 = arith.constant 0 : i32
    %dma_wait3A_808 = arith.constant 0 : i32
    %dma_wait3A_809 = tpu.memref_slice %arg6[%dma_wait3A_798, %dma_wait3A_807, %dma_wait3A_808] : memref<8x16x768xf32, #tpu.memory_space<vmem>> -> memref<1x16x768xf32, #tpu.memory_space<vmem>>
    %dma_wait3A_810 = tpu.memref_squeeze %dma_wait3A_809 : memref<1x16x768xf32, #tpu.memory_space<vmem>> -> memref<16x768xf32, #tpu.memory_space<vmem>>
    tpu.wait_dma2 semaphore(%arg18 : memref<!tpu.dma_semaphore, #tpu.memory_space<semaphore_mem>>) src(%dma_wait3A_810 : memref<16x768xf32, #tpu.memory_space<vmem>>) dst(%dma_wait3A_806 : memref<16x768xf32, #tpu.memory_space<hbm>>)
    %dma_wait3A_811 = arith.constant 4 : i32
    %dma_wait3A_812 = arith.constant 0 : i32
    %dma_wait3A_813 = arith.constant 0 : i32
    %dma_wait3A_814 = tpu.memref_slice %arg6[%dma_wait3A_811, %dma_wait3A_812, %dma_wait3A_813] : memref<8x16x768xf32, #tpu.memory_space<vmem>> -> memref<1x16x768xf32, #tpu.memory_space<vmem>>
    %dma_wait3A_815 = tpu.memref_squeeze %dma_wait3A_814 : memref<1x16x768xf32, #tpu.memory_space<vmem>> -> memref<16x768xf32, #tpu.memory_space<vmem>>
    %dma_wait3A_816 = arith.constant 0 : i32
    %dma_wait3A_817 = tpu.memref_slice %arg4[%add3A_658, %dma_wait3A_816] : memref<8192x768xf32, #tpu.memory_space<hbm>> -> memref<16x768xf32, #tpu.memory_space<hbm>>
    %dma_wait3A_818 = arith.constant 0 : i32
    %dma_wait3A_819 = tpu.memref_slice %arg4[%add3A_658, %dma_wait3A_818] : memref<8192x768xf32, #tpu.memory_space<hbm>> -> memref<16x768xf32, #tpu.memory_space<hbm>>
    %dma_wait3A_820 = arith.constant 0 : i32
    %dma_wait3A_821 = arith.constant 0 : i32
    %dma_wait3A_822 = tpu.memref_slice %arg6[%dma_wait3A_811, %dma_wait3A_820, %dma_wait3A_821] : memref<8x16x768xf32, #tpu.memory_space<vmem>> -> memref<1x16x768xf32, #tpu.memory_space<vmem>>
    %dma_wait3A_823 = tpu.memref_squeeze %dma_wait3A_822 : memref<1x16x768xf32, #tpu.memory_space<vmem>> -> memref<16x768xf32, #tpu.memory_space<vmem>>
    tpu.wait_dma2 semaphore(%arg19 : memref<!tpu.dma_semaphore, #tpu.memory_space<semaphore_mem>>) src(%dma_wait3A_823 : memref<16x768xf32, #tpu.memory_space<vmem>>) dst(%dma_wait3A_819 : memref<16x768xf32, #tpu.memory_space<hbm>>)
    %dma_wait3A_824 = arith.constant 5 : i32
    %dma_wait3A_825 = arith.constant 0 : i32
    %dma_wait3A_826 = arith.constant 0 : i32
    %dma_wait3A_827 = tpu.memref_slice %arg6[%dma_wait3A_824, %dma_wait3A_825, %dma_wait3A_826] : memref<8x16x768xf32, #tpu.memory_space<vmem>> -> memref<1x16x768xf32, #tpu.memory_space<vmem>>
    %dma_wait3A_828 = tpu.memref_squeeze %dma_wait3A_827 : memref<1x16x768xf32, #tpu.memory_space<vmem>> -> memref<16x768xf32, #tpu.memory_space<vmem>>
    %dma_wait3A_829 = arith.constant 0 : i32
    %dma_wait3A_830 = tpu.memref_slice %arg4[%add3A_687, %dma_wait3A_829] : memref<8192x768xf32, #tpu.memory_space<hbm>> -> memref<16x768xf32, #tpu.memory_space<hbm>>
    %dma_wait3A_831 = arith.constant 0 : i32
    %dma_wait3A_832 = tpu.memref_slice %arg4[%add3A_687, %dma_wait3A_831] : memref<8192x768xf32, #tpu.memory_space<hbm>> -> memref<16x768xf32, #tpu.memory_space<hbm>>
    %dma_wait3A_833 = arith.constant 0 : i32
    %dma_wait3A_834 = arith.constant 0 : i32
    %dma_wait3A_835 = tpu.memref_slice %arg6[%dma_wait3A_824, %dma_wait3A_833, %dma_wait3A_834] : memref<8x16x768xf32, #tpu.memory_space<vmem>> -> memref<1x16x768xf32, #tpu.memory_space<vmem>>
    %dma_wait3A_836 = tpu.memref_squeeze %dma_wait3A_835 : memref<1x16x768xf32, #tpu.memory_space<vmem>> -> memref<16x768xf32, #tpu.memory_space<vmem>>
    tpu.wait_dma2 semaphore(%arg20 : memref<!tpu.dma_semaphore, #tpu.memory_space<semaphore_mem>>) src(%dma_wait3A_836 : memref<16x768xf32, #tpu.memory_space<vmem>>) dst(%dma_wait3A_832 : memref<16x768xf32, #tpu.memory_space<hbm>>)
    %dma_wait3A_837 = arith.constant 6 : i32
    %dma_wait3A_838 = arith.constant 0 : i32
    %dma_wait3A_839 = arith.constant 0 : i32
    %dma_wait3A_840 = tpu.memref_slice %arg6[%dma_wait3A_837, %dma_wait3A_838, %dma_wait3A_839] : memref<8x16x768xf32, #tpu.memory_space<vmem>> -> memref<1x16x768xf32, #tpu.memory_space<vmem>>
    %dma_wait3A_841 = tpu.memref_squeeze %dma_wait3A_840 : memref<1x16x768xf32, #tpu.memory_space<vmem>> -> memref<16x768xf32, #tpu.memory_space<vmem>>
    %dma_wait3A_842 = arith.constant 0 : i32
    %dma_wait3A_843 = tpu.memref_slice %arg4[%add3A_716, %dma_wait3A_842] : memref<8192x768xf32, #tpu.memory_space<hbm>> -> memref<16x768xf32, #tpu.memory_space<hbm>>
    %dma_wait3A_844 = arith.constant 0 : i32
    %dma_wait3A_845 = tpu.memref_slice %arg4[%add3A_716, %dma_wait3A_844] : memref<8192x768xf32, #tpu.memory_space<hbm>> -> memref<16x768xf32, #tpu.memory_space<hbm>>
    %dma_wait3A_846 = arith.constant 0 : i32
    %dma_wait3A_847 = arith.constant 0 : i32
    %dma_wait3A_848 = tpu.memref_slice %arg6[%dma_wait3A_837, %dma_wait3A_846, %dma_wait3A_847] : memref<8x16x768xf32, #tpu.memory_space<vmem>> -> memref<1x16x768xf32, #tpu.memory_space<vmem>>
    %dma_wait3A_849 = tpu.memref_squeeze %dma_wait3A_848 : memref<1x16x768xf32, #tpu.memory_space<vmem>> -> memref<16x768xf32, #tpu.memory_space<vmem>>
    tpu.wait_dma2 semaphore(%arg21 : memref<!tpu.dma_semaphore, #tpu.memory_space<semaphore_mem>>) src(%dma_wait3A_849 : memref<16x768xf32, #tpu.memory_space<vmem>>) dst(%dma_wait3A_845 : memref<16x768xf32, #tpu.memory_space<hbm>>)
    %dma_wait3A_850 = arith.constant 7 : i32
    %dma_wait3A_851 = arith.constant 0 : i32
    %dma_wait3A_852 = arith.constant 0 : i32
    %dma_wait3A_853 = tpu.memref_slice %arg6[%dma_wait3A_850, %dma_wait3A_851, %dma_wait3A_852] : memref<8x16x768xf32, #tpu.memory_space<vmem>> -> memref<1x16x768xf32, #tpu.memory_space<vmem>>
    %dma_wait3A_854 = tpu.memref_squeeze %dma_wait3A_853 : memref<1x16x768xf32, #tpu.memory_space<vmem>> -> memref<16x768xf32, #tpu.memory_space<vmem>>
    %dma_wait3A_855 = arith.constant 0 : i32
    %dma_wait3A_856 = tpu.memref_slice %arg4[%add3A_745, %dma_wait3A_855] : memref<8192x768xf32, #tpu.memory_space<hbm>> -> memref<16x768xf32, #tpu.memory_space<hbm>>
    %dma_wait3A_857 = arith.constant 0 : i32
    %dma_wait3A_858 = tpu.memref_slice %arg4[%add3A_745, %dma_wait3A_857] : memref<8192x768xf32, #tpu.memory_space<hbm>> -> memref<16x768xf32, #tpu.memory_space<hbm>>
    %dma_wait3A_859 = arith.constant 0 : i32
    %dma_wait3A_860 = arith.constant 0 : i32
    %dma_wait3A_861 = tpu.memref_slice %arg6[%dma_wait3A_850, %dma_wait3A_859, %dma_wait3A_860] : memref<8x16x768xf32, #tpu.memory_space<vmem>> -> memref<1x16x768xf32, #tpu.memory_space<vmem>>
    %dma_wait3A_862 = tpu.memref_squeeze %dma_wait3A_861 : memref<1x16x768xf32, #tpu.memory_space<vmem>> -> memref<16x768xf32, #tpu.memory_space<vmem>>
    tpu.wait_dma2 semaphore(%arg22 : memref<!tpu.dma_semaphore, #tpu.memory_space<semaphore_mem>>) src(%dma_wait3A_862 : memref<16x768xf32, #tpu.memory_space<vmem>>) dst(%dma_wait3A_858 : memref<16x768xf32, #tpu.memory_space<hbm>>)
    return
  }
}

#map = affine_map<(d0, d1) -> (0, 0)>
#map1 = affine_map<(d0, d1) -> (0, 0, 0)>
module attributes {stable_mosaic.version = 14 : i64} {
  func.func @dispatch(%arg0: i32, %arg1: i32, %arg2: memref<8192x768xf32, #tpu.memory_space<hbm>>, %arg3: memref<32x16x16xi32, #tpu.memory_space<hbm>>, %arg4: memref<16384x768xf32, #tpu.memory_space<hbm>>, %arg5: memref<16x16xi32, #tpu.memory_space<vmem>>, %arg6: memref<8x16x768xf32, #tpu.memory_space<vmem>>, %arg7: memref<!tpu.dma_semaphore, #tpu.memory_space<semaphore_mem>>, %arg8: memref<!tpu.dma_semaphore, #tpu.memory_space<semaphore_mem>>, %arg9: memref<!tpu.dma_semaphore, #tpu.memory_space<semaphore_mem>>, %arg10: memref<!tpu.dma_semaphore, #tpu.memory_space<semaphore_mem>>, %arg11: memref<!tpu.dma_semaphore, #tpu.memory_space<semaphore_mem>>, %arg12: memref<!tpu.dma_semaphore, #tpu.memory_space<semaphore_mem>>, %arg13: memref<!tpu.dma_semaphore, #tpu.memory_space<semaphore_mem>>, %arg14: memref<!tpu.dma_semaphore, #tpu.memory_space<semaphore_mem>>, %arg15: memref<!tpu.dma_semaphore, #tpu.memory_space<semaphore_mem>>, %arg16: memref<!tpu.dma_semaphore, #tpu.memory_space<semaphore_mem>>, %arg17: memref<!tpu.dma_semaphore, #tpu.memory_space<semaphore_mem>>, %arg18: memref<!tpu.dma_semaphore, #tpu.memory_space<semaphore_mem>>, %arg19: memref<!tpu.dma_semaphore, #tpu.memory_space<semaphore_mem>>, %arg20: memref<!tpu.dma_semaphore, #tpu.memory_space<semaphore_mem>>, %arg21: memref<!tpu.dma_semaphore, #tpu.memory_space<semaphore_mem>>, %arg22: memref<!tpu.dma_semaphore, #tpu.memory_space<semaphore_mem>>) attributes {dimension_semantics = [#tpu.dimension_semantics<core_parallel>, #tpu.dimension_semantics<subcore_parallel>], iteration_bounds = array<i64: 2, 16>, scalar_prefetch = 0 : i64, scratch_operands = 18 : i64, tpu.core_type = #tpu.core_type<sc_vector_subcore>, window_params = [{transform_indices = #map}, {transform_indices = #map1}, {transform_indices = #map}]} {
    %mul3A = arith.constant 2 : i32
    %mul3A_0 = arith.muli %arg1, %mul3A : i32
    %add3A = arith.addi %mul3A_0, %arg0 : i32
    "tpu.region"() ({
      %run_scoped3A = tpu.sem_alloc : memref<!tpu.dma_semaphore, #tpu.memory_space<semaphore_mem>>
      %dma_start3A_863 = arith.constant 0 : i32
      %dma_start3A_864 = arith.constant 0 : i32
      %dma_start3A_865 = tpu.memref_slice %arg3[%add3A, %dma_start3A_863, %dma_start3A_864] : memref<32x16x16xi32, #tpu.memory_space<hbm>> -> memref<1x16x16xi32, #tpu.memory_space<hbm>>
      %dma_start3A_866 = tpu.memref_squeeze %dma_start3A_865 : memref<1x16x16xi32, #tpu.memory_space<hbm>> -> memref<16x16xi32, #tpu.memory_space<hbm>>
      %dma_start3A_867 = arith.constant 0 : i32
      %dma_start3A_868 = arith.constant 0 : i32
      %dma_start3A_869 = tpu.memref_slice %arg3[%add3A, %dma_start3A_867, %dma_start3A_868] : memref<32x16x16xi32, #tpu.memory_space<hbm>> -> memref<1x16x16xi32, #tpu.memory_space<hbm>>
      %dma_start3A_870 = tpu.memref_squeeze %dma_start3A_869 : memref<1x16x16xi32, #tpu.memory_space<hbm>> -> memref<16x16xi32, #tpu.memory_space<hbm>>
      tpu.enqueue_dma source(%dma_start3A_870 : memref<16x16xi32, #tpu.memory_space<hbm>>) target(%arg5 : memref<16x16xi32, #tpu.memory_space<vmem>>) target_semaphore(%run_scoped3A : memref<!tpu.dma_semaphore, #tpu.memory_space<semaphore_mem>>)
      %dma_wait3A_871 = arith.constant 0 : i32
      %dma_wait3A_872 = arith.constant 0 : i32
      %dma_wait3A_873 = tpu.memref_slice %arg3[%add3A, %dma_wait3A_871, %dma_wait3A_872] : memref<32x16x16xi32, #tpu.memory_space<hbm>> -> memref<1x16x16xi32, #tpu.memory_space<hbm>>
      %dma_wait3A_874 = tpu.memref_squeeze %dma_wait3A_873 : memref<1x16x16xi32, #tpu.memory_space<hbm>> -> memref<16x16xi32, #tpu.memory_space<hbm>>
      %dma_wait3A_875 = arith.constant 0 : i32
      %dma_wait3A_876 = arith.constant 0 : i32
      %dma_wait3A_877 = tpu.memref_slice %arg3[%add3A, %dma_wait3A_875, %dma_wait3A_876] : memref<32x16x16xi32, #tpu.memory_space<hbm>> -> memref<1x16x16xi32, #tpu.memory_space<hbm>>
      %dma_wait3A_878 = tpu.memref_squeeze %dma_wait3A_877 : memref<1x16x16xi32, #tpu.memory_space<hbm>> -> memref<16x16xi32, #tpu.memory_space<hbm>>
      tpu.wait_dma2 semaphore(%run_scoped3A : memref<!tpu.dma_semaphore, #tpu.memory_space<semaphore_mem>>) src(%dma_wait3A_878 : memref<16x16xi32, #tpu.memory_space<hbm>>) dst(%arg5 : memref<16x16xi32, #tpu.memory_space<vmem>>)
      tpu.yield
    }) : () -> ()
    %mul3A_1 = arith.constant 256 : i32
    %mul3A_2 = arith.muli %add3A, %mul3A_1 : i32
    %add3A_3 = arith.constant 0 : i32
    %add3A_4 = arith.addi %mul3A_2, %add3A_3 : i32
    %dma_start3A = arith.constant 0 : i32
    %dma_start3A_5 = arith.constant 0 : i32
    %dma_start3A_6 = arith.constant 0 : i32
    %dma_start3A_7 = tpu.memref_slice %arg6[%dma_start3A, %dma_start3A_5, %dma_start3A_6] : memref<8x16x768xf32, #tpu.memory_space<vmem>> -> memref<1x16x768xf32, #tpu.memory_space<vmem>>
    %dma_start3A_8 = tpu.memref_squeeze %dma_start3A_7 : memref<1x16x768xf32, #tpu.memory_space<vmem>> -> memref<16x768xf32, #tpu.memory_space<vmem>>
    %dma_start3A_9 = arith.constant 0 : i32
    %dma_start3A_10 = tpu.memref_slice %arg2[%add3A_4, %dma_start3A_9] : memref<8192x768xf32, #tpu.memory_space<hbm>> -> memref<16x768xf32, #tpu.memory_space<hbm>>
    %dma_start3A_11 = arith.constant 0 : i32
    %dma_start3A_12 = arith.constant 0 : i32
    %dma_start3A_13 = tpu.memref_slice %arg6[%dma_start3A, %dma_start3A_11, %dma_start3A_12] : memref<8x16x768xf32, #tpu.memory_space<vmem>> -> memref<1x16x768xf32, #tpu.memory_space<vmem>>
    %dma_start3A_14 = tpu.memref_squeeze %dma_start3A_13 : memref<1x16x768xf32, #tpu.memory_space<vmem>> -> memref<16x768xf32, #tpu.memory_space<vmem>>
    %dma_start3A_15 = arith.constant 0 : i32
    %dma_start3A_16 = tpu.memref_slice %arg2[%add3A_4, %dma_start3A_15] : memref<8192x768xf32, #tpu.memory_space<hbm>> -> memref<16x768xf32, #tpu.memory_space<hbm>>
    tpu.enqueue_dma source(%dma_start3A_16 : memref<16x768xf32, #tpu.memory_space<hbm>>) target(%dma_start3A_14 : memref<16x768xf32, #tpu.memory_space<vmem>>) target_semaphore(%arg7 : memref<!tpu.dma_semaphore, #tpu.memory_space<semaphore_mem>>)
    %mul3A_17 = arith.constant 256 : i32
    %mul3A_18 = arith.muli %add3A, %mul3A_17 : i32
    %add3A_19 = arith.constant 16 : i32
    %add3A_20 = arith.addi %mul3A_18, %add3A_19 : i32
    %dma_start3A_21 = arith.constant 1 : i32
    %dma_start3A_22 = arith.constant 0 : i32
    %dma_start3A_23 = arith.constant 0 : i32
    %dma_start3A_24 = tpu.memref_slice %arg6[%dma_start3A_21, %dma_start3A_22, %dma_start3A_23] : memref<8x16x768xf32, #tpu.memory_space<vmem>> -> memref<1x16x768xf32, #tpu.memory_space<vmem>>
    %dma_start3A_25 = tpu.memref_squeeze %dma_start3A_24 : memref<1x16x768xf32, #tpu.memory_space<vmem>> -> memref<16x768xf32, #tpu.memory_space<vmem>>
    %dma_start3A_26 = arith.constant 0 : i32
    %dma_start3A_27 = tpu.memref_slice %arg2[%add3A_20, %dma_start3A_26] : memref<8192x768xf32, #tpu.memory_space<hbm>> -> memref<16x768xf32, #tpu.memory_space<hbm>>
    %dma_start3A_28 = arith.constant 0 : i32
    %dma_start3A_29 = arith.constant 0 : i32
    %dma_start3A_30 = tpu.memref_slice %arg6[%dma_start3A_21, %dma_start3A_28, %dma_start3A_29] : memref<8x16x768xf32, #tpu.memory_space<vmem>> -> memref<1x16x768xf32, #tpu.memory_space<vmem>>
    %dma_start3A_31 = tpu.memref_squeeze %dma_start3A_30 : memref<1x16x768xf32, #tpu.memory_space<vmem>> -> memref<16x768xf32, #tpu.memory_space<vmem>>
    %dma_start3A_32 = arith.constant 0 : i32
    %dma_start3A_33 = tpu.memref_slice %arg2[%add3A_20, %dma_start3A_32] : memref<8192x768xf32, #tpu.memory_space<hbm>> -> memref<16x768xf32, #tpu.memory_space<hbm>>
    tpu.enqueue_dma source(%dma_start3A_33 : memref<16x768xf32, #tpu.memory_space<hbm>>) target(%dma_start3A_31 : memref<16x768xf32, #tpu.memory_space<vmem>>) target_semaphore(%arg8 : memref<!tpu.dma_semaphore, #tpu.memory_space<semaphore_mem>>)
    %mul3A_34 = arith.constant 256 : i32
    %mul3A_35 = arith.muli %add3A, %mul3A_34 : i32
    %add3A_36 = arith.constant 32 : i32
    %add3A_37 = arith.addi %mul3A_35, %add3A_36 : i32
    %dma_start3A_38 = arith.constant 2 : i32
    %dma_start3A_39 = arith.constant 0 : i32
    %dma_start3A_40 = arith.constant 0 : i32
    %dma_start3A_41 = tpu.memref_slice %arg6[%dma_start3A_38, %dma_start3A_39, %dma_start3A_40] : memref<8x16x768xf32, #tpu.memory_space<vmem>> -> memref<1x16x768xf32, #tpu.memory_space<vmem>>
    %dma_start3A_42 = tpu.memref_squeeze %dma_start3A_41 : memref<1x16x768xf32, #tpu.memory_space<vmem>> -> memref<16x768xf32, #tpu.memory_space<vmem>>
    %dma_start3A_43 = arith.constant 0 : i32
    %dma_start3A_44 = tpu.memref_slice %arg2[%add3A_37, %dma_start3A_43] : memref<8192x768xf32, #tpu.memory_space<hbm>> -> memref<16x768xf32, #tpu.memory_space<hbm>>
    %dma_start3A_45 = arith.constant 0 : i32
    %dma_start3A_46 = arith.constant 0 : i32
    %dma_start3A_47 = tpu.memref_slice %arg6[%dma_start3A_38, %dma_start3A_45, %dma_start3A_46] : memref<8x16x768xf32, #tpu.memory_space<vmem>> -> memref<1x16x768xf32, #tpu.memory_space<vmem>>
    %dma_start3A_48 = tpu.memref_squeeze %dma_start3A_47 : memref<1x16x768xf32, #tpu.memory_space<vmem>> -> memref<16x768xf32, #tpu.memory_space<vmem>>
    %dma_start3A_49 = arith.constant 0 : i32
    %dma_start3A_50 = tpu.memref_slice %arg2[%add3A_37, %dma_start3A_49] : memref<8192x768xf32, #tpu.memory_space<hbm>> -> memref<16x768xf32, #tpu.memory_space<hbm>>
    tpu.enqueue_dma source(%dma_start3A_50 : memref<16x768xf32, #tpu.memory_space<hbm>>) target(%dma_start3A_48 : memref<16x768xf32, #tpu.memory_space<vmem>>) target_semaphore(%arg9 : memref<!tpu.dma_semaphore, #tpu.memory_space<semaphore_mem>>)
    %mul3A_51 = arith.constant 256 : i32
    %mul3A_52 = arith.muli %add3A, %mul3A_51 : i32
    %add3A_53 = arith.constant 48 : i32
    %add3A_54 = arith.addi %mul3A_52, %add3A_53 : i32
    %dma_start3A_55 = arith.constant 3 : i32
    %dma_start3A_56 = arith.constant 0 : i32
    %dma_start3A_57 = arith.constant 0 : i32
    %dma_start3A_58 = tpu.memref_slice %arg6[%dma_start3A_55, %dma_start3A_56, %dma_start3A_57] : memref<8x16x768xf32, #tpu.memory_space<vmem>> -> memref<1x16x768xf32, #tpu.memory_space<vmem>>
    %dma_start3A_59 = tpu.memref_squeeze %dma_start3A_58 : memref<1x16x768xf32, #tpu.memory_space<vmem>> -> memref<16x768xf32, #tpu.memory_space<vmem>>
    %dma_start3A_60 = arith.constant 0 : i32
    %dma_start3A_61 = tpu.memref_slice %arg2[%add3A_54, %dma_start3A_60] : memref<8192x768xf32, #tpu.memory_space<hbm>> -> memref<16x768xf32, #tpu.memory_space<hbm>>
    %dma_start3A_62 = arith.constant 0 : i32
    %dma_start3A_63 = arith.constant 0 : i32
    %dma_start3A_64 = tpu.memref_slice %arg6[%dma_start3A_55, %dma_start3A_62, %dma_start3A_63] : memref<8x16x768xf32, #tpu.memory_space<vmem>> -> memref<1x16x768xf32, #tpu.memory_space<vmem>>
    %dma_start3A_65 = tpu.memref_squeeze %dma_start3A_64 : memref<1x16x768xf32, #tpu.memory_space<vmem>> -> memref<16x768xf32, #tpu.memory_space<vmem>>
    %dma_start3A_66 = arith.constant 0 : i32
    %dma_start3A_67 = tpu.memref_slice %arg2[%add3A_54, %dma_start3A_66] : memref<8192x768xf32, #tpu.memory_space<hbm>> -> memref<16x768xf32, #tpu.memory_space<hbm>>
    tpu.enqueue_dma source(%dma_start3A_67 : memref<16x768xf32, #tpu.memory_space<hbm>>) target(%dma_start3A_65 : memref<16x768xf32, #tpu.memory_space<vmem>>) target_semaphore(%arg10 : memref<!tpu.dma_semaphore, #tpu.memory_space<semaphore_mem>>)
    %mul3A_68 = arith.constant 256 : i32
    %mul3A_69 = arith.muli %add3A, %mul3A_68 : i32
    %add3A_70 = arith.constant 64 : i32
    %add3A_71 = arith.addi %mul3A_69, %add3A_70 : i32
    %dma_start3A_72 = arith.constant 4 : i32
    %dma_start3A_73 = arith.constant 0 : i32
    %dma_start3A_74 = arith.constant 0 : i32
    %dma_start3A_75 = tpu.memref_slice %arg6[%dma_start3A_72, %dma_start3A_73, %dma_start3A_74] : memref<8x16x768xf32, #tpu.memory_space<vmem>> -> memref<1x16x768xf32, #tpu.memory_space<vmem>>
    %dma_start3A_76 = tpu.memref_squeeze %dma_start3A_75 : memref<1x16x768xf32, #tpu.memory_space<vmem>> -> memref<16x768xf32, #tpu.memory_space<vmem>>
    %dma_start3A_77 = arith.constant 0 : i32
    %dma_start3A_78 = tpu.memref_slice %arg2[%add3A_71, %dma_start3A_77] : memref<8192x768xf32, #tpu.memory_space<hbm>> -> memref<16x768xf32, #tpu.memory_space<hbm>>
    %dma_start3A_79 = arith.constant 0 : i32
    %dma_start3A_80 = arith.constant 0 : i32
    %dma_start3A_81 = tpu.memref_slice %arg6[%dma_start3A_72, %dma_start3A_79, %dma_start3A_80] : memref<8x16x768xf32, #tpu.memory_space<vmem>> -> memref<1x16x768xf32, #tpu.memory_space<vmem>>
    %dma_start3A_82 = tpu.memref_squeeze %dma_start3A_81 : memref<1x16x768xf32, #tpu.memory_space<vmem>> -> memref<16x768xf32, #tpu.memory_space<vmem>>
    %dma_start3A_83 = arith.constant 0 : i32
    %dma_start3A_84 = tpu.memref_slice %arg2[%add3A_71, %dma_start3A_83] : memref<8192x768xf32, #tpu.memory_space<hbm>> -> memref<16x768xf32, #tpu.memory_space<hbm>>
    tpu.enqueue_dma source(%dma_start3A_84 : memref<16x768xf32, #tpu.memory_space<hbm>>) target(%dma_start3A_82 : memref<16x768xf32, #tpu.memory_space<vmem>>) target_semaphore(%arg11 : memref<!tpu.dma_semaphore, #tpu.memory_space<semaphore_mem>>)
    %mul3A_85 = arith.constant 256 : i32
    %mul3A_86 = arith.muli %add3A, %mul3A_85 : i32
    %add3A_87 = arith.constant 80 : i32
    %add3A_88 = arith.addi %mul3A_86, %add3A_87 : i32
    %dma_start3A_89 = arith.constant 5 : i32
    %dma_start3A_90 = arith.constant 0 : i32
    %dma_start3A_91 = arith.constant 0 : i32
    %dma_start3A_92 = tpu.memref_slice %arg6[%dma_start3A_89, %dma_start3A_90, %dma_start3A_91] : memref<8x16x768xf32, #tpu.memory_space<vmem>> -> memref<1x16x768xf32, #tpu.memory_space<vmem>>
    %dma_start3A_93 = tpu.memref_squeeze %dma_start3A_92 : memref<1x16x768xf32, #tpu.memory_space<vmem>> -> memref<16x768xf32, #tpu.memory_space<vmem>>
    %dma_start3A_94 = arith.constant 0 : i32
    %dma_start3A_95 = tpu.memref_slice %arg2[%add3A_88, %dma_start3A_94] : memref<8192x768xf32, #tpu.memory_space<hbm>> -> memref<16x768xf32, #tpu.memory_space<hbm>>
    %dma_start3A_96 = arith.constant 0 : i32
    %dma_start3A_97 = arith.constant 0 : i32
    %dma_start3A_98 = tpu.memref_slice %arg6[%dma_start3A_89, %dma_start3A_96, %dma_start3A_97] : memref<8x16x768xf32, #tpu.memory_space<vmem>> -> memref<1x16x768xf32, #tpu.memory_space<vmem>>
    %dma_start3A_99 = tpu.memref_squeeze %dma_start3A_98 : memref<1x16x768xf32, #tpu.memory_space<vmem>> -> memref<16x768xf32, #tpu.memory_space<vmem>>
    %dma_start3A_100 = arith.constant 0 : i32
    %dma_start3A_101 = tpu.memref_slice %arg2[%add3A_88, %dma_start3A_100] : memref<8192x768xf32, #tpu.memory_space<hbm>> -> memref<16x768xf32, #tpu.memory_space<hbm>>
    tpu.enqueue_dma source(%dma_start3A_101 : memref<16x768xf32, #tpu.memory_space<hbm>>) target(%dma_start3A_99 : memref<16x768xf32, #tpu.memory_space<vmem>>) target_semaphore(%arg12 : memref<!tpu.dma_semaphore, #tpu.memory_space<semaphore_mem>>)
    %mul3A_102 = arith.constant 256 : i32
    %mul3A_103 = arith.muli %add3A, %mul3A_102 : i32
    %add3A_104 = arith.constant 96 : i32
    %add3A_105 = arith.addi %mul3A_103, %add3A_104 : i32
    %dma_start3A_106 = arith.constant 6 : i32
    %dma_start3A_107 = arith.constant 0 : i32
    %dma_start3A_108 = arith.constant 0 : i32
    %dma_start3A_109 = tpu.memref_slice %arg6[%dma_start3A_106, %dma_start3A_107, %dma_start3A_108] : memref<8x16x768xf32, #tpu.memory_space<vmem>> -> memref<1x16x768xf32, #tpu.memory_space<vmem>>
    %dma_start3A_110 = tpu.memref_squeeze %dma_start3A_109 : memref<1x16x768xf32, #tpu.memory_space<vmem>> -> memref<16x768xf32, #tpu.memory_space<vmem>>
    %dma_start3A_111 = arith.constant 0 : i32
    %dma_start3A_112 = tpu.memref_slice %arg2[%add3A_105, %dma_start3A_111] : memref<8192x768xf32, #tpu.memory_space<hbm>> -> memref<16x768xf32, #tpu.memory_space<hbm>>
    %dma_start3A_113 = arith.constant 0 : i32
    %dma_start3A_114 = arith.constant 0 : i32
    %dma_start3A_115 = tpu.memref_slice %arg6[%dma_start3A_106, %dma_start3A_113, %dma_start3A_114] : memref<8x16x768xf32, #tpu.memory_space<vmem>> -> memref<1x16x768xf32, #tpu.memory_space<vmem>>
    %dma_start3A_116 = tpu.memref_squeeze %dma_start3A_115 : memref<1x16x768xf32, #tpu.memory_space<vmem>> -> memref<16x768xf32, #tpu.memory_space<vmem>>
    %dma_start3A_117 = arith.constant 0 : i32
    %dma_start3A_118 = tpu.memref_slice %arg2[%add3A_105, %dma_start3A_117] : memref<8192x768xf32, #tpu.memory_space<hbm>> -> memref<16x768xf32, #tpu.memory_space<hbm>>
    tpu.enqueue_dma source(%dma_start3A_118 : memref<16x768xf32, #tpu.memory_space<hbm>>) target(%dma_start3A_116 : memref<16x768xf32, #tpu.memory_space<vmem>>) target_semaphore(%arg13 : memref<!tpu.dma_semaphore, #tpu.memory_space<semaphore_mem>>)
    %mul3A_119 = arith.constant 256 : i32
    %mul3A_120 = arith.muli %add3A, %mul3A_119 : i32
    %add3A_121 = arith.constant 112 : i32
    %add3A_122 = arith.addi %mul3A_120, %add3A_121 : i32
    %dma_start3A_123 = arith.constant 7 : i32
    %dma_start3A_124 = arith.constant 0 : i32
    %dma_start3A_125 = arith.constant 0 : i32
    %dma_start3A_126 = tpu.memref_slice %arg6[%dma_start3A_123, %dma_start3A_124, %dma_start3A_125] : memref<8x16x768xf32, #tpu.memory_space<vmem>> -> memref<1x16x768xf32, #tpu.memory_space<vmem>>
    %dma_start3A_127 = tpu.memref_squeeze %dma_start3A_126 : memref<1x16x768xf32, #tpu.memory_space<vmem>> -> memref<16x768xf32, #tpu.memory_space<vmem>>
    %dma_start3A_128 = arith.constant 0 : i32
    %dma_start3A_129 = tpu.memref_slice %arg2[%add3A_122, %dma_start3A_128] : memref<8192x768xf32, #tpu.memory_space<hbm>> -> memref<16x768xf32, #tpu.memory_space<hbm>>
    %dma_start3A_130 = arith.constant 0 : i32
    %dma_start3A_131 = arith.constant 0 : i32
    %dma_start3A_132 = tpu.memref_slice %arg6[%dma_start3A_123, %dma_start3A_130, %dma_start3A_131] : memref<8x16x768xf32, #tpu.memory_space<vmem>> -> memref<1x16x768xf32, #tpu.memory_space<vmem>>
    %dma_start3A_133 = tpu.memref_squeeze %dma_start3A_132 : memref<1x16x768xf32, #tpu.memory_space<vmem>> -> memref<16x768xf32, #tpu.memory_space<vmem>>
    %dma_start3A_134 = arith.constant 0 : i32
    %dma_start3A_135 = tpu.memref_slice %arg2[%add3A_122, %dma_start3A_134] : memref<8192x768xf32, #tpu.memory_space<hbm>> -> memref<16x768xf32, #tpu.memory_space<hbm>>
    tpu.enqueue_dma source(%dma_start3A_135 : memref<16x768xf32, #tpu.memory_space<hbm>>) target(%dma_start3A_133 : memref<16x768xf32, #tpu.memory_space<vmem>>) target_semaphore(%arg14 : memref<!tpu.dma_semaphore, #tpu.memory_space<semaphore_mem>>)
    %dma_wait3A = arith.constant 0 : i32
    %dma_wait3A_136 = arith.constant 0 : i32
    %dma_wait3A_137 = arith.constant 0 : i32
    %dma_wait3A_138 = tpu.memref_slice %arg6[%dma_wait3A, %dma_wait3A_136, %dma_wait3A_137] : memref<8x16x768xf32, #tpu.memory_space<vmem>> -> memref<1x16x768xf32, #tpu.memory_space<vmem>>
    %dma_wait3A_139 = tpu.memref_squeeze %dma_wait3A_138 : memref<1x16x768xf32, #tpu.memory_space<vmem>> -> memref<16x768xf32, #tpu.memory_space<vmem>>
    %dma_wait3A_140 = arith.constant 0 : i32
    %dma_wait3A_141 = tpu.memref_slice %arg2[%add3A_4, %dma_wait3A_140] : memref<8192x768xf32, #tpu.memory_space<hbm>> -> memref<16x768xf32, #tpu.memory_space<hbm>>
    %dma_wait3A_142 = arith.constant 0 : i32
    %dma_wait3A_143 = arith.constant 0 : i32
    %dma_wait3A_144 = tpu.memref_slice %arg6[%dma_wait3A, %dma_wait3A_142, %dma_wait3A_143] : memref<8x16x768xf32, #tpu.memory_space<vmem>> -> memref<1x16x768xf32, #tpu.memory_space<vmem>>
    %dma_wait3A_145 = tpu.memref_squeeze %dma_wait3A_144 : memref<1x16x768xf32, #tpu.memory_space<vmem>> -> memref<16x768xf32, #tpu.memory_space<vmem>>
    %dma_wait3A_146 = arith.constant 0 : i32
    %dma_wait3A_147 = tpu.memref_slice %arg2[%add3A_4, %dma_wait3A_146] : memref<8192x768xf32, #tpu.memory_space<hbm>> -> memref<16x768xf32, #tpu.memory_space<hbm>>
    tpu.wait_dma2 semaphore(%arg7 : memref<!tpu.dma_semaphore, #tpu.memory_space<semaphore_mem>>) src(%dma_wait3A_147 : memref<16x768xf32, #tpu.memory_space<hbm>>) dst(%dma_wait3A_145 : memref<16x768xf32, #tpu.memory_space<vmem>>)
    %dma_start3A_148 = arith.constant 0 : i32
    %dma_start3A_149 = arith.constant 0 : i32
    %dma_start3A_150 = arith.constant 0 : i32
    %dma_start3A_151 = arith.constant 0 : i32
    %dma_start3A_152 = tpu.memref_slice %arg6[%dma_start3A_148, %dma_start3A_150, %dma_start3A_151] : memref<8x16x768xf32, #tpu.memory_space<vmem>> -> memref<1x16x768xf32, #tpu.memory_space<vmem>>
    %dma_start3A_153 = tpu.memref_squeeze %dma_start3A_152 : memref<1x16x768xf32, #tpu.memory_space<vmem>> -> memref<16x768xf32, #tpu.memory_space<vmem>>
    %dma_start3A_154 = arith.constant 0 : i32
    %dma_start3A_155 = tpu.memref_slice %arg5[%dma_start3A_149, %dma_start3A_154] : memref<16x16xi32, #tpu.memory_space<vmem>> -> memref<1x16xi32, #tpu.memory_space<vmem>>
    %dma_start3A_156 = tpu.memref_squeeze %dma_start3A_155 : memref<1x16xi32, #tpu.memory_space<vmem>> -> memref<16xi32, #tpu.memory_space<vmem>>
    %dma_start3A_157 = arith.constant 0 : i32
    %dma_start3A_158 = arith.constant 0 : i32
    %dma_start3A_159 = tpu.memref_slice %arg4[%dma_start3A_157, %dma_start3A_158] : memref<16384x768xf32, #tpu.memory_space<hbm>> -> memref<16384x768xf32, #tpu.memory_space<hbm>>
    tpu.enqueue_indirect_dma source(%dma_start3A_153 : memref<16x768xf32, #tpu.memory_space<vmem>>) target(%dma_start3A_159 : memref<16384x768xf32, #tpu.memory_space<hbm>>) offsets(%dma_start3A_156 : memref<16xi32, #tpu.memory_space<vmem>>) semaphore(%arg15 : memref<!tpu.dma_semaphore, #tpu.memory_space<semaphore_mem>>)
    %dma_wait3A_160 = arith.constant 0 : i32
    %dma_wait3A_161 = arith.constant 0 : i32
    %dma_wait3A_162 = arith.constant 0 : i32
    %dma_wait3A_163 = arith.constant 0 : i32
    %dma_wait3A_164 = tpu.memref_slice %arg6[%dma_wait3A_160, %dma_wait3A_162, %dma_wait3A_163] : memref<8x16x768xf32, #tpu.memory_space<vmem>> -> memref<1x16x768xf32, #tpu.memory_space<vmem>>
    %dma_wait3A_165 = tpu.memref_squeeze %dma_wait3A_164 : memref<1x16x768xf32, #tpu.memory_space<vmem>> -> memref<16x768xf32, #tpu.memory_space<vmem>>
    %dma_wait3A_166 = arith.constant 0 : i32
    %dma_wait3A_167 = tpu.memref_slice %arg5[%dma_wait3A_161, %dma_wait3A_166] : memref<16x16xi32, #tpu.memory_space<vmem>> -> memref<1x16xi32, #tpu.memory_space<vmem>>
    %dma_wait3A_168 = tpu.memref_squeeze %dma_wait3A_167 : memref<1x16xi32, #tpu.memory_space<vmem>> -> memref<16xi32, #tpu.memory_space<vmem>>
    %dma_wait3A_169 = arith.constant 0 : i32
    %dma_wait3A_170 = arith.constant 0 : i32
    %dma_wait3A_171 = tpu.memref_slice %arg4[%dma_wait3A_169, %dma_wait3A_170] : memref<16384x768xf32, #tpu.memory_space<hbm>> -> memref<16384x768xf32, #tpu.memory_space<hbm>>
    tpu.wait_indirect_dma semaphore(%arg15 : memref<!tpu.dma_semaphore, #tpu.memory_space<semaphore_mem>>) src(%dma_wait3A_165 : memref<16x768xf32, #tpu.memory_space<vmem>>) dst(%dma_wait3A_171 : memref<16384x768xf32, #tpu.memory_space<hbm>>)
    %mul3A_172 = arith.constant 256 : i32
    %mul3A_173 = arith.muli %add3A, %mul3A_172 : i32
    %add3A_174 = arith.constant 128 : i32
    %add3A_175 = arith.addi %mul3A_173, %add3A_174 : i32
    %dma_start3A_176 = arith.constant 0 : i32
    %dma_start3A_177 = arith.constant 0 : i32
    %dma_start3A_178 = arith.constant 0 : i32
    %dma_start3A_179 = tpu.memref_slice %arg6[%dma_start3A_176, %dma_start3A_177, %dma_start3A_178] : memref<8x16x768xf32, #tpu.memory_space<vmem>> -> memref<1x16x768xf32, #tpu.memory_space<vmem>>
    %dma_start3A_180 = tpu.memref_squeeze %dma_start3A_179 : memref<1x16x768xf32, #tpu.memory_space<vmem>> -> memref<16x768xf32, #tpu.memory_space<vmem>>
    %dma_start3A_181 = arith.constant 0 : i32
    %dma_start3A_182 = tpu.memref_slice %arg2[%add3A_175, %dma_start3A_181] : memref<8192x768xf32, #tpu.memory_space<hbm>> -> memref<16x768xf32, #tpu.memory_space<hbm>>
    %dma_start3A_183 = arith.constant 0 : i32
    %dma_start3A_184 = arith.constant 0 : i32
    %dma_start3A_185 = tpu.memref_slice %arg6[%dma_start3A_176, %dma_start3A_183, %dma_start3A_184] : memref<8x16x768xf32, #tpu.memory_space<vmem>> -> memref<1x16x768xf32, #tpu.memory_space<vmem>>
    %dma_start3A_186 = tpu.memref_squeeze %dma_start3A_185 : memref<1x16x768xf32, #tpu.memory_space<vmem>> -> memref<16x768xf32, #tpu.memory_space<vmem>>
    %dma_start3A_187 = arith.constant 0 : i32
    %dma_start3A_188 = tpu.memref_slice %arg2[%add3A_175, %dma_start3A_187] : memref<8192x768xf32, #tpu.memory_space<hbm>> -> memref<16x768xf32, #tpu.memory_space<hbm>>
    tpu.enqueue_dma source(%dma_start3A_188 : memref<16x768xf32, #tpu.memory_space<hbm>>) target(%dma_start3A_186 : memref<16x768xf32, #tpu.memory_space<vmem>>) target_semaphore(%arg7 : memref<!tpu.dma_semaphore, #tpu.memory_space<semaphore_mem>>)
    %dma_wait3A_189 = arith.constant 1 : i32
    %dma_wait3A_190 = arith.constant 0 : i32
    %dma_wait3A_191 = arith.constant 0 : i32
    %dma_wait3A_192 = tpu.memref_slice %arg6[%dma_wait3A_189, %dma_wait3A_190, %dma_wait3A_191] : memref<8x16x768xf32, #tpu.memory_space<vmem>> -> memref<1x16x768xf32, #tpu.memory_space<vmem>>
    %dma_wait3A_193 = tpu.memref_squeeze %dma_wait3A_192 : memref<1x16x768xf32, #tpu.memory_space<vmem>> -> memref<16x768xf32, #tpu.memory_space<vmem>>
    %dma_wait3A_194 = arith.constant 0 : i32
    %dma_wait3A_195 = tpu.memref_slice %arg2[%add3A_20, %dma_wait3A_194] : memref<8192x768xf32, #tpu.memory_space<hbm>> -> memref<16x768xf32, #tpu.memory_space<hbm>>
    %dma_wait3A_196 = arith.constant 0 : i32
    %dma_wait3A_197 = arith.constant 0 : i32
    %dma_wait3A_198 = tpu.memref_slice %arg6[%dma_wait3A_189, %dma_wait3A_196, %dma_wait3A_197] : memref<8x16x768xf32, #tpu.memory_space<vmem>> -> memref<1x16x768xf32, #tpu.memory_space<vmem>>
    %dma_wait3A_199 = tpu.memref_squeeze %dma_wait3A_198 : memref<1x16x768xf32, #tpu.memory_space<vmem>> -> memref<16x768xf32, #tpu.memory_space<vmem>>
    %dma_wait3A_200 = arith.constant 0 : i32
    %dma_wait3A_201 = tpu.memref_slice %arg2[%add3A_20, %dma_wait3A_200] : memref<8192x768xf32, #tpu.memory_space<hbm>> -> memref<16x768xf32, #tpu.memory_space<hbm>>
    tpu.wait_dma2 semaphore(%arg8 : memref<!tpu.dma_semaphore, #tpu.memory_space<semaphore_mem>>) src(%dma_wait3A_201 : memref<16x768xf32, #tpu.memory_space<hbm>>) dst(%dma_wait3A_199 : memref<16x768xf32, #tpu.memory_space<vmem>>)
    %dma_start3A_202 = arith.constant 1 : i32
    %dma_start3A_203 = arith.constant 1 : i32
    %dma_start3A_204 = arith.constant 0 : i32
    %dma_start3A_205 = arith.constant 0 : i32
    %dma_start3A_206 = tpu.memref_slice %arg6[%dma_start3A_202, %dma_start3A_204, %dma_start3A_205] : memref<8x16x768xf32, #tpu.memory_space<vmem>> -> memref<1x16x768xf32, #tpu.memory_space<vmem>>
    %dma_start3A_207 = tpu.memref_squeeze %dma_start3A_206 : memref<1x16x768xf32, #tpu.memory_space<vmem>> -> memref<16x768xf32, #tpu.memory_space<vmem>>
    %dma_start3A_208 = arith.constant 0 : i32
    %dma_start3A_209 = tpu.memref_slice %arg5[%dma_start3A_203, %dma_start3A_208] : memref<16x16xi32, #tpu.memory_space<vmem>> -> memref<1x16xi32, #tpu.memory_space<vmem>>
    %dma_start3A_210 = tpu.memref_squeeze %dma_start3A_209 : memref<1x16xi32, #tpu.memory_space<vmem>> -> memref<16xi32, #tpu.memory_space<vmem>>
    %dma_start3A_211 = arith.constant 0 : i32
    %dma_start3A_212 = arith.constant 0 : i32
    %dma_start3A_213 = tpu.memref_slice %arg4[%dma_start3A_211, %dma_start3A_212] : memref<16384x768xf32, #tpu.memory_space<hbm>> -> memref<16384x768xf32, #tpu.memory_space<hbm>>
    tpu.enqueue_indirect_dma source(%dma_start3A_207 : memref<16x768xf32, #tpu.memory_space<vmem>>) target(%dma_start3A_213 : memref<16384x768xf32, #tpu.memory_space<hbm>>) offsets(%dma_start3A_210 : memref<16xi32, #tpu.memory_space<vmem>>) semaphore(%arg16 : memref<!tpu.dma_semaphore, #tpu.memory_space<semaphore_mem>>)
    %dma_wait3A_214 = arith.constant 1 : i32
    %dma_wait3A_215 = arith.constant 1 : i32
    %dma_wait3A_216 = arith.constant 0 : i32
    %dma_wait3A_217 = arith.constant 0 : i32
    %dma_wait3A_218 = tpu.memref_slice %arg6[%dma_wait3A_214, %dma_wait3A_216, %dma_wait3A_217] : memref<8x16x768xf32, #tpu.memory_space<vmem>> -> memref<1x16x768xf32, #tpu.memory_space<vmem>>
    %dma_wait3A_219 = tpu.memref_squeeze %dma_wait3A_218 : memref<1x16x768xf32, #tpu.memory_space<vmem>> -> memref<16x768xf32, #tpu.memory_space<vmem>>
    %dma_wait3A_220 = arith.constant 0 : i32
    %dma_wait3A_221 = tpu.memref_slice %arg5[%dma_wait3A_215, %dma_wait3A_220] : memref<16x16xi32, #tpu.memory_space<vmem>> -> memref<1x16xi32, #tpu.memory_space<vmem>>
    %dma_wait3A_222 = tpu.memref_squeeze %dma_wait3A_221 : memref<1x16xi32, #tpu.memory_space<vmem>> -> memref<16xi32, #tpu.memory_space<vmem>>
    %dma_wait3A_223 = arith.constant 0 : i32
    %dma_wait3A_224 = arith.constant 0 : i32
    %dma_wait3A_225 = tpu.memref_slice %arg4[%dma_wait3A_223, %dma_wait3A_224] : memref<16384x768xf32, #tpu.memory_space<hbm>> -> memref<16384x768xf32, #tpu.memory_space<hbm>>
    tpu.wait_indirect_dma semaphore(%arg16 : memref<!tpu.dma_semaphore, #tpu.memory_space<semaphore_mem>>) src(%dma_wait3A_219 : memref<16x768xf32, #tpu.memory_space<vmem>>) dst(%dma_wait3A_225 : memref<16384x768xf32, #tpu.memory_space<hbm>>)
    %mul3A_226 = arith.constant 256 : i32
    %mul3A_227 = arith.muli %add3A, %mul3A_226 : i32
    %add3A_228 = arith.constant 144 : i32
    %add3A_229 = arith.addi %mul3A_227, %add3A_228 : i32
    %dma_start3A_230 = arith.constant 1 : i32
    %dma_start3A_231 = arith.constant 0 : i32
    %dma_start3A_232 = arith.constant 0 : i32
    %dma_start3A_233 = tpu.memref_slice %arg6[%dma_start3A_230, %dma_start3A_231, %dma_start3A_232] : memref<8x16x768xf32, #tpu.memory_space<vmem>> -> memref<1x16x768xf32, #tpu.memory_space<vmem>>
    %dma_start3A_234 = tpu.memref_squeeze %dma_start3A_233 : memref<1x16x768xf32, #tpu.memory_space<vmem>> -> memref<16x768xf32, #tpu.memory_space<vmem>>
    %dma_start3A_235 = arith.constant 0 : i32
    %dma_start3A_236 = tpu.memref_slice %arg2[%add3A_229, %dma_start3A_235] : memref<8192x768xf32, #tpu.memory_space<hbm>> -> memref<16x768xf32, #tpu.memory_space<hbm>>
    %dma_start3A_237 = arith.constant 0 : i32
    %dma_start3A_238 = arith.constant 0 : i32
    %dma_start3A_239 = tpu.memref_slice %arg6[%dma_start3A_230, %dma_start3A_237, %dma_start3A_238] : memref<8x16x768xf32, #tpu.memory_space<vmem>> -> memref<1x16x768xf32, #tpu.memory_space<vmem>>
    %dma_start3A_240 = tpu.memref_squeeze %dma_start3A_239 : memref<1x16x768xf32, #tpu.memory_space<vmem>> -> memref<16x768xf32, #tpu.memory_space<vmem>>
    %dma_start3A_241 = arith.constant 0 : i32
    %dma_start3A_242 = tpu.memref_slice %arg2[%add3A_229, %dma_start3A_241] : memref<8192x768xf32, #tpu.memory_space<hbm>> -> memref<16x768xf32, #tpu.memory_space<hbm>>
    tpu.enqueue_dma source(%dma_start3A_242 : memref<16x768xf32, #tpu.memory_space<hbm>>) target(%dma_start3A_240 : memref<16x768xf32, #tpu.memory_space<vmem>>) target_semaphore(%arg8 : memref<!tpu.dma_semaphore, #tpu.memory_space<semaphore_mem>>)
    %dma_wait3A_243 = arith.constant 2 : i32
    %dma_wait3A_244 = arith.constant 0 : i32
    %dma_wait3A_245 = arith.constant 0 : i32
    %dma_wait3A_246 = tpu.memref_slice %arg6[%dma_wait3A_243, %dma_wait3A_244, %dma_wait3A_245] : memref<8x16x768xf32, #tpu.memory_space<vmem>> -> memref<1x16x768xf32, #tpu.memory_space<vmem>>
    %dma_wait3A_247 = tpu.memref_squeeze %dma_wait3A_246 : memref<1x16x768xf32, #tpu.memory_space<vmem>> -> memref<16x768xf32, #tpu.memory_space<vmem>>
    %dma_wait3A_248 = arith.constant 0 : i32
    %dma_wait3A_249 = tpu.memref_slice %arg2[%add3A_37, %dma_wait3A_248] : memref<8192x768xf32, #tpu.memory_space<hbm>> -> memref<16x768xf32, #tpu.memory_space<hbm>>
    %dma_wait3A_250 = arith.constant 0 : i32
    %dma_wait3A_251 = arith.constant 0 : i32
    %dma_wait3A_252 = tpu.memref_slice %arg6[%dma_wait3A_243, %dma_wait3A_250, %dma_wait3A_251] : memref<8x16x768xf32, #tpu.memory_space<vmem>> -> memref<1x16x768xf32, #tpu.memory_space<vmem>>
    %dma_wait3A_253 = tpu.memref_squeeze %dma_wait3A_252 : memref<1x16x768xf32, #tpu.memory_space<vmem>> -> memref<16x768xf32, #tpu.memory_space<vmem>>
    %dma_wait3A_254 = arith.constant 0 : i32
    %dma_wait3A_255 = tpu.memref_slice %arg2[%add3A_37, %dma_wait3A_254] : memref<8192x768xf32, #tpu.memory_space<hbm>> -> memref<16x768xf32, #tpu.memory_space<hbm>>
    tpu.wait_dma2 semaphore(%arg9 : memref<!tpu.dma_semaphore, #tpu.memory_space<semaphore_mem>>) src(%dma_wait3A_255 : memref<16x768xf32, #tpu.memory_space<hbm>>) dst(%dma_wait3A_253 : memref<16x768xf32, #tpu.memory_space<vmem>>)
    %dma_start3A_256 = arith.constant 2 : i32
    %dma_start3A_257 = arith.constant 2 : i32
    %dma_start3A_258 = arith.constant 0 : i32
    %dma_start3A_259 = arith.constant 0 : i32
    %dma_start3A_260 = tpu.memref_slice %arg6[%dma_start3A_256, %dma_start3A_258, %dma_start3A_259] : memref<8x16x768xf32, #tpu.memory_space<vmem>> -> memref<1x16x768xf32, #tpu.memory_space<vmem>>
    %dma_start3A_261 = tpu.memref_squeeze %dma_start3A_260 : memref<1x16x768xf32, #tpu.memory_space<vmem>> -> memref<16x768xf32, #tpu.memory_space<vmem>>
    %dma_start3A_262 = arith.constant 0 : i32
    %dma_start3A_263 = tpu.memref_slice %arg5[%dma_start3A_257, %dma_start3A_262] : memref<16x16xi32, #tpu.memory_space<vmem>> -> memref<1x16xi32, #tpu.memory_space<vmem>>
    %dma_start3A_264 = tpu.memref_squeeze %dma_start3A_263 : memref<1x16xi32, #tpu.memory_space<vmem>> -> memref<16xi32, #tpu.memory_space<vmem>>
    %dma_start3A_265 = arith.constant 0 : i32
    %dma_start3A_266 = arith.constant 0 : i32
    %dma_start3A_267 = tpu.memref_slice %arg4[%dma_start3A_265, %dma_start3A_266] : memref<16384x768xf32, #tpu.memory_space<hbm>> -> memref<16384x768xf32, #tpu.memory_space<hbm>>
    tpu.enqueue_indirect_dma source(%dma_start3A_261 : memref<16x768xf32, #tpu.memory_space<vmem>>) target(%dma_start3A_267 : memref<16384x768xf32, #tpu.memory_space<hbm>>) offsets(%dma_start3A_264 : memref<16xi32, #tpu.memory_space<vmem>>) semaphore(%arg17 : memref<!tpu.dma_semaphore, #tpu.memory_space<semaphore_mem>>)
    %dma_wait3A_268 = arith.constant 2 : i32
    %dma_wait3A_269 = arith.constant 2 : i32
    %dma_wait3A_270 = arith.constant 0 : i32
    %dma_wait3A_271 = arith.constant 0 : i32
    %dma_wait3A_272 = tpu.memref_slice %arg6[%dma_wait3A_268, %dma_wait3A_270, %dma_wait3A_271] : memref<8x16x768xf32, #tpu.memory_space<vmem>> -> memref<1x16x768xf32, #tpu.memory_space<vmem>>
    %dma_wait3A_273 = tpu.memref_squeeze %dma_wait3A_272 : memref<1x16x768xf32, #tpu.memory_space<vmem>> -> memref<16x768xf32, #tpu.memory_space<vmem>>
    %dma_wait3A_274 = arith.constant 0 : i32
    %dma_wait3A_275 = tpu.memref_slice %arg5[%dma_wait3A_269, %dma_wait3A_274] : memref<16x16xi32, #tpu.memory_space<vmem>> -> memref<1x16xi32, #tpu.memory_space<vmem>>
    %dma_wait3A_276 = tpu.memref_squeeze %dma_wait3A_275 : memref<1x16xi32, #tpu.memory_space<vmem>> -> memref<16xi32, #tpu.memory_space<vmem>>
    %dma_wait3A_277 = arith.constant 0 : i32
    %dma_wait3A_278 = arith.constant 0 : i32
    %dma_wait3A_279 = tpu.memref_slice %arg4[%dma_wait3A_277, %dma_wait3A_278] : memref<16384x768xf32, #tpu.memory_space<hbm>> -> memref<16384x768xf32, #tpu.memory_space<hbm>>
    tpu.wait_indirect_dma semaphore(%arg17 : memref<!tpu.dma_semaphore, #tpu.memory_space<semaphore_mem>>) src(%dma_wait3A_273 : memref<16x768xf32, #tpu.memory_space<vmem>>) dst(%dma_wait3A_279 : memref<16384x768xf32, #tpu.memory_space<hbm>>)
    %mul3A_280 = arith.constant 256 : i32
    %mul3A_281 = arith.muli %add3A, %mul3A_280 : i32
    %add3A_282 = arith.constant 160 : i32
    %add3A_283 = arith.addi %mul3A_281, %add3A_282 : i32
    %dma_start3A_284 = arith.constant 2 : i32
    %dma_start3A_285 = arith.constant 0 : i32
    %dma_start3A_286 = arith.constant 0 : i32
    %dma_start3A_287 = tpu.memref_slice %arg6[%dma_start3A_284, %dma_start3A_285, %dma_start3A_286] : memref<8x16x768xf32, #tpu.memory_space<vmem>> -> memref<1x16x768xf32, #tpu.memory_space<vmem>>
    %dma_start3A_288 = tpu.memref_squeeze %dma_start3A_287 : memref<1x16x768xf32, #tpu.memory_space<vmem>> -> memref<16x768xf32, #tpu.memory_space<vmem>>
    %dma_start3A_289 = arith.constant 0 : i32
    %dma_start3A_290 = tpu.memref_slice %arg2[%add3A_283, %dma_start3A_289] : memref<8192x768xf32, #tpu.memory_space<hbm>> -> memref<16x768xf32, #tpu.memory_space<hbm>>
    %dma_start3A_291 = arith.constant 0 : i32
    %dma_start3A_292 = arith.constant 0 : i32
    %dma_start3A_293 = tpu.memref_slice %arg6[%dma_start3A_284, %dma_start3A_291, %dma_start3A_292] : memref<8x16x768xf32, #tpu.memory_space<vmem>> -> memref<1x16x768xf32, #tpu.memory_space<vmem>>
    %dma_start3A_294 = tpu.memref_squeeze %dma_start3A_293 : memref<1x16x768xf32, #tpu.memory_space<vmem>> -> memref<16x768xf32, #tpu.memory_space<vmem>>
    %dma_start3A_295 = arith.constant 0 : i32
    %dma_start3A_296 = tpu.memref_slice %arg2[%add3A_283, %dma_start3A_295] : memref<8192x768xf32, #tpu.memory_space<hbm>> -> memref<16x768xf32, #tpu.memory_space<hbm>>
    tpu.enqueue_dma source(%dma_start3A_296 : memref<16x768xf32, #tpu.memory_space<hbm>>) target(%dma_start3A_294 : memref<16x768xf32, #tpu.memory_space<vmem>>) target_semaphore(%arg9 : memref<!tpu.dma_semaphore, #tpu.memory_space<semaphore_mem>>)
    %dma_wait3A_297 = arith.constant 3 : i32
    %dma_wait3A_298 = arith.constant 0 : i32
    %dma_wait3A_299 = arith.constant 0 : i32
    %dma_wait3A_300 = tpu.memref_slice %arg6[%dma_wait3A_297, %dma_wait3A_298, %dma_wait3A_299] : memref<8x16x768xf32, #tpu.memory_space<vmem>> -> memref<1x16x768xf32, #tpu.memory_space<vmem>>
    %dma_wait3A_301 = tpu.memref_squeeze %dma_wait3A_300 : memref<1x16x768xf32, #tpu.memory_space<vmem>> -> memref<16x768xf32, #tpu.memory_space<vmem>>
    %dma_wait3A_302 = arith.constant 0 : i32
    %dma_wait3A_303 = tpu.memref_slice %arg2[%add3A_54, %dma_wait3A_302] : memref<8192x768xf32, #tpu.memory_space<hbm>> -> memref<16x768xf32, #tpu.memory_space<hbm>>
    %dma_wait3A_304 = arith.constant 0 : i32
    %dma_wait3A_305 = arith.constant 0 : i32
    %dma_wait3A_306 = tpu.memref_slice %arg6[%dma_wait3A_297, %dma_wait3A_304, %dma_wait3A_305] : memref<8x16x768xf32, #tpu.memory_space<vmem>> -> memref<1x16x768xf32, #tpu.memory_space<vmem>>
    %dma_wait3A_307 = tpu.memref_squeeze %dma_wait3A_306 : memref<1x16x768xf32, #tpu.memory_space<vmem>> -> memref<16x768xf32, #tpu.memory_space<vmem>>
    %dma_wait3A_308 = arith.constant 0 : i32
    %dma_wait3A_309 = tpu.memref_slice %arg2[%add3A_54, %dma_wait3A_308] : memref<8192x768xf32, #tpu.memory_space<hbm>> -> memref<16x768xf32, #tpu.memory_space<hbm>>
    tpu.wait_dma2 semaphore(%arg10 : memref<!tpu.dma_semaphore, #tpu.memory_space<semaphore_mem>>) src(%dma_wait3A_309 : memref<16x768xf32, #tpu.memory_space<hbm>>) dst(%dma_wait3A_307 : memref<16x768xf32, #tpu.memory_space<vmem>>)
    %dma_start3A_310 = arith.constant 3 : i32
    %dma_start3A_311 = arith.constant 3 : i32
    %dma_start3A_312 = arith.constant 0 : i32
    %dma_start3A_313 = arith.constant 0 : i32
    %dma_start3A_314 = tpu.memref_slice %arg6[%dma_start3A_310, %dma_start3A_312, %dma_start3A_313] : memref<8x16x768xf32, #tpu.memory_space<vmem>> -> memref<1x16x768xf32, #tpu.memory_space<vmem>>
    %dma_start3A_315 = tpu.memref_squeeze %dma_start3A_314 : memref<1x16x768xf32, #tpu.memory_space<vmem>> -> memref<16x768xf32, #tpu.memory_space<vmem>>
    %dma_start3A_316 = arith.constant 0 : i32
    %dma_start3A_317 = tpu.memref_slice %arg5[%dma_start3A_311, %dma_start3A_316] : memref<16x16xi32, #tpu.memory_space<vmem>> -> memref<1x16xi32, #tpu.memory_space<vmem>>
    %dma_start3A_318 = tpu.memref_squeeze %dma_start3A_317 : memref<1x16xi32, #tpu.memory_space<vmem>> -> memref<16xi32, #tpu.memory_space<vmem>>
    %dma_start3A_319 = arith.constant 0 : i32
    %dma_start3A_320 = arith.constant 0 : i32
    %dma_start3A_321 = tpu.memref_slice %arg4[%dma_start3A_319, %dma_start3A_320] : memref<16384x768xf32, #tpu.memory_space<hbm>> -> memref<16384x768xf32, #tpu.memory_space<hbm>>
    tpu.enqueue_indirect_dma source(%dma_start3A_315 : memref<16x768xf32, #tpu.memory_space<vmem>>) target(%dma_start3A_321 : memref<16384x768xf32, #tpu.memory_space<hbm>>) offsets(%dma_start3A_318 : memref<16xi32, #tpu.memory_space<vmem>>) semaphore(%arg18 : memref<!tpu.dma_semaphore, #tpu.memory_space<semaphore_mem>>)
    %dma_wait3A_322 = arith.constant 3 : i32
    %dma_wait3A_323 = arith.constant 3 : i32
    %dma_wait3A_324 = arith.constant 0 : i32
    %dma_wait3A_325 = arith.constant 0 : i32
    %dma_wait3A_326 = tpu.memref_slice %arg6[%dma_wait3A_322, %dma_wait3A_324, %dma_wait3A_325] : memref<8x16x768xf32, #tpu.memory_space<vmem>> -> memref<1x16x768xf32, #tpu.memory_space<vmem>>
    %dma_wait3A_327 = tpu.memref_squeeze %dma_wait3A_326 : memref<1x16x768xf32, #tpu.memory_space<vmem>> -> memref<16x768xf32, #tpu.memory_space<vmem>>
    %dma_wait3A_328 = arith.constant 0 : i32
    %dma_wait3A_329 = tpu.memref_slice %arg5[%dma_wait3A_323, %dma_wait3A_328] : memref<16x16xi32, #tpu.memory_space<vmem>> -> memref<1x16xi32, #tpu.memory_space<vmem>>
    %dma_wait3A_330 = tpu.memref_squeeze %dma_wait3A_329 : memref<1x16xi32, #tpu.memory_space<vmem>> -> memref<16xi32, #tpu.memory_space<vmem>>
    %dma_wait3A_331 = arith.constant 0 : i32
    %dma_wait3A_332 = arith.constant 0 : i32
    %dma_wait3A_333 = tpu.memref_slice %arg4[%dma_wait3A_331, %dma_wait3A_332] : memref<16384x768xf32, #tpu.memory_space<hbm>> -> memref<16384x768xf32, #tpu.memory_space<hbm>>
    tpu.wait_indirect_dma semaphore(%arg18 : memref<!tpu.dma_semaphore, #tpu.memory_space<semaphore_mem>>) src(%dma_wait3A_327 : memref<16x768xf32, #tpu.memory_space<vmem>>) dst(%dma_wait3A_333 : memref<16384x768xf32, #tpu.memory_space<hbm>>)
    %mul3A_334 = arith.constant 256 : i32
    %mul3A_335 = arith.muli %add3A, %mul3A_334 : i32
    %add3A_336 = arith.constant 176 : i32
    %add3A_337 = arith.addi %mul3A_335, %add3A_336 : i32
    %dma_start3A_338 = arith.constant 3 : i32
    %dma_start3A_339 = arith.constant 0 : i32
    %dma_start3A_340 = arith.constant 0 : i32
    %dma_start3A_341 = tpu.memref_slice %arg6[%dma_start3A_338, %dma_start3A_339, %dma_start3A_340] : memref<8x16x768xf32, #tpu.memory_space<vmem>> -> memref<1x16x768xf32, #tpu.memory_space<vmem>>
    %dma_start3A_342 = tpu.memref_squeeze %dma_start3A_341 : memref<1x16x768xf32, #tpu.memory_space<vmem>> -> memref<16x768xf32, #tpu.memory_space<vmem>>
    %dma_start3A_343 = arith.constant 0 : i32
    %dma_start3A_344 = tpu.memref_slice %arg2[%add3A_337, %dma_start3A_343] : memref<8192x768xf32, #tpu.memory_space<hbm>> -> memref<16x768xf32, #tpu.memory_space<hbm>>
    %dma_start3A_345 = arith.constant 0 : i32
    %dma_start3A_346 = arith.constant 0 : i32
    %dma_start3A_347 = tpu.memref_slice %arg6[%dma_start3A_338, %dma_start3A_345, %dma_start3A_346] : memref<8x16x768xf32, #tpu.memory_space<vmem>> -> memref<1x16x768xf32, #tpu.memory_space<vmem>>
    %dma_start3A_348 = tpu.memref_squeeze %dma_start3A_347 : memref<1x16x768xf32, #tpu.memory_space<vmem>> -> memref<16x768xf32, #tpu.memory_space<vmem>>
    %dma_start3A_349 = arith.constant 0 : i32
    %dma_start3A_350 = tpu.memref_slice %arg2[%add3A_337, %dma_start3A_349] : memref<8192x768xf32, #tpu.memory_space<hbm>> -> memref<16x768xf32, #tpu.memory_space<hbm>>
    tpu.enqueue_dma source(%dma_start3A_350 : memref<16x768xf32, #tpu.memory_space<hbm>>) target(%dma_start3A_348 : memref<16x768xf32, #tpu.memory_space<vmem>>) target_semaphore(%arg10 : memref<!tpu.dma_semaphore, #tpu.memory_space<semaphore_mem>>)
    %dma_wait3A_351 = arith.constant 4 : i32
    %dma_wait3A_352 = arith.constant 0 : i32
    %dma_wait3A_353 = arith.constant 0 : i32
    %dma_wait3A_354 = tpu.memref_slice %arg6[%dma_wait3A_351, %dma_wait3A_352, %dma_wait3A_353] : memref<8x16x768xf32, #tpu.memory_space<vmem>> -> memref<1x16x768xf32, #tpu.memory_space<vmem>>
    %dma_wait3A_355 = tpu.memref_squeeze %dma_wait3A_354 : memref<1x16x768xf32, #tpu.memory_space<vmem>> -> memref<16x768xf32, #tpu.memory_space<vmem>>
    %dma_wait3A_356 = arith.constant 0 : i32
    %dma_wait3A_357 = tpu.memref_slice %arg2[%add3A_71, %dma_wait3A_356] : memref<8192x768xf32, #tpu.memory_space<hbm>> -> memref<16x768xf32, #tpu.memory_space<hbm>>
    %dma_wait3A_358 = arith.constant 0 : i32
    %dma_wait3A_359 = arith.constant 0 : i32
    %dma_wait3A_360 = tpu.memref_slice %arg6[%dma_wait3A_351, %dma_wait3A_358, %dma_wait3A_359] : memref<8x16x768xf32, #tpu.memory_space<vmem>> -> memref<1x16x768xf32, #tpu.memory_space<vmem>>
    %dma_wait3A_361 = tpu.memref_squeeze %dma_wait3A_360 : memref<1x16x768xf32, #tpu.memory_space<vmem>> -> memref<16x768xf32, #tpu.memory_space<vmem>>
    %dma_wait3A_362 = arith.constant 0 : i32
    %dma_wait3A_363 = tpu.memref_slice %arg2[%add3A_71, %dma_wait3A_362] : memref<8192x768xf32, #tpu.memory_space<hbm>> -> memref<16x768xf32, #tpu.memory_space<hbm>>
    tpu.wait_dma2 semaphore(%arg11 : memref<!tpu.dma_semaphore, #tpu.memory_space<semaphore_mem>>) src(%dma_wait3A_363 : memref<16x768xf32, #tpu.memory_space<hbm>>) dst(%dma_wait3A_361 : memref<16x768xf32, #tpu.memory_space<vmem>>)
    %dma_start3A_364 = arith.constant 4 : i32
    %dma_start3A_365 = arith.constant 4 : i32
    %dma_start3A_366 = arith.constant 0 : i32
    %dma_start3A_367 = arith.constant 0 : i32
    %dma_start3A_368 = tpu.memref_slice %arg6[%dma_start3A_364, %dma_start3A_366, %dma_start3A_367] : memref<8x16x768xf32, #tpu.memory_space<vmem>> -> memref<1x16x768xf32, #tpu.memory_space<vmem>>
    %dma_start3A_369 = tpu.memref_squeeze %dma_start3A_368 : memref<1x16x768xf32, #tpu.memory_space<vmem>> -> memref<16x768xf32, #tpu.memory_space<vmem>>
    %dma_start3A_370 = arith.constant 0 : i32
    %dma_start3A_371 = tpu.memref_slice %arg5[%dma_start3A_365, %dma_start3A_370] : memref<16x16xi32, #tpu.memory_space<vmem>> -> memref<1x16xi32, #tpu.memory_space<vmem>>
    %dma_start3A_372 = tpu.memref_squeeze %dma_start3A_371 : memref<1x16xi32, #tpu.memory_space<vmem>> -> memref<16xi32, #tpu.memory_space<vmem>>
    %dma_start3A_373 = arith.constant 0 : i32
    %dma_start3A_374 = arith.constant 0 : i32
    %dma_start3A_375 = tpu.memref_slice %arg4[%dma_start3A_373, %dma_start3A_374] : memref<16384x768xf32, #tpu.memory_space<hbm>> -> memref<16384x768xf32, #tpu.memory_space<hbm>>
    tpu.enqueue_indirect_dma source(%dma_start3A_369 : memref<16x768xf32, #tpu.memory_space<vmem>>) target(%dma_start3A_375 : memref<16384x768xf32, #tpu.memory_space<hbm>>) offsets(%dma_start3A_372 : memref<16xi32, #tpu.memory_space<vmem>>) semaphore(%arg19 : memref<!tpu.dma_semaphore, #tpu.memory_space<semaphore_mem>>)
    %dma_wait3A_376 = arith.constant 4 : i32
    %dma_wait3A_377 = arith.constant 4 : i32
    %dma_wait3A_378 = arith.constant 0 : i32
    %dma_wait3A_379 = arith.constant 0 : i32
    %dma_wait3A_380 = tpu.memref_slice %arg6[%dma_wait3A_376, %dma_wait3A_378, %dma_wait3A_379] : memref<8x16x768xf32, #tpu.memory_space<vmem>> -> memref<1x16x768xf32, #tpu.memory_space<vmem>>
    %dma_wait3A_381 = tpu.memref_squeeze %dma_wait3A_380 : memref<1x16x768xf32, #tpu.memory_space<vmem>> -> memref<16x768xf32, #tpu.memory_space<vmem>>
    %dma_wait3A_382 = arith.constant 0 : i32
    %dma_wait3A_383 = tpu.memref_slice %arg5[%dma_wait3A_377, %dma_wait3A_382] : memref<16x16xi32, #tpu.memory_space<vmem>> -> memref<1x16xi32, #tpu.memory_space<vmem>>
    %dma_wait3A_384 = tpu.memref_squeeze %dma_wait3A_383 : memref<1x16xi32, #tpu.memory_space<vmem>> -> memref<16xi32, #tpu.memory_space<vmem>>
    %dma_wait3A_385 = arith.constant 0 : i32
    %dma_wait3A_386 = arith.constant 0 : i32
    %dma_wait3A_387 = tpu.memref_slice %arg4[%dma_wait3A_385, %dma_wait3A_386] : memref<16384x768xf32, #tpu.memory_space<hbm>> -> memref<16384x768xf32, #tpu.memory_space<hbm>>
    tpu.wait_indirect_dma semaphore(%arg19 : memref<!tpu.dma_semaphore, #tpu.memory_space<semaphore_mem>>) src(%dma_wait3A_381 : memref<16x768xf32, #tpu.memory_space<vmem>>) dst(%dma_wait3A_387 : memref<16384x768xf32, #tpu.memory_space<hbm>>)
    %mul3A_388 = arith.constant 256 : i32
    %mul3A_389 = arith.muli %add3A, %mul3A_388 : i32
    %add3A_390 = arith.constant 192 : i32
    %add3A_391 = arith.addi %mul3A_389, %add3A_390 : i32
    %dma_start3A_392 = arith.constant 4 : i32
    %dma_start3A_393 = arith.constant 0 : i32
    %dma_start3A_394 = arith.constant 0 : i32
    %dma_start3A_395 = tpu.memref_slice %arg6[%dma_start3A_392, %dma_start3A_393, %dma_start3A_394] : memref<8x16x768xf32, #tpu.memory_space<vmem>> -> memref<1x16x768xf32, #tpu.memory_space<vmem>>
    %dma_start3A_396 = tpu.memref_squeeze %dma_start3A_395 : memref<1x16x768xf32, #tpu.memory_space<vmem>> -> memref<16x768xf32, #tpu.memory_space<vmem>>
    %dma_start3A_397 = arith.constant 0 : i32
    %dma_start3A_398 = tpu.memref_slice %arg2[%add3A_391, %dma_start3A_397] : memref<8192x768xf32, #tpu.memory_space<hbm>> -> memref<16x768xf32, #tpu.memory_space<hbm>>
    %dma_start3A_399 = arith.constant 0 : i32
    %dma_start3A_400 = arith.constant 0 : i32
    %dma_start3A_401 = tpu.memref_slice %arg6[%dma_start3A_392, %dma_start3A_399, %dma_start3A_400] : memref<8x16x768xf32, #tpu.memory_space<vmem>> -> memref<1x16x768xf32, #tpu.memory_space<vmem>>
    %dma_start3A_402 = tpu.memref_squeeze %dma_start3A_401 : memref<1x16x768xf32, #tpu.memory_space<vmem>> -> memref<16x768xf32, #tpu.memory_space<vmem>>
    %dma_start3A_403 = arith.constant 0 : i32
    %dma_start3A_404 = tpu.memref_slice %arg2[%add3A_391, %dma_start3A_403] : memref<8192x768xf32, #tpu.memory_space<hbm>> -> memref<16x768xf32, #tpu.memory_space<hbm>>
    tpu.enqueue_dma source(%dma_start3A_404 : memref<16x768xf32, #tpu.memory_space<hbm>>) target(%dma_start3A_402 : memref<16x768xf32, #tpu.memory_space<vmem>>) target_semaphore(%arg11 : memref<!tpu.dma_semaphore, #tpu.memory_space<semaphore_mem>>)
    %dma_wait3A_405 = arith.constant 5 : i32
    %dma_wait3A_406 = arith.constant 0 : i32
    %dma_wait3A_407 = arith.constant 0 : i32
    %dma_wait3A_408 = tpu.memref_slice %arg6[%dma_wait3A_405, %dma_wait3A_406, %dma_wait3A_407] : memref<8x16x768xf32, #tpu.memory_space<vmem>> -> memref<1x16x768xf32, #tpu.memory_space<vmem>>
    %dma_wait3A_409 = tpu.memref_squeeze %dma_wait3A_408 : memref<1x16x768xf32, #tpu.memory_space<vmem>> -> memref<16x768xf32, #tpu.memory_space<vmem>>
    %dma_wait3A_410 = arith.constant 0 : i32
    %dma_wait3A_411 = tpu.memref_slice %arg2[%add3A_88, %dma_wait3A_410] : memref<8192x768xf32, #tpu.memory_space<hbm>> -> memref<16x768xf32, #tpu.memory_space<hbm>>
    %dma_wait3A_412 = arith.constant 0 : i32
    %dma_wait3A_413 = arith.constant 0 : i32
    %dma_wait3A_414 = tpu.memref_slice %arg6[%dma_wait3A_405, %dma_wait3A_412, %dma_wait3A_413] : memref<8x16x768xf32, #tpu.memory_space<vmem>> -> memref<1x16x768xf32, #tpu.memory_space<vmem>>
    %dma_wait3A_415 = tpu.memref_squeeze %dma_wait3A_414 : memref<1x16x768xf32, #tpu.memory_space<vmem>> -> memref<16x768xf32, #tpu.memory_space<vmem>>
    %dma_wait3A_416 = arith.constant 0 : i32
    %dma_wait3A_417 = tpu.memref_slice %arg2[%add3A_88, %dma_wait3A_416] : memref<8192x768xf32, #tpu.memory_space<hbm>> -> memref<16x768xf32, #tpu.memory_space<hbm>>
    tpu.wait_dma2 semaphore(%arg12 : memref<!tpu.dma_semaphore, #tpu.memory_space<semaphore_mem>>) src(%dma_wait3A_417 : memref<16x768xf32, #tpu.memory_space<hbm>>) dst(%dma_wait3A_415 : memref<16x768xf32, #tpu.memory_space<vmem>>)
    %dma_start3A_418 = arith.constant 5 : i32
    %dma_start3A_419 = arith.constant 5 : i32
    %dma_start3A_420 = arith.constant 0 : i32
    %dma_start3A_421 = arith.constant 0 : i32
    %dma_start3A_422 = tpu.memref_slice %arg6[%dma_start3A_418, %dma_start3A_420, %dma_start3A_421] : memref<8x16x768xf32, #tpu.memory_space<vmem>> -> memref<1x16x768xf32, #tpu.memory_space<vmem>>
    %dma_start3A_423 = tpu.memref_squeeze %dma_start3A_422 : memref<1x16x768xf32, #tpu.memory_space<vmem>> -> memref<16x768xf32, #tpu.memory_space<vmem>>
    %dma_start3A_424 = arith.constant 0 : i32
    %dma_start3A_425 = tpu.memref_slice %arg5[%dma_start3A_419, %dma_start3A_424] : memref<16x16xi32, #tpu.memory_space<vmem>> -> memref<1x16xi32, #tpu.memory_space<vmem>>
    %dma_start3A_426 = tpu.memref_squeeze %dma_start3A_425 : memref<1x16xi32, #tpu.memory_space<vmem>> -> memref<16xi32, #tpu.memory_space<vmem>>
    %dma_start3A_427 = arith.constant 0 : i32
    %dma_start3A_428 = arith.constant 0 : i32
    %dma_start3A_429 = tpu.memref_slice %arg4[%dma_start3A_427, %dma_start3A_428] : memref<16384x768xf32, #tpu.memory_space<hbm>> -> memref<16384x768xf32, #tpu.memory_space<hbm>>
    tpu.enqueue_indirect_dma source(%dma_start3A_423 : memref<16x768xf32, #tpu.memory_space<vmem>>) target(%dma_start3A_429 : memref<16384x768xf32, #tpu.memory_space<hbm>>) offsets(%dma_start3A_426 : memref<16xi32, #tpu.memory_space<vmem>>) semaphore(%arg20 : memref<!tpu.dma_semaphore, #tpu.memory_space<semaphore_mem>>)
    %dma_wait3A_430 = arith.constant 5 : i32
    %dma_wait3A_431 = arith.constant 5 : i32
    %dma_wait3A_432 = arith.constant 0 : i32
    %dma_wait3A_433 = arith.constant 0 : i32
    %dma_wait3A_434 = tpu.memref_slice %arg6[%dma_wait3A_430, %dma_wait3A_432, %dma_wait3A_433] : memref<8x16x768xf32, #tpu.memory_space<vmem>> -> memref<1x16x768xf32, #tpu.memory_space<vmem>>
    %dma_wait3A_435 = tpu.memref_squeeze %dma_wait3A_434 : memref<1x16x768xf32, #tpu.memory_space<vmem>> -> memref<16x768xf32, #tpu.memory_space<vmem>>
    %dma_wait3A_436 = arith.constant 0 : i32
    %dma_wait3A_437 = tpu.memref_slice %arg5[%dma_wait3A_431, %dma_wait3A_436] : memref<16x16xi32, #tpu.memory_space<vmem>> -> memref<1x16xi32, #tpu.memory_space<vmem>>
    %dma_wait3A_438 = tpu.memref_squeeze %dma_wait3A_437 : memref<1x16xi32, #tpu.memory_space<vmem>> -> memref<16xi32, #tpu.memory_space<vmem>>
    %dma_wait3A_439 = arith.constant 0 : i32
    %dma_wait3A_440 = arith.constant 0 : i32
    %dma_wait3A_441 = tpu.memref_slice %arg4[%dma_wait3A_439, %dma_wait3A_440] : memref<16384x768xf32, #tpu.memory_space<hbm>> -> memref<16384x768xf32, #tpu.memory_space<hbm>>
    tpu.wait_indirect_dma semaphore(%arg20 : memref<!tpu.dma_semaphore, #tpu.memory_space<semaphore_mem>>) src(%dma_wait3A_435 : memref<16x768xf32, #tpu.memory_space<vmem>>) dst(%dma_wait3A_441 : memref<16384x768xf32, #tpu.memory_space<hbm>>)
    %mul3A_442 = arith.constant 256 : i32
    %mul3A_443 = arith.muli %add3A, %mul3A_442 : i32
    %add3A_444 = arith.constant 208 : i32
    %add3A_445 = arith.addi %mul3A_443, %add3A_444 : i32
    %dma_start3A_446 = arith.constant 5 : i32
    %dma_start3A_447 = arith.constant 0 : i32
    %dma_start3A_448 = arith.constant 0 : i32
    %dma_start3A_449 = tpu.memref_slice %arg6[%dma_start3A_446, %dma_start3A_447, %dma_start3A_448] : memref<8x16x768xf32, #tpu.memory_space<vmem>> -> memref<1x16x768xf32, #tpu.memory_space<vmem>>
    %dma_start3A_450 = tpu.memref_squeeze %dma_start3A_449 : memref<1x16x768xf32, #tpu.memory_space<vmem>> -> memref<16x768xf32, #tpu.memory_space<vmem>>
    %dma_start3A_451 = arith.constant 0 : i32
    %dma_start3A_452 = tpu.memref_slice %arg2[%add3A_445, %dma_start3A_451] : memref<8192x768xf32, #tpu.memory_space<hbm>> -> memref<16x768xf32, #tpu.memory_space<hbm>>
    %dma_start3A_453 = arith.constant 0 : i32
    %dma_start3A_454 = arith.constant 0 : i32
    %dma_start3A_455 = tpu.memref_slice %arg6[%dma_start3A_446, %dma_start3A_453, %dma_start3A_454] : memref<8x16x768xf32, #tpu.memory_space<vmem>> -> memref<1x16x768xf32, #tpu.memory_space<vmem>>
    %dma_start3A_456 = tpu.memref_squeeze %dma_start3A_455 : memref<1x16x768xf32, #tpu.memory_space<vmem>> -> memref<16x768xf32, #tpu.memory_space<vmem>>
    %dma_start3A_457 = arith.constant 0 : i32
    %dma_start3A_458 = tpu.memref_slice %arg2[%add3A_445, %dma_start3A_457] : memref<8192x768xf32, #tpu.memory_space<hbm>> -> memref<16x768xf32, #tpu.memory_space<hbm>>
    tpu.enqueue_dma source(%dma_start3A_458 : memref<16x768xf32, #tpu.memory_space<hbm>>) target(%dma_start3A_456 : memref<16x768xf32, #tpu.memory_space<vmem>>) target_semaphore(%arg12 : memref<!tpu.dma_semaphore, #tpu.memory_space<semaphore_mem>>)
    %dma_wait3A_459 = arith.constant 6 : i32
    %dma_wait3A_460 = arith.constant 0 : i32
    %dma_wait3A_461 = arith.constant 0 : i32
    %dma_wait3A_462 = tpu.memref_slice %arg6[%dma_wait3A_459, %dma_wait3A_460, %dma_wait3A_461] : memref<8x16x768xf32, #tpu.memory_space<vmem>> -> memref<1x16x768xf32, #tpu.memory_space<vmem>>
    %dma_wait3A_463 = tpu.memref_squeeze %dma_wait3A_462 : memref<1x16x768xf32, #tpu.memory_space<vmem>> -> memref<16x768xf32, #tpu.memory_space<vmem>>
    %dma_wait3A_464 = arith.constant 0 : i32
    %dma_wait3A_465 = tpu.memref_slice %arg2[%add3A_105, %dma_wait3A_464] : memref<8192x768xf32, #tpu.memory_space<hbm>> -> memref<16x768xf32, #tpu.memory_space<hbm>>
    %dma_wait3A_466 = arith.constant 0 : i32
    %dma_wait3A_467 = arith.constant 0 : i32
    %dma_wait3A_468 = tpu.memref_slice %arg6[%dma_wait3A_459, %dma_wait3A_466, %dma_wait3A_467] : memref<8x16x768xf32, #tpu.memory_space<vmem>> -> memref<1x16x768xf32, #tpu.memory_space<vmem>>
    %dma_wait3A_469 = tpu.memref_squeeze %dma_wait3A_468 : memref<1x16x768xf32, #tpu.memory_space<vmem>> -> memref<16x768xf32, #tpu.memory_space<vmem>>
    %dma_wait3A_470 = arith.constant 0 : i32
    %dma_wait3A_471 = tpu.memref_slice %arg2[%add3A_105, %dma_wait3A_470] : memref<8192x768xf32, #tpu.memory_space<hbm>> -> memref<16x768xf32, #tpu.memory_space<hbm>>
    tpu.wait_dma2 semaphore(%arg13 : memref<!tpu.dma_semaphore, #tpu.memory_space<semaphore_mem>>) src(%dma_wait3A_471 : memref<16x768xf32, #tpu.memory_space<hbm>>) dst(%dma_wait3A_469 : memref<16x768xf32, #tpu.memory_space<vmem>>)
    %dma_start3A_472 = arith.constant 6 : i32
    %dma_start3A_473 = arith.constant 6 : i32
    %dma_start3A_474 = arith.constant 0 : i32
    %dma_start3A_475 = arith.constant 0 : i32
    %dma_start3A_476 = tpu.memref_slice %arg6[%dma_start3A_472, %dma_start3A_474, %dma_start3A_475] : memref<8x16x768xf32, #tpu.memory_space<vmem>> -> memref<1x16x768xf32, #tpu.memory_space<vmem>>
    %dma_start3A_477 = tpu.memref_squeeze %dma_start3A_476 : memref<1x16x768xf32, #tpu.memory_space<vmem>> -> memref<16x768xf32, #tpu.memory_space<vmem>>
    %dma_start3A_478 = arith.constant 0 : i32
    %dma_start3A_479 = tpu.memref_slice %arg5[%dma_start3A_473, %dma_start3A_478] : memref<16x16xi32, #tpu.memory_space<vmem>> -> memref<1x16xi32, #tpu.memory_space<vmem>>
    %dma_start3A_480 = tpu.memref_squeeze %dma_start3A_479 : memref<1x16xi32, #tpu.memory_space<vmem>> -> memref<16xi32, #tpu.memory_space<vmem>>
    %dma_start3A_481 = arith.constant 0 : i32
    %dma_start3A_482 = arith.constant 0 : i32
    %dma_start3A_483 = tpu.memref_slice %arg4[%dma_start3A_481, %dma_start3A_482] : memref<16384x768xf32, #tpu.memory_space<hbm>> -> memref<16384x768xf32, #tpu.memory_space<hbm>>
    tpu.enqueue_indirect_dma source(%dma_start3A_477 : memref<16x768xf32, #tpu.memory_space<vmem>>) target(%dma_start3A_483 : memref<16384x768xf32, #tpu.memory_space<hbm>>) offsets(%dma_start3A_480 : memref<16xi32, #tpu.memory_space<vmem>>) semaphore(%arg21 : memref<!tpu.dma_semaphore, #tpu.memory_space<semaphore_mem>>)
    %dma_wait3A_484 = arith.constant 6 : i32
    %dma_wait3A_485 = arith.constant 6 : i32
    %dma_wait3A_486 = arith.constant 0 : i32
    %dma_wait3A_487 = arith.constant 0 : i32
    %dma_wait3A_488 = tpu.memref_slice %arg6[%dma_wait3A_484, %dma_wait3A_486, %dma_wait3A_487] : memref<8x16x768xf32, #tpu.memory_space<vmem>> -> memref<1x16x768xf32, #tpu.memory_space<vmem>>
    %dma_wait3A_489 = tpu.memref_squeeze %dma_wait3A_488 : memref<1x16x768xf32, #tpu.memory_space<vmem>> -> memref<16x768xf32, #tpu.memory_space<vmem>>
    %dma_wait3A_490 = arith.constant 0 : i32
    %dma_wait3A_491 = tpu.memref_slice %arg5[%dma_wait3A_485, %dma_wait3A_490] : memref<16x16xi32, #tpu.memory_space<vmem>> -> memref<1x16xi32, #tpu.memory_space<vmem>>
    %dma_wait3A_492 = tpu.memref_squeeze %dma_wait3A_491 : memref<1x16xi32, #tpu.memory_space<vmem>> -> memref<16xi32, #tpu.memory_space<vmem>>
    %dma_wait3A_493 = arith.constant 0 : i32
    %dma_wait3A_494 = arith.constant 0 : i32
    %dma_wait3A_495 = tpu.memref_slice %arg4[%dma_wait3A_493, %dma_wait3A_494] : memref<16384x768xf32, #tpu.memory_space<hbm>> -> memref<16384x768xf32, #tpu.memory_space<hbm>>
    tpu.wait_indirect_dma semaphore(%arg21 : memref<!tpu.dma_semaphore, #tpu.memory_space<semaphore_mem>>) src(%dma_wait3A_489 : memref<16x768xf32, #tpu.memory_space<vmem>>) dst(%dma_wait3A_495 : memref<16384x768xf32, #tpu.memory_space<hbm>>)
    %mul3A_496 = arith.constant 256 : i32
    %mul3A_497 = arith.muli %add3A, %mul3A_496 : i32
    %add3A_498 = arith.constant 224 : i32
    %add3A_499 = arith.addi %mul3A_497, %add3A_498 : i32
    %dma_start3A_500 = arith.constant 6 : i32
    %dma_start3A_501 = arith.constant 0 : i32
    %dma_start3A_502 = arith.constant 0 : i32
    %dma_start3A_503 = tpu.memref_slice %arg6[%dma_start3A_500, %dma_start3A_501, %dma_start3A_502] : memref<8x16x768xf32, #tpu.memory_space<vmem>> -> memref<1x16x768xf32, #tpu.memory_space<vmem>>
    %dma_start3A_504 = tpu.memref_squeeze %dma_start3A_503 : memref<1x16x768xf32, #tpu.memory_space<vmem>> -> memref<16x768xf32, #tpu.memory_space<vmem>>
    %dma_start3A_505 = arith.constant 0 : i32
    %dma_start3A_506 = tpu.memref_slice %arg2[%add3A_499, %dma_start3A_505] : memref<8192x768xf32, #tpu.memory_space<hbm>> -> memref<16x768xf32, #tpu.memory_space<hbm>>
    %dma_start3A_507 = arith.constant 0 : i32
    %dma_start3A_508 = arith.constant 0 : i32
    %dma_start3A_509 = tpu.memref_slice %arg6[%dma_start3A_500, %dma_start3A_507, %dma_start3A_508] : memref<8x16x768xf32, #tpu.memory_space<vmem>> -> memref<1x16x768xf32, #tpu.memory_space<vmem>>
    %dma_start3A_510 = tpu.memref_squeeze %dma_start3A_509 : memref<1x16x768xf32, #tpu.memory_space<vmem>> -> memref<16x768xf32, #tpu.memory_space<vmem>>
    %dma_start3A_511 = arith.constant 0 : i32
    %dma_start3A_512 = tpu.memref_slice %arg2[%add3A_499, %dma_start3A_511] : memref<8192x768xf32, #tpu.memory_space<hbm>> -> memref<16x768xf32, #tpu.memory_space<hbm>>
    tpu.enqueue_dma source(%dma_start3A_512 : memref<16x768xf32, #tpu.memory_space<hbm>>) target(%dma_start3A_510 : memref<16x768xf32, #tpu.memory_space<vmem>>) target_semaphore(%arg13 : memref<!tpu.dma_semaphore, #tpu.memory_space<semaphore_mem>>)
    %dma_wait3A_513 = arith.constant 7 : i32
    %dma_wait3A_514 = arith.constant 0 : i32
    %dma_wait3A_515 = arith.constant 0 : i32
    %dma_wait3A_516 = tpu.memref_slice %arg6[%dma_wait3A_513, %dma_wait3A_514, %dma_wait3A_515] : memref<8x16x768xf32, #tpu.memory_space<vmem>> -> memref<1x16x768xf32, #tpu.memory_space<vmem>>
    %dma_wait3A_517 = tpu.memref_squeeze %dma_wait3A_516 : memref<1x16x768xf32, #tpu.memory_space<vmem>> -> memref<16x768xf32, #tpu.memory_space<vmem>>
    %dma_wait3A_518 = arith.constant 0 : i32
    %dma_wait3A_519 = tpu.memref_slice %arg2[%add3A_122, %dma_wait3A_518] : memref<8192x768xf32, #tpu.memory_space<hbm>> -> memref<16x768xf32, #tpu.memory_space<hbm>>
    %dma_wait3A_520 = arith.constant 0 : i32
    %dma_wait3A_521 = arith.constant 0 : i32
    %dma_wait3A_522 = tpu.memref_slice %arg6[%dma_wait3A_513, %dma_wait3A_520, %dma_wait3A_521] : memref<8x16x768xf32, #tpu.memory_space<vmem>> -> memref<1x16x768xf32, #tpu.memory_space<vmem>>
    %dma_wait3A_523 = tpu.memref_squeeze %dma_wait3A_522 : memref<1x16x768xf32, #tpu.memory_space<vmem>> -> memref<16x768xf32, #tpu.memory_space<vmem>>
    %dma_wait3A_524 = arith.constant 0 : i32
    %dma_wait3A_525 = tpu.memref_slice %arg2[%add3A_122, %dma_wait3A_524] : memref<8192x768xf32, #tpu.memory_space<hbm>> -> memref<16x768xf32, #tpu.memory_space<hbm>>
    tpu.wait_dma2 semaphore(%arg14 : memref<!tpu.dma_semaphore, #tpu.memory_space<semaphore_mem>>) src(%dma_wait3A_525 : memref<16x768xf32, #tpu.memory_space<hbm>>) dst(%dma_wait3A_523 : memref<16x768xf32, #tpu.memory_space<vmem>>)
    %dma_start3A_526 = arith.constant 7 : i32
    %dma_start3A_527 = arith.constant 7 : i32
    %dma_start3A_528 = arith.constant 0 : i32
    %dma_start3A_529 = arith.constant 0 : i32
    %dma_start3A_530 = tpu.memref_slice %arg6[%dma_start3A_526, %dma_start3A_528, %dma_start3A_529] : memref<8x16x768xf32, #tpu.memory_space<vmem>> -> memref<1x16x768xf32, #tpu.memory_space<vmem>>
    %dma_start3A_531 = tpu.memref_squeeze %dma_start3A_530 : memref<1x16x768xf32, #tpu.memory_space<vmem>> -> memref<16x768xf32, #tpu.memory_space<vmem>>
    %dma_start3A_532 = arith.constant 0 : i32
    %dma_start3A_533 = tpu.memref_slice %arg5[%dma_start3A_527, %dma_start3A_532] : memref<16x16xi32, #tpu.memory_space<vmem>> -> memref<1x16xi32, #tpu.memory_space<vmem>>
    %dma_start3A_534 = tpu.memref_squeeze %dma_start3A_533 : memref<1x16xi32, #tpu.memory_space<vmem>> -> memref<16xi32, #tpu.memory_space<vmem>>
    %dma_start3A_535 = arith.constant 0 : i32
    %dma_start3A_536 = arith.constant 0 : i32
    %dma_start3A_537 = tpu.memref_slice %arg4[%dma_start3A_535, %dma_start3A_536] : memref<16384x768xf32, #tpu.memory_space<hbm>> -> memref<16384x768xf32, #tpu.memory_space<hbm>>
    tpu.enqueue_indirect_dma source(%dma_start3A_531 : memref<16x768xf32, #tpu.memory_space<vmem>>) target(%dma_start3A_537 : memref<16384x768xf32, #tpu.memory_space<hbm>>) offsets(%dma_start3A_534 : memref<16xi32, #tpu.memory_space<vmem>>) semaphore(%arg22 : memref<!tpu.dma_semaphore, #tpu.memory_space<semaphore_mem>>)
    %dma_wait3A_538 = arith.constant 7 : i32
    %dma_wait3A_539 = arith.constant 7 : i32
    %dma_wait3A_540 = arith.constant 0 : i32
    %dma_wait3A_541 = arith.constant 0 : i32
    %dma_wait3A_542 = tpu.memref_slice %arg6[%dma_wait3A_538, %dma_wait3A_540, %dma_wait3A_541] : memref<8x16x768xf32, #tpu.memory_space<vmem>> -> memref<1x16x768xf32, #tpu.memory_space<vmem>>
    %dma_wait3A_543 = tpu.memref_squeeze %dma_wait3A_542 : memref<1x16x768xf32, #tpu.memory_space<vmem>> -> memref<16x768xf32, #tpu.memory_space<vmem>>
    %dma_wait3A_544 = arith.constant 0 : i32
    %dma_wait3A_545 = tpu.memref_slice %arg5[%dma_wait3A_539, %dma_wait3A_544] : memref<16x16xi32, #tpu.memory_space<vmem>> -> memref<1x16xi32, #tpu.memory_space<vmem>>
    %dma_wait3A_546 = tpu.memref_squeeze %dma_wait3A_545 : memref<1x16xi32, #tpu.memory_space<vmem>> -> memref<16xi32, #tpu.memory_space<vmem>>
    %dma_wait3A_547 = arith.constant 0 : i32
    %dma_wait3A_548 = arith.constant 0 : i32
    %dma_wait3A_549 = tpu.memref_slice %arg4[%dma_wait3A_547, %dma_wait3A_548] : memref<16384x768xf32, #tpu.memory_space<hbm>> -> memref<16384x768xf32, #tpu.memory_space<hbm>>
    tpu.wait_indirect_dma semaphore(%arg22 : memref<!tpu.dma_semaphore, #tpu.memory_space<semaphore_mem>>) src(%dma_wait3A_543 : memref<16x768xf32, #tpu.memory_space<vmem>>) dst(%dma_wait3A_549 : memref<16384x768xf32, #tpu.memory_space<hbm>>)
    %mul3A_550 = arith.constant 256 : i32
    %mul3A_551 = arith.muli %add3A, %mul3A_550 : i32
    %add3A_552 = arith.constant 240 : i32
    %add3A_553 = arith.addi %mul3A_551, %add3A_552 : i32
    %dma_start3A_554 = arith.constant 7 : i32
    %dma_start3A_555 = arith.constant 0 : i32
    %dma_start3A_556 = arith.constant 0 : i32
    %dma_start3A_557 = tpu.memref_slice %arg6[%dma_start3A_554, %dma_start3A_555, %dma_start3A_556] : memref<8x16x768xf32, #tpu.memory_space<vmem>> -> memref<1x16x768xf32, #tpu.memory_space<vmem>>
    %dma_start3A_558 = tpu.memref_squeeze %dma_start3A_557 : memref<1x16x768xf32, #tpu.memory_space<vmem>> -> memref<16x768xf32, #tpu.memory_space<vmem>>
    %dma_start3A_559 = arith.constant 0 : i32
    %dma_start3A_560 = tpu.memref_slice %arg2[%add3A_553, %dma_start3A_559] : memref<8192x768xf32, #tpu.memory_space<hbm>> -> memref<16x768xf32, #tpu.memory_space<hbm>>
    %dma_start3A_561 = arith.constant 0 : i32
    %dma_start3A_562 = arith.constant 0 : i32
    %dma_start3A_563 = tpu.memref_slice %arg6[%dma_start3A_554, %dma_start3A_561, %dma_start3A_562] : memref<8x16x768xf32, #tpu.memory_space<vmem>> -> memref<1x16x768xf32, #tpu.memory_space<vmem>>
    %dma_start3A_564 = tpu.memref_squeeze %dma_start3A_563 : memref<1x16x768xf32, #tpu.memory_space<vmem>> -> memref<16x768xf32, #tpu.memory_space<vmem>>
    %dma_start3A_565 = arith.constant 0 : i32
    %dma_start3A_566 = tpu.memref_slice %arg2[%add3A_553, %dma_start3A_565] : memref<8192x768xf32, #tpu.memory_space<hbm>> -> memref<16x768xf32, #tpu.memory_space<hbm>>
    tpu.enqueue_dma source(%dma_start3A_566 : memref<16x768xf32, #tpu.memory_space<hbm>>) target(%dma_start3A_564 : memref<16x768xf32, #tpu.memory_space<vmem>>) target_semaphore(%arg14 : memref<!tpu.dma_semaphore, #tpu.memory_space<semaphore_mem>>)
    %dma_wait3A_567 = arith.constant 0 : i32
    %dma_wait3A_568 = arith.constant 0 : i32
    %dma_wait3A_569 = arith.constant 0 : i32
    %dma_wait3A_570 = tpu.memref_slice %arg6[%dma_wait3A_567, %dma_wait3A_568, %dma_wait3A_569] : memref<8x16x768xf32, #tpu.memory_space<vmem>> -> memref<1x16x768xf32, #tpu.memory_space<vmem>>
    %dma_wait3A_571 = tpu.memref_squeeze %dma_wait3A_570 : memref<1x16x768xf32, #tpu.memory_space<vmem>> -> memref<16x768xf32, #tpu.memory_space<vmem>>
    %dma_wait3A_572 = arith.constant 0 : i32
    %dma_wait3A_573 = tpu.memref_slice %arg2[%add3A_175, %dma_wait3A_572] : memref<8192x768xf32, #tpu.memory_space<hbm>> -> memref<16x768xf32, #tpu.memory_space<hbm>>
    %dma_wait3A_574 = arith.constant 0 : i32
    %dma_wait3A_575 = arith.constant 0 : i32
    %dma_wait3A_576 = tpu.memref_slice %arg6[%dma_wait3A_567, %dma_wait3A_574, %dma_wait3A_575] : memref<8x16x768xf32, #tpu.memory_space<vmem>> -> memref<1x16x768xf32, #tpu.memory_space<vmem>>
    %dma_wait3A_577 = tpu.memref_squeeze %dma_wait3A_576 : memref<1x16x768xf32, #tpu.memory_space<vmem>> -> memref<16x768xf32, #tpu.memory_space<vmem>>
    %dma_wait3A_578 = arith.constant 0 : i32
    %dma_wait3A_579 = tpu.memref_slice %arg2[%add3A_175, %dma_wait3A_578] : memref<8192x768xf32, #tpu.memory_space<hbm>> -> memref<16x768xf32, #tpu.memory_space<hbm>>
    tpu.wait_dma2 semaphore(%arg7 : memref<!tpu.dma_semaphore, #tpu.memory_space<semaphore_mem>>) src(%dma_wait3A_579 : memref<16x768xf32, #tpu.memory_space<hbm>>) dst(%dma_wait3A_577 : memref<16x768xf32, #tpu.memory_space<vmem>>)
    %dma_start3A_580 = arith.constant 0 : i32
    %dma_start3A_581 = arith.constant 8 : i32
    %dma_start3A_582 = arith.constant 0 : i32
    %dma_start3A_583 = arith.constant 0 : i32
    %dma_start3A_584 = tpu.memref_slice %arg6[%dma_start3A_580, %dma_start3A_582, %dma_start3A_583] : memref<8x16x768xf32, #tpu.memory_space<vmem>> -> memref<1x16x768xf32, #tpu.memory_space<vmem>>
    %dma_start3A_585 = tpu.memref_squeeze %dma_start3A_584 : memref<1x16x768xf32, #tpu.memory_space<vmem>> -> memref<16x768xf32, #tpu.memory_space<vmem>>
    %dma_start3A_586 = arith.constant 0 : i32
    %dma_start3A_587 = tpu.memref_slice %arg5[%dma_start3A_581, %dma_start3A_586] : memref<16x16xi32, #tpu.memory_space<vmem>> -> memref<1x16xi32, #tpu.memory_space<vmem>>
    %dma_start3A_588 = tpu.memref_squeeze %dma_start3A_587 : memref<1x16xi32, #tpu.memory_space<vmem>> -> memref<16xi32, #tpu.memory_space<vmem>>
    %dma_start3A_589 = arith.constant 0 : i32
    %dma_start3A_590 = arith.constant 0 : i32
    %dma_start3A_591 = tpu.memref_slice %arg4[%dma_start3A_589, %dma_start3A_590] : memref<16384x768xf32, #tpu.memory_space<hbm>> -> memref<16384x768xf32, #tpu.memory_space<hbm>>
    tpu.enqueue_indirect_dma source(%dma_start3A_585 : memref<16x768xf32, #tpu.memory_space<vmem>>) target(%dma_start3A_591 : memref<16384x768xf32, #tpu.memory_space<hbm>>) offsets(%dma_start3A_588 : memref<16xi32, #tpu.memory_space<vmem>>) semaphore(%arg15 : memref<!tpu.dma_semaphore, #tpu.memory_space<semaphore_mem>>)
    %dma_wait3A_592 = arith.constant 1 : i32
    %dma_wait3A_593 = arith.constant 0 : i32
    %dma_wait3A_594 = arith.constant 0 : i32
    %dma_wait3A_595 = tpu.memref_slice %arg6[%dma_wait3A_592, %dma_wait3A_593, %dma_wait3A_594] : memref<8x16x768xf32, #tpu.memory_space<vmem>> -> memref<1x16x768xf32, #tpu.memory_space<vmem>>
    %dma_wait3A_596 = tpu.memref_squeeze %dma_wait3A_595 : memref<1x16x768xf32, #tpu.memory_space<vmem>> -> memref<16x768xf32, #tpu.memory_space<vmem>>
    %dma_wait3A_597 = arith.constant 0 : i32
    %dma_wait3A_598 = tpu.memref_slice %arg2[%add3A_229, %dma_wait3A_597] : memref<8192x768xf32, #tpu.memory_space<hbm>> -> memref<16x768xf32, #tpu.memory_space<hbm>>
    %dma_wait3A_599 = arith.constant 0 : i32
    %dma_wait3A_600 = arith.constant 0 : i32
    %dma_wait3A_601 = tpu.memref_slice %arg6[%dma_wait3A_592, %dma_wait3A_599, %dma_wait3A_600] : memref<8x16x768xf32, #tpu.memory_space<vmem>> -> memref<1x16x768xf32, #tpu.memory_space<vmem>>
    %dma_wait3A_602 = tpu.memref_squeeze %dma_wait3A_601 : memref<1x16x768xf32, #tpu.memory_space<vmem>> -> memref<16x768xf32, #tpu.memory_space<vmem>>
    %dma_wait3A_603 = arith.constant 0 : i32
    %dma_wait3A_604 = tpu.memref_slice %arg2[%add3A_229, %dma_wait3A_603] : memref<8192x768xf32, #tpu.memory_space<hbm>> -> memref<16x768xf32, #tpu.memory_space<hbm>>
    tpu.wait_dma2 semaphore(%arg8 : memref<!tpu.dma_semaphore, #tpu.memory_space<semaphore_mem>>) src(%dma_wait3A_604 : memref<16x768xf32, #tpu.memory_space<hbm>>) dst(%dma_wait3A_602 : memref<16x768xf32, #tpu.memory_space<vmem>>)
    %dma_start3A_605 = arith.constant 1 : i32
    %dma_start3A_606 = arith.constant 9 : i32
    %dma_start3A_607 = arith.constant 0 : i32
    %dma_start3A_608 = arith.constant 0 : i32
    %dma_start3A_609 = tpu.memref_slice %arg6[%dma_start3A_605, %dma_start3A_607, %dma_start3A_608] : memref<8x16x768xf32, #tpu.memory_space<vmem>> -> memref<1x16x768xf32, #tpu.memory_space<vmem>>
    %dma_start3A_610 = tpu.memref_squeeze %dma_start3A_609 : memref<1x16x768xf32, #tpu.memory_space<vmem>> -> memref<16x768xf32, #tpu.memory_space<vmem>>
    %dma_start3A_611 = arith.constant 0 : i32
    %dma_start3A_612 = tpu.memref_slice %arg5[%dma_start3A_606, %dma_start3A_611] : memref<16x16xi32, #tpu.memory_space<vmem>> -> memref<1x16xi32, #tpu.memory_space<vmem>>
    %dma_start3A_613 = tpu.memref_squeeze %dma_start3A_612 : memref<1x16xi32, #tpu.memory_space<vmem>> -> memref<16xi32, #tpu.memory_space<vmem>>
    %dma_start3A_614 = arith.constant 0 : i32
    %dma_start3A_615 = arith.constant 0 : i32
    %dma_start3A_616 = tpu.memref_slice %arg4[%dma_start3A_614, %dma_start3A_615] : memref<16384x768xf32, #tpu.memory_space<hbm>> -> memref<16384x768xf32, #tpu.memory_space<hbm>>
    tpu.enqueue_indirect_dma source(%dma_start3A_610 : memref<16x768xf32, #tpu.memory_space<vmem>>) target(%dma_start3A_616 : memref<16384x768xf32, #tpu.memory_space<hbm>>) offsets(%dma_start3A_613 : memref<16xi32, #tpu.memory_space<vmem>>) semaphore(%arg16 : memref<!tpu.dma_semaphore, #tpu.memory_space<semaphore_mem>>)
    %dma_wait3A_617 = arith.constant 2 : i32
    %dma_wait3A_618 = arith.constant 0 : i32
    %dma_wait3A_619 = arith.constant 0 : i32
    %dma_wait3A_620 = tpu.memref_slice %arg6[%dma_wait3A_617, %dma_wait3A_618, %dma_wait3A_619] : memref<8x16x768xf32, #tpu.memory_space<vmem>> -> memref<1x16x768xf32, #tpu.memory_space<vmem>>
    %dma_wait3A_621 = tpu.memref_squeeze %dma_wait3A_620 : memref<1x16x768xf32, #tpu.memory_space<vmem>> -> memref<16x768xf32, #tpu.memory_space<vmem>>
    %dma_wait3A_622 = arith.constant 0 : i32
    %dma_wait3A_623 = tpu.memref_slice %arg2[%add3A_283, %dma_wait3A_622] : memref<8192x768xf32, #tpu.memory_space<hbm>> -> memref<16x768xf32, #tpu.memory_space<hbm>>
    %dma_wait3A_624 = arith.constant 0 : i32
    %dma_wait3A_625 = arith.constant 0 : i32
    %dma_wait3A_626 = tpu.memref_slice %arg6[%dma_wait3A_617, %dma_wait3A_624, %dma_wait3A_625] : memref<8x16x768xf32, #tpu.memory_space<vmem>> -> memref<1x16x768xf32, #tpu.memory_space<vmem>>
    %dma_wait3A_627 = tpu.memref_squeeze %dma_wait3A_626 : memref<1x16x768xf32, #tpu.memory_space<vmem>> -> memref<16x768xf32, #tpu.memory_space<vmem>>
    %dma_wait3A_628 = arith.constant 0 : i32
    %dma_wait3A_629 = tpu.memref_slice %arg2[%add3A_283, %dma_wait3A_628] : memref<8192x768xf32, #tpu.memory_space<hbm>> -> memref<16x768xf32, #tpu.memory_space<hbm>>
    tpu.wait_dma2 semaphore(%arg9 : memref<!tpu.dma_semaphore, #tpu.memory_space<semaphore_mem>>) src(%dma_wait3A_629 : memref<16x768xf32, #tpu.memory_space<hbm>>) dst(%dma_wait3A_627 : memref<16x768xf32, #tpu.memory_space<vmem>>)
    %dma_start3A_630 = arith.constant 2 : i32
    %dma_start3A_631 = arith.constant 10 : i32
    %dma_start3A_632 = arith.constant 0 : i32
    %dma_start3A_633 = arith.constant 0 : i32
    %dma_start3A_634 = tpu.memref_slice %arg6[%dma_start3A_630, %dma_start3A_632, %dma_start3A_633] : memref<8x16x768xf32, #tpu.memory_space<vmem>> -> memref<1x16x768xf32, #tpu.memory_space<vmem>>
    %dma_start3A_635 = tpu.memref_squeeze %dma_start3A_634 : memref<1x16x768xf32, #tpu.memory_space<vmem>> -> memref<16x768xf32, #tpu.memory_space<vmem>>
    %dma_start3A_636 = arith.constant 0 : i32
    %dma_start3A_637 = tpu.memref_slice %arg5[%dma_start3A_631, %dma_start3A_636] : memref<16x16xi32, #tpu.memory_space<vmem>> -> memref<1x16xi32, #tpu.memory_space<vmem>>
    %dma_start3A_638 = tpu.memref_squeeze %dma_start3A_637 : memref<1x16xi32, #tpu.memory_space<vmem>> -> memref<16xi32, #tpu.memory_space<vmem>>
    %dma_start3A_639 = arith.constant 0 : i32
    %dma_start3A_640 = arith.constant 0 : i32
    %dma_start3A_641 = tpu.memref_slice %arg4[%dma_start3A_639, %dma_start3A_640] : memref<16384x768xf32, #tpu.memory_space<hbm>> -> memref<16384x768xf32, #tpu.memory_space<hbm>>
    tpu.enqueue_indirect_dma source(%dma_start3A_635 : memref<16x768xf32, #tpu.memory_space<vmem>>) target(%dma_start3A_641 : memref<16384x768xf32, #tpu.memory_space<hbm>>) offsets(%dma_start3A_638 : memref<16xi32, #tpu.memory_space<vmem>>) semaphore(%arg17 : memref<!tpu.dma_semaphore, #tpu.memory_space<semaphore_mem>>)
    %dma_wait3A_642 = arith.constant 3 : i32
    %dma_wait3A_643 = arith.constant 0 : i32
    %dma_wait3A_644 = arith.constant 0 : i32
    %dma_wait3A_645 = tpu.memref_slice %arg6[%dma_wait3A_642, %dma_wait3A_643, %dma_wait3A_644] : memref<8x16x768xf32, #tpu.memory_space<vmem>> -> memref<1x16x768xf32, #tpu.memory_space<vmem>>
    %dma_wait3A_646 = tpu.memref_squeeze %dma_wait3A_645 : memref<1x16x768xf32, #tpu.memory_space<vmem>> -> memref<16x768xf32, #tpu.memory_space<vmem>>
    %dma_wait3A_647 = arith.constant 0 : i32
    %dma_wait3A_648 = tpu.memref_slice %arg2[%add3A_337, %dma_wait3A_647] : memref<8192x768xf32, #tpu.memory_space<hbm>> -> memref<16x768xf32, #tpu.memory_space<hbm>>
    %dma_wait3A_649 = arith.constant 0 : i32
    %dma_wait3A_650 = arith.constant 0 : i32
    %dma_wait3A_651 = tpu.memref_slice %arg6[%dma_wait3A_642, %dma_wait3A_649, %dma_wait3A_650] : memref<8x16x768xf32, #tpu.memory_space<vmem>> -> memref<1x16x768xf32, #tpu.memory_space<vmem>>
    %dma_wait3A_652 = tpu.memref_squeeze %dma_wait3A_651 : memref<1x16x768xf32, #tpu.memory_space<vmem>> -> memref<16x768xf32, #tpu.memory_space<vmem>>
    %dma_wait3A_653 = arith.constant 0 : i32
    %dma_wait3A_654 = tpu.memref_slice %arg2[%add3A_337, %dma_wait3A_653] : memref<8192x768xf32, #tpu.memory_space<hbm>> -> memref<16x768xf32, #tpu.memory_space<hbm>>
    tpu.wait_dma2 semaphore(%arg10 : memref<!tpu.dma_semaphore, #tpu.memory_space<semaphore_mem>>) src(%dma_wait3A_654 : memref<16x768xf32, #tpu.memory_space<hbm>>) dst(%dma_wait3A_652 : memref<16x768xf32, #tpu.memory_space<vmem>>)
    %dma_start3A_655 = arith.constant 3 : i32
    %dma_start3A_656 = arith.constant 11 : i32
    %dma_start3A_657 = arith.constant 0 : i32
    %dma_start3A_658 = arith.constant 0 : i32
    %dma_start3A_659 = tpu.memref_slice %arg6[%dma_start3A_655, %dma_start3A_657, %dma_start3A_658] : memref<8x16x768xf32, #tpu.memory_space<vmem>> -> memref<1x16x768xf32, #tpu.memory_space<vmem>>
    %dma_start3A_660 = tpu.memref_squeeze %dma_start3A_659 : memref<1x16x768xf32, #tpu.memory_space<vmem>> -> memref<16x768xf32, #tpu.memory_space<vmem>>
    %dma_start3A_661 = arith.constant 0 : i32
    %dma_start3A_662 = tpu.memref_slice %arg5[%dma_start3A_656, %dma_start3A_661] : memref<16x16xi32, #tpu.memory_space<vmem>> -> memref<1x16xi32, #tpu.memory_space<vmem>>
    %dma_start3A_663 = tpu.memref_squeeze %dma_start3A_662 : memref<1x16xi32, #tpu.memory_space<vmem>> -> memref<16xi32, #tpu.memory_space<vmem>>
    %dma_start3A_664 = arith.constant 0 : i32
    %dma_start3A_665 = arith.constant 0 : i32
    %dma_start3A_666 = tpu.memref_slice %arg4[%dma_start3A_664, %dma_start3A_665] : memref<16384x768xf32, #tpu.memory_space<hbm>> -> memref<16384x768xf32, #tpu.memory_space<hbm>>
    tpu.enqueue_indirect_dma source(%dma_start3A_660 : memref<16x768xf32, #tpu.memory_space<vmem>>) target(%dma_start3A_666 : memref<16384x768xf32, #tpu.memory_space<hbm>>) offsets(%dma_start3A_663 : memref<16xi32, #tpu.memory_space<vmem>>) semaphore(%arg18 : memref<!tpu.dma_semaphore, #tpu.memory_space<semaphore_mem>>)
    %dma_wait3A_667 = arith.constant 4 : i32
    %dma_wait3A_668 = arith.constant 0 : i32
    %dma_wait3A_669 = arith.constant 0 : i32
    %dma_wait3A_670 = tpu.memref_slice %arg6[%dma_wait3A_667, %dma_wait3A_668, %dma_wait3A_669] : memref<8x16x768xf32, #tpu.memory_space<vmem>> -> memref<1x16x768xf32, #tpu.memory_space<vmem>>
    %dma_wait3A_671 = tpu.memref_squeeze %dma_wait3A_670 : memref<1x16x768xf32, #tpu.memory_space<vmem>> -> memref<16x768xf32, #tpu.memory_space<vmem>>
    %dma_wait3A_672 = arith.constant 0 : i32
    %dma_wait3A_673 = tpu.memref_slice %arg2[%add3A_391, %dma_wait3A_672] : memref<8192x768xf32, #tpu.memory_space<hbm>> -> memref<16x768xf32, #tpu.memory_space<hbm>>
    %dma_wait3A_674 = arith.constant 0 : i32
    %dma_wait3A_675 = arith.constant 0 : i32
    %dma_wait3A_676 = tpu.memref_slice %arg6[%dma_wait3A_667, %dma_wait3A_674, %dma_wait3A_675] : memref<8x16x768xf32, #tpu.memory_space<vmem>> -> memref<1x16x768xf32, #tpu.memory_space<vmem>>
    %dma_wait3A_677 = tpu.memref_squeeze %dma_wait3A_676 : memref<1x16x768xf32, #tpu.memory_space<vmem>> -> memref<16x768xf32, #tpu.memory_space<vmem>>
    %dma_wait3A_678 = arith.constant 0 : i32
    %dma_wait3A_679 = tpu.memref_slice %arg2[%add3A_391, %dma_wait3A_678] : memref<8192x768xf32, #tpu.memory_space<hbm>> -> memref<16x768xf32, #tpu.memory_space<hbm>>
    tpu.wait_dma2 semaphore(%arg11 : memref<!tpu.dma_semaphore, #tpu.memory_space<semaphore_mem>>) src(%dma_wait3A_679 : memref<16x768xf32, #tpu.memory_space<hbm>>) dst(%dma_wait3A_677 : memref<16x768xf32, #tpu.memory_space<vmem>>)
    %dma_start3A_680 = arith.constant 4 : i32
    %dma_start3A_681 = arith.constant 12 : i32
    %dma_start3A_682 = arith.constant 0 : i32
    %dma_start3A_683 = arith.constant 0 : i32
    %dma_start3A_684 = tpu.memref_slice %arg6[%dma_start3A_680, %dma_start3A_682, %dma_start3A_683] : memref<8x16x768xf32, #tpu.memory_space<vmem>> -> memref<1x16x768xf32, #tpu.memory_space<vmem>>
    %dma_start3A_685 = tpu.memref_squeeze %dma_start3A_684 : memref<1x16x768xf32, #tpu.memory_space<vmem>> -> memref<16x768xf32, #tpu.memory_space<vmem>>
    %dma_start3A_686 = arith.constant 0 : i32
    %dma_start3A_687 = tpu.memref_slice %arg5[%dma_start3A_681, %dma_start3A_686] : memref<16x16xi32, #tpu.memory_space<vmem>> -> memref<1x16xi32, #tpu.memory_space<vmem>>
    %dma_start3A_688 = tpu.memref_squeeze %dma_start3A_687 : memref<1x16xi32, #tpu.memory_space<vmem>> -> memref<16xi32, #tpu.memory_space<vmem>>
    %dma_start3A_689 = arith.constant 0 : i32
    %dma_start3A_690 = arith.constant 0 : i32
    %dma_start3A_691 = tpu.memref_slice %arg4[%dma_start3A_689, %dma_start3A_690] : memref<16384x768xf32, #tpu.memory_space<hbm>> -> memref<16384x768xf32, #tpu.memory_space<hbm>>
    tpu.enqueue_indirect_dma source(%dma_start3A_685 : memref<16x768xf32, #tpu.memory_space<vmem>>) target(%dma_start3A_691 : memref<16384x768xf32, #tpu.memory_space<hbm>>) offsets(%dma_start3A_688 : memref<16xi32, #tpu.memory_space<vmem>>) semaphore(%arg19 : memref<!tpu.dma_semaphore, #tpu.memory_space<semaphore_mem>>)
    %dma_wait3A_692 = arith.constant 5 : i32
    %dma_wait3A_693 = arith.constant 0 : i32
    %dma_wait3A_694 = arith.constant 0 : i32
    %dma_wait3A_695 = tpu.memref_slice %arg6[%dma_wait3A_692, %dma_wait3A_693, %dma_wait3A_694] : memref<8x16x768xf32, #tpu.memory_space<vmem>> -> memref<1x16x768xf32, #tpu.memory_space<vmem>>
    %dma_wait3A_696 = tpu.memref_squeeze %dma_wait3A_695 : memref<1x16x768xf32, #tpu.memory_space<vmem>> -> memref<16x768xf32, #tpu.memory_space<vmem>>
    %dma_wait3A_697 = arith.constant 0 : i32
    %dma_wait3A_698 = tpu.memref_slice %arg2[%add3A_445, %dma_wait3A_697] : memref<8192x768xf32, #tpu.memory_space<hbm>> -> memref<16x768xf32, #tpu.memory_space<hbm>>
    %dma_wait3A_699 = arith.constant 0 : i32
    %dma_wait3A_700 = arith.constant 0 : i32
    %dma_wait3A_701 = tpu.memref_slice %arg6[%dma_wait3A_692, %dma_wait3A_699, %dma_wait3A_700] : memref<8x16x768xf32, #tpu.memory_space<vmem>> -> memref<1x16x768xf32, #tpu.memory_space<vmem>>
    %dma_wait3A_702 = tpu.memref_squeeze %dma_wait3A_701 : memref<1x16x768xf32, #tpu.memory_space<vmem>> -> memref<16x768xf32, #tpu.memory_space<vmem>>
    %dma_wait3A_703 = arith.constant 0 : i32
    %dma_wait3A_704 = tpu.memref_slice %arg2[%add3A_445, %dma_wait3A_703] : memref<8192x768xf32, #tpu.memory_space<hbm>> -> memref<16x768xf32, #tpu.memory_space<hbm>>
    tpu.wait_dma2 semaphore(%arg12 : memref<!tpu.dma_semaphore, #tpu.memory_space<semaphore_mem>>) src(%dma_wait3A_704 : memref<16x768xf32, #tpu.memory_space<hbm>>) dst(%dma_wait3A_702 : memref<16x768xf32, #tpu.memory_space<vmem>>)
    %dma_start3A_705 = arith.constant 5 : i32
    %dma_start3A_706 = arith.constant 13 : i32
    %dma_start3A_707 = arith.constant 0 : i32
    %dma_start3A_708 = arith.constant 0 : i32
    %dma_start3A_709 = tpu.memref_slice %arg6[%dma_start3A_705, %dma_start3A_707, %dma_start3A_708] : memref<8x16x768xf32, #tpu.memory_space<vmem>> -> memref<1x16x768xf32, #tpu.memory_space<vmem>>
    %dma_start3A_710 = tpu.memref_squeeze %dma_start3A_709 : memref<1x16x768xf32, #tpu.memory_space<vmem>> -> memref<16x768xf32, #tpu.memory_space<vmem>>
    %dma_start3A_711 = arith.constant 0 : i32
    %dma_start3A_712 = tpu.memref_slice %arg5[%dma_start3A_706, %dma_start3A_711] : memref<16x16xi32, #tpu.memory_space<vmem>> -> memref<1x16xi32, #tpu.memory_space<vmem>>
    %dma_start3A_713 = tpu.memref_squeeze %dma_start3A_712 : memref<1x16xi32, #tpu.memory_space<vmem>> -> memref<16xi32, #tpu.memory_space<vmem>>
    %dma_start3A_714 = arith.constant 0 : i32
    %dma_start3A_715 = arith.constant 0 : i32
    %dma_start3A_716 = tpu.memref_slice %arg4[%dma_start3A_714, %dma_start3A_715] : memref<16384x768xf32, #tpu.memory_space<hbm>> -> memref<16384x768xf32, #tpu.memory_space<hbm>>
    tpu.enqueue_indirect_dma source(%dma_start3A_710 : memref<16x768xf32, #tpu.memory_space<vmem>>) target(%dma_start3A_716 : memref<16384x768xf32, #tpu.memory_space<hbm>>) offsets(%dma_start3A_713 : memref<16xi32, #tpu.memory_space<vmem>>) semaphore(%arg20 : memref<!tpu.dma_semaphore, #tpu.memory_space<semaphore_mem>>)
    %dma_wait3A_717 = arith.constant 6 : i32
    %dma_wait3A_718 = arith.constant 0 : i32
    %dma_wait3A_719 = arith.constant 0 : i32
    %dma_wait3A_720 = tpu.memref_slice %arg6[%dma_wait3A_717, %dma_wait3A_718, %dma_wait3A_719] : memref<8x16x768xf32, #tpu.memory_space<vmem>> -> memref<1x16x768xf32, #tpu.memory_space<vmem>>
    %dma_wait3A_721 = tpu.memref_squeeze %dma_wait3A_720 : memref<1x16x768xf32, #tpu.memory_space<vmem>> -> memref<16x768xf32, #tpu.memory_space<vmem>>
    %dma_wait3A_722 = arith.constant 0 : i32
    %dma_wait3A_723 = tpu.memref_slice %arg2[%add3A_499, %dma_wait3A_722] : memref<8192x768xf32, #tpu.memory_space<hbm>> -> memref<16x768xf32, #tpu.memory_space<hbm>>
    %dma_wait3A_724 = arith.constant 0 : i32
    %dma_wait3A_725 = arith.constant 0 : i32
    %dma_wait3A_726 = tpu.memref_slice %arg6[%dma_wait3A_717, %dma_wait3A_724, %dma_wait3A_725] : memref<8x16x768xf32, #tpu.memory_space<vmem>> -> memref<1x16x768xf32, #tpu.memory_space<vmem>>
    %dma_wait3A_727 = tpu.memref_squeeze %dma_wait3A_726 : memref<1x16x768xf32, #tpu.memory_space<vmem>> -> memref<16x768xf32, #tpu.memory_space<vmem>>
    %dma_wait3A_728 = arith.constant 0 : i32
    %dma_wait3A_729 = tpu.memref_slice %arg2[%add3A_499, %dma_wait3A_728] : memref<8192x768xf32, #tpu.memory_space<hbm>> -> memref<16x768xf32, #tpu.memory_space<hbm>>
    tpu.wait_dma2 semaphore(%arg13 : memref<!tpu.dma_semaphore, #tpu.memory_space<semaphore_mem>>) src(%dma_wait3A_729 : memref<16x768xf32, #tpu.memory_space<hbm>>) dst(%dma_wait3A_727 : memref<16x768xf32, #tpu.memory_space<vmem>>)
    %dma_start3A_730 = arith.constant 6 : i32
    %dma_start3A_731 = arith.constant 14 : i32
    %dma_start3A_732 = arith.constant 0 : i32
    %dma_start3A_733 = arith.constant 0 : i32
    %dma_start3A_734 = tpu.memref_slice %arg6[%dma_start3A_730, %dma_start3A_732, %dma_start3A_733] : memref<8x16x768xf32, #tpu.memory_space<vmem>> -> memref<1x16x768xf32, #tpu.memory_space<vmem>>
    %dma_start3A_735 = tpu.memref_squeeze %dma_start3A_734 : memref<1x16x768xf32, #tpu.memory_space<vmem>> -> memref<16x768xf32, #tpu.memory_space<vmem>>
    %dma_start3A_736 = arith.constant 0 : i32
    %dma_start3A_737 = tpu.memref_slice %arg5[%dma_start3A_731, %dma_start3A_736] : memref<16x16xi32, #tpu.memory_space<vmem>> -> memref<1x16xi32, #tpu.memory_space<vmem>>
    %dma_start3A_738 = tpu.memref_squeeze %dma_start3A_737 : memref<1x16xi32, #tpu.memory_space<vmem>> -> memref<16xi32, #tpu.memory_space<vmem>>
    %dma_start3A_739 = arith.constant 0 : i32
    %dma_start3A_740 = arith.constant 0 : i32
    %dma_start3A_741 = tpu.memref_slice %arg4[%dma_start3A_739, %dma_start3A_740] : memref<16384x768xf32, #tpu.memory_space<hbm>> -> memref<16384x768xf32, #tpu.memory_space<hbm>>
    tpu.enqueue_indirect_dma source(%dma_start3A_735 : memref<16x768xf32, #tpu.memory_space<vmem>>) target(%dma_start3A_741 : memref<16384x768xf32, #tpu.memory_space<hbm>>) offsets(%dma_start3A_738 : memref<16xi32, #tpu.memory_space<vmem>>) semaphore(%arg21 : memref<!tpu.dma_semaphore, #tpu.memory_space<semaphore_mem>>)
    %dma_wait3A_742 = arith.constant 7 : i32
    %dma_wait3A_743 = arith.constant 0 : i32
    %dma_wait3A_744 = arith.constant 0 : i32
    %dma_wait3A_745 = tpu.memref_slice %arg6[%dma_wait3A_742, %dma_wait3A_743, %dma_wait3A_744] : memref<8x16x768xf32, #tpu.memory_space<vmem>> -> memref<1x16x768xf32, #tpu.memory_space<vmem>>
    %dma_wait3A_746 = tpu.memref_squeeze %dma_wait3A_745 : memref<1x16x768xf32, #tpu.memory_space<vmem>> -> memref<16x768xf32, #tpu.memory_space<vmem>>
    %dma_wait3A_747 = arith.constant 0 : i32
    %dma_wait3A_748 = tpu.memref_slice %arg2[%add3A_553, %dma_wait3A_747] : memref<8192x768xf32, #tpu.memory_space<hbm>> -> memref<16x768xf32, #tpu.memory_space<hbm>>
    %dma_wait3A_749 = arith.constant 0 : i32
    %dma_wait3A_750 = arith.constant 0 : i32
    %dma_wait3A_751 = tpu.memref_slice %arg6[%dma_wait3A_742, %dma_wait3A_749, %dma_wait3A_750] : memref<8x16x768xf32, #tpu.memory_space<vmem>> -> memref<1x16x768xf32, #tpu.memory_space<vmem>>
    %dma_wait3A_752 = tpu.memref_squeeze %dma_wait3A_751 : memref<1x16x768xf32, #tpu.memory_space<vmem>> -> memref<16x768xf32, #tpu.memory_space<vmem>>
    %dma_wait3A_753 = arith.constant 0 : i32
    %dma_wait3A_754 = tpu.memref_slice %arg2[%add3A_553, %dma_wait3A_753] : memref<8192x768xf32, #tpu.memory_space<hbm>> -> memref<16x768xf32, #tpu.memory_space<hbm>>
    tpu.wait_dma2 semaphore(%arg14 : memref<!tpu.dma_semaphore, #tpu.memory_space<semaphore_mem>>) src(%dma_wait3A_754 : memref<16x768xf32, #tpu.memory_space<hbm>>) dst(%dma_wait3A_752 : memref<16x768xf32, #tpu.memory_space<vmem>>)
    %dma_start3A_755 = arith.constant 7 : i32
    %dma_start3A_756 = arith.constant 15 : i32
    %dma_start3A_757 = arith.constant 0 : i32
    %dma_start3A_758 = arith.constant 0 : i32
    %dma_start3A_759 = tpu.memref_slice %arg6[%dma_start3A_755, %dma_start3A_757, %dma_start3A_758] : memref<8x16x768xf32, #tpu.memory_space<vmem>> -> memref<1x16x768xf32, #tpu.memory_space<vmem>>
    %dma_start3A_760 = tpu.memref_squeeze %dma_start3A_759 : memref<1x16x768xf32, #tpu.memory_space<vmem>> -> memref<16x768xf32, #tpu.memory_space<vmem>>
    %dma_start3A_761 = arith.constant 0 : i32
    %dma_start3A_762 = tpu.memref_slice %arg5[%dma_start3A_756, %dma_start3A_761] : memref<16x16xi32, #tpu.memory_space<vmem>> -> memref<1x16xi32, #tpu.memory_space<vmem>>
    %dma_start3A_763 = tpu.memref_squeeze %dma_start3A_762 : memref<1x16xi32, #tpu.memory_space<vmem>> -> memref<16xi32, #tpu.memory_space<vmem>>
    %dma_start3A_764 = arith.constant 0 : i32
    %dma_start3A_765 = arith.constant 0 : i32
    %dma_start3A_766 = tpu.memref_slice %arg4[%dma_start3A_764, %dma_start3A_765] : memref<16384x768xf32, #tpu.memory_space<hbm>> -> memref<16384x768xf32, #tpu.memory_space<hbm>>
    tpu.enqueue_indirect_dma source(%dma_start3A_760 : memref<16x768xf32, #tpu.memory_space<vmem>>) target(%dma_start3A_766 : memref<16384x768xf32, #tpu.memory_space<hbm>>) offsets(%dma_start3A_763 : memref<16xi32, #tpu.memory_space<vmem>>) semaphore(%arg22 : memref<!tpu.dma_semaphore, #tpu.memory_space<semaphore_mem>>)
    %dma_wait3A_767 = arith.constant 0 : i32
    %dma_wait3A_768 = arith.constant 8 : i32
    %dma_wait3A_769 = arith.constant 0 : i32
    %dma_wait3A_770 = arith.constant 0 : i32
    %dma_wait3A_771 = tpu.memref_slice %arg6[%dma_wait3A_767, %dma_wait3A_769, %dma_wait3A_770] : memref<8x16x768xf32, #tpu.memory_space<vmem>> -> memref<1x16x768xf32, #tpu.memory_space<vmem>>
    %dma_wait3A_772 = tpu.memref_squeeze %dma_wait3A_771 : memref<1x16x768xf32, #tpu.memory_space<vmem>> -> memref<16x768xf32, #tpu.memory_space<vmem>>
    %dma_wait3A_773 = arith.constant 0 : i32
    %dma_wait3A_774 = tpu.memref_slice %arg5[%dma_wait3A_768, %dma_wait3A_773] : memref<16x16xi32, #tpu.memory_space<vmem>> -> memref<1x16xi32, #tpu.memory_space<vmem>>
    %dma_wait3A_775 = tpu.memref_squeeze %dma_wait3A_774 : memref<1x16xi32, #tpu.memory_space<vmem>> -> memref<16xi32, #tpu.memory_space<vmem>>
    %dma_wait3A_776 = arith.constant 0 : i32
    %dma_wait3A_777 = arith.constant 0 : i32
    %dma_wait3A_778 = tpu.memref_slice %arg4[%dma_wait3A_776, %dma_wait3A_777] : memref<16384x768xf32, #tpu.memory_space<hbm>> -> memref<16384x768xf32, #tpu.memory_space<hbm>>
    tpu.wait_indirect_dma semaphore(%arg15 : memref<!tpu.dma_semaphore, #tpu.memory_space<semaphore_mem>>) src(%dma_wait3A_772 : memref<16x768xf32, #tpu.memory_space<vmem>>) dst(%dma_wait3A_778 : memref<16384x768xf32, #tpu.memory_space<hbm>>)
    %dma_wait3A_779 = arith.constant 1 : i32
    %dma_wait3A_780 = arith.constant 9 : i32
    %dma_wait3A_781 = arith.constant 0 : i32
    %dma_wait3A_782 = arith.constant 0 : i32
    %dma_wait3A_783 = tpu.memref_slice %arg6[%dma_wait3A_779, %dma_wait3A_781, %dma_wait3A_782] : memref<8x16x768xf32, #tpu.memory_space<vmem>> -> memref<1x16x768xf32, #tpu.memory_space<vmem>>
    %dma_wait3A_784 = tpu.memref_squeeze %dma_wait3A_783 : memref<1x16x768xf32, #tpu.memory_space<vmem>> -> memref<16x768xf32, #tpu.memory_space<vmem>>
    %dma_wait3A_785 = arith.constant 0 : i32
    %dma_wait3A_786 = tpu.memref_slice %arg5[%dma_wait3A_780, %dma_wait3A_785] : memref<16x16xi32, #tpu.memory_space<vmem>> -> memref<1x16xi32, #tpu.memory_space<vmem>>
    %dma_wait3A_787 = tpu.memref_squeeze %dma_wait3A_786 : memref<1x16xi32, #tpu.memory_space<vmem>> -> memref<16xi32, #tpu.memory_space<vmem>>
    %dma_wait3A_788 = arith.constant 0 : i32
    %dma_wait3A_789 = arith.constant 0 : i32
    %dma_wait3A_790 = tpu.memref_slice %arg4[%dma_wait3A_788, %dma_wait3A_789] : memref<16384x768xf32, #tpu.memory_space<hbm>> -> memref<16384x768xf32, #tpu.memory_space<hbm>>
    tpu.wait_indirect_dma semaphore(%arg16 : memref<!tpu.dma_semaphore, #tpu.memory_space<semaphore_mem>>) src(%dma_wait3A_784 : memref<16x768xf32, #tpu.memory_space<vmem>>) dst(%dma_wait3A_790 : memref<16384x768xf32, #tpu.memory_space<hbm>>)
    %dma_wait3A_791 = arith.constant 2 : i32
    %dma_wait3A_792 = arith.constant 10 : i32
    %dma_wait3A_793 = arith.constant 0 : i32
    %dma_wait3A_794 = arith.constant 0 : i32
    %dma_wait3A_795 = tpu.memref_slice %arg6[%dma_wait3A_791, %dma_wait3A_793, %dma_wait3A_794] : memref<8x16x768xf32, #tpu.memory_space<vmem>> -> memref<1x16x768xf32, #tpu.memory_space<vmem>>
    %dma_wait3A_796 = tpu.memref_squeeze %dma_wait3A_795 : memref<1x16x768xf32, #tpu.memory_space<vmem>> -> memref<16x768xf32, #tpu.memory_space<vmem>>
    %dma_wait3A_797 = arith.constant 0 : i32
    %dma_wait3A_798 = tpu.memref_slice %arg5[%dma_wait3A_792, %dma_wait3A_797] : memref<16x16xi32, #tpu.memory_space<vmem>> -> memref<1x16xi32, #tpu.memory_space<vmem>>
    %dma_wait3A_799 = tpu.memref_squeeze %dma_wait3A_798 : memref<1x16xi32, #tpu.memory_space<vmem>> -> memref<16xi32, #tpu.memory_space<vmem>>
    %dma_wait3A_800 = arith.constant 0 : i32
    %dma_wait3A_801 = arith.constant 0 : i32
    %dma_wait3A_802 = tpu.memref_slice %arg4[%dma_wait3A_800, %dma_wait3A_801] : memref<16384x768xf32, #tpu.memory_space<hbm>> -> memref<16384x768xf32, #tpu.memory_space<hbm>>
    tpu.wait_indirect_dma semaphore(%arg17 : memref<!tpu.dma_semaphore, #tpu.memory_space<semaphore_mem>>) src(%dma_wait3A_796 : memref<16x768xf32, #tpu.memory_space<vmem>>) dst(%dma_wait3A_802 : memref<16384x768xf32, #tpu.memory_space<hbm>>)
    %dma_wait3A_803 = arith.constant 3 : i32
    %dma_wait3A_804 = arith.constant 11 : i32
    %dma_wait3A_805 = arith.constant 0 : i32
    %dma_wait3A_806 = arith.constant 0 : i32
    %dma_wait3A_807 = tpu.memref_slice %arg6[%dma_wait3A_803, %dma_wait3A_805, %dma_wait3A_806] : memref<8x16x768xf32, #tpu.memory_space<vmem>> -> memref<1x16x768xf32, #tpu.memory_space<vmem>>
    %dma_wait3A_808 = tpu.memref_squeeze %dma_wait3A_807 : memref<1x16x768xf32, #tpu.memory_space<vmem>> -> memref<16x768xf32, #tpu.memory_space<vmem>>
    %dma_wait3A_809 = arith.constant 0 : i32
    %dma_wait3A_810 = tpu.memref_slice %arg5[%dma_wait3A_804, %dma_wait3A_809] : memref<16x16xi32, #tpu.memory_space<vmem>> -> memref<1x16xi32, #tpu.memory_space<vmem>>
    %dma_wait3A_811 = tpu.memref_squeeze %dma_wait3A_810 : memref<1x16xi32, #tpu.memory_space<vmem>> -> memref<16xi32, #tpu.memory_space<vmem>>
    %dma_wait3A_812 = arith.constant 0 : i32
    %dma_wait3A_813 = arith.constant 0 : i32
    %dma_wait3A_814 = tpu.memref_slice %arg4[%dma_wait3A_812, %dma_wait3A_813] : memref<16384x768xf32, #tpu.memory_space<hbm>> -> memref<16384x768xf32, #tpu.memory_space<hbm>>
    tpu.wait_indirect_dma semaphore(%arg18 : memref<!tpu.dma_semaphore, #tpu.memory_space<semaphore_mem>>) src(%dma_wait3A_808 : memref<16x768xf32, #tpu.memory_space<vmem>>) dst(%dma_wait3A_814 : memref<16384x768xf32, #tpu.memory_space<hbm>>)
    %dma_wait3A_815 = arith.constant 4 : i32
    %dma_wait3A_816 = arith.constant 12 : i32
    %dma_wait3A_817 = arith.constant 0 : i32
    %dma_wait3A_818 = arith.constant 0 : i32
    %dma_wait3A_819 = tpu.memref_slice %arg6[%dma_wait3A_815, %dma_wait3A_817, %dma_wait3A_818] : memref<8x16x768xf32, #tpu.memory_space<vmem>> -> memref<1x16x768xf32, #tpu.memory_space<vmem>>
    %dma_wait3A_820 = tpu.memref_squeeze %dma_wait3A_819 : memref<1x16x768xf32, #tpu.memory_space<vmem>> -> memref<16x768xf32, #tpu.memory_space<vmem>>
    %dma_wait3A_821 = arith.constant 0 : i32
    %dma_wait3A_822 = tpu.memref_slice %arg5[%dma_wait3A_816, %dma_wait3A_821] : memref<16x16xi32, #tpu.memory_space<vmem>> -> memref<1x16xi32, #tpu.memory_space<vmem>>
    %dma_wait3A_823 = tpu.memref_squeeze %dma_wait3A_822 : memref<1x16xi32, #tpu.memory_space<vmem>> -> memref<16xi32, #tpu.memory_space<vmem>>
    %dma_wait3A_824 = arith.constant 0 : i32
    %dma_wait3A_825 = arith.constant 0 : i32
    %dma_wait3A_826 = tpu.memref_slice %arg4[%dma_wait3A_824, %dma_wait3A_825] : memref<16384x768xf32, #tpu.memory_space<hbm>> -> memref<16384x768xf32, #tpu.memory_space<hbm>>
    tpu.wait_indirect_dma semaphore(%arg19 : memref<!tpu.dma_semaphore, #tpu.memory_space<semaphore_mem>>) src(%dma_wait3A_820 : memref<16x768xf32, #tpu.memory_space<vmem>>) dst(%dma_wait3A_826 : memref<16384x768xf32, #tpu.memory_space<hbm>>)
    %dma_wait3A_827 = arith.constant 5 : i32
    %dma_wait3A_828 = arith.constant 13 : i32
    %dma_wait3A_829 = arith.constant 0 : i32
    %dma_wait3A_830 = arith.constant 0 : i32
    %dma_wait3A_831 = tpu.memref_slice %arg6[%dma_wait3A_827, %dma_wait3A_829, %dma_wait3A_830] : memref<8x16x768xf32, #tpu.memory_space<vmem>> -> memref<1x16x768xf32, #tpu.memory_space<vmem>>
    %dma_wait3A_832 = tpu.memref_squeeze %dma_wait3A_831 : memref<1x16x768xf32, #tpu.memory_space<vmem>> -> memref<16x768xf32, #tpu.memory_space<vmem>>
    %dma_wait3A_833 = arith.constant 0 : i32
    %dma_wait3A_834 = tpu.memref_slice %arg5[%dma_wait3A_828, %dma_wait3A_833] : memref<16x16xi32, #tpu.memory_space<vmem>> -> memref<1x16xi32, #tpu.memory_space<vmem>>
    %dma_wait3A_835 = tpu.memref_squeeze %dma_wait3A_834 : memref<1x16xi32, #tpu.memory_space<vmem>> -> memref<16xi32, #tpu.memory_space<vmem>>
    %dma_wait3A_836 = arith.constant 0 : i32
    %dma_wait3A_837 = arith.constant 0 : i32
    %dma_wait3A_838 = tpu.memref_slice %arg4[%dma_wait3A_836, %dma_wait3A_837] : memref<16384x768xf32, #tpu.memory_space<hbm>> -> memref<16384x768xf32, #tpu.memory_space<hbm>>
    tpu.wait_indirect_dma semaphore(%arg20 : memref<!tpu.dma_semaphore, #tpu.memory_space<semaphore_mem>>) src(%dma_wait3A_832 : memref<16x768xf32, #tpu.memory_space<vmem>>) dst(%dma_wait3A_838 : memref<16384x768xf32, #tpu.memory_space<hbm>>)
    %dma_wait3A_839 = arith.constant 6 : i32
    %dma_wait3A_840 = arith.constant 14 : i32
    %dma_wait3A_841 = arith.constant 0 : i32
    %dma_wait3A_842 = arith.constant 0 : i32
    %dma_wait3A_843 = tpu.memref_slice %arg6[%dma_wait3A_839, %dma_wait3A_841, %dma_wait3A_842] : memref<8x16x768xf32, #tpu.memory_space<vmem>> -> memref<1x16x768xf32, #tpu.memory_space<vmem>>
    %dma_wait3A_844 = tpu.memref_squeeze %dma_wait3A_843 : memref<1x16x768xf32, #tpu.memory_space<vmem>> -> memref<16x768xf32, #tpu.memory_space<vmem>>
    %dma_wait3A_845 = arith.constant 0 : i32
    %dma_wait3A_846 = tpu.memref_slice %arg5[%dma_wait3A_840, %dma_wait3A_845] : memref<16x16xi32, #tpu.memory_space<vmem>> -> memref<1x16xi32, #tpu.memory_space<vmem>>
    %dma_wait3A_847 = tpu.memref_squeeze %dma_wait3A_846 : memref<1x16xi32, #tpu.memory_space<vmem>> -> memref<16xi32, #tpu.memory_space<vmem>>
    %dma_wait3A_848 = arith.constant 0 : i32
    %dma_wait3A_849 = arith.constant 0 : i32
    %dma_wait3A_850 = tpu.memref_slice %arg4[%dma_wait3A_848, %dma_wait3A_849] : memref<16384x768xf32, #tpu.memory_space<hbm>> -> memref<16384x768xf32, #tpu.memory_space<hbm>>
    tpu.wait_indirect_dma semaphore(%arg21 : memref<!tpu.dma_semaphore, #tpu.memory_space<semaphore_mem>>) src(%dma_wait3A_844 : memref<16x768xf32, #tpu.memory_space<vmem>>) dst(%dma_wait3A_850 : memref<16384x768xf32, #tpu.memory_space<hbm>>)
    %dma_wait3A_851 = arith.constant 7 : i32
    %dma_wait3A_852 = arith.constant 15 : i32
    %dma_wait3A_853 = arith.constant 0 : i32
    %dma_wait3A_854 = arith.constant 0 : i32
    %dma_wait3A_855 = tpu.memref_slice %arg6[%dma_wait3A_851, %dma_wait3A_853, %dma_wait3A_854] : memref<8x16x768xf32, #tpu.memory_space<vmem>> -> memref<1x16x768xf32, #tpu.memory_space<vmem>>
    %dma_wait3A_856 = tpu.memref_squeeze %dma_wait3A_855 : memref<1x16x768xf32, #tpu.memory_space<vmem>> -> memref<16x768xf32, #tpu.memory_space<vmem>>
    %dma_wait3A_857 = arith.constant 0 : i32
    %dma_wait3A_858 = tpu.memref_slice %arg5[%dma_wait3A_852, %dma_wait3A_857] : memref<16x16xi32, #tpu.memory_space<vmem>> -> memref<1x16xi32, #tpu.memory_space<vmem>>
    %dma_wait3A_859 = tpu.memref_squeeze %dma_wait3A_858 : memref<1x16xi32, #tpu.memory_space<vmem>> -> memref<16xi32, #tpu.memory_space<vmem>>
    %dma_wait3A_860 = arith.constant 0 : i32
    %dma_wait3A_861 = arith.constant 0 : i32
    %dma_wait3A_862 = tpu.memref_slice %arg4[%dma_wait3A_860, %dma_wait3A_861] : memref<16384x768xf32, #tpu.memory_space<hbm>> -> memref<16384x768xf32, #tpu.memory_space<hbm>>
    tpu.wait_indirect_dma semaphore(%arg22 : memref<!tpu.dma_semaphore, #tpu.memory_space<semaphore_mem>>) src(%dma_wait3A_856 : memref<16x768xf32, #tpu.memory_space<vmem>>) dst(%dma_wait3A_862 : memref<16384x768xf32, #tpu.memory_space<hbm>>)
    return
  }
}

module attributes {stable_mosaic.version = 14 : i64} {
  func.func @_gate_route_body(%arg0: i32, %arg1: memref<1024x768xf32, #tpu.memory_space<vmem>>, %arg2: memref<768x16xf32, #tpu.memory_space<vmem>>, %arg3: memref<16x1xf32, #tpu.memory_space<vmem>>, %arg4: memref<8x1024xi32, #tpu.memory_space<vmem>>, %arg5: memref<8x128xi32, #tpu.memory_space<vmem>>, %arg6: memref<8x1024xi32, #tpu.memory_space<vmem>>) attributes {dimension_semantics = [#tpu.dimension_semantics<arbitrary>], iteration_bounds = array<i64: 8>, scalar_prefetch = 0 : i64, scratch_operands = 1 : i64, tpu.core_type = #tpu.core_type<tc>, window_params = [{transform_indices = @transform_0, window_bounds = array<i64: 1024, 768>}, {pipeline_mode = #tpu.pipeline_mode<synchronous>, transform_indices = @transform_1, window_bounds = array<i64: 768, 16>}, {pipeline_mode = #tpu.pipeline_mode<synchronous>, transform_indices = @transform_2, window_bounds = array<i64: 16, 1>}, {pipeline_mode = #tpu.pipeline_mode<synchronous>, transform_indices = @transform_3, window_bounds = array<i64: 8, 1024>}, {pipeline_mode = #tpu.pipeline_mode<synchronous>, transform_indices = @transform_4, window_bounds = array<i64: 8, 128>}]} {
    %get3A = arith.constant 0 : index
    %get3A_0 = arith.constant 0 : index
    %get3A_1 = vector.load %arg2[%get3A, %get3A_0] : memref<768x16xf32, #tpu.memory_space<vmem>>, vector<768x16xf32>
    %get3A_2 = arith.constant 0 : index
    %get3A_3 = arith.constant 0 : index
    %get3A_4 = vector.load %arg1[%get3A_2, %get3A_3] : memref<1024x768xf32, #tpu.memory_space<vmem>>, vector<1024x768xf32>
    %dot_general3A = arith.constant dense<0.000000e+00> : vector<16x1024xf32>
    %dot_general3A_5 = tpu.matmul %get3A_1, %get3A_4, %dot_general3A {dimension_numbers = #tpu.dot_dimension_numbers<[0], [1], [1], [0], [0, 1, 1, 0], [], []>, transpose_lhs_hint = false} : vector<768x16xf32>, vector<1024x768xf32>, vector<16x1024xf32> -> vector<16x1024xf32>
    %get3A_6 = arith.constant 0 : index
    %get3A_7 = arith.constant 0 : index
    %get3A_8 = vector.load %arg3[%get3A_6, %get3A_7] : memref<16x1xf32, #tpu.memory_space<vmem>>, vector<16x1xf32>
    %add3A = vector.broadcast %get3A_8 : vector<16x1xf32> to vector<16x1024xf32>
    %add3A_9 = arith.addf %dot_general3A_5, %add3A : vector<16x1024xf32>
    %iota3A = tpu.iota {dimensions = array<i32: 0>} : vector<16x1024xi32>
    %reduce_max3A = arith.constant dense<0xFF800000> : vector<1024xf32>
    %reduce_max3A_10 = vector.multi_reduction <maximumf>, %add3A_9, %reduce_max3A [0] : vector<16x1024xf32> to vector<1024xf32>
    %broadcast_in_dim3A = vector.shape_cast %reduce_max3A_10 : vector<1024xf32> to vector<1x1024xf32>
    %eq3A = vector.broadcast %broadcast_in_dim3A : vector<1x1024xf32> to vector<16x1024xf32>
    %eq3A_11 = arith.cmpf oeq, %add3A_9, %eq3A : vector<16x1024xf32>
    %jit3A = arith.constant 16 : i32
    %broadcast_in_dim3A_12 = vector.broadcast %jit3A : i32 to vector<16x1024xi32>
    %select_n3A = arith.select %eq3A_11, %iota3A, %broadcast_in_dim3A_12 : vector<16x1024xi1>, vector<16x1024xi32>
    %reduce_min3A = arith.constant dense<2147483647> : vector<1024xi32>
    %reduce_min3A_13 = vector.multi_reduction <minsi>, %select_n3A, %reduce_min3A [0] : vector<16x1024xi32> to vector<1024xi32>
    %broadcast_in_dim3A_14 = vector.shape_cast %reduce_min3A_13 : vector<1024xi32> to vector<1x1024xi32>
    %swap3A = arith.index_cast %arg0 : i32 to index
    %swap3A_15 = arith.constant 0 : index
    %swap3A_16 = vector.load %arg6[%swap3A, %swap3A_15] : memref<8x1024xi32, #tpu.memory_space<vmem>>, vector<1x1024xi32>
    tpu.vector_store %arg6[%swap3A, %swap3A_15], %broadcast_in_dim3A_14 {strides = array<i32>} : memref<8x1024xi32, #tpu.memory_space<vmem>>, vector<1x1024xi32>,
    %eq3A_17 = arith.constant 7 : i32
    %eq3A_18 = arith.cmpi eq, %arg0, %eq3A_17 : i32
    %convert_element_type3A = arith.extui %eq3A_18 : i1 to i32
    %cond3A = arith.constant 0 : i32
    %cond3A_19 = arith.cmpi ne, %convert_element_type3A, %cond3A : i32
    scf.if %cond3A_19 {
      %get3A_20 = arith.constant 0 : index
      %get3A_21 = arith.constant 0 : index
      %get3A_22 = vector.load %arg6[%get3A_20, %get3A_21] : memref<8x1024xi32, #tpu.memory_space<vmem>>, vector<8x1024xi32>
      %iota3A_23 = tpu.iota {dimensions = array<i32: 0>} : vector<1024x1024xi32>
      %iota3A_24 = tpu.iota {dimensions = array<i32: 1>} : vector<1024x1024xi32>
      %lt3A = arith.cmpi slt, %iota3A_23, %iota3A_24 : vector<1024x1024xi32>
      %convert_element_type3A_25 = arith.extui %lt3A : vector<1024x1024xi1> to vector<1024x1024xi32>
      %convert_element_type3A_26 = arith.sitofp %convert_element_type3A_25 : vector<1024x1024xi32> to vector<1024x1024xf32>
      %iota3A_27 = tpu.iota {dimensions = array<i32: 1>} : vector<8x8xi32>
      %iota3A_28 = tpu.iota {dimensions = array<i32: 0>} : vector<8x8xi32>
      %lt3A_29 = arith.cmpi slt, %iota3A_27, %iota3A_28 : vector<8x8xi32>
      %convert_element_type3A_30 = arith.extui %lt3A_29 : vector<8x8xi1> to vector<8x8xi32>
      %convert_element_type3A_31 = arith.sitofp %convert_element_type3A_30 : vector<8x8xi32> to vector<8x8xf32>
      %broadcast_in_dim3A_32 = arith.constant 0.000000e+00 : f32
      %broadcast_in_dim3A_33 = vector.broadcast %broadcast_in_dim3A_32 : f32 to vector<8x1024xf32>
      %eq3A_34 = arith.constant 0 : i32
      %eq3A_35 = vector.broadcast %eq3A_34 : i32 to vector<8x1024xi32>
      %eq3A_36 = arith.cmpi eq, %get3A_22, %eq3A_35 : vector<8x1024xi32>
      %convert_element_type3A_37 = arith.extui %eq3A_36 : vector<8x1024xi1> to vector<8x1024xi32>
      %convert_element_type3A_38 = arith.sitofp %convert_element_type3A_37 : vector<8x1024xi32> to vector<8x1024xf32>
      %dot_general3A_39 = arith.constant dense<0.000000e+00> : vector<8x1024xf32>
      %dot_general3A_40 = tpu.matmul %convert_element_type3A_38, %convert_element_type3A_26, %dot_general3A_39 {dimension_numbers = #tpu.dot_dimension_numbers<[1], [0], [0], [1], [0, 0, 1, 1], [], []>, transpose_lhs_hint = false} : vector<8x1024xf32>, vector<1024x1024xf32>, vector<8x1024xf32> -> vector<8x1024xf32>
      %reduce_sum3A = arith.constant dense<0.000000e+00> : vector<8xf32>
      %reduce_sum3A_41 = vector.multi_reduction <add>, %convert_element_type3A_38, %reduce_sum3A [1] : vector<8x1024xf32> to vector<8xf32>
      %broadcast_in_dim3A_42 = vector.shape_cast %reduce_sum3A_41 : vector<8xf32> to vector<8x1xf32>
      %dot_general3A_43 = arith.constant dense<0.000000e+00> : vector<8x1xf32>
      %dot_general3A_44 = tpu.matmul %convert_element_type3A_31, %broadcast_in_dim3A_42, %dot_general3A_43 {dimension_numbers = #tpu.dot_dimension_numbers<[1], [0], [0], [1], [0, 0, 1, 1], [], []>, transpose_lhs_hint = false} : vector<8x8xf32>, vector<8x1xf32>, vector<8x1xf32> -> vector<8x1xf32>
      %add3A_45 = vector.broadcast %dot_general3A_44 : vector<8x1xf32> to vector<8x1024xf32>
      %add3A_46 = arith.addf %dot_general3A_40, %add3A_45 : vector<8x1024xf32>
      %reduce_sum3A_47 = vector.shape_cast %broadcast_in_dim3A_42 : vector<8x1xf32> to vector<1x8x1xf32>
      %reduce_sum3A_48 = arith.constant dense<0.000000e+00> : vector<1xf32>
      %reduce_sum3A_49 = vector.multi_reduction <add>, %reduce_sum3A_47, %reduce_sum3A_48 [1, 2] : vector<1x8x1xf32> to vector<1xf32>
      %reduce_sum3A_50 = vector.shape_cast %reduce_sum3A_49 : vector<1xf32> to vector<1x1x1xf32>
      %reduce_sum3A_51 = vector.extract %reduce_sum3A_50[0, 0, 0] : f32 from vector<1x1x1xf32>
      %div3A = arith.constant 5.120000e+02 : f32
      %div3A_52 = arith.divf %reduce_sum3A_51, %div3A : f32
      %ceil3A = math.ceil %div3A_52 : f32
      %mul3A = arith.constant 5.120000e+02 : f32
      %mul3A_53 = arith.mulf %ceil3A, %mul3A : f32
      %add3A_54 = arith.constant 0.000000e+00 : f32
      %add3A_55 = vector.broadcast %add3A_54 : f32 to vector<8x1024xf32>
      %add3A_56 = arith.addf %add3A_55, %add3A_46 : vector<8x1024xf32>
      %mul3A_57 = arith.mulf %convert_element_type3A_38, %add3A_56 : vector<8x1024xf32>
      %add3A_58 = arith.addf %broadcast_in_dim3A_33, %mul3A_57 : vector<8x1024xf32>
      %add3A_59 = arith.constant 0.000000e+00 : f32
      %add3A_60 = arith.addf %add3A_59, %mul3A_53 : f32
      %eq3A_61 = arith.constant 1 : i32
      %eq3A_62 = vector.broadcast %eq3A_61 : i32 to vector<8x1024xi32>
      %eq3A_63 = arith.cmpi eq, %get3A_22, %eq3A_62 : vector<8x1024xi32>
      %convert_element_type3A_64 = arith.extui %eq3A_63 : vector<8x1024xi1> to vector<8x1024xi32>
      %convert_element_type3A_65 = arith.sitofp %convert_element_type3A_64 : vector<8x1024xi32> to vector<8x1024xf32>
      %dot_general3A_66 = arith.constant dense<0.000000e+00> : vector<8x1024xf32>
      %dot_general3A_67 = tpu.matmul %convert_element_type3A_65, %convert_element_type3A_26, %dot_general3A_66 {dimension_numbers = #tpu.dot_dimension_numbers<[1], [0], [0], [1], [0, 0, 1, 1], [], []>, transpose_lhs_hint = false} : vector<8x1024xf32>, vector<1024x1024xf32>, vector<8x1024xf32> -> vector<8x1024xf32>
      %reduce_sum3A_68 = arith.constant dense<0.000000e+00> : vector<8xf32>
      %reduce_sum3A_69 = vector.multi_reduction <add>, %convert_element_type3A_65, %reduce_sum3A_68 [1] : vector<8x1024xf32> to vector<8xf32>
      %broadcast_in_dim3A_70 = vector.shape_cast %reduce_sum3A_69 : vector<8xf32> to vector<8x1xf32>
      %dot_general3A_71 = arith.constant dense<0.000000e+00> : vector<8x1xf32>
      %dot_general3A_72 = tpu.matmul %convert_element_type3A_31, %broadcast_in_dim3A_70, %dot_general3A_71 {dimension_numbers = #tpu.dot_dimension_numbers<[1], [0], [0], [1], [0, 0, 1, 1], [], []>, transpose_lhs_hint = false} : vector<8x8xf32>, vector<8x1xf32>, vector<8x1xf32> -> vector<8x1xf32>
      %add3A_73 = vector.broadcast %dot_general3A_72 : vector<8x1xf32> to vector<8x1024xf32>
      %add3A_74 = arith.addf %dot_general3A_67, %add3A_73 : vector<8x1024xf32>
      %reduce_sum3A_75 = vector.shape_cast %broadcast_in_dim3A_70 : vector<8x1xf32> to vector<1x8x1xf32>
      %reduce_sum3A_76 = arith.constant dense<0.000000e+00> : vector<1xf32>
      %reduce_sum3A_77 = vector.multi_reduction <add>, %reduce_sum3A_75, %reduce_sum3A_76 [1, 2] : vector<1x8x1xf32> to vector<1xf32>
      %reduce_sum3A_78 = vector.shape_cast %reduce_sum3A_77 : vector<1xf32> to vector<1x1x1xf32>
      %reduce_sum3A_79 = vector.extract %reduce_sum3A_78[0, 0, 0] : f32 from vector<1x1x1xf32>
      %div3A_80 = arith.constant 5.120000e+02 : f32
      %div3A_81 = arith.divf %reduce_sum3A_79, %div3A_80 : f32
      %ceil3A_82 = math.ceil %div3A_81 : f32
      %mul3A_83 = arith.constant 5.120000e+02 : f32
      %mul3A_84 = arith.mulf %ceil3A_82, %mul3A_83 : f32
      %add3A_85 = vector.broadcast %add3A_60 : f32 to vector<8x1024xf32>
      %add3A_86 = arith.addf %add3A_85, %add3A_74 : vector<8x1024xf32>
      %mul3A_87 = arith.mulf %convert_element_type3A_65, %add3A_86 : vector<8x1024xf32>
      %add3A_88 = arith.addf %add3A_58, %mul3A_87 : vector<8x1024xf32>
      %add3A_89 = arith.addf %add3A_60, %mul3A_84 : f32
      %eq3A_90 = arith.constant 2 : i32
      %eq3A_91 = vector.broadcast %eq3A_90 : i32 to vector<8x1024xi32>
      %eq3A_92 = arith.cmpi eq, %get3A_22, %eq3A_91 : vector<8x1024xi32>
      %convert_element_type3A_93 = arith.extui %eq3A_92 : vector<8x1024xi1> to vector<8x1024xi32>
      %convert_element_type3A_94 = arith.sitofp %convert_element_type3A_93 : vector<8x1024xi32> to vector<8x1024xf32>
      %dot_general3A_95 = arith.constant dense<0.000000e+00> : vector<8x1024xf32>
      %dot_general3A_96 = tpu.matmul %convert_element_type3A_94, %convert_element_type3A_26, %dot_general3A_95 {dimension_numbers = #tpu.dot_dimension_numbers<[1], [0], [0], [1], [0, 0, 1, 1], [], []>, transpose_lhs_hint = false} : vector<8x1024xf32>, vector<1024x1024xf32>, vector<8x1024xf32> -> vector<8x1024xf32>
      %reduce_sum3A_97 = arith.constant dense<0.000000e+00> : vector<8xf32>
      %reduce_sum3A_98 = vector.multi_reduction <add>, %convert_element_type3A_94, %reduce_sum3A_97 [1] : vector<8x1024xf32> to vector<8xf32>
      %broadcast_in_dim3A_99 = vector.shape_cast %reduce_sum3A_98 : vector<8xf32> to vector<8x1xf32>
      %dot_general3A_100 = arith.constant dense<0.000000e+00> : vector<8x1xf32>
      %dot_general3A_101 = tpu.matmul %convert_element_type3A_31, %broadcast_in_dim3A_99, %dot_general3A_100 {dimension_numbers = #tpu.dot_dimension_numbers<[1], [0], [0], [1], [0, 0, 1, 1], [], []>, transpose_lhs_hint = false} : vector<8x8xf32>, vector<8x1xf32>, vector<8x1xf32> -> vector<8x1xf32>
      %add3A_102 = vector.broadcast %dot_general3A_101 : vector<8x1xf32> to vector<8x1024xf32>
      %add3A_103 = arith.addf %dot_general3A_96, %add3A_102 : vector<8x1024xf32>
      %reduce_sum3A_104 = vector.shape_cast %broadcast_in_dim3A_99 : vector<8x1xf32> to vector<1x8x1xf32>
      %reduce_sum3A_105 = arith.constant dense<0.000000e+00> : vector<1xf32>
      %reduce_sum3A_106 = vector.multi_reduction <add>, %reduce_sum3A_104, %reduce_sum3A_105 [1, 2] : vector<1x8x1xf32> to vector<1xf32>
      %reduce_sum3A_107 = vector.shape_cast %reduce_sum3A_106 : vector<1xf32> to vector<1x1x1xf32>
      %reduce_sum3A_108 = vector.extract %reduce_sum3A_107[0, 0, 0] : f32 from vector<1x1x1xf32>
      %div3A_109 = arith.constant 5.120000e+02 : f32
      %div3A_110 = arith.divf %reduce_sum3A_108, %div3A_109 : f32
      %ceil3A_111 = math.ceil %div3A_110 : f32
      %mul3A_112 = arith.constant 5.120000e+02 : f32
      %mul3A_113 = arith.mulf %ceil3A_111, %mul3A_112 : f32
      %add3A_114 = vector.broadcast %add3A_89 : f32 to vector<8x1024xf32>
      %add3A_115 = arith.addf %add3A_114, %add3A_103 : vector<8x1024xf32>
      %mul3A_116 = arith.mulf %convert_element_type3A_94, %add3A_115 : vector<8x1024xf32>
      %add3A_117 = arith.addf %add3A_88, %mul3A_116 : vector<8x1024xf32>
      %add3A_118 = arith.addf %add3A_89, %mul3A_113 : f32
      %eq3A_119 = arith.constant 3 : i32
      %eq3A_120 = vector.broadcast %eq3A_119 : i32 to vector<8x1024xi32>
      %eq3A_121 = arith.cmpi eq, %get3A_22, %eq3A_120 : vector<8x1024xi32>
      %convert_element_type3A_122 = arith.extui %eq3A_121 : vector<8x1024xi1> to vector<8x1024xi32>
      %convert_element_type3A_123 = arith.sitofp %convert_element_type3A_122 : vector<8x1024xi32> to vector<8x1024xf32>
      %dot_general3A_124 = arith.constant dense<0.000000e+00> : vector<8x1024xf32>
      %dot_general3A_125 = tpu.matmul %convert_element_type3A_123, %convert_element_type3A_26, %dot_general3A_124 {dimension_numbers = #tpu.dot_dimension_numbers<[1], [0], [0], [1], [0, 0, 1, 1], [], []>, transpose_lhs_hint = false} : vector<8x1024xf32>, vector<1024x1024xf32>, vector<8x1024xf32> -> vector<8x1024xf32>
      %reduce_sum3A_126 = arith.constant dense<0.000000e+00> : vector<8xf32>
      %reduce_sum3A_127 = vector.multi_reduction <add>, %convert_element_type3A_123, %reduce_sum3A_126 [1] : vector<8x1024xf32> to vector<8xf32>
      %broadcast_in_dim3A_128 = vector.shape_cast %reduce_sum3A_127 : vector<8xf32> to vector<8x1xf32>
      %dot_general3A_129 = arith.constant dense<0.000000e+00> : vector<8x1xf32>
      %dot_general3A_130 = tpu.matmul %convert_element_type3A_31, %broadcast_in_dim3A_128, %dot_general3A_129 {dimension_numbers = #tpu.dot_dimension_numbers<[1], [0], [0], [1], [0, 0, 1, 1], [], []>, transpose_lhs_hint = false} : vector<8x8xf32>, vector<8x1xf32>, vector<8x1xf32> -> vector<8x1xf32>
      %add3A_131 = vector.broadcast %dot_general3A_130 : vector<8x1xf32> to vector<8x1024xf32>
      %add3A_132 = arith.addf %dot_general3A_125, %add3A_131 : vector<8x1024xf32>
      %reduce_sum3A_133 = vector.shape_cast %broadcast_in_dim3A_128 : vector<8x1xf32> to vector<1x8x1xf32>
      %reduce_sum3A_134 = arith.constant dense<0.000000e+00> : vector<1xf32>
      %reduce_sum3A_135 = vector.multi_reduction <add>, %reduce_sum3A_133, %reduce_sum3A_134 [1, 2] : vector<1x8x1xf32> to vector<1xf32>
      %reduce_sum3A_136 = vector.shape_cast %reduce_sum3A_135 : vector<1xf32> to vector<1x1x1xf32>
      %reduce_sum3A_137 = vector.extract %reduce_sum3A_136[0, 0, 0] : f32 from vector<1x1x1xf32>
      %div3A_138 = arith.constant 5.120000e+02 : f32
      %div3A_139 = arith.divf %reduce_sum3A_137, %div3A_138 : f32
      %ceil3A_140 = math.ceil %div3A_139 : f32
      %mul3A_141 = arith.constant 5.120000e+02 : f32
      %mul3A_142 = arith.mulf %ceil3A_140, %mul3A_141 : f32
      %add3A_143 = vector.broadcast %add3A_118 : f32 to vector<8x1024xf32>
      %add3A_144 = arith.addf %add3A_143, %add3A_132 : vector<8x1024xf32>
      %mul3A_145 = arith.mulf %convert_element_type3A_123, %add3A_144 : vector<8x1024xf32>
      %add3A_146 = arith.addf %add3A_117, %mul3A_145 : vector<8x1024xf32>
      %add3A_147 = arith.addf %add3A_118, %mul3A_142 : f32
      %eq3A_148 = arith.constant 4 : i32
      %eq3A_149 = vector.broadcast %eq3A_148 : i32 to vector<8x1024xi32>
      %eq3A_150 = arith.cmpi eq, %get3A_22, %eq3A_149 : vector<8x1024xi32>
      %convert_element_type3A_151 = arith.extui %eq3A_150 : vector<8x1024xi1> to vector<8x1024xi32>
      %convert_element_type3A_152 = arith.sitofp %convert_element_type3A_151 : vector<8x1024xi32> to vector<8x1024xf32>
      %dot_general3A_153 = arith.constant dense<0.000000e+00> : vector<8x1024xf32>
      %dot_general3A_154 = tpu.matmul %convert_element_type3A_152, %convert_element_type3A_26, %dot_general3A_153 {dimension_numbers = #tpu.dot_dimension_numbers<[1], [0], [0], [1], [0, 0, 1, 1], [], []>, transpose_lhs_hint = false} : vector<8x1024xf32>, vector<1024x1024xf32>, vector<8x1024xf32> -> vector<8x1024xf32>
      %reduce_sum3A_155 = arith.constant dense<0.000000e+00> : vector<8xf32>
      %reduce_sum3A_156 = vector.multi_reduction <add>, %convert_element_type3A_152, %reduce_sum3A_155 [1] : vector<8x1024xf32> to vector<8xf32>
      %broadcast_in_dim3A_157 = vector.shape_cast %reduce_sum3A_156 : vector<8xf32> to vector<8x1xf32>
      %dot_general3A_158 = arith.constant dense<0.000000e+00> : vector<8x1xf32>
      %dot_general3A_159 = tpu.matmul %convert_element_type3A_31, %broadcast_in_dim3A_157, %dot_general3A_158 {dimension_numbers = #tpu.dot_dimension_numbers<[1], [0], [0], [1], [0, 0, 1, 1], [], []>, transpose_lhs_hint = false} : vector<8x8xf32>, vector<8x1xf32>, vector<8x1xf32> -> vector<8x1xf32>
      %add3A_160 = vector.broadcast %dot_general3A_159 : vector<8x1xf32> to vector<8x1024xf32>
      %add3A_161 = arith.addf %dot_general3A_154, %add3A_160 : vector<8x1024xf32>
      %reduce_sum3A_162 = vector.shape_cast %broadcast_in_dim3A_157 : vector<8x1xf32> to vector<1x8x1xf32>
      %reduce_sum3A_163 = arith.constant dense<0.000000e+00> : vector<1xf32>
      %reduce_sum3A_164 = vector.multi_reduction <add>, %reduce_sum3A_162, %reduce_sum3A_163 [1, 2] : vector<1x8x1xf32> to vector<1xf32>
      %reduce_sum3A_165 = vector.shape_cast %reduce_sum3A_164 : vector<1xf32> to vector<1x1x1xf32>
      %reduce_sum3A_166 = vector.extract %reduce_sum3A_165[0, 0, 0] : f32 from vector<1x1x1xf32>
      %div3A_167 = arith.constant 5.120000e+02 : f32
      %div3A_168 = arith.divf %reduce_sum3A_166, %div3A_167 : f32
      %ceil3A_169 = math.ceil %div3A_168 : f32
      %mul3A_170 = arith.constant 5.120000e+02 : f32
      %mul3A_171 = arith.mulf %ceil3A_169, %mul3A_170 : f32
      %add3A_172 = vector.broadcast %add3A_147 : f32 to vector<8x1024xf32>
      %add3A_173 = arith.addf %add3A_172, %add3A_161 : vector<8x1024xf32>
      %mul3A_174 = arith.mulf %convert_element_type3A_152, %add3A_173 : vector<8x1024xf32>
      %add3A_175 = arith.addf %add3A_146, %mul3A_174 : vector<8x1024xf32>
      %add3A_176 = arith.addf %add3A_147, %mul3A_171 : f32
      %eq3A_177 = arith.constant 5 : i32
      %eq3A_178 = vector.broadcast %eq3A_177 : i32 to vector<8x1024xi32>
      %eq3A_179 = arith.cmpi eq, %get3A_22, %eq3A_178 : vector<8x1024xi32>
      %convert_element_type3A_180 = arith.extui %eq3A_179 : vector<8x1024xi1> to vector<8x1024xi32>
      %convert_element_type3A_181 = arith.sitofp %convert_element_type3A_180 : vector<8x1024xi32> to vector<8x1024xf32>
      %dot_general3A_182 = arith.constant dense<0.000000e+00> : vector<8x1024xf32>
      %dot_general3A_183 = tpu.matmul %convert_element_type3A_181, %convert_element_type3A_26, %dot_general3A_182 {dimension_numbers = #tpu.dot_dimension_numbers<[1], [0], [0], [1], [0, 0, 1, 1], [], []>, transpose_lhs_hint = false} : vector<8x1024xf32>, vector<1024x1024xf32>, vector<8x1024xf32> -> vector<8x1024xf32>
      %reduce_sum3A_184 = arith.constant dense<0.000000e+00> : vector<8xf32>
      %reduce_sum3A_185 = vector.multi_reduction <add>, %convert_element_type3A_181, %reduce_sum3A_184 [1] : vector<8x1024xf32> to vector<8xf32>
      %broadcast_in_dim3A_186 = vector.shape_cast %reduce_sum3A_185 : vector<8xf32> to vector<8x1xf32>
      %dot_general3A_187 = arith.constant dense<0.000000e+00> : vector<8x1xf32>
      %dot_general3A_188 = tpu.matmul %convert_element_type3A_31, %broadcast_in_dim3A_186, %dot_general3A_187 {dimension_numbers = #tpu.dot_dimension_numbers<[1], [0], [0], [1], [0, 0, 1, 1], [], []>, transpose_lhs_hint = false} : vector<8x8xf32>, vector<8x1xf32>, vector<8x1xf32> -> vector<8x1xf32>
      %add3A_189 = vector.broadcast %dot_general3A_188 : vector<8x1xf32> to vector<8x1024xf32>
      %add3A_190 = arith.addf %dot_general3A_183, %add3A_189 : vector<8x1024xf32>
      %reduce_sum3A_191 = vector.shape_cast %broadcast_in_dim3A_186 : vector<8x1xf32> to vector<1x8x1xf32>
      %reduce_sum3A_192 = arith.constant dense<0.000000e+00> : vector<1xf32>
      %reduce_sum3A_193 = vector.multi_reduction <add>, %reduce_sum3A_191, %reduce_sum3A_192 [1, 2] : vector<1x8x1xf32> to vector<1xf32>
      %reduce_sum3A_194 = vector.shape_cast %reduce_sum3A_193 : vector<1xf32> to vector<1x1x1xf32>
      %reduce_sum3A_195 = vector.extract %reduce_sum3A_194[0, 0, 0] : f32 from vector<1x1x1xf32>
      %div3A_196 = arith.constant 5.120000e+02 : f32
      %div3A_197 = arith.divf %reduce_sum3A_195, %div3A_196 : f32
      %ceil3A_198 = math.ceil %div3A_197 : f32
      %mul3A_199 = arith.constant 5.120000e+02 : f32
      %mul3A_200 = arith.mulf %ceil3A_198, %mul3A_199 : f32
      %add3A_201 = vector.broadcast %add3A_176 : f32 to vector<8x1024xf32>
      %add3A_202 = arith.addf %add3A_201, %add3A_190 : vector<8x1024xf32>
      %mul3A_203 = arith.mulf %convert_element_type3A_181, %add3A_202 : vector<8x1024xf32>
      %add3A_204 = arith.addf %add3A_175, %mul3A_203 : vector<8x1024xf32>
      %add3A_205 = arith.addf %add3A_176, %mul3A_200 : f32
      %eq3A_206 = arith.constant 6 : i32
      %eq3A_207 = vector.broadcast %eq3A_206 : i32 to vector<8x1024xi32>
      %eq3A_208 = arith.cmpi eq, %get3A_22, %eq3A_207 : vector<8x1024xi32>
      %convert_element_type3A_209 = arith.extui %eq3A_208 : vector<8x1024xi1> to vector<8x1024xi32>
      %convert_element_type3A_210 = arith.sitofp %convert_element_type3A_209 : vector<8x1024xi32> to vector<8x1024xf32>
      %dot_general3A_211 = arith.constant dense<0.000000e+00> : vector<8x1024xf32>
      %dot_general3A_212 = tpu.matmul %convert_element_type3A_210, %convert_element_type3A_26, %dot_general3A_211 {dimension_numbers = #tpu.dot_dimension_numbers<[1], [0], [0], [1], [0, 0, 1, 1], [], []>, transpose_lhs_hint = false} : vector<8x1024xf32>, vector<1024x1024xf32>, vector<8x1024xf32> -> vector<8x1024xf32>
      %reduce_sum3A_213 = arith.constant dense<0.000000e+00> : vector<8xf32>
      %reduce_sum3A_214 = vector.multi_reduction <add>, %convert_element_type3A_210, %reduce_sum3A_213 [1] : vector<8x1024xf32> to vector<8xf32>
      %broadcast_in_dim3A_215 = vector.shape_cast %reduce_sum3A_214 : vector<8xf32> to vector<8x1xf32>
      %dot_general3A_216 = arith.constant dense<0.000000e+00> : vector<8x1xf32>
      %dot_general3A_217 = tpu.matmul %convert_element_type3A_31, %broadcast_in_dim3A_215, %dot_general3A_216 {dimension_numbers = #tpu.dot_dimension_numbers<[1], [0], [0], [1], [0, 0, 1, 1], [], []>, transpose_lhs_hint = false} : vector<8x8xf32>, vector<8x1xf32>, vector<8x1xf32> -> vector<8x1xf32>
      %add3A_218 = vector.broadcast %dot_general3A_217 : vector<8x1xf32> to vector<8x1024xf32>
      %add3A_219 = arith.addf %dot_general3A_212, %add3A_218 : vector<8x1024xf32>
      %reduce_sum3A_220 = vector.shape_cast %broadcast_in_dim3A_215 : vector<8x1xf32> to vector<1x8x1xf32>
      %reduce_sum3A_221 = arith.constant dense<0.000000e+00> : vector<1xf32>
      %reduce_sum3A_222 = vector.multi_reduction <add>, %reduce_sum3A_220, %reduce_sum3A_221 [1, 2] : vector<1x8x1xf32> to vector<1xf32>
      %reduce_sum3A_223 = vector.shape_cast %reduce_sum3A_222 : vector<1xf32> to vector<1x1x1xf32>
      %reduce_sum3A_224 = vector.extract %reduce_sum3A_223[0, 0, 0] : f32 from vector<1x1x1xf32>
      %div3A_225 = arith.constant 5.120000e+02 : f32
      %div3A_226 = arith.divf %reduce_sum3A_224, %div3A_225 : f32
      %ceil3A_227 = math.ceil %div3A_226 : f32
      %mul3A_228 = arith.constant 5.120000e+02 : f32
      %mul3A_229 = arith.mulf %ceil3A_227, %mul3A_228 : f32
      %add3A_230 = vector.broadcast %add3A_205 : f32 to vector<8x1024xf32>
      %add3A_231 = arith.addf %add3A_230, %add3A_219 : vector<8x1024xf32>
      %mul3A_232 = arith.mulf %convert_element_type3A_210, %add3A_231 : vector<8x1024xf32>
      %add3A_233 = arith.addf %add3A_204, %mul3A_232 : vector<8x1024xf32>
      %add3A_234 = arith.addf %add3A_205, %mul3A_229 : f32
      %eq3A_235 = arith.constant 7 : i32
      %eq3A_236 = vector.broadcast %eq3A_235 : i32 to vector<8x1024xi32>
      %eq3A_237 = arith.cmpi eq, %get3A_22, %eq3A_236 : vector<8x1024xi32>
      %convert_element_type3A_238 = arith.extui %eq3A_237 : vector<8x1024xi1> to vector<8x1024xi32>
      %convert_element_type3A_239 = arith.sitofp %convert_element_type3A_238 : vector<8x1024xi32> to vector<8x1024xf32>
      %dot_general3A_240 = arith.constant dense<0.000000e+00> : vector<8x1024xf32>
      %dot_general3A_241 = tpu.matmul %convert_element_type3A_239, %convert_element_type3A_26, %dot_general3A_240 {dimension_numbers = #tpu.dot_dimension_numbers<[1], [0], [0], [1], [0, 0, 1, 1], [], []>, transpose_lhs_hint = false} : vector<8x1024xf32>, vector<1024x1024xf32>, vector<8x1024xf32> -> vector<8x1024xf32>
      %reduce_sum3A_242 = arith.constant dense<0.000000e+00> : vector<8xf32>
      %reduce_sum3A_243 = vector.multi_reduction <add>, %convert_element_type3A_239, %reduce_sum3A_242 [1] : vector<8x1024xf32> to vector<8xf32>
      %broadcast_in_dim3A_244 = vector.shape_cast %reduce_sum3A_243 : vector<8xf32> to vector<8x1xf32>
      %dot_general3A_245 = arith.constant dense<0.000000e+00> : vector<8x1xf32>
      %dot_general3A_246 = tpu.matmul %convert_element_type3A_31, %broadcast_in_dim3A_244, %dot_general3A_245 {dimension_numbers = #tpu.dot_dimension_numbers<[1], [0], [0], [1], [0, 0, 1, 1], [], []>, transpose_lhs_hint = false} : vector<8x8xf32>, vector<8x1xf32>, vector<8x1xf32> -> vector<8x1xf32>
      %add3A_247 = vector.broadcast %dot_general3A_246 : vector<8x1xf32> to vector<8x1024xf32>
      %add3A_248 = arith.addf %dot_general3A_241, %add3A_247 : vector<8x1024xf32>
      %reduce_sum3A_249 = vector.shape_cast %broadcast_in_dim3A_244 : vector<8x1xf32> to vector<1x8x1xf32>
      %reduce_sum3A_250 = arith.constant dense<0.000000e+00> : vector<1xf32>
      %reduce_sum3A_251 = vector.multi_reduction <add>, %reduce_sum3A_249, %reduce_sum3A_250 [1, 2] : vector<1x8x1xf32> to vector<1xf32>
      %reduce_sum3A_252 = vector.shape_cast %reduce_sum3A_251 : vector<1xf32> to vector<1x1x1xf32>
      %reduce_sum3A_253 = vector.extract %reduce_sum3A_252[0, 0, 0] : f32 from vector<1x1x1xf32>
      %div3A_254 = arith.constant 5.120000e+02 : f32
      %div3A_255 = arith.divf %reduce_sum3A_253, %div3A_254 : f32
      %ceil3A_256 = math.ceil %div3A_255 : f32
      %mul3A_257 = arith.constant 5.120000e+02 : f32
      %mul3A_258 = arith.mulf %ceil3A_256, %mul3A_257 : f32
      %add3A_259 = vector.broadcast %add3A_234 : f32 to vector<8x1024xf32>
      %add3A_260 = arith.addf %add3A_259, %add3A_248 : vector<8x1024xf32>
      %mul3A_261 = arith.mulf %convert_element_type3A_239, %add3A_260 : vector<8x1024xf32>
      %add3A_262 = arith.addf %add3A_233, %mul3A_261 : vector<8x1024xf32>
      %add3A_263 = arith.addf %add3A_234, %mul3A_258 : f32
      %eq3A_264 = arith.constant 8 : i32
      %eq3A_265 = vector.broadcast %eq3A_264 : i32 to vector<8x1024xi32>
      %eq3A_266 = arith.cmpi eq, %get3A_22, %eq3A_265 : vector<8x1024xi32>
      %convert_element_type3A_267 = arith.extui %eq3A_266 : vector<8x1024xi1> to vector<8x1024xi32>
      %convert_element_type3A_268 = arith.sitofp %convert_element_type3A_267 : vector<8x1024xi32> to vector<8x1024xf32>
      %dot_general3A_269 = arith.constant dense<0.000000e+00> : vector<8x1024xf32>
      %dot_general3A_270 = tpu.matmul %convert_element_type3A_268, %convert_element_type3A_26, %dot_general3A_269 {dimension_numbers = #tpu.dot_dimension_numbers<[1], [0], [0], [1], [0, 0, 1, 1], [], []>, transpose_lhs_hint = false} : vector<8x1024xf32>, vector<1024x1024xf32>, vector<8x1024xf32> -> vector<8x1024xf32>
      %reduce_sum3A_271 = arith.constant dense<0.000000e+00> : vector<8xf32>
      %reduce_sum3A_272 = vector.multi_reduction <add>, %convert_element_type3A_268, %reduce_sum3A_271 [1] : vector<8x1024xf32> to vector<8xf32>
      %broadcast_in_dim3A_273 = vector.shape_cast %reduce_sum3A_272 : vector<8xf32> to vector<8x1xf32>
      %dot_general3A_274 = arith.constant dense<0.000000e+00> : vector<8x1xf32>
      %dot_general3A_275 = tpu.matmul %convert_element_type3A_31, %broadcast_in_dim3A_273, %dot_general3A_274 {dimension_numbers = #tpu.dot_dimension_numbers<[1], [0], [0], [1], [0, 0, 1, 1], [], []>, transpose_lhs_hint = false} : vector<8x8xf32>, vector<8x1xf32>, vector<8x1xf32> -> vector<8x1xf32>
      %add3A_276 = vector.broadcast %dot_general3A_275 : vector<8x1xf32> to vector<8x1024xf32>
      %add3A_277 = arith.addf %dot_general3A_270, %add3A_276 : vector<8x1024xf32>
      %reduce_sum3A_278 = vector.shape_cast %broadcast_in_dim3A_273 : vector<8x1xf32> to vector<1x8x1xf32>
      %reduce_sum3A_279 = arith.constant dense<0.000000e+00> : vector<1xf32>
      %reduce_sum3A_280 = vector.multi_reduction <add>, %reduce_sum3A_278, %reduce_sum3A_279 [1, 2] : vector<1x8x1xf32> to vector<1xf32>
      %reduce_sum3A_281 = vector.shape_cast %reduce_sum3A_280 : vector<1xf32> to vector<1x1x1xf32>
      %reduce_sum3A_282 = vector.extract %reduce_sum3A_281[0, 0, 0] : f32 from vector<1x1x1xf32>
      %div3A_283 = arith.constant 5.120000e+02 : f32
      %div3A_284 = arith.divf %reduce_sum3A_282, %div3A_283 : f32
      %ceil3A_285 = math.ceil %div3A_284 : f32
      %mul3A_286 = arith.constant 5.120000e+02 : f32
      %mul3A_287 = arith.mulf %ceil3A_285, %mul3A_286 : f32
      %add3A_288 = vector.broadcast %add3A_263 : f32 to vector<8x1024xf32>
      %add3A_289 = arith.addf %add3A_288, %add3A_277 : vector<8x1024xf32>
      %mul3A_290 = arith.mulf %convert_element_type3A_268, %add3A_289 : vector<8x1024xf32>
      %add3A_291 = arith.addf %add3A_262, %mul3A_290 : vector<8x1024xf32>
      %add3A_292 = arith.addf %add3A_263, %mul3A_287 : f32
      %eq3A_293 = arith.constant 9 : i32
      %eq3A_294 = vector.broadcast %eq3A_293 : i32 to vector<8x1024xi32>
      %eq3A_295 = arith.cmpi eq, %get3A_22, %eq3A_294 : vector<8x1024xi32>
      %convert_element_type3A_296 = arith.extui %eq3A_295 : vector<8x1024xi1> to vector<8x1024xi32>
      %convert_element_type3A_297 = arith.sitofp %convert_element_type3A_296 : vector<8x1024xi32> to vector<8x1024xf32>
      %dot_general3A_298 = arith.constant dense<0.000000e+00> : vector<8x1024xf32>
      %dot_general3A_299 = tpu.matmul %convert_element_type3A_297, %convert_element_type3A_26, %dot_general3A_298 {dimension_numbers = #tpu.dot_dimension_numbers<[1], [0], [0], [1], [0, 0, 1, 1], [], []>, transpose_lhs_hint = false} : vector<8x1024xf32>, vector<1024x1024xf32>, vector<8x1024xf32> -> vector<8x1024xf32>
      %reduce_sum3A_300 = arith.constant dense<0.000000e+00> : vector<8xf32>
      %reduce_sum3A_301 = vector.multi_reduction <add>, %convert_element_type3A_297, %reduce_sum3A_300 [1] : vector<8x1024xf32> to vector<8xf32>
      %broadcast_in_dim3A_302 = vector.shape_cast %reduce_sum3A_301 : vector<8xf32> to vector<8x1xf32>
      %dot_general3A_303 = arith.constant dense<0.000000e+00> : vector<8x1xf32>
      %dot_general3A_304 = tpu.matmul %convert_element_type3A_31, %broadcast_in_dim3A_302, %dot_general3A_303 {dimension_numbers = #tpu.dot_dimension_numbers<[1], [0], [0], [1], [0, 0, 1, 1], [], []>, transpose_lhs_hint = false} : vector<8x8xf32>, vector<8x1xf32>, vector<8x1xf32> -> vector<8x1xf32>
      %add3A_305 = vector.broadcast %dot_general3A_304 : vector<8x1xf32> to vector<8x1024xf32>
      %add3A_306 = arith.addf %dot_general3A_299, %add3A_305 : vector<8x1024xf32>
      %reduce_sum3A_307 = vector.shape_cast %broadcast_in_dim3A_302 : vector<8x1xf32> to vector<1x8x1xf32>
      %reduce_sum3A_308 = arith.constant dense<0.000000e+00> : vector<1xf32>
      %reduce_sum3A_309 = vector.multi_reduction <add>, %reduce_sum3A_307, %reduce_sum3A_308 [1, 2] : vector<1x8x1xf32> to vector<1xf32>
      %reduce_sum3A_310 = vector.shape_cast %reduce_sum3A_309 : vector<1xf32> to vector<1x1x1xf32>
      %reduce_sum3A_311 = vector.extract %reduce_sum3A_310[0, 0, 0] : f32 from vector<1x1x1xf32>
      %div3A_312 = arith.constant 5.120000e+02 : f32
      %div3A_313 = arith.divf %reduce_sum3A_311, %div3A_312 : f32
      %ceil3A_314 = math.ceil %div3A_313 : f32
      %mul3A_315 = arith.constant 5.120000e+02 : f32
      %mul3A_316 = arith.mulf %ceil3A_314, %mul3A_315 : f32
      %add3A_317 = vector.broadcast %add3A_292 : f32 to vector<8x1024xf32>
      %add3A_318 = arith.addf %add3A_317, %add3A_306 : vector<8x1024xf32>
      %mul3A_319 = arith.mulf %convert_element_type3A_297, %add3A_318 : vector<8x1024xf32>
      %add3A_320 = arith.addf %add3A_291, %mul3A_319 : vector<8x1024xf32>
      %add3A_321 = arith.addf %add3A_292, %mul3A_316 : f32
      %eq3A_322 = arith.constant 10 : i32
      %eq3A_323 = vector.broadcast %eq3A_322 : i32 to vector<8x1024xi32>
      %eq3A_324 = arith.cmpi eq, %get3A_22, %eq3A_323 : vector<8x1024xi32>
      %convert_element_type3A_325 = arith.extui %eq3A_324 : vector<8x1024xi1> to vector<8x1024xi32>
      %convert_element_type3A_326 = arith.sitofp %convert_element_type3A_325 : vector<8x1024xi32> to vector<8x1024xf32>
      %dot_general3A_327 = arith.constant dense<0.000000e+00> : vector<8x1024xf32>
      %dot_general3A_328 = tpu.matmul %convert_element_type3A_326, %convert_element_type3A_26, %dot_general3A_327 {dimension_numbers = #tpu.dot_dimension_numbers<[1], [0], [0], [1], [0, 0, 1, 1], [], []>, transpose_lhs_hint = false} : vector<8x1024xf32>, vector<1024x1024xf32>, vector<8x1024xf32> -> vector<8x1024xf32>
      %reduce_sum3A_329 = arith.constant dense<0.000000e+00> : vector<8xf32>
      %reduce_sum3A_330 = vector.multi_reduction <add>, %convert_element_type3A_326, %reduce_sum3A_329 [1] : vector<8x1024xf32> to vector<8xf32>
      %broadcast_in_dim3A_331 = vector.shape_cast %reduce_sum3A_330 : vector<8xf32> to vector<8x1xf32>
      %dot_general3A_332 = arith.constant dense<0.000000e+00> : vector<8x1xf32>
      %dot_general3A_333 = tpu.matmul %convert_element_type3A_31, %broadcast_in_dim3A_331, %dot_general3A_332 {dimension_numbers = #tpu.dot_dimension_numbers<[1], [0], [0], [1], [0, 0, 1, 1], [], []>, transpose_lhs_hint = false} : vector<8x8xf32>, vector<8x1xf32>, vector<8x1xf32> -> vector<8x1xf32>
      %add3A_334 = vector.broadcast %dot_general3A_333 : vector<8x1xf32> to vector<8x1024xf32>
      %add3A_335 = arith.addf %dot_general3A_328, %add3A_334 : vector<8x1024xf32>
      %reduce_sum3A_336 = vector.shape_cast %broadcast_in_dim3A_331 : vector<8x1xf32> to vector<1x8x1xf32>
      %reduce_sum3A_337 = arith.constant dense<0.000000e+00> : vector<1xf32>
      %reduce_sum3A_338 = vector.multi_reduction <add>, %reduce_sum3A_336, %reduce_sum3A_337 [1, 2] : vector<1x8x1xf32> to vector<1xf32>
      %reduce_sum3A_339 = vector.shape_cast %reduce_sum3A_338 : vector<1xf32> to vector<1x1x1xf32>
      %reduce_sum3A_340 = vector.extract %reduce_sum3A_339[0, 0, 0] : f32 from vector<1x1x1xf32>
      %div3A_341 = arith.constant 5.120000e+02 : f32
      %div3A_342 = arith.divf %reduce_sum3A_340, %div3A_341 : f32
      %ceil3A_343 = math.ceil %div3A_342 : f32
      %mul3A_344 = arith.constant 5.120000e+02 : f32
      %mul3A_345 = arith.mulf %ceil3A_343, %mul3A_344 : f32
      %add3A_346 = vector.broadcast %add3A_321 : f32 to vector<8x1024xf32>
      %add3A_347 = arith.addf %add3A_346, %add3A_335 : vector<8x1024xf32>
      %mul3A_348 = arith.mulf %convert_element_type3A_326, %add3A_347 : vector<8x1024xf32>
      %add3A_349 = arith.addf %add3A_320, %mul3A_348 : vector<8x1024xf32>
      %add3A_350 = arith.addf %add3A_321, %mul3A_345 : f32
      %eq3A_351 = arith.constant 11 : i32
      %eq3A_352 = vector.broadcast %eq3A_351 : i32 to vector<8x1024xi32>
      %eq3A_353 = arith.cmpi eq, %get3A_22, %eq3A_352 : vector<8x1024xi32>
      %convert_element_type3A_354 = arith.extui %eq3A_353 : vector<8x1024xi1> to vector<8x1024xi32>
      %convert_element_type3A_355 = arith.sitofp %convert_element_type3A_354 : vector<8x1024xi32> to vector<8x1024xf32>
      %dot_general3A_356 = arith.constant dense<0.000000e+00> : vector<8x1024xf32>
      %dot_general3A_357 = tpu.matmul %convert_element_type3A_355, %convert_element_type3A_26, %dot_general3A_356 {dimension_numbers = #tpu.dot_dimension_numbers<[1], [0], [0], [1], [0, 0, 1, 1], [], []>, transpose_lhs_hint = false} : vector<8x1024xf32>, vector<1024x1024xf32>, vector<8x1024xf32> -> vector<8x1024xf32>
      %reduce_sum3A_358 = arith.constant dense<0.000000e+00> : vector<8xf32>
      %reduce_sum3A_359 = vector.multi_reduction <add>, %convert_element_type3A_355, %reduce_sum3A_358 [1] : vector<8x1024xf32> to vector<8xf32>
      %broadcast_in_dim3A_360 = vector.shape_cast %reduce_sum3A_359 : vector<8xf32> to vector<8x1xf32>
      %dot_general3A_361 = arith.constant dense<0.000000e+00> : vector<8x1xf32>
      %dot_general3A_362 = tpu.matmul %convert_element_type3A_31, %broadcast_in_dim3A_360, %dot_general3A_361 {dimension_numbers = #tpu.dot_dimension_numbers<[1], [0], [0], [1], [0, 0, 1, 1], [], []>, transpose_lhs_hint = false} : vector<8x8xf32>, vector<8x1xf32>, vector<8x1xf32> -> vector<8x1xf32>
      %add3A_363 = vector.broadcast %dot_general3A_362 : vector<8x1xf32> to vector<8x1024xf32>
      %add3A_364 = arith.addf %dot_general3A_357, %add3A_363 : vector<8x1024xf32>
      %reduce_sum3A_365 = vector.shape_cast %broadcast_in_dim3A_360 : vector<8x1xf32> to vector<1x8x1xf32>
      %reduce_sum3A_366 = arith.constant dense<0.000000e+00> : vector<1xf32>
      %reduce_sum3A_367 = vector.multi_reduction <add>, %reduce_sum3A_365, %reduce_sum3A_366 [1, 2] : vector<1x8x1xf32> to vector<1xf32>
      %reduce_sum3A_368 = vector.shape_cast %reduce_sum3A_367 : vector<1xf32> to vector<1x1x1xf32>
      %reduce_sum3A_369 = vector.extract %reduce_sum3A_368[0, 0, 0] : f32 from vector<1x1x1xf32>
      %div3A_370 = arith.constant 5.120000e+02 : f32
      %div3A_371 = arith.divf %reduce_sum3A_369, %div3A_370 : f32
      %ceil3A_372 = math.ceil %div3A_371 : f32
      %mul3A_373 = arith.constant 5.120000e+02 : f32
      %mul3A_374 = arith.mulf %ceil3A_372, %mul3A_373 : f32
      %add3A_375 = vector.broadcast %add3A_350 : f32 to vector<8x1024xf32>
      %add3A_376 = arith.addf %add3A_375, %add3A_364 : vector<8x1024xf32>
      %mul3A_377 = arith.mulf %convert_element_type3A_355, %add3A_376 : vector<8x1024xf32>
      %add3A_378 = arith.addf %add3A_349, %mul3A_377 : vector<8x1024xf32>
      %add3A_379 = arith.addf %add3A_350, %mul3A_374 : f32
      %eq3A_380 = arith.constant 12 : i32
      %eq3A_381 = vector.broadcast %eq3A_380 : i32 to vector<8x1024xi32>
      %eq3A_382 = arith.cmpi eq, %get3A_22, %eq3A_381 : vector<8x1024xi32>
      %convert_element_type3A_383 = arith.extui %eq3A_382 : vector<8x1024xi1> to vector<8x1024xi32>
      %convert_element_type3A_384 = arith.sitofp %convert_element_type3A_383 : vector<8x1024xi32> to vector<8x1024xf32>
      %dot_general3A_385 = arith.constant dense<0.000000e+00> : vector<8x1024xf32>
      %dot_general3A_386 = tpu.matmul %convert_element_type3A_384, %convert_element_type3A_26, %dot_general3A_385 {dimension_numbers = #tpu.dot_dimension_numbers<[1], [0], [0], [1], [0, 0, 1, 1], [], []>, transpose_lhs_hint = false} : vector<8x1024xf32>, vector<1024x1024xf32>, vector<8x1024xf32> -> vector<8x1024xf32>
      %reduce_sum3A_387 = arith.constant dense<0.000000e+00> : vector<8xf32>
      %reduce_sum3A_388 = vector.multi_reduction <add>, %convert_element_type3A_384, %reduce_sum3A_387 [1] : vector<8x1024xf32> to vector<8xf32>
      %broadcast_in_dim3A_389 = vector.shape_cast %reduce_sum3A_388 : vector<8xf32> to vector<8x1xf32>
      %dot_general3A_390 = arith.constant dense<0.000000e+00> : vector<8x1xf32>
      %dot_general3A_391 = tpu.matmul %convert_element_type3A_31, %broadcast_in_dim3A_389, %dot_general3A_390 {dimension_numbers = #tpu.dot_dimension_numbers<[1], [0], [0], [1], [0, 0, 1, 1], [], []>, transpose_lhs_hint = false} : vector<8x8xf32>, vector<8x1xf32>, vector<8x1xf32> -> vector<8x1xf32>
      %add3A_392 = vector.broadcast %dot_general3A_391 : vector<8x1xf32> to vector<8x1024xf32>
      %add3A_393 = arith.addf %dot_general3A_386, %add3A_392 : vector<8x1024xf32>
      %reduce_sum3A_394 = vector.shape_cast %broadcast_in_dim3A_389 : vector<8x1xf32> to vector<1x8x1xf32>
      %reduce_sum3A_395 = arith.constant dense<0.000000e+00> : vector<1xf32>
      %reduce_sum3A_396 = vector.multi_reduction <add>, %reduce_sum3A_394, %reduce_sum3A_395 [1, 2] : vector<1x8x1xf32> to vector<1xf32>
      %reduce_sum3A_397 = vector.shape_cast %reduce_sum3A_396 : vector<1xf32> to vector<1x1x1xf32>
      %reduce_sum3A_398 = vector.extract %reduce_sum3A_397[0, 0, 0] : f32 from vector<1x1x1xf32>
      %div3A_399 = arith.constant 5.120000e+02 : f32
      %div3A_400 = arith.divf %reduce_sum3A_398, %div3A_399 : f32
      %ceil3A_401 = math.ceil %div3A_400 : f32
      %mul3A_402 = arith.constant 5.120000e+02 : f32
      %mul3A_403 = arith.mulf %ceil3A_401, %mul3A_402 : f32
      %add3A_404 = vector.broadcast %add3A_379 : f32 to vector<8x1024xf32>
      %add3A_405 = arith.addf %add3A_404, %add3A_393 : vector<8x1024xf32>
      %mul3A_406 = arith.mulf %convert_element_type3A_384, %add3A_405 : vector<8x1024xf32>
      %add3A_407 = arith.addf %add3A_378, %mul3A_406 : vector<8x1024xf32>
      %add3A_408 = arith.addf %add3A_379, %mul3A_403 : f32
      %eq3A_409 = arith.constant 13 : i32
      %eq3A_410 = vector.broadcast %eq3A_409 : i32 to vector<8x1024xi32>
      %eq3A_411 = arith.cmpi eq, %get3A_22, %eq3A_410 : vector<8x1024xi32>
      %convert_element_type3A_412 = arith.extui %eq3A_411 : vector<8x1024xi1> to vector<8x1024xi32>
      %convert_element_type3A_413 = arith.sitofp %convert_element_type3A_412 : vector<8x1024xi32> to vector<8x1024xf32>
      %dot_general3A_414 = arith.constant dense<0.000000e+00> : vector<8x1024xf32>
      %dot_general3A_415 = tpu.matmul %convert_element_type3A_413, %convert_element_type3A_26, %dot_general3A_414 {dimension_numbers = #tpu.dot_dimension_numbers<[1], [0], [0], [1], [0, 0, 1, 1], [], []>, transpose_lhs_hint = false} : vector<8x1024xf32>, vector<1024x1024xf32>, vector<8x1024xf32> -> vector<8x1024xf32>
      %reduce_sum3A_416 = arith.constant dense<0.000000e+00> : vector<8xf32>
      %reduce_sum3A_417 = vector.multi_reduction <add>, %convert_element_type3A_413, %reduce_sum3A_416 [1] : vector<8x1024xf32> to vector<8xf32>
      %broadcast_in_dim3A_418 = vector.shape_cast %reduce_sum3A_417 : vector<8xf32> to vector<8x1xf32>
      %dot_general3A_419 = arith.constant dense<0.000000e+00> : vector<8x1xf32>
      %dot_general3A_420 = tpu.matmul %convert_element_type3A_31, %broadcast_in_dim3A_418, %dot_general3A_419 {dimension_numbers = #tpu.dot_dimension_numbers<[1], [0], [0], [1], [0, 0, 1, 1], [], []>, transpose_lhs_hint = false} : vector<8x8xf32>, vector<8x1xf32>, vector<8x1xf32> -> vector<8x1xf32>
      %add3A_421 = vector.broadcast %dot_general3A_420 : vector<8x1xf32> to vector<8x1024xf32>
      %add3A_422 = arith.addf %dot_general3A_415, %add3A_421 : vector<8x1024xf32>
      %reduce_sum3A_423 = vector.shape_cast %broadcast_in_dim3A_418 : vector<8x1xf32> to vector<1x8x1xf32>
      %reduce_sum3A_424 = arith.constant dense<0.000000e+00> : vector<1xf32>
      %reduce_sum3A_425 = vector.multi_reduction <add>, %reduce_sum3A_423, %reduce_sum3A_424 [1, 2] : vector<1x8x1xf32> to vector<1xf32>
      %reduce_sum3A_426 = vector.shape_cast %reduce_sum3A_425 : vector<1xf32> to vector<1x1x1xf32>
      %reduce_sum3A_427 = vector.extract %reduce_sum3A_426[0, 0, 0] : f32 from vector<1x1x1xf32>
      %div3A_428 = arith.constant 5.120000e+02 : f32
      %div3A_429 = arith.divf %reduce_sum3A_427, %div3A_428 : f32
      %ceil3A_430 = math.ceil %div3A_429 : f32
      %mul3A_431 = arith.constant 5.120000e+02 : f32
      %mul3A_432 = arith.mulf %ceil3A_430, %mul3A_431 : f32
      %add3A_433 = vector.broadcast %add3A_408 : f32 to vector<8x1024xf32>
      %add3A_434 = arith.addf %add3A_433, %add3A_422 : vector<8x1024xf32>
      %mul3A_435 = arith.mulf %convert_element_type3A_413, %add3A_434 : vector<8x1024xf32>
      %add3A_436 = arith.addf %add3A_407, %mul3A_435 : vector<8x1024xf32>
      %add3A_437 = arith.addf %add3A_408, %mul3A_432 : f32
      %eq3A_438 = arith.constant 14 : i32
      %eq3A_439 = vector.broadcast %eq3A_438 : i32 to vector<8x1024xi32>
      %eq3A_440 = arith.cmpi eq, %get3A_22, %eq3A_439 : vector<8x1024xi32>
      %convert_element_type3A_441 = arith.extui %eq3A_440 : vector<8x1024xi1> to vector<8x1024xi32>
      %convert_element_type3A_442 = arith.sitofp %convert_element_type3A_441 : vector<8x1024xi32> to vector<8x1024xf32>
      %dot_general3A_443 = arith.constant dense<0.000000e+00> : vector<8x1024xf32>
      %dot_general3A_444 = tpu.matmul %convert_element_type3A_442, %convert_element_type3A_26, %dot_general3A_443 {dimension_numbers = #tpu.dot_dimension_numbers<[1], [0], [0], [1], [0, 0, 1, 1], [], []>, transpose_lhs_hint = false} : vector<8x1024xf32>, vector<1024x1024xf32>, vector<8x1024xf32> -> vector<8x1024xf32>
      %reduce_sum3A_445 = arith.constant dense<0.000000e+00> : vector<8xf32>
      %reduce_sum3A_446 = vector.multi_reduction <add>, %convert_element_type3A_442, %reduce_sum3A_445 [1] : vector<8x1024xf32> to vector<8xf32>
      %broadcast_in_dim3A_447 = vector.shape_cast %reduce_sum3A_446 : vector<8xf32> to vector<8x1xf32>
      %dot_general3A_448 = arith.constant dense<0.000000e+00> : vector<8x1xf32>
      %dot_general3A_449 = tpu.matmul %convert_element_type3A_31, %broadcast_in_dim3A_447, %dot_general3A_448 {dimension_numbers = #tpu.dot_dimension_numbers<[1], [0], [0], [1], [0, 0, 1, 1], [], []>, transpose_lhs_hint = false} : vector<8x8xf32>, vector<8x1xf32>, vector<8x1xf32> -> vector<8x1xf32>
      %add3A_450 = vector.broadcast %dot_general3A_449 : vector<8x1xf32> to vector<8x1024xf32>
      %add3A_451 = arith.addf %dot_general3A_444, %add3A_450 : vector<8x1024xf32>
      %reduce_sum3A_452 = vector.shape_cast %broadcast_in_dim3A_447 : vector<8x1xf32> to vector<1x8x1xf32>
      %reduce_sum3A_453 = arith.constant dense<0.000000e+00> : vector<1xf32>
      %reduce_sum3A_454 = vector.multi_reduction <add>, %reduce_sum3A_452, %reduce_sum3A_453 [1, 2] : vector<1x8x1xf32> to vector<1xf32>
      %reduce_sum3A_455 = vector.shape_cast %reduce_sum3A_454 : vector<1xf32> to vector<1x1x1xf32>
      %reduce_sum3A_456 = vector.extract %reduce_sum3A_455[0, 0, 0] : f32 from vector<1x1x1xf32>
      %div3A_457 = arith.constant 5.120000e+02 : f32
      %div3A_458 = arith.divf %reduce_sum3A_456, %div3A_457 : f32
      %ceil3A_459 = math.ceil %div3A_458 : f32
      %mul3A_460 = arith.constant 5.120000e+02 : f32
      %mul3A_461 = arith.mulf %ceil3A_459, %mul3A_460 : f32
      %add3A_462 = vector.broadcast %add3A_437 : f32 to vector<8x1024xf32>
      %add3A_463 = arith.addf %add3A_462, %add3A_451 : vector<8x1024xf32>
      %mul3A_464 = arith.mulf %convert_element_type3A_442, %add3A_463 : vector<8x1024xf32>
      %add3A_465 = arith.addf %add3A_436, %mul3A_464 : vector<8x1024xf32>
      %add3A_466 = arith.addf %add3A_437, %mul3A_461 : f32
      %eq3A_467 = arith.constant 15 : i32
      %eq3A_468 = vector.broadcast %eq3A_467 : i32 to vector<8x1024xi32>
      %eq3A_469 = arith.cmpi eq, %get3A_22, %eq3A_468 : vector<8x1024xi32>
      %convert_element_type3A_470 = arith.extui %eq3A_469 : vector<8x1024xi1> to vector<8x1024xi32>
      %convert_element_type3A_471 = arith.sitofp %convert_element_type3A_470 : vector<8x1024xi32> to vector<8x1024xf32>
      %dot_general3A_472 = arith.constant dense<0.000000e+00> : vector<8x1024xf32>
      %dot_general3A_473 = tpu.matmul %convert_element_type3A_471, %convert_element_type3A_26, %dot_general3A_472 {dimension_numbers = #tpu.dot_dimension_numbers<[1], [0], [0], [1], [0, 0, 1, 1], [], []>, transpose_lhs_hint = false} : vector<8x1024xf32>, vector<1024x1024xf32>, vector<8x1024xf32> -> vector<8x1024xf32>
      %reduce_sum3A_474 = arith.constant dense<0.000000e+00> : vector<8xf32>
      %reduce_sum3A_475 = vector.multi_reduction <add>, %convert_element_type3A_471, %reduce_sum3A_474 [1] : vector<8x1024xf32> to vector<8xf32>
      %broadcast_in_dim3A_476 = vector.shape_cast %reduce_sum3A_475 : vector<8xf32> to vector<8x1xf32>
      %dot_general3A_477 = arith.constant dense<0.000000e+00> : vector<8x1xf32>
      %dot_general3A_478 = tpu.matmul %convert_element_type3A_31, %broadcast_in_dim3A_476, %dot_general3A_477 {dimension_numbers = #tpu.dot_dimension_numbers<[1], [0], [0], [1], [0, 0, 1, 1], [], []>, transpose_lhs_hint = false} : vector<8x8xf32>, vector<8x1xf32>, vector<8x1xf32> -> vector<8x1xf32>
      %add3A_479 = vector.broadcast %dot_general3A_478 : vector<8x1xf32> to vector<8x1024xf32>
      %add3A_480 = arith.addf %dot_general3A_473, %add3A_479 : vector<8x1024xf32>
      %reduce_sum3A_481 = vector.shape_cast %broadcast_in_dim3A_476 : vector<8x1xf32> to vector<1x8x1xf32>
      %reduce_sum3A_482 = arith.constant dense<0.000000e+00> : vector<1xf32>
      %reduce_sum3A_483 = vector.multi_reduction <add>, %reduce_sum3A_481, %reduce_sum3A_482 [1, 2] : vector<1x8x1xf32> to vector<1xf32>
      %reduce_sum3A_484 = vector.shape_cast %reduce_sum3A_483 : vector<1xf32> to vector<1x1x1xf32>
      %reduce_sum3A_485 = vector.extract %reduce_sum3A_484[0, 0, 0] : f32 from vector<1x1x1xf32>
      %div3A_486 = arith.constant 5.120000e+02 : f32
      %div3A_487 = arith.divf %reduce_sum3A_485, %div3A_486 : f32
      %ceil3A_488 = math.ceil %div3A_487 : f32
      %mul3A_489 = arith.constant 5.120000e+02 : f32
      %mul3A_490 = arith.mulf %ceil3A_488, %mul3A_489 : f32
      %add3A_491 = vector.broadcast %add3A_466 : f32 to vector<8x1024xf32>
      %add3A_492 = arith.addf %add3A_491, %add3A_480 : vector<8x1024xf32>
      %mul3A_493 = arith.mulf %convert_element_type3A_471, %add3A_492 : vector<8x1024xf32>
      %add3A_494 = arith.addf %add3A_465, %mul3A_493 : vector<8x1024xf32>
      %add3A_495 = arith.addf %add3A_466, %mul3A_490 : f32
      %convert_element_type3A_496 = arith.fptosi %add3A_494 : vector<8x1024xf32> to vector<8x1024xi32>
      %swap3A_497 = arith.constant 0 : index
      %swap3A_498 = arith.constant 0 : index
      %swap3A_499 = vector.load %arg4[%swap3A_497, %swap3A_498] : memref<8x1024xi32, #tpu.memory_space<vmem>>, vector<8x1024xi32>
      tpu.vector_store %arg4[%swap3A_497, %swap3A_498], %convert_element_type3A_496 {strides = array<i32>} : memref<8x1024xi32, #tpu.memory_space<vmem>>, vector<8x1024xi32>,
      %iota3A_500 = tpu.iota {dimensions = array<i32: 1>} : vector<1x128xi32>
      %mul3A_501 = arith.constant 512 : i32
      %mul3A_502 = vector.broadcast %mul3A_501 : i32 to vector<1x128xi32>
      %mul3A_503 = arith.muli %iota3A_500, %mul3A_502 : vector<1x128xi32>
      %broadcast_in_dim3A_504 = arith.constant 0 : i32
      %broadcast_in_dim3A_505 = vector.broadcast %broadcast_in_dim3A_504 : i32 to vector<1x128xi32>
      %convert_element_type3A_506 = arith.fptosi %add3A_60 : f32 to i32
      %le3A = vector.broadcast %convert_element_type3A_506 : i32 to vector<1x128xi32>
      %le3A_507 = arith.cmpi sle, %le3A, %mul3A_503 : vector<1x128xi32>
      %convert_element_type3A_508 = arith.extui %le3A_507 : vector<1x128xi1> to vector<1x128xi32>
      %add3A_509 = arith.addi %broadcast_in_dim3A_505, %convert_element_type3A_508 : vector<1x128xi32>
      %gt3A = arith.constant 0.000000e+00 : f32
      %gt3A_510 = arith.cmpf ogt, %reduce_sum3A_51, %gt3A : f32
      %convert_element_type3A_511 = arith.extui %gt3A_510 : i1 to i32
      %mul3A_512 = arith.constant 0 : i32
      %mul3A_513 = arith.muli %mul3A_512, %convert_element_type3A_511 : i32
      %max3A = arith.constant 0 : i32
      %max3A_514 = arith.maxsi %max3A, %mul3A_513 : i32
      %convert_element_type3A_515 = arith.fptosi %add3A_89 : f32 to i32
      %le3A_516 = vector.broadcast %convert_element_type3A_515 : i32 to vector<1x128xi32>
      %le3A_517 = arith.cmpi sle, %le3A_516, %mul3A_503 : vector<1x128xi32>
      %convert_element_type3A_518 = arith.extui %le3A_517 : vector<1x128xi1> to vector<1x128xi32>
      %add3A_519 = arith.addi %add3A_509, %convert_element_type3A_518 : vector<1x128xi32>
      %gt3A_520 = arith.constant 0.000000e+00 : f32
      %gt3A_521 = arith.cmpf ogt, %reduce_sum3A_79, %gt3A_520 : f32
      %convert_element_type3A_522 = arith.extui %gt3A_521 : i1 to i32
      %mul3A_523 = arith.constant 1 : i32
      %mul3A_524 = arith.muli %mul3A_523, %convert_element_type3A_522 : i32
      %max3A_525 = arith.maxsi %max3A_514, %mul3A_524 : i32
      %convert_element_type3A_526 = arith.fptosi %add3A_118 : f32 to i32
      %le3A_527 = vector.broadcast %convert_element_type3A_526 : i32 to vector<1x128xi32>
      %le3A_528 = arith.cmpi sle, %le3A_527, %mul3A_503 : vector<1x128xi32>
      %convert_element_type3A_529 = arith.extui %le3A_528 : vector<1x128xi1> to vector<1x128xi32>
      %add3A_530 = arith.addi %add3A_519, %convert_element_type3A_529 : vector<1x128xi32>
      %gt3A_531 = arith.constant 0.000000e+00 : f32
      %gt3A_532 = arith.cmpf ogt, %reduce_sum3A_108, %gt3A_531 : f32
      %convert_element_type3A_533 = arith.extui %gt3A_532 : i1 to i32
      %mul3A_534 = arith.constant 2 : i32
      %mul3A_535 = arith.muli %mul3A_534, %convert_element_type3A_533 : i32
      %max3A_536 = arith.maxsi %max3A_525, %mul3A_535 : i32
      %convert_element_type3A_537 = arith.fptosi %add3A_147 : f32 to i32
      %le3A_538 = vector.broadcast %convert_element_type3A_537 : i32 to vector<1x128xi32>
      %le3A_539 = arith.cmpi sle, %le3A_538, %mul3A_503 : vector<1x128xi32>
      %convert_element_type3A_540 = arith.extui %le3A_539 : vector<1x128xi1> to vector<1x128xi32>
      %add3A_541 = arith.addi %add3A_530, %convert_element_type3A_540 : vector<1x128xi32>
      %gt3A_542 = arith.constant 0.000000e+00 : f32
      %gt3A_543 = arith.cmpf ogt, %reduce_sum3A_137, %gt3A_542 : f32
      %convert_element_type3A_544 = arith.extui %gt3A_543 : i1 to i32
      %mul3A_545 = arith.constant 3 : i32
      %mul3A_546 = arith.muli %mul3A_545, %convert_element_type3A_544 : i32
      %max3A_547 = arith.maxsi %max3A_536, %mul3A_546 : i32
      %convert_element_type3A_548 = arith.fptosi %add3A_176 : f32 to i32
      %le3A_549 = vector.broadcast %convert_element_type3A_548 : i32 to vector<1x128xi32>
      %le3A_550 = arith.cmpi sle, %le3A_549, %mul3A_503 : vector<1x128xi32>
      %convert_element_type3A_551 = arith.extui %le3A_550 : vector<1x128xi1> to vector<1x128xi32>
      %add3A_552 = arith.addi %add3A_541, %convert_element_type3A_551 : vector<1x128xi32>
      %gt3A_553 = arith.constant 0.000000e+00 : f32
      %gt3A_554 = arith.cmpf ogt, %reduce_sum3A_166, %gt3A_553 : f32
      %convert_element_type3A_555 = arith.extui %gt3A_554 : i1 to i32
      %mul3A_556 = arith.constant 4 : i32
      %mul3A_557 = arith.muli %mul3A_556, %convert_element_type3A_555 : i32
      %max3A_558 = arith.maxsi %max3A_547, %mul3A_557 : i32
      %convert_element_type3A_559 = arith.fptosi %add3A_205 : f32 to i32
      %le3A_560 = vector.broadcast %convert_element_type3A_559 : i32 to vector<1x128xi32>
      %le3A_561 = arith.cmpi sle, %le3A_560, %mul3A_503 : vector<1x128xi32>
      %convert_element_type3A_562 = arith.extui %le3A_561 : vector<1x128xi1> to vector<1x128xi32>
      %add3A_563 = arith.addi %add3A_552, %convert_element_type3A_562 : vector<1x128xi32>
      %gt3A_564 = arith.constant 0.000000e+00 : f32
      %gt3A_565 = arith.cmpf ogt, %reduce_sum3A_195, %gt3A_564 : f32
      %convert_element_type3A_566 = arith.extui %gt3A_565 : i1 to i32
      %mul3A_567 = arith.constant 5 : i32
      %mul3A_568 = arith.muli %mul3A_567, %convert_element_type3A_566 : i32
      %max3A_569 = arith.maxsi %max3A_558, %mul3A_568 : i32
      %convert_element_type3A_570 = arith.fptosi %add3A_234 : f32 to i32
      %le3A_571 = vector.broadcast %convert_element_type3A_570 : i32 to vector<1x128xi32>
      %le3A_572 = arith.cmpi sle, %le3A_571, %mul3A_503 : vector<1x128xi32>
      %convert_element_type3A_573 = arith.extui %le3A_572 : vector<1x128xi1> to vector<1x128xi32>
      %add3A_574 = arith.addi %add3A_563, %convert_element_type3A_573 : vector<1x128xi32>
      %gt3A_575 = arith.constant 0.000000e+00 : f32
      %gt3A_576 = arith.cmpf ogt, %reduce_sum3A_224, %gt3A_575 : f32
      %convert_element_type3A_577 = arith.extui %gt3A_576 : i1 to i32
      %mul3A_578 = arith.constant 6 : i32
      %mul3A_579 = arith.muli %mul3A_578, %convert_element_type3A_577 : i32
      %max3A_580 = arith.maxsi %max3A_569, %mul3A_579 : i32
      %convert_element_type3A_581 = arith.fptosi %add3A_263 : f32 to i32
      %le3A_582 = vector.broadcast %convert_element_type3A_581 : i32 to vector<1x128xi32>
      %le3A_583 = arith.cmpi sle, %le3A_582, %mul3A_503 : vector<1x128xi32>
      %convert_element_type3A_584 = arith.extui %le3A_583 : vector<1x128xi1> to vector<1x128xi32>
      %add3A_585 = arith.addi %add3A_574, %convert_element_type3A_584 : vector<1x128xi32>
      %gt3A_586 = arith.constant 0.000000e+00 : f32
      %gt3A_587 = arith.cmpf ogt, %reduce_sum3A_253, %gt3A_586 : f32
      %convert_element_type3A_588 = arith.extui %gt3A_587 : i1 to i32
      %mul3A_589 = arith.constant 7 : i32
      %mul3A_590 = arith.muli %mul3A_589, %convert_element_type3A_588 : i32
      %max3A_591 = arith.maxsi %max3A_580, %mul3A_590 : i32
      %convert_element_type3A_592 = arith.fptosi %add3A_292 : f32 to i32
      %le3A_593 = vector.broadcast %convert_element_type3A_592 : i32 to vector<1x128xi32>
      %le3A_594 = arith.cmpi sle, %le3A_593, %mul3A_503 : vector<1x128xi32>
      %convert_element_type3A_595 = arith.extui %le3A_594 : vector<1x128xi1> to vector<1x128xi32>
      %add3A_596 = arith.addi %add3A_585, %convert_element_type3A_595 : vector<1x128xi32>
      %gt3A_597 = arith.constant 0.000000e+00 : f32
      %gt3A_598 = arith.cmpf ogt, %reduce_sum3A_282, %gt3A_597 : f32
      %convert_element_type3A_599 = arith.extui %gt3A_598 : i1 to i32
      %mul3A_600 = arith.constant 8 : i32
      %mul3A_601 = arith.muli %mul3A_600, %convert_element_type3A_599 : i32
      %max3A_602 = arith.maxsi %max3A_591, %mul3A_601 : i32
      %convert_element_type3A_603 = arith.fptosi %add3A_321 : f32 to i32
      %le3A_604 = vector.broadcast %convert_element_type3A_603 : i32 to vector<1x128xi32>
      %le3A_605 = arith.cmpi sle, %le3A_604, %mul3A_503 : vector<1x128xi32>
      %convert_element_type3A_606 = arith.extui %le3A_605 : vector<1x128xi1> to vector<1x128xi32>
      %add3A_607 = arith.addi %add3A_596, %convert_element_type3A_606 : vector<1x128xi32>
      %gt3A_608 = arith.constant 0.000000e+00 : f32
      %gt3A_609 = arith.cmpf ogt, %reduce_sum3A_311, %gt3A_608 : f32
      %convert_element_type3A_610 = arith.extui %gt3A_609 : i1 to i32
      %mul3A_611 = arith.constant 9 : i32
      %mul3A_612 = arith.muli %mul3A_611, %convert_element_type3A_610 : i32
      %max3A_613 = arith.maxsi %max3A_602, %mul3A_612 : i32
      %convert_element_type3A_614 = arith.fptosi %add3A_350 : f32 to i32
      %le3A_615 = vector.broadcast %convert_element_type3A_614 : i32 to vector<1x128xi32>
      %le3A_616 = arith.cmpi sle, %le3A_615, %mul3A_503 : vector<1x128xi32>
      %convert_element_type3A_617 = arith.extui %le3A_616 : vector<1x128xi1> to vector<1x128xi32>
      %add3A_618 = arith.addi %add3A_607, %convert_element_type3A_617 : vector<1x128xi32>
      %gt3A_619 = arith.constant 0.000000e+00 : f32
      %gt3A_620 = arith.cmpf ogt, %reduce_sum3A_340, %gt3A_619 : f32
      %convert_element_type3A_621 = arith.extui %gt3A_620 : i1 to i32
      %mul3A_622 = arith.constant 10 : i32
      %mul3A_623 = arith.muli %mul3A_622, %convert_element_type3A_621 : i32
      %max3A_624 = arith.maxsi %max3A_613, %mul3A_623 : i32
      %convert_element_type3A_625 = arith.fptosi %add3A_379 : f32 to i32
      %le3A_626 = vector.broadcast %convert_element_type3A_625 : i32 to vector<1x128xi32>
      %le3A_627 = arith.cmpi sle, %le3A_626, %mul3A_503 : vector<1x128xi32>
      %convert_element_type3A_628 = arith.extui %le3A_627 : vector<1x128xi1> to vector<1x128xi32>
      %add3A_629 = arith.addi %add3A_618, %convert_element_type3A_628 : vector<1x128xi32>
      %gt3A_630 = arith.constant 0.000000e+00 : f32
      %gt3A_631 = arith.cmpf ogt, %reduce_sum3A_369, %gt3A_630 : f32
      %convert_element_type3A_632 = arith.extui %gt3A_631 : i1 to i32
      %mul3A_633 = arith.constant 11 : i32
      %mul3A_634 = arith.muli %mul3A_633, %convert_element_type3A_632 : i32
      %max3A_635 = arith.maxsi %max3A_624, %mul3A_634 : i32
      %convert_element_type3A_636 = arith.fptosi %add3A_408 : f32 to i32
      %le3A_637 = vector.broadcast %convert_element_type3A_636 : i32 to vector<1x128xi32>
      %le3A_638 = arith.cmpi sle, %le3A_637, %mul3A_503 : vector<1x128xi32>
      %convert_element_type3A_639 = arith.extui %le3A_638 : vector<1x128xi1> to vector<1x128xi32>
      %add3A_640 = arith.addi %add3A_629, %convert_element_type3A_639 : vector<1x128xi32>
      %gt3A_641 = arith.constant 0.000000e+00 : f32
      %gt3A_642 = arith.cmpf ogt, %reduce_sum3A_398, %gt3A_641 : f32
      %convert_element_type3A_643 = arith.extui %gt3A_642 : i1 to i32
      %mul3A_644 = arith.constant 12 : i32
      %mul3A_645 = arith.muli %mul3A_644, %convert_element_type3A_643 : i32
      %max3A_646 = arith.maxsi %max3A_635, %mul3A_645 : i32
      %convert_element_type3A_647 = arith.fptosi %add3A_437 : f32 to i32
      %le3A_648 = vector.broadcast %convert_element_type3A_647 : i32 to vector<1x128xi32>
      %le3A_649 = arith.cmpi sle, %le3A_648, %mul3A_503 : vector<1x128xi32>
      %convert_element_type3A_650 = arith.extui %le3A_649 : vector<1x128xi1> to vector<1x128xi32>
      %add3A_651 = arith.addi %add3A_640, %convert_element_type3A_650 : vector<1x128xi32>
      %gt3A_652 = arith.constant 0.000000e+00 : f32
      %gt3A_653 = arith.cmpf ogt, %reduce_sum3A_427, %gt3A_652 : f32
      %convert_element_type3A_654 = arith.extui %gt3A_653 : i1 to i32
      %mul3A_655 = arith.constant 13 : i32
      %mul3A_656 = arith.muli %mul3A_655, %convert_element_type3A_654 : i32
      %max3A_657 = arith.maxsi %max3A_646, %mul3A_656 : i32
      %convert_element_type3A_658 = arith.fptosi %add3A_466 : f32 to i32
      %le3A_659 = vector.broadcast %convert_element_type3A_658 : i32 to vector<1x128xi32>
      %le3A_660 = arith.cmpi sle, %le3A_659, %mul3A_503 : vector<1x128xi32>
      %convert_element_type3A_661 = arith.extui %le3A_660 : vector<1x128xi1> to vector<1x128xi32>
      %add3A_662 = arith.addi %add3A_651, %convert_element_type3A_661 : vector<1x128xi32>
      %gt3A_663 = arith.constant 0.000000e+00 : f32
      %gt3A_664 = arith.cmpf ogt, %reduce_sum3A_456, %gt3A_663 : f32
      %convert_element_type3A_665 = arith.extui %gt3A_664 : i1 to i32
      %mul3A_666 = arith.constant 14 : i32
      %mul3A_667 = arith.muli %mul3A_666, %convert_element_type3A_665 : i32
      %max3A_668 = arith.maxsi %max3A_657, %mul3A_667 : i32
      %convert_element_type3A_669 = arith.fptosi %add3A_495 : f32 to i32
      %le3A_670 = vector.broadcast %convert_element_type3A_669 : i32 to vector<1x128xi32>
      %le3A_671 = arith.cmpi sle, %le3A_670, %mul3A_503 : vector<1x128xi32>
      %convert_element_type3A_672 = arith.extui %le3A_671 : vector<1x128xi1> to vector<1x128xi32>
      %add3A_673 = arith.addi %add3A_662, %convert_element_type3A_672 : vector<1x128xi32>
      %gt3A_674 = arith.constant 0.000000e+00 : f32
      %gt3A_675 = arith.cmpf ogt, %reduce_sum3A_485, %gt3A_674 : f32
      %convert_element_type3A_676 = arith.extui %gt3A_675 : i1 to i32
      %mul3A_677 = arith.constant 15 : i32
      %mul3A_678 = arith.muli %mul3A_677, %convert_element_type3A_676 : i32
      %max3A_679 = arith.maxsi %max3A_668, %mul3A_678 : i32
      %convert_element_type3A_680 = arith.fptosi %add3A_495 : f32 to i32
      %lt3A_681 = vector.broadcast %convert_element_type3A_680 : i32 to vector<1x128xi32>
      %lt3A_682 = arith.cmpi slt, %mul3A_503, %lt3A_681 : vector<1x128xi32>
      %convert_element_type3A_683 = arith.extui %lt3A_682 : vector<1x128xi1> to vector<1x128xi32>
      %jit3A_684 = arith.constant 512 : i32
      %div3A_685 = arith.divsi %convert_element_type3A_680, %jit3A_684 : i32
      %sign3A = arith.constant 0 : i32
      %sign3A_686 = arith.cmpi sgt, %convert_element_type3A_680, %sign3A : i32
      %sign3A_687 = arith.extui %sign3A_686 : i1 to i32
      %sign3A_688 = arith.constant 0 : i32
      %sign3A_689 = arith.cmpi slt, %convert_element_type3A_680, %sign3A_688 : i32
      %sign3A_690 = arith.extui %sign3A_689 : i1 to i32
      %sign3A_691 = arith.subi %sign3A_687, %sign3A_690 : i32
      %sign3A_692 = arith.constant 0 : i32
      %sign3A_693 = arith.cmpi sgt, %jit3A_684, %sign3A_692 : i32
      %sign3A_694 = arith.extui %sign3A_693 : i1 to i32
      %sign3A_695 = arith.constant 0 : i32
      %sign3A_696 = arith.cmpi slt, %jit3A_684, %sign3A_695 : i32
      %sign3A_697 = arith.extui %sign3A_696 : i1 to i32
      %sign3A_698 = arith.subi %sign3A_694, %sign3A_697 : i32
      %ne3A = arith.cmpi ne, %sign3A_691, %sign3A_698 : i32
      %rem3A = arith.remsi %convert_element_type3A_680, %jit3A_684 : i32
      %ne3A_699 = arith.constant 0 : i32
      %ne3A_700 = arith.cmpi ne, %rem3A, %ne3A_699 : i32
      %and3A = arith.andi %ne3A, %ne3A_700 : i1
      %sub3A = arith.constant 1 : i32
      %sub3A_701 = arith.subi %div3A_685, %sub3A : i32
      %select_n3A_702 = arith.select %and3A, %sub3A_701, %div3A_685 : i32
      %min3A = arith.constant 31 : i32
      %min3A_703 = arith.minsi %select_n3A_702, %min3A : i32
      %add3A_704 = vector.broadcast %min3A_703 : i32 to vector<1x128xi32>
      %add3A_705 = arith.addi %add3A_704, %broadcast_in_dim3A_505 : vector<1x128xi32>
      %min3A_706 = vector.broadcast %max3A_679 : i32 to vector<1x128xi32>
      %min3A_707 = arith.minsi %add3A_673, %min3A_706 : vector<1x128xi32>
      %concatenate3A = tpu.concatenate %min3A_707, %convert_element_type3A_683, %add3A_705, %broadcast_in_dim3A_505, %broadcast_in_dim3A_505, %broadcast_in_dim3A_505, %broadcast_in_dim3A_505, %broadcast_in_dim3A_505 in 0 : vector<1x128xi32>, vector<1x128xi32>, vector<1x128xi32>, vector<1x128xi32>, vector<1x128xi32>, vector<1x128xi32>, vector<1x128xi32>, vector<1x128xi32> -> vector<8x128xi32>
      %swap3A_708 = arith.constant 0 : index
      %swap3A_709 = arith.constant 0 : index
      %swap3A_710 = vector.load %arg5[%swap3A_708, %swap3A_709] : memref<8x128xi32, #tpu.memory_space<vmem>>, vector<8x128xi32>
      tpu.vector_store %arg5[%swap3A_708, %swap3A_709], %concatenate3A {strides = array<i32>} : memref<8x128xi32, #tpu.memory_space<vmem>>, vector<8x128xi32>,
    } else {
    }
    return
  }
  func.func @transform_0(%arg0: i32) -> (i32, i32) {
    %c0_i32 = arith.constant 0 : i32
    %c0_i32_0 = arith.constant 0 : i32
    return %arg0, %c0_i32 : i32, i32
  }
  func.func @transform_1(%arg0: i32) -> (i32, i32) {
    %c0_i32 = arith.constant 0 : i32
    %c0_i32_0 = arith.constant 0 : i32
    %c0_i32_1 = arith.constant 0 : i32
    return %c0_i32, %c0_i32_0 : i32, i32
  }
  func.func @transform_2(%arg0: i32) -> (i32, i32) {
    %c0_i32 = arith.constant 0 : i32
    %c0_i32_0 = arith.constant 0 : i32
    %c0_i32_1 = arith.constant 0 : i32
    return %c0_i32, %c0_i32_0 : i32, i32
  }
  func.func @transform_3(%arg0: i32) -> (i32, i32) {
    %c0_i32 = arith.constant 0 : i32
    %c0_i32_0 = arith.constant 0 : i32
    %c0_i32_1 = arith.constant 0 : i32
    return %c0_i32, %c0_i32_0 : i32, i32
  }
  func.func @transform_4(%arg0: i32) -> (i32, i32) {
    %c0_i32 = arith.constant 0 : i32
    %c0_i32_0 = arith.constant 0 : i32
    %c0_i32_1 = arith.constant 0 : i32
    return %c0_i32, %c0_i32_0 : i32, i32
  }
}

module attributes {stable_mosaic.version = 14 : i64} {
  func.func @_mlp_body(%arg0: i32, %arg1: memref<8x128xi32, #tpu.memory_space<smem>>, %arg2: memref<512x768xf32, #tpu.memory_space<vmem>>, %arg3: memref<1x768x768xf32, #tpu.memory_space<vmem>>, %arg4: memref<16x768xf32, #tpu.memory_space<vmem>>, %arg5: memref<1x768x768xf32, #tpu.memory_space<vmem>>, %arg6: memref<16x768xf32, #tpu.memory_space<vmem>>, %arg7: memref<512x768xf32, #tpu.memory_space<vmem>>) attributes {dimension_semantics = [#tpu.dimension_semantics<arbitrary>], iteration_bounds = array<i64: 32>, scalar_prefetch = 1 : i64, scratch_operands = 0 : i64, tpu.core_type = #tpu.core_type<tc>, window_params = [{transform_indices = @transform_0, window_bounds = array<i64: 512, 768>}, {transform_indices = @transform_1, window_bounds = array<i64: 1, 768, 768>}, {pipeline_mode = #tpu.pipeline_mode<synchronous>, transform_indices = @transform_2, window_bounds = array<i64: 16, 768>}, {transform_indices = @transform_3, window_bounds = array<i64: 1, 768, 768>}, {pipeline_mode = #tpu.pipeline_mode<synchronous>, transform_indices = @transform_4, window_bounds = array<i64: 16, 768>}, {transform_indices = @transform_5, window_bounds = array<i64: 512, 768>}]} {
    %get3A = arith.constant 1 : index
    %get3A_0 = arith.index_cast %arg0 : i32 to index
    %get3A_1 = memref.load %arg1[%get3A, %get3A_0] : memref<8x128xi32, #tpu.memory_space<smem>>
    %eq3A = arith.constant 1 : i32
    %eq3A_2 = arith.cmpi eq, %get3A_1, %eq3A : i32
    %convert_element_type3A = arith.extui %eq3A_2 : i1 to i32
    %cond3A = arith.constant 0 : i32
    %cond3A_3 = arith.cmpi ne, %convert_element_type3A, %cond3A : i32
    scf.if %cond3A_3 {
      %get3A_4 = arith.constant 0 : index
      %get3A_5 = arith.index_cast %arg0 : i32 to index
      %get3A_6 = memref.load %arg1[%get3A_4, %get3A_5] : memref<8x128xi32, #tpu.memory_space<smem>>
      %get3A_7 = arith.constant 0 : index
      %get3A_8 = arith.constant 0 : index
      %get3A_9 = vector.load %arg2[%get3A_7, %get3A_8] : memref<512x768xf32, #tpu.memory_space<vmem>>, vector<512x768xf32>
      %get3A_10 = arith.constant 0 : index
      %get3A_11 = arith.constant 0 : index
      %get3A_12 = arith.constant 0 : index
      %get3A_13 = vector.load %arg3[%get3A_10, %get3A_11, %get3A_12] : memref<1x768x768xf32, #tpu.memory_space<vmem>>, vector<1x768x768xf32>
      %get3A_14 = vector.shape_cast %get3A_13 : vector<1x768x768xf32> to vector<768x768xf32>
      %dot_general3A = arith.constant dense<0.000000e+00> : vector<512x768xf32>
      %dot_general3A_15 = tpu.matmul %get3A_9, %get3A_14, %dot_general3A {dimension_numbers = #tpu.dot_dimension_numbers<[1], [0], [0], [1], [0, 0, 1, 1], [], []>, transpose_lhs_hint = false} : vector<512x768xf32>, vector<768x768xf32>, vector<512x768xf32> -> vector<512x768xf32>
      %get3A_16 = arith.index_cast %get3A_6 : i32 to index
      %get3A_17 = arith.constant 0 : index
      %get3A_18 = vector.load %arg4[%get3A_16, %get3A_17] : memref<16x768xf32, #tpu.memory_space<vmem>>, vector<1x768xf32>
      %add3A = vector.broadcast %get3A_18 : vector<1x768xf32> to vector<512x768xf32>
      %add3A_19 = arith.addf %dot_general3A_15, %add3A : vector<512x768xf32>
      %max3A = arith.constant 0.000000e+00 : f32
      %max3A_20 = vector.broadcast %max3A : f32 to vector<512x768xf32>
      %max3A_21 = arith.maximumf %add3A_19, %max3A_20 : vector<512x768xf32>
      %get3A_22 = arith.constant 0 : index
      %get3A_23 = arith.constant 0 : index
      %get3A_24 = arith.constant 0 : index
      %get3A_25 = vector.load %arg5[%get3A_22, %get3A_23, %get3A_24] : memref<1x768x768xf32, #tpu.memory_space<vmem>>, vector<1x768x768xf32>
      %get3A_26 = vector.shape_cast %get3A_25 : vector<1x768x768xf32> to vector<768x768xf32>
      %dot_general3A_27 = arith.constant dense<0.000000e+00> : vector<512x768xf32>
      %dot_general3A_28 = tpu.matmul %max3A_21, %get3A_26, %dot_general3A_27 {dimension_numbers = #tpu.dot_dimension_numbers<[1], [0], [0], [1], [0, 0, 1, 1], [], []>, transpose_lhs_hint = false} : vector<512x768xf32>, vector<768x768xf32>, vector<512x768xf32> -> vector<512x768xf32>
      %get3A_29 = arith.index_cast %get3A_6 : i32 to index
      %get3A_30 = arith.constant 0 : index
      %get3A_31 = vector.load %arg6[%get3A_29, %get3A_30] : memref<16x768xf32, #tpu.memory_space<vmem>>, vector<1x768xf32>
      %add3A_32 = vector.broadcast %get3A_31 : vector<1x768xf32> to vector<512x768xf32>
      %add3A_33 = arith.addf %dot_general3A_28, %add3A_32 : vector<512x768xf32>
      %swap3A = arith.constant 0 : index
      %swap3A_34 = arith.constant 0 : index
      %swap3A_35 = vector.load %arg7[%swap3A, %swap3A_34] : memref<512x768xf32, #tpu.memory_space<vmem>>, vector<512x768xf32>
      tpu.vector_store %arg7[%swap3A, %swap3A_34], %add3A_33 {strides = array<i32>} : memref<512x768xf32, #tpu.memory_space<vmem>>, vector<512x768xf32>,
    } else {
    }
    return
  }
  func.func @transform_0(%arg0: i32, %arg1: memref<8x128xi32, #tpu.memory_space<smem>>) -> (i32, i32) {
    %get3A = arith.constant 1 : index
    %get3A_0 = arith.index_cast %arg0 : i32 to index
    %get3A_1 = memref.load %arg1[%get3A, %get3A_0] : memref<8x128xi32, #tpu.memory_space<smem>>
    %eq3A = arith.constant 1 : i32
    %eq3A_2 = arith.cmpi eq, %get3A_1, %eq3A : i32
    %jit3A = arith.constant 0 : i32
    %select_n3A = arith.select %eq3A_2, %arg0, %jit3A : i32
    %c0_i32 = arith.constant 0 : i32
    %c0_i32_3 = arith.constant 0 : i32
    return %select_n3A, %c0_i32 : i32, i32
  }
  func.func @transform_1(%arg0: i32, %arg1: memref<8x128xi32, #tpu.memory_space<smem>>) -> (i32, i32, i32) {
    %get3A = arith.constant 0 : index
    %get3A_0 = arith.index_cast %arg0 : i32 to index
    %get3A_1 = memref.load %arg1[%get3A, %get3A_0] : memref<8x128xi32, #tpu.memory_space<smem>>
    %c0_i32 = arith.constant 0 : i32
    %c0_i32_2 = arith.constant 0 : i32
    %c0_i32_3 = arith.constant 0 : i32
    return %get3A_1, %c0_i32, %c0_i32_2 : i32, i32, i32
  }
  func.func @transform_2(%arg0: i32, %arg1: memref<8x128xi32, #tpu.memory_space<smem>>) -> (i32, i32) {
    %c0_i32 = arith.constant 0 : i32
    %c0_i32_0 = arith.constant 0 : i32
    %c0_i32_1 = arith.constant 0 : i32
    return %c0_i32, %c0_i32_0 : i32, i32
  }
  func.func @transform_3(%arg0: i32, %arg1: memref<8x128xi32, #tpu.memory_space<smem>>) -> (i32, i32, i32) {
    %get3A = arith.constant 0 : index
    %get3A_0 = arith.index_cast %arg0 : i32 to index
    %get3A_1 = memref.load %arg1[%get3A, %get3A_0] : memref<8x128xi32, #tpu.memory_space<smem>>
    %c0_i32 = arith.constant 0 : i32
    %c0_i32_2 = arith.constant 0 : i32
    %c0_i32_3 = arith.constant 0 : i32
    return %get3A_1, %c0_i32, %c0_i32_2 : i32, i32, i32
  }
  func.func @transform_4(%arg0: i32, %arg1: memref<8x128xi32, #tpu.memory_space<smem>>) -> (i32, i32) {
    %c0_i32 = arith.constant 0 : i32
    %c0_i32_0 = arith.constant 0 : i32
    %c0_i32_1 = arith.constant 0 : i32
    return %c0_i32, %c0_i32_0 : i32, i32
  }
  func.func @transform_5(%arg0: i32, %arg1: memref<8x128xi32, #tpu.memory_space<smem>>) -> (i32, i32) {
    %get3A = arith.constant 1 : index
    %get3A_0 = arith.index_cast %arg0 : i32 to index
    %get3A_1 = memref.load %arg1[%get3A, %get3A_0] : memref<8x128xi32, #tpu.memory_space<smem>>
    %eq3A = arith.constant 1 : i32
    %eq3A_2 = arith.cmpi eq, %get3A_1, %eq3A : i32
    %get3A_3 = arith.constant 2 : index
    %get3A_4 = arith.index_cast %arg0 : i32 to index
    %get3A_5 = memref.load %arg1[%get3A_3, %get3A_4] : memref<8x128xi32, #tpu.memory_space<smem>>
    %select_n3A = arith.select %eq3A_2, %arg0, %get3A_5 : i32
    %c0_i32 = arith.constant 0 : i32
    %c0_i32_6 = arith.constant 0 : i32
    return %select_n3A, %c0_i32 : i32, i32
  }
}

</mosaic_0001>

<sc_bundles>
// kernel: kernel.6.cloned.1.call-start
scs
__scs_entry_jumppad:
0x0: {  	(pc) =	sbr.rel $0x88, $3  }
0x1: {  	(tag) =	ssettag $0x0;
	lr =	simm.s32 $0x1  }
0x2: {  	[smem:$0x3F99] =	sst lr;
	_ =	strace $0xD0000000  }
0x3: {  	_ = 	snop  }
0x4: {  	_ = 	snop  }
0x5: {  	_ = 	snop  }
0x6: {  	_ = 	snop  }
0x7: {  	_ = 	snop  }
__scs_overlays_trampoline_lowered:
0x8: {  	[smem:$0x3FA8] =	sst s0  }
0x9: {  	[smem:$0x3FA9] =	sst s1  }
0xa: {  	[smem:$0x3FAA] =	sst s2  }
0xb: {  	[smem:$0x3FAB] =	sst s3  }
0xc: {  	[smem:$0x3FAC] =	sst s4  }
0xd: {  	[smem:$0x3FAD] =	sst s5  }
0xe: {  	[smem:$0x3FAE] =	sst s6  }
0xf: {  	[smem:$0x3FAF] =	sst s7  }
0x10: {  	[smem:$0x3FB0] =	sst s8  }
0x11: {  	[smem:$0x3FB1] =	sst s9;
	s0 =	simm.s32 @!p0 $0x0  }
0x12: {  	s1 =	sld [smem:$0x3F97];
	s0 =	simm.s32 @p0 $0x1  }
0x13: {  	[smem:$0x3FB2] =	sst s0;
	s0 =	simm.s32 @!p1 $0x0  }
0x14: {  	s2 =	sld [smem:$0x3F96];
	s0 =	simm.s32 @p1 $0x1  }
0x15: {  	[smem:$0x3FB3] =	sst s0;
	s0 =	simm.s32 @!p2 $0x0  }
0x16: {  	s3 =	sld [smem:$0x3FDB];
	s0 =	simm.s32 @p2 $0x1  }
0x17: {  	s4 =	simm.s32 $0x1BF5;
	[smem:$0x3FB5] =	sst s0  }
0x18: {  	s0 =	sld [smem:$0x3F98];
	_ =	swait.ge [sflag:s4], $0x0  }
0x19: {  	s7 =	sld [smem:$0x3F99]  }
0x1a: {  	s8 =	sadd.s32 $0xFFFFE003, lr  }
0x1b: {  	s9 =	sadd.s32 $0xFFFFFEF7, lr;
	s5 =	simm.s32 $0xFFFFFFFF;
	p2 =	slt.u32 s8, $0xFFFFF086  }
0x1c: {  	p1 =	slt.u32 s9, $0xF7A;
	s5 =	simm.s32 @!p2 $0x0  }
0x1d: {  	s5 =	simm.s32 @p1 $0x1;
	p0 =	seq.s32 s7, s2  }
0x1e: {  	s7 =	smul.u32 @!p0 $0xF7A, s2;
	p2 =	seq.s32 @!p0 s5, $0x0  }
0x1f: {  	s9 =	smul.u32 $0xF7A, s1;
	s8 =	simm.s32 @!p0 $0x1BF5;
	p2 =	por !p2, p0  }
0x20: {  	[sflag:s8] =	ssyncset.s32 @!p0 $0xFFFFF086;
	s6 =	sadd.s32 @!p0 s3, s7;
	s7 =	simm.s32 @!p0 $0x108  }
0x21: {  	s3 =	sadd.s32 s3, s9;
	s6 =	sadd.s32 @!p0 $0x88, s6;
	s7 =	simm.s32 @p2 $0x1082  }
0x22: {  	[simem:s7], [sflag:s8] =	dma.local @!p0 [hbm:s6], $0xF7A  }
0x23: {  	s9 =	sor.u32 $0xD0000000, s2;
	s6 =	simm.s32 $0x108;
	_ =	swait.ge @!p0 [sflag:s8], $0x0  }
0x24: {  	s3 =	sadd.s32 $0x88, s3;
	s6 =	simm.s32 @!p1 $0x1082;
	[sflag:s4] =	ssyncset.s32 $0xFFFFF086  }
0x25: {  	[simem:s6], [sflag:s4] =	dma.local [hbm:s3], $0xF7A  }
0x26: {  	[smem:$0x3F99] =	sst s1;
	(tag) =	ssettag s2;
	_ =	strace s9  }
0x27: {  	s1 =	sld [smem:$0x3FA9]  }
0x28: {  	s2 =	sld [smem:$0x3FAA]  }
0x29: {  	s4 =	sld [smem:$0x3FAC]  }
0x2a: {  	p0 =	seq.s32 s5, $0x0;
	s5 =	sld [smem:$0x3FAD]  }
0x2b: {  	s6 =	sld [smem:$0x3FAE]  }
0x2c: {  	s7 =	sld [smem:$0x3FAF]  }
0x2d: {  	s3 =	simm.s32 $0x108;
	s8 =	sld [smem:$0x3FB0]  }
0x2e: {  	s3 =	simm.s32 @!p0 $0x1082;
	s9 =	sld [smem:$0x3FB1]  }
0x2f: {  	lr =	sadd.s32 s0, s3;
	s0 =	sld [smem:$0x3FA8]  }
0x30: {  	s3 =	sld [smem:$0x3FAB]  }
0x31: {  	[smem:$0x3FB4] =	sst s10  }
0x32: {  	s10 =	sld [smem:$0x3FB2];
	_ =	sdelay $0x3  }
0x33: {  	p0 =	seq.s32 s10, $0x1;
	s10 =	sld [smem:$0x3FB4];
	_ =	sdelay $0x3  }
0x34: {  	[smem:$0x3FB4] =	sst s10  }
0x35: {  	s10 =	sld [smem:$0x3FB3];
	_ =	sdelay $0x3  }
0x36: {  	p1 =	seq.s32 s10, $0x1;
	s10 =	sld [smem:$0x3FB4];
	_ =	sdelay $0x3  }
0x37: {  	[smem:$0x3FB4] =	sst s10  }
0x38: {  	s10 =	sld [smem:$0x3FB5]  }
0x39: {  	_ = 	snop;
	(pc) =	sbr.ind lr, $3  }
0x3a: {  	_ = 	snop  }
0x3b: {  	_ = 	snop  }
0x3c: {  	p2 =	seq.s32 s10, $0x1;
	s10 =	sld [smem:$0x3FB4]  }
0x3d: {  	_ =	shalt  }
0x3e: {  	_ =	shalt  }
0x3f: {  	_ =	shalt  }
0x40: {  	_ =	shalt  }
0x41: {  	_ =	shalt  }
0x42: {  	_ =	shalt  }
0x43: {  	_ =	shalt  }
0x44: {  	_ =	shalt  }
0x45: {  	_ =	shalt  }
0x46: {  	_ =	shalt  }
0x47: {  	_ =	shalt  }
0x48: {  	_ =	shalt  }
0x49: {  	_ =	shalt  }
0x4a: {  	_ =	shalt  }
0x4b: {  	_ =	shalt  }
0x4c: {  	_ =	shalt  }
0x4d: {  	_ =	shalt  }
0x4e: {  	_ =	shalt  }
0x4f: {  	_ =	shalt  }
0x50: {  	_ =	shalt  }
0x51: {  	_ =	shalt  }
0x52: {  	_ =	shalt  }
0x53: {  	_ =	shalt  }
0x54: {  	_ =	shalt  }
0x55: {  	_ =	shalt  }
0x56: {  	_ =	shalt  }
0x57: {  	_ =	shalt  }
0x58: {  	_ =	shalt  }
0x59: {  	_ =	shalt  }
0x5a: {  	_ =	shalt  }
0x5b: {  	_ =	shalt  }
0x5c: {  	_ =	shalt  }
0x5d: {  	_ =	shalt  }
0x5e: {  	_ =	shalt  }
0x5f: {  	_ =	shalt  }
0x60: {  	_ =	shalt  }
0x61: {  	_ =	shalt  }
0x62: {  	_ =	shalt  }
0x63: {  	_ =	shalt  }
0x64: {  	_ =	shalt  }
0x65: {  	_ =	shalt  }
0x66: {  	_ =	shalt  }
0x67: {  	_ =	shalt  }
0x68: {  	_ =	shalt  }
0x69: {  	_ =	shalt  }
0x6a: {  	_ =	shalt  }
0x6b: {  	_ =	shalt  }
0x6c: {  	_ =	shalt  }
0x6d: {  	_ =	shalt  }
0x6e: {  	_ =	shalt  }
0x6f: {  	_ =	shalt  }
0x70: {  	_ =	shalt  }
0x71: {  	_ =	shalt  }
0x72: {  	_ =	shalt  }
0x73: {  	_ =	shalt  }
0x74: {  	_ =	shalt  }
0x75: {  	_ =	shalt  }
0x76: {  	_ =	shalt  }
0x77: {  	_ =	shalt  }
0x78: {  	_ =	shalt  }
0x79: {  	_ =	shalt  }
0x7a: {  	_ =	shalt  }
0x7b: {  	_ =	shalt  }
0x7c: {  	_ =	shalt  }
0x7d: {  	_ =	shalt  }
0x7e: {  	_ =	shalt  }
0x7f: {  	_ =	shalt  }
0x80: {  	_ =	shalt  }
0x81: {  	_ =	shalt  }
0x82: {  	_ =	shalt  }
0x83: {  	_ =	shalt  }
0x84: {  	_ =	shalt  }
0x85: {  	_ =	shalt  }
0x86: {  	_ =	shalt  }
0x87: {  	_ =	shalt  }
.Lfunc_end0:
.L_simem_size_0:
called_computation_lowered:
.L_overlay_start_0:
0x88: {  	s2 =	sld [smem:$0x3FD9]  }
0x89: {  	s3 =	sld [smem:$0x3FFE];
	_ =	sdelay $0x1  }
0x8a: {  	s1 =	srdreg.scid  }
0x8b: {  	s0 =	sand.u32 $0x1, s1  }
0x8c: {  	s17 =	sshll.u32 s0, $0xA;
	s2 =	sadd.s32 s3, s2  }
0x8d: {  	s2 =	sadd.s32 s2, s17  }
0x8e: {  	[smem:$0x3FC0] =	sst s2  }
0x8f: {  	_ = 	snop  }
0x90: {  	s2 =	sld [smem:$0x3FC9];
	(tm) =	ssettm $0x1  }
0x91: {  	s18 =	sld [smem:$0x3FFB];
	_ =	sdelay $0x3  }
0x92: {  	_ =	strace s18  }
0x93: {  	s3 =	sld [smem:$0x3FFC];
	_ =	sdelay $0x3  }
0x94: {  	_ =	strace s3  }
0x95: {  	s3 =	sld [smem:$0x3FFD];
	_ =	sdelay $0x3  }
0x96: {  	_ =	strace s3  }
0x97: {  	_ =	strace $0x8FFFFFFF  }
0x98: {  	s19 =	sld [smem:$0x3FDB];
	_ =	sdelay $0x1  }
0x99: {  	s4 =	simm.s32 $_scs_section_size  }
0x9a: {  	s5 =	simm.s32 $_size__tile_overlayer_lowered;
	s6 =	simm.s32 $_tile_overlayer_lowered  }
0x9b: {  	s22 =	simm.s32 $0x1BFF;
	s21 =	sshll.u32 s6, $0x1;
	s3 =	sadd.s32 s4, s19  }
0x9c: {  	s7 =	simm.s32 $0x0;
	s20 =	sshll.u32 s5, $0x1;
	s5 =	sadd.s32 s21, s3  }
0x9d: {  	[timem:s7], [sflag:s22] =	dma.local [hbm:s5], s20  }
0x9e: {  	_ =	swait.ge [sflag:s22], s20  }
0x9f: {  	s4 =	ssub.s32 $0x0, s20;
	[sflag:s22] =	ssyncset.done $0x0  }
0xa0: {  	[sflag:s22] =	ssyncadd.s32 s4;
	_ =	sdelay $0x1  }
0xa1: {  	s23 =	simm.s32 $0x1B8B  }
0xa2: {  	_ =	swait.ge [sflag:s23], $0x1  }
0xa3: {  	[sflag:s23] =	ssyncset.done $0x0  }
0xa4: {  	s25 =	simm.s32 $0x1B8E;
	s24 =	sld [smem:$0x3FFE];
	[sflag:s23] =	ssyncadd.s32 $0xFFFFFFFF  }
0xa5: {  	s26 =	simm.s32 $execute0_lowered;
	[smem:$0x3FD2] =	sst s25  }
0xa6: {  	s5 =	sshll.u32 s26, $0x1;
	_ =	strace $0x80000046;
	[dreg:$0x1] =	wrdreg $0xFFFFFFFF  }
0xa7: {  	s28 =	simm.s32 $_size_execute0_lowered;
	s3 =	sadd.s32 s3, s5;
	[dreg:$0x0] =	wrdreg $0x0  }
0xa8: {  	s5 =	sshll.u32 s28, $0x1;
	[dreg:$0x2] =	wrdreg s3  }
0xa9: {  	[dreg:$0x3] =	wrdreg s5  }
0xaa: {  	[dreg:$0x4] =	wrdreg $0xC0  }
0xab: {  	_ =	task [dreg:s7], $0x5FFFF  }
0xac: {  	[dreg:$0x1] =	wrdreg $0xFFFFFFFF  }
0xad: {  	[dreg:$0x0] =	wrdreg $0x60  }
0xae: {  	[dreg:$0x2] =	wrdreg s2  }
0xaf: {  	[dreg:$0x3] =	wrdreg s24  }
0xb0: {  	[dreg:$0x4] =	wrdreg $0x9  }
0xb1: {  	_ =	task.clear_ibuf [dreg:s7], $0x5FFFF;
	_ =	strace $0x90000046  }
0xb2: {  	s29 =	simm.s32 $0x9;
	_ =	strace $0x80000048  }
0xb3: {  	_ =	swait.ge [sflag:s29], $0x1  }
0xb4: {  	[sflag:s29] =	ssyncadd.s32 $0xFFFFFFFF  }
0xb5: {  	_ =	strace $0x90000048  }
0xb6: {  	_ =	sfence  }
0xb7: {  	s30 =	sld [smem:$0x0];
	_ =	sdelay $0x2  }
0xb8: {  	s31 =	sshll.u32 s1, $0xD;
	s1 =	sshrl.u32 s1, $0x2  }
0xb9: {  	s3 =	sand.u32 $0x4000, s31;
	s1 =	sadd.s32 s1, s30  }
0xba: {  	s0 =	sor.u32 s3, s0;
	s1 =	sshll.u32 s1, $0x11  }
0xbb: {  	s0 =	sor.u32 s1, s0  }
0xbc: {  	s0 =	sadd.s32 $0x8F2B, s0  }
0xbd: {  	[sflag:s0] =	ssyncadd.remote.s32 $0x1  }
0xbe: {  	_ =	sfence.sel $0xFFFF  }
0xbf: {  	[dreg:$0x0] =	wrdreg $0xFFFFFFFF;
	(pc) =	sbr.abs _section_cstart, $3  }
0xc0: {  	[dreg:$0x1] =	wrdreg $0xFFFFFFFF  }
0xc1: {  	_ =	task.clear_ibuf [dreg:s7], $0x2FFFF;
	_ =	strace $0x9FFFFFFF  }
0xc2: {  	(tm) =	ssettm $0x7FFFFFFF  }
0xc3: {  	_ =	shalt  }
tec
execute0_lowered:
.L_overlay_start_1:
0x0: {  	(tag) =	ssettag $0x1  }
0x1: {  	s0 =	rddreg [dreg:$0x0];
	s1 =	srdreg.scid  }
0x2: {  	s2 =	stileid.u32;
	s3 =	rddreg [dreg:$0x1]  }
0x3: {  	s13 =	simm.s32 $0x3800;
	s1 =	sand.u32 $0x1, s1;
	s2 =	sshll.u32 s2, $0x1  }
0x4: {  	s11 =	simm.s32 $0xA;
	s10 =	simm.s32 $0xC;
	s4 =	sor.u32 s1, s2  }
0x5: {  	s9 =	simm.s32 $0xD;
	s7 =	simm.s32 $0x6;
	s5 =	sshll.u32 s4, $0x8  }
0x6: {  	s2 =	simm.s32 $0x0;
	s6 =	smul.u32 $0x6000, s4;
	s5 =	sadd.s32 s5, s3  }
0x7: {  	s29 =	simm.s32 $0x7;
	[smem:$0x7FF] =	sst s2;
	s5 =	sadd.s32 $0xE00, s5  }
0x8: {  	_ =	strace $0x80000047;
	s6 =	sadd.s32 s0, s6;
	[dreg:$0x3] =	wrdreg s5  }
0x9: {  	s31 =	simm.s32 $0x8;
	s14 =	sadd.s32 $0x600, s6;
	[dreg:$0x13] =	wrdreg s6  }
0xa: {  	s4 =	smul.u32 $0x30000, s4;
	s15 =	sadd.s32 $0xC00, s6;
	[dreg:$0x4] =	wrdreg s14  }
0xb: {  	s30 =	simm.s32 $0x10;
	s16 =	sadd.s32 $0x1200, s6;
	[dreg:$0x5] =	wrdreg s15  }
0xc: {  	s4 =	sshrl.u32 s4, $0x3;
	s17 =	sadd.s32 $0x1800, s6;
	[dreg:$0x6] =	wrdreg s16  }
0xd: {  	s18 =	sadd.s32 $0x1E00, s6;
	s0 =	sadd.s32 s0, s4;
	[dreg:$0x7] =	wrdreg s17  }
0xe: {  	s1 =	ssub.s32 $0x2, s1;
	[dreg:$0x8] =	wrdreg s18;
	s4 =	sadd.s32 $0x2400, s0  }
0xf: {  	s26 =	sshrl.u32 s1, $0x1;
	s19 =	sadd.s32 $0x2A00, s0;
	[dreg:$0x9] =	wrdreg s4  }
0x10: {  	s1 =	ssub.s32 s1, s26;
	s20 =	sadd.s32 $0x3000, s0;
	[dreg:$0xa] =	wrdreg s19  }
0x11: {  	s26 =	simm.s32 $0xB;
	s21 =	sadd.s32 $0x3600, s0;
	[dreg:$0xb] =	wrdreg s20  }
0x12: {  	s5 =	sadd.s32 $0x2F00, s3;
	s22 =	sadd.s32 $0x3C00, s0;
	[dreg:$0xc] =	wrdreg s21  }
0x13: {  	s6 =	sadd.s32 $0x3000, s3;
	s23 =	sadd.s32 $0x4200, s0;
	[dreg:$0xd] =	wrdreg s22  }
0x14: {  	s24 =	sadd.s32 $0x4800, s0;
	s25 =	sadd.s32 $0x4E00, s0;
	[dreg:$0xe] =	wrdreg s23  }
0x15: {  	s28 =	sadd.s32 $0x5400, s0;
	s0 =	sadd.s32 $0x5A00, s0;
	[dreg:$0xf] =	wrdreg s24  }
0x16: {  	s17 =	smax.u32 s1, $0x1;
	s14 =	simm.s32 $0x6800;
	[dreg:$0x10] =	wrdreg s25  }
0x17: {  	s15 =	simm.s32 $0x9800;
	s18 =	simm.s32 $0x17000;
	[dreg:$0x11] =	wrdreg s28  }
0x18: {  	v2 =	vlaneseq.u32;
	s4 =	sadd.s32 $0x2E00, s3;
	[dreg:$0x12] =	wrdreg s0;
	s23 =	simm.s32 $0x1  }
0x19: {  	vm0 =	vmmov $0xffff;
	v1 =	vshrl.u32 v2, $0x3;
	s22 =	simm.s32 $0x9;
	s25 =	simm.s32 $0x2;
	s21 =	simm.s32 $0x3  }
0x1a: {  	v0 =	vand.u32 $0x7, v2;
	v2 =	vor.u32 $0x8, v2;
	v1 =	vmul.u32 $0x8, v1;
	s20 =	simm.s32 $0x4;
	s19 =	simm.s32 $0x17800;
	s24 =	simm.s32 $0x18000  }
.LBB2_1:
0x1b: {  	s28 =	rddreg [dreg:$0x3];
	s8 =	simm.s32 $0x11  }
0x1c: {  	[tilespmem:s2], [sflag:$0x11] =	stream.linear.gather [hbm4b:s28+s2], $0x800, $0x38;
	[tilespmem:$0x18800] =	vst v63  }
0x1d: {  	_ =	swait.ge [sflag:s8], $0x800  }
0x1e: {  	[sflag:s8] =	ssyncset.done $0x0  }
0x1f: {  	s12 =	simm.s32 $0x800;
	s3 =	rddreg [dreg:$0x13];
	[sflag:s8] =	ssyncadd.s32 $0xFFFFF800  }
0x20: {  	[tilespmem:s12], [sflag:$0x1] =	stream.linear.gather [hbm4b:s3+s2], $0x3000, $0x38;
	[tilespmem:$0x18800] =	vst v63  }
0x21: {  	s1 =	rddreg [dreg:$0x4]  }
0x22: {  	[tilespmem:s13], [sflag:$0x2] =	stream.linear.gather [hbm4b:s1+s2], $0x3000, $0x38;
	[tilespmem:$0x18800] =	vst v63  }
0x23: {  	s16 =	rddreg [dreg:$0x5]  }
0x24: {  	[tilespmem:s14], [sflag:$0x3] =	stream.linear.gather [hbm4b:s16+s2], $0x3000, $0x38;
	[tilespmem:$0x18800] =	vst v63  }
0x25: {  	s0 =	rddreg [dreg:$0x6]  }
0x26: {  	[tilespmem:s15], [sflag:$0x4] =	stream.linear.gather [hbm4b:s0+s2], $0x3000, $0x38;
	[tilespmem:$0x18800] =	vst v63  }
0x27: {  	s1 =	rddreg [dreg:$0x7];
	s0 =	simm.s32 $0xC800  }
0x28: {  	[tilespmem:s0], [sflag:$0x5] =	stream.linear.gather [hbm4b:s1+s2], $0x3000, $0x38;
	[tilespmem:$0x18800] =	vst v63  }
0x29: {  	s3 =	rddreg [dreg:$0x8];
	s16 =	simm.s32 $0xF800  }
0x2a: {  	[tilespmem:s16], [sflag:$0x6] =	stream.linear.gather [hbm4b:s3+s2], $0x3000, $0x38;
	[tilespmem:$0x18800] =	vst v63  }
0x2b: {  	s8 =	rddreg [dreg:$0x9];
	s3 =	simm.s32 $0x12800  }
0x2c: {  	[tilespmem:s3], [sflag:$0x7] =	stream.linear.gather [hbm4b:s8+s2], $0x3000, $0x38;
	[tilespmem:$0x18800] =	vst v63  }
0x2d: {  	s1 =	rddreg [dreg:$0xa];
	s16 =	simm.s32 $0x15800  }
0x2e: {  	[tilespmem:s16], [sflag:$0x8] =	stream.linear.gather [hbm4b:s1+s2], $0x3000, $0x38;
	[tilespmem:$0x18800] =	vst v63  }
0x2f: {  	_ =	swait.ge [sflag:s23], $0x3000  }
0x30: {  	[sflag:s23] =	ssyncset.done $0x0  }
0x31: {  	[sflag:s23] =	ssyncadd.s32 $0xFFFFD000  }
0x32: {  	v3 =	vld [tilespmem:$0x0];
	_ =	sdelay $0x4  }
0x33: {  	v4 =	vshrl.u32 v3, $0x3  }
0x34: {  	v4 =	vmul.u32 $0x30, v4  }
0x35: {  	v3 =	vand.u32 $0x7, v3  }
0x36: {  	v3 =	vor.u32 v3, v4  }
0x37: {  	v4 =	vperm.xlane v3, v0;
	_ =	sdelay $0x1  }
0x38: {  	v4 =	vadd.s32 v1, v4;
	_ =	sdelay $0x3  }
0x39: {  	v3 =	vperm.xlane v3, v2  }
0x3a: {  	[hbm4b:s4+s2] =	stream.indirect_vreg.scatter [tilespmem:s12], [sflag:$0x9], $0x80, v4, vm0, $0xb8;
	[tilespmem:$0x18800] =	vst v63  }
0x3b: {  	s1 =	simm.s32 $0x1000;
	v3 =	vadd.s32 v1, v3  }
0x3c: {  	[hbm4b:s5+s2] =	stream.indirect_vreg.scatter [tilespmem:s1], [sflag:$0x9], $0x80, v4, vm0, $0xb8;
	[tilespmem:$0x18800] =	vst v63  }
0x3d: {  	s3 =	simm.s32 $0x1800  }
0x3e: {  	[hbm4b:s6+s2] =	stream.indirect_vreg.scatter [tilespmem:s3], [sflag:$0x9], $0x80, v4, vm0, $0xb8;
	[tilespmem:$0x18800] =	vst v63  }
0x3f: {  	s8 =	simm.s32 $0x2000  }
0x40: {  	[hbm4b:s4+s2] =	stream.indirect_vreg.scatter [tilespmem:s8], [sflag:$0x9], $0x80, v3, vm0, $0xb8;
	[tilespmem:$0x18800] =	vst v63  }
0x41: {  	s16 =	simm.s32 $0x2800  }
0x42: {  	[hbm4b:s5+s2] =	stream.indirect_vreg.scatter [tilespmem:s16], [sflag:$0x9], $0x80, v3, vm0, $0xb8;
	[tilespmem:$0x18800] =	vst v63  }
0x43: {  	s28 =	simm.s32 $0x3000  }
0x44: {  	[hbm4b:s6+s2] =	stream.indirect_vreg.scatter [tilespmem:s28], [sflag:$0x9], $0x80, v3, vm0, $0xb8;
	[tilespmem:$0x18800] =	vst v63  }
0x45: {  	_ =	swait.ge [sflag:s22], $0x3000  }
0x46: {  	[sflag:s22] =	ssyncset.done $0x0  }
0x47: {  	s0 =	rddreg [dreg:$0xb];
	[sflag:s22] =	ssyncadd.s32 $0xFFFFD000  }
0x48: {  	[tilespmem:s12], [sflag:$0x1] =	stream.linear.gather [hbm4b:s0+s2], $0x3000, $0x38;
	[tilespmem:$0x18800] =	vst v63  }
0x49: {  	_ =	swait.ge [sflag:s25], $0x3000  }
0x4a: {  	[sflag:s25] =	ssyncset.done $0x0  }
0x4b: {  	[sflag:s25] =	ssyncadd.s32 $0xFFFFD000  }
0x4c: {  	v3 =	vld [tilespmem:$0x80];
	_ =	sdelay $0x4  }
0x4d: {  	v49 =	vshrl.u32 v3, $0x3  }
0x4e: {  	v4 =	vmul.u32 $0x30, v49  }
0x4f: {  	v3 =	vand.u32 $0x7, v3  }
0x50: {  	v3 =	vor.u32 v3, v4  }
0x51: {  	v4 =	vperm.xlane v3, v0;
	_ =	sdelay $0x1  }
0x52: {  	v4 =	vadd.s32 v1, v4;
	_ =	sdelay $0x3  }
0x53: {  	v3 =	vperm.xlane v3, v2  }
0x54: {  	[hbm4b:s4+s2] =	stream.indirect_vreg.scatter [tilespmem:s13], [sflag:$0xA], $0x80, v4, vm0, $0xb8;
	[tilespmem:$0x18800] =	vst v63  }
0x55: {  	s1 =	simm.s32 $0x4000;
	v3 =	vadd.s32 v1, v3  }
0x56: {  	[hbm4b:s5+s2] =	stream.indirect_vreg.scatter [tilespmem:s1], [sflag:$0xA], $0x80, v4, vm0, $0xb8;
	[tilespmem:$0x18800] =	vst v63  }
0x57: {  	s3 =	simm.s32 $0x4800  }
0x58: {  	[hbm4b:s6+s2] =	stream.indirect_vreg.scatter [tilespmem:s3], [sflag:$0xA], $0x80, v4, vm0, $0xb8;
	[tilespmem:$0x18800] =	vst v63  }
0x59: {  	s8 =	simm.s32 $0x5000  }
0x5a: {  	[hbm4b:s4+s2] =	stream.indirect_vreg.scatter [tilespmem:s8], [sflag:$0xA], $0x80, v3, vm0, $0xb8;
	[tilespmem:$0x18800] =	vst v63  }
0x5b: {  	s16 =	simm.s32 $0x5800  }
0x5c: {  	[hbm4b:s5+s2] =	stream.indirect_vreg.scatter [tilespmem:s16], [sflag:$0xA], $0x80, v3, vm0, $0xb8;
	[tilespmem:$0x18800] =	vst v63  }
0x5d: {  	s28 =	simm.s32 $0x6000  }
0x5e: {  	[hbm4b:s6+s2] =	stream.indirect_vreg.scatter [tilespmem:s28], [sflag:$0xA], $0x80, v3, vm0, $0xb8;
	[tilespmem:$0x18800] =	vst v63  }
0x5f: {  	_ =	swait.ge [sflag:s11], $0x3000  }
0x60: {  	[sflag:s11] =	ssyncset.done $0x0  }
0x61: {  	s1 =	rddreg [dreg:$0xc];
	[sflag:s11] =	ssyncadd.s32 $0xFFFFD000  }
0x62: {  	[tilespmem:s13], [sflag:$0x2] =	stream.linear.gather [hbm4b:s1+s2], $0x3000, $0x38;
	[tilespmem:$0x18800] =	vst v63  }
0x63: {  	_ =	swait.ge [sflag:s21], $0x3000  }
0x64: {  	[sflag:s21] =	ssyncset.done $0x0  }
0x65: {  	[sflag:s21] =	ssyncadd.s32 $0xFFFFD000  }
0x66: {  	v3 =	vld [tilespmem:$0x100];
	_ =	sdelay $0x4  }
0x67: {  	v50 =	vshrl.u32 v3, $0x3  }
0x68: {  	v4 =	vmul.u32 $0x30, v50  }
0x69: {  	v3 =	vand.u32 $0x7, v3  }
0x6a: {  	v3 =	vor.u32 v3, v4  }
0x6b: {  	v4 =	vperm.xlane v3, v0;
	_ =	sdelay $0x1  }
0x6c: {  	v4 =	vadd.s32 v1, v4;
	_ =	sdelay $0x3  }
0x6d: {  	v3 =	vperm.xlane v3, v2  }
0x6e: {  	[hbm4b:s4+s2] =	stream.indirect_vreg.scatter [tilespmem:s14], [sflag:$0xB], $0x80, v4, vm0, $0xb8;
	[tilespmem:$0x18800] =	vst v63  }
0x6f: {  	s3 =	simm.s32 $0x7000;
	v3 =	vadd.s32 v1, v3  }
0x70: {  	[hbm4b:s5+s2] =	stream.indirect_vreg.scatter [tilespmem:s3], [sflag:$0xB], $0x80, v4, vm0, $0xb8;
	[tilespmem:$0x18800] =	vst v63  }
0x71: {  	s8 =	simm.s32 $0x7800  }
0x72: {  	[hbm4b:s6+s2] =	stream.indirect_vreg.scatter [tilespmem:s8], [sflag:$0xB], $0x80, v4, vm0, $0xb8;
	[tilespmem:$0x18800] =	vst v63  }
0x73: {  	s16 =	simm.s32 $0x8000  }
0x74: {  	[hbm4b:s4+s2] =	stream.indirect_vreg.scatter [tilespmem:s16], [sflag:$0xB], $0x80, v3, vm0, $0xb8;
	[tilespmem:$0x18800] =	vst v63  }
0x75: {  	s28 =	simm.s32 $0x8800  }
0x76: {  	[hbm4b:s5+s2] =	stream.indirect_vreg.scatter [tilespmem:s28], [sflag:$0xB], $0x80, v3, vm0, $0xb8;
	[tilespmem:$0x18800] =	vst v63  }
0x77: {  	s1 =	simm.s32 $0x9000  }
0x78: {  	[hbm4b:s6+s2] =	stream.indirect_vreg.scatter [tilespmem:s1], [sflag:$0xB], $0x80, v3, vm0, $0xb8;
	[tilespmem:$0x18800] =	vst v63  }
0x79: {  	_ =	swait.ge [sflag:s26], $0x3000  }
0x7a: {  	[sflag:s26] =	ssyncset.done $0x0  }
0x7b: {  	s3 =	rddreg [dreg:$0xd];
	[sflag:s26] =	ssyncadd.s32 $0xFFFFD000  }
0x7c: {  	[tilespmem:s14], [sflag:$0x3] =	stream.linear.gather [hbm4b:s3+s2], $0x3000, $0x38;
	[tilespmem:$0x18800] =	vst v63  }
0x7d: {  	_ =	swait.ge [sflag:s20], $0x3000  }
0x7e: {  	[sflag:s20] =	ssyncset.done $0x0  }
0x7f: {  	[sflag:s20] =	ssyncadd.s32 $0xFFFFD000  }
0x80: {  	v3 =	vld [tilespmem:$0x180];
	_ =	sdelay $0x4  }
0x81: {  	v51 =	vshrl.u32 v3, $0x3  }
0x82: {  	v4 =	vmul.u32 $0x30, v51  }
0x83: {  	v3 =	vand.u32 $0x7, v3  }
0x84: {  	v3 =	vor.u32 v3, v4  }
0x85: {  	v4 =	vperm.xlane v3, v0;
	_ =	sdelay $0x1  }
0x86: {  	v4 =	vadd.s32 v1, v4;
	_ =	sdelay $0x3  }
0x87: {  	v3 =	vperm.xlane v3, v2  }
0x88: {  	[hbm4b:s4+s2] =	stream.indirect_vreg.scatter [tilespmem:s15], [sflag:$0xC], $0x80, v4, vm0, $0xb8;
	[tilespmem:$0x18800] =	vst v63  }
0x89: {  	s16 =	simm.s32 $0xA000;
	v3 =	vadd.s32 v1, v3  }
0x8a: {  	[hbm4b:s5+s2] =	stream.indirect_vreg.scatter [tilespmem:s16], [sflag:$0xC], $0x80, v4, vm0, $0xb8;
	[tilespmem:$0x18800] =	vst v63  }
0x8b: {  	s28 =	simm.s32 $0xA800  }
0x8c: {  	[hbm4b:s6+s2] =	stream.indirect_vreg.scatter [tilespmem:s28], [sflag:$0xC], $0x80, v4, vm0, $0xb8;
	[tilespmem:$0x18800] =	vst v63  }
0x8d: {  	s1 =	simm.s32 $0xB000  }
0x8e: {  	[hbm4b:s4+s2] =	stream.indirect_vreg.scatter [tilespmem:s1], [sflag:$0xC], $0x80, v3, vm0, $0xb8;
	[tilespmem:$0x18800] =	vst v63  }
0x8f: {  	s3 =	simm.s32 $0xB800  }
0x90: {  	[hbm4b:s5+s2] =	stream.indirect_vreg.scatter [tilespmem:s3], [sflag:$0xC], $0x80, v3, vm0, $0xb8;
	[tilespmem:$0x18800] =	vst v63  }
0x91: {  	s8 =	simm.s32 $0xC000  }
0x92: {  	[hbm4b:s6+s2] =	stream.indirect_vreg.scatter [tilespmem:s8], [sflag:$0xC], $0x80, v3, vm0, $0xb8;
	[tilespmem:$0x18800] =	vst v63  }
0x93: {  	_ =	swait.ge [sflag:s10], $0x3000  }
0x94: {  	[sflag:s10] =	ssyncset.done $0x0  }
0x95: {  	s0 =	simm.s32 $0x5;
	s16 =	rddreg [dreg:$0xe];
	[sflag:s10] =	ssyncadd.s32 $0xFFFFD000  }
0x96: {  	[tilespmem:s15], [sflag:$0x4] =	stream.linear.gather [hbm4b:s16+s2], $0x3000, $0x38;
	[tilespmem:$0x18800] =	vst v63  }
0x97: {  	_ =	swait.ge [sflag:s0], $0x3000  }
0x98: {  	[sflag:s0] =	ssyncset.done $0x0  }
0x99: {  	[sflag:s0] =	ssyncadd.s32 $0xFFFFD000  }
0x9a: {  	v3 =	vld [tilespmem:$0x200];
	_ =	sdelay $0x4  }
0x9b: {  	v52 =	vshrl.u32 v3, $0x3  }
0x9c: {  	v4 =	vmul.u32 $0x30, v52  }
0x9d: {  	v3 =	vand.u32 $0x7, v3  }
0x9e: {  	v3 =	vor.u32 v3, v4  }
0x9f: {  	v4 =	vperm.xlane v3, v0;
	_ =	sdelay $0x1  }
0xa0: {  	v4 =	vadd.s32 v1, v4;
	_ =	sdelay $0x3  }
0xa1: {  	s1 =	simm.s32 $0xC800;
	v3 =	vperm.xlane v3, v2  }
0xa2: {  	[hbm4b:s4+s2] =	stream.indirect_vreg.scatter [tilespmem:s1], [sflag:$0xD], $0x80, v4, vm0, $0xb8;
	[tilespmem:$0x18800] =	vst v63  }
0xa3: {  	s3 =	simm.s32 $0xD000;
	v3 =	vadd.s32 v1, v3  }
0xa4: {  	[hbm4b:s5+s2] =	stream.indirect_vreg.scatter [tilespmem:s3], [sflag:$0xD], $0x80, v4, vm0, $0xb8;
	[tilespmem:$0x18800] =	vst v63  }
0xa5: {  	s28 =	simm.s32 $0xD800  }
0xa6: {  	[hbm4b:s6+s2] =	stream.indirect_vreg.scatter [tilespmem:s28], [sflag:$0xD], $0x80, v4, vm0, $0xb8;
	[tilespmem:$0x18800] =	vst v63  }
0xa7: {  	s8 =	simm.s32 $0xE000  }
0xa8: {  	[hbm4b:s4+s2] =	stream.indirect_vreg.scatter [tilespmem:s8], [sflag:$0xD], $0x80, v3, vm0, $0xb8;
	[tilespmem:$0x18800] =	vst v63  }
0xa9: {  	s16 =	simm.s32 $0xE800  }
0xaa: {  	[hbm4b:s5+s2] =	stream.indirect_vreg.scatter [tilespmem:s16], [sflag:$0xD], $0x80, v3, vm0, $0xb8;
	[tilespmem:$0x18800] =	vst v63  }
0xab: {  	s28 =	simm.s32 $0xF000  }
0xac: {  	[hbm4b:s6+s2] =	stream.indirect_vreg.scatter [tilespmem:s28], [sflag:$0xD], $0x80, v3, vm0, $0xb8;
	[tilespmem:$0x18800] =	vst v63  }
0xad: {  	_ =	swait.ge [sflag:s9], $0x3000  }
0xae: {  	[sflag:s9] =	ssyncset.done $0x0  }
0xaf: {  	s3 =	rddreg [dreg:$0xf];
	[sflag:s9] =	ssyncadd.s32 $0xFFFFD000  }
0xb0: {  	[tilespmem:s1], [sflag:$0x5] =	stream.linear.gather [hbm4b:s3+s2], $0x3000, $0x38;
	[tilespmem:$0x18800] =	vst v63  }
0xb1: {  	_ =	swait.ge [sflag:s7], $0x3000  }
0xb2: {  	[sflag:s7] =	ssyncset.done $0x0  }
0xb3: {  	[sflag:s7] =	ssyncadd.s32 $0xFFFFD000  }
0xb4: {  	v3 =	vld [tilespmem:$0x280];
	_ =	sdelay $0x4  }
0xb5: {  	v53 =	vshrl.u32 v3, $0x3  }
0xb6: {  	v4 =	vmul.u32 $0x30, v53  }
0xb7: {  	v3 =	vand.u32 $0x7, v3  }
0xb8: {  	v3 =	vor.u32 v3, v4  }
0xb9: {  	v4 =	vperm.xlane v3, v0;
	_ =	sdelay $0x1  }
0xba: {  	v4 =	vadd.s32 v1, v4;
	_ =	sdelay $0x3  }
0xbb: {  	s1 =	simm.s32 $0xF800;
	v3 =	vperm.xlane v3, v2  }
0xbc: {  	[hbm4b:s4+s2] =	stream.indirect_vreg.scatter [tilespmem:s1], [sflag:$0xE], $0x80, v4, vm0, $0xb8;
	[tilespmem:$0x18800] =	vst v63  }
0xbd: {  	s8 =	simm.s32 $0x10000;
	v3 =	vadd.s32 v1, v3  }
0xbe: {  	[hbm4b:s5+s2] =	stream.indirect_vreg.scatter [tilespmem:s8], [sflag:$0xE], $0x80, v4, vm0, $0xb8;
	[tilespmem:$0x18800] =	vst v63  }
0xbf: {  	s16 =	simm.s32 $0x10800  }
0xc0: {  	[hbm4b:s6+s2] =	stream.indirect_vreg.scatter [tilespmem:s16], [sflag:$0xE], $0x80, v4, vm0, $0xb8;
	[tilespmem:$0x18800] =	vst v63  }
0xc1: {  	s28 =	simm.s32 $0x11000  }
0xc2: {  	[hbm4b:s4+s2] =	stream.indirect_vreg.scatter [tilespmem:s28], [sflag:$0xE], $0x80, v3, vm0, $0xb8;
	[tilespmem:$0x18800] =	vst v63  }
0xc3: {  	s8 =	simm.s32 $0x11800  }
0xc4: {  	[hbm4b:s5+s2] =	stream.indirect_vreg.scatter [tilespmem:s8], [sflag:$0xE], $0x80, v3, vm0, $0xb8;
	[tilespmem:$0x18800] =	vst v63  }
0xc5: {  	s3 =	simm.s32 $0xE;
	s16 =	simm.s32 $0x12000  }
0xc6: {  	[hbm4b:s6+s2] =	stream.indirect_vreg.scatter [tilespmem:s16], [sflag:$0xE], $0x80, v3, vm0, $0xb8;
	[tilespmem:$0x18800] =	vst v63  }
0xc7: {  	_ =	swait.ge [sflag:s3], $0x3000  }
0xc8: {  	[sflag:s3] =	ssyncset.done $0x0  }
0xc9: {  	s28 =	rddreg [dreg:$0x10];
	[sflag:s3] =	ssyncadd.s32 $0xFFFFD000  }
0xca: {  	[tilespmem:s1], [sflag:$0x6] =	stream.linear.gather [hbm4b:s28+s2], $0x3000, $0x38;
	[tilespmem:$0x18800] =	vst v63  }
0xcb: {  	_ =	swait.ge [sflag:s29], $0x3000  }
0xcc: {  	[sflag:s29] =	ssyncset.done $0x0  }
0xcd: {  	[sflag:s29] =	ssyncadd.s32 $0xFFFFD000  }
0xce: {  	v3 =	vld [tilespmem:$0x300];
	_ =	sdelay $0x4  }
0xcf: {  	v54 =	vshrl.u32 v3, $0x3  }
0xd0: {  	v4 =	vmul.u32 $0x30, v54  }
0xd1: {  	v3 =	vand.u32 $0x7, v3  }
0xd2: {  	v3 =	vor.u32 v3, v4  }
0xd3: {  	v4 =	vperm.xlane v3, v0;
	_ =	sdelay $0x1  }
0xd4: {  	v4 =	vadd.s32 v1, v4;
	_ =	sdelay $0x3  }
0xd5: {  	s16 =	simm.s32 $0x12800;
	v3 =	vperm.xlane v3, v2  }
0xd6: {  	[hbm4b:s4+s2] =	stream.indirect_vreg.scatter [tilespmem:s16], [sflag:$0xF], $0x80, v4, vm0, $0xb8;
	[tilespmem:$0x18800] =	vst v63  }
0xd7: {  	s8 =	simm.s32 $0x13000;
	v3 =	vadd.s32 v1, v3  }
0xd8: {  	[hbm4b:s5+s2] =	stream.indirect_vreg.scatter [tilespmem:s8], [sflag:$0xF], $0x80, v4, vm0, $0xb8;
	[tilespmem:$0x18800] =	vst v63  }
0xd9: {  	s28 =	simm.s32 $0x13800  }
0xda: {  	[hbm4b:s6+s2] =	stream.indirect_vreg.scatter [tilespmem:s28], [sflag:$0xF], $0x80, v4, vm0, $0xb8;
	[tilespmem:$0x18800] =	vst v63  }
0xdb: {  	s8 =	simm.s32 $0x14000  }
0xdc: {  	[hbm4b:s4+s2] =	stream.indirect_vreg.scatter [tilespmem:s8], [sflag:$0xF], $0x80, v3, vm0, $0xb8;
	[tilespmem:$0x18800] =	vst v63  }
0xdd: {  	s28 =	simm.s32 $0x14800  }
0xde: {  	[hbm4b:s5+s2] =	stream.indirect_vreg.scatter [tilespmem:s28], [sflag:$0xF], $0x80, v3, vm0, $0xb8;
	[tilespmem:$0x18800] =	vst v63  }
0xdf: {  	s1 =	simm.s32 $0xF;
	s8 =	simm.s32 $0x15000  }
0xe0: {  	[hbm4b:s6+s2] =	stream.indirect_vreg.scatter [tilespmem:s8], [sflag:$0xF], $0x80, v3, vm0, $0xb8;
	[tilespmem:$0x18800] =	vst v63  }
0xe1: {  	_ =	swait.ge [sflag:s1], $0x3000  }
0xe2: {  	[sflag:s1] =	ssyncset.done $0x0  }
0xe3: {  	s28 =	rddreg [dreg:$0x11];
	[sflag:s1] =	ssyncadd.s32 $0xFFFFD000  }
0xe4: {  	[tilespmem:s16], [sflag:$0x7] =	stream.linear.gather [hbm4b:s28+s2], $0x3000, $0x38;
	[tilespmem:$0x18800] =	vst v63  }
0xe5: {  	_ =	swait.ge [sflag:s31], $0x3000  }
0xe6: {  	[sflag:s31] =	ssyncset.done $0x0  }
0xe7: {  	[sflag:s31] =	ssyncadd.s32 $0xFFFFD000  }
0xe8: {  	v3 =	vld [tilespmem:$0x380];
	_ =	sdelay $0x4  }
0xe9: {  	v55 =	vshrl.u32 v3, $0x3  }
0xea: {  	v4 =	vmul.u32 $0x30, v55  }
0xeb: {  	v3 =	vand.u32 $0x7, v3  }
0xec: {  	v3 =	vor.u32 v3, v4  }
0xed: {  	v4 =	vperm.xlane v3, v0;
	_ =	sdelay $0x1  }
0xee: {  	v4 =	vadd.s32 v1, v4;
	_ =	sdelay $0x3  }
0xef: {  	s16 =	simm.s32 $0x15800;
	v3 =	vperm.xlane v3, v2  }
0xf0: {  	[hbm4b:s4+s2] =	stream.indirect_vreg.scatter [tilespmem:s16], [sflag:$0x10], $0x80, v4, vm0, $0xb8;
	[tilespmem:$0x18800] =	vst v63  }
0xf1: {  	s28 =	simm.s32 $0x16000;
	v3 =	vadd.s32 v1, v3  }
0xf2: {  	[hbm4b:s5+s2] =	stream.indirect_vreg.scatter [tilespmem:s28], [sflag:$0x10], $0x80, v4, vm0, $0xb8;
	[tilespmem:$0x18800] =	vst v63  }
0xf3: {  	s8 =	simm.s32 $0x16800  }
0xf4: {  	[hbm4b:s6+s2] =	stream.indirect_vreg.scatter [tilespmem:s8], [sflag:$0x10], $0x80, v4, vm0, $0xb8;
	[tilespmem:$0x18800] =	vst v63  }
0xf5: {  	_ = 	snop  }
0xf6: {  	[hbm4b:s4+s2] =	stream.indirect_vreg.scatter [tilespmem:s18], [sflag:$0x10], $0x80, v3, vm0, $0xb8;
	[tilespmem:$0x18800] =	vst v63  }
0xf7: {  	_ = 	snop  }
0xf8: {  	[hbm4b:s5+s2] =	stream.indirect_vreg.scatter [tilespmem:s19], [sflag:$0x10], $0x80, v3, vm0, $0xb8;
	[tilespmem:$0x18800] =	vst v63  }
0xf9: {  	_ = 	snop  }
0xfa: {  	[hbm4b:s6+s2] =	stream.indirect_vreg.scatter [tilespmem:s24], [sflag:$0x10], $0x80, v3, vm0, $0xb8;
	[tilespmem:$0x18800] =	vst v63  }
0xfb: {  	_ =	swait.ge [sflag:s30], $0x3000  }
0xfc: {  	[sflag:s30] =	ssyncset.done $0x0  }
0xfd: {  	s8 =	rddreg [dreg:$0x12];
	[sflag:s30] =	ssyncadd.s32 $0xFFFFD000  }
0xfe: {  	[tilespmem:s16], [sflag:$0x8] =	stream.linear.gather [hbm4b:s8+s2], $0x3000, $0x38;
	[tilespmem:$0x18800] =	vst v63  }
0xff: {  	_ =	swait.ge [sflag:s23], $0x3000  }
0x100: {  	[sflag:s23] =	ssyncset.done $0x0  }
0x101: {  	[sflag:s23] =	ssyncadd.s32 $0xFFFFD000  }
0x102: {  	v3 =	vld [tilespmem:$0x400];
	_ =	sdelay $0x4  }
0x103: {  	v56 =	vshrl.u32 v3, $0x3  }
0x104: {  	v4 =	vmul.u32 $0x30, v56  }
0x105: {  	v3 =	vand.u32 $0x7, v3  }
0x106: {  	v3 =	vor.u32 v3, v4  }
0x107: {  	v4 =	vperm.xlane v3, v0;
	_ =	sdelay $0x1  }
0x108: {  	v4 =	vadd.s32 v1, v4;
	_ =	sdelay $0x3  }
0x109: {  	v3 =	vperm.xlane v3, v2  }
0x10a: {  	[hbm4b:s4+s2] =	stream.indirect_vreg.scatter [tilespmem:s12], [sflag:$0x9], $0x80, v4, vm0, $0xb8;
	[tilespmem:$0x18800] =	vst v63  }
0x10b: {  	s16 =	simm.s32 $0x1000;
	v3 =	vadd.s32 v1, v3  }
0x10c: {  	[hbm4b:s5+s2] =	stream.indirect_vreg.scatter [tilespmem:s16], [sflag:$0x9], $0x80, v4, vm0, $0xb8;
	[tilespmem:$0x18800] =	vst v63  }
0x10d: {  	s16 =	simm.s32 $0x1800  }
0x10e: {  	[hbm4b:s6+s2] =	stream.indirect_vreg.scatter [tilespmem:s16], [sflag:$0x9], $0x80, v4, vm0, $0xb8;
	[tilespmem:$0x18800] =	vst v63  }
0x10f: {  	s16 =	simm.s32 $0x2000  }
0x110: {  	[hbm4b:s4+s2] =	stream.indirect_vreg.scatter [tilespmem:s16], [sflag:$0x9], $0x80, v3, vm0, $0xb8;
	[tilespmem:$0x18800] =	vst v63  }
0x111: {  	s16 =	simm.s32 $0x2800  }
0x112: {  	[hbm4b:s5+s2] =	stream.indirect_vreg.scatter [tilespmem:s16], [sflag:$0x9], $0x80, v3, vm0, $0xb8;
	[tilespmem:$0x18800] =	vst v63  }
0x113: {  	s16 =	simm.s32 $0x3000  }
0x114: {  	[hbm4b:s6+s2] =	stream.indirect_vreg.scatter [tilespmem:s16], [sflag:$0x9], $0x80, v3, vm0, $0xb8;
	[tilespmem:$0x18800] =	vst v63  }
0x115: {  	_ =	swait.ge [sflag:s25], $0x3000  }
0x116: {  	[sflag:s25] =	ssyncset.done $0x0  }
0x117: {  	[sflag:s25] =	ssyncadd.s32 $0xFFFFD000  }
0x118: {  	v3 =	vld [tilespmem:$0x480];
	_ =	sdelay $0x4  }
0x119: {  	v57 =	vshrl.u32 v3, $0x3  }
0x11a: {  	v4 =	vmul.u32 $0x30, v57  }
0x11b: {  	v3 =	vand.u32 $0x7, v3  }
0x11c: {  	v3 =	vor.u32 v3, v4  }
0x11d: {  	v4 =	vperm.xlane v3, v0;
	_ =	sdelay $0x1  }
0x11e: {  	v4 =	vadd.s32 v1, v4;
	_ =	sdelay $0x3  }
0x11f: {  	v3 =	vperm.xlane v3, v2  }
0x120: {  	[hbm4b:s4+s2] =	stream.indirect_vreg.scatter [tilespmem:s13], [sflag:$0xA], $0x80, v4, vm0, $0xb8;
	[tilespmem:$0x18800] =	vst v63  }
0x121: {  	s16 =	simm.s32 $0x4000;
	v3 =	vadd.s32 v1, v3  }
0x122: {  	[hbm4b:s5+s2] =	stream.indirect_vreg.scatter [tilespmem:s16], [sflag:$0xA], $0x80, v4, vm0, $0xb8;
	[tilespmem:$0x18800] =	vst v63  }
0x123: {  	s16 =	simm.s32 $0x4800  }
0x124: {  	[hbm4b:s6+s2] =	stream.indirect_vreg.scatter [tilespmem:s16], [sflag:$0xA], $0x80, v4, vm0, $0xb8;
	[tilespmem:$0x18800] =	vst v63  }
0x125: {  	s16 =	simm.s32 $0x5000  }
0x126: {  	[hbm4b:s4+s2] =	stream.indirect_vreg.scatter [tilespmem:s16], [sflag:$0xA], $0x80, v3, vm0, $0xb8;
	[tilespmem:$0x18800] =	vst v63  }
0x127: {  	s16 =	simm.s32 $0x5800  }
0x128: {  	[hbm4b:s5+s2] =	stream.indirect_vreg.scatter [tilespmem:s16], [sflag:$0xA], $0x80, v3, vm0, $0xb8;
	[tilespmem:$0x18800] =	vst v63  }
0x129: {  	s16 =	simm.s32 $0x6000  }
0x12a: {  	[hbm4b:s6+s2] =	stream.indirect_vreg.scatter [tilespmem:s16], [sflag:$0xA], $0x80, v3, vm0, $0xb8;
	[tilespmem:$0x18800] =	vst v63  }
0x12b: {  	_ =	swait.ge [sflag:s21], $0x3000  }
0x12c: {  	[sflag:s21] =	ssyncset.done $0x0  }
0x12d: {  	[sflag:s21] =	ssyncadd.s32 $0xFFFFD000  }
0x12e: {  	v3 =	vld [tilespmem:$0x500];
	_ =	sdelay $0x4  }
0x12f: {  	v58 =	vshrl.u32 v3, $0x3  }
0x130: {  	v4 =	vmul.u32 $0x30, v58  }
0x131: {  	v3 =	vand.u32 $0x7, v3  }
0x132: {  	v3 =	vor.u32 v3, v4  }
0x133: {  	v4 =	vperm.xlane v3, v0;
	_ =	sdelay $0x1  }
0x134: {  	v4 =	vadd.s32 v1, v4;
	_ =	sdelay $0x3  }
0x135: {  	v3 =	vperm.xlane v3, v2  }
0x136: {  	[hbm4b:s4+s2] =	stream.indirect_vreg.scatter [tilespmem:s14], [sflag:$0xB], $0x80, v4, vm0, $0xb8;
	[tilespmem:$0x18800] =	vst v63  }
0x137: {  	s16 =	simm.s32 $0x7000;
	v3 =	vadd.s32 v1, v3  }
0x138: {  	[hbm4b:s5+s2] =	stream.indirect_vreg.scatter [tilespmem:s16], [sflag:$0xB], $0x80, v4, vm0, $0xb8;
	[tilespmem:$0x18800] =	vst v63  }
0x139: {  	s16 =	simm.s32 $0x7800  }
0x13a: {  	[hbm4b:s6+s2] =	stream.indirect_vreg.scatter [tilespmem:s16], [sflag:$0xB], $0x80, v4, vm0, $0xb8;
	[tilespmem:$0x18800] =	vst v63  }
0x13b: {  	s16 =	simm.s32 $0x8000  }
0x13c: {  	[hbm4b:s4+s2] =	stream.indirect_vreg.scatter [tilespmem:s16], [sflag:$0xB], $0x80, v3, vm0, $0xb8;
	[tilespmem:$0x18800] =	vst v63  }
0x13d: {  	s16 =	simm.s32 $0x8800  }
0x13e: {  	[hbm4b:s5+s2] =	stream.indirect_vreg.scatter [tilespmem:s16], [sflag:$0xB], $0x80, v3, vm0, $0xb8;
	[tilespmem:$0x18800] =	vst v63  }
0x13f: {  	s16 =	simm.s32 $0x9000  }
0x140: {  	[hbm4b:s6+s2] =	stream.indirect_vreg.scatter [tilespmem:s16], [sflag:$0xB], $0x80, v3, vm0, $0xb8;
	[tilespmem:$0x18800] =	vst v63  }
0x141: {  	_ =	swait.ge [sflag:s20], $0x3000  }
0x142: {  	[sflag:s20] =	ssyncset.done $0x0  }
0x143: {  	[sflag:s20] =	ssyncadd.s32 $0xFFFFD000  }
0x144: {  	v3 =	vld [tilespmem:$0x580];
	_ =	sdelay $0x4  }
0x145: {  	v59 =	vshrl.u32 v3, $0x3  }
0x146: {  	v4 =	vmul.u32 $0x30, v59  }
0x147: {  	v3 =	vand.u32 $0x7, v3  }
0x148: {  	v3 =	vor.u32 v3, v4  }
0x149: {  	v4 =	vperm.xlane v3, v0;
	_ =	sdelay $0x1  }
0x14a: {  	v4 =	vadd.s32 v1, v4;
	_ =	sdelay $0x3  }
0x14b: {  	v3 =	vperm.xlane v3, v2  }
0x14c: {  	[hbm4b:s4+s2] =	stream.indirect_vreg.scatter [tilespmem:s15], [sflag:$0xC], $0x80, v4, vm0, $0xb8;
	[tilespmem:$0x18800] =	vst v63  }
0x14d: {  	s16 =	simm.s32 $0xA000;
	v3 =	vadd.s32 v1, v3  }
0x14e: {  	[hbm4b:s5+s2] =	stream.indirect_vreg.scatter [tilespmem:s16], [sflag:$0xC], $0x80, v4, vm0, $0xb8;
	[tilespmem:$0x18800] =	vst v63  }
0x14f: {  	s16 =	simm.s32 $0xA800  }
0x150: {  	[hbm4b:s6+s2] =	stream.indirect_vreg.scatter [tilespmem:s16], [sflag:$0xC], $0x80, v4, vm0, $0xb8;
	[tilespmem:$0x18800] =	vst v63  }
0x151: {  	s16 =	simm.s32 $0xB000  }
0x152: {  	[hbm4b:s4+s2] =	stream.indirect_vreg.scatter [tilespmem:s16], [sflag:$0xC], $0x80, v3, vm0, $0xb8;
	[tilespmem:$0x18800] =	vst v63  }
0x153: {  	s16 =	simm.s32 $0xB800  }
0x154: {  	[hbm4b:s5+s2] =	stream.indirect_vreg.scatter [tilespmem:s16], [sflag:$0xC], $0x80, v3, vm0, $0xb8;
	[tilespmem:$0x18800] =	vst v63  }
0x155: {  	s16 =	simm.s32 $0xC000  }
0x156: {  	[hbm4b:s6+s2] =	stream.indirect_vreg.scatter [tilespmem:s16], [sflag:$0xC], $0x80, v3, vm0, $0xb8;
	[tilespmem:$0x18800] =	vst v63  }
0x157: {  	_ =	swait.ge [sflag:s0], $0x3000  }
0x158: {  	[sflag:s0] =	ssyncset.done $0x0  }
0x159: {  	[sflag:s0] =	ssyncadd.s32 $0xFFFFD000  }
0x15a: {  	v3 =	vld [tilespmem:$0x600];
	_ =	sdelay $0x4  }
0x15b: {  	v60 =	vshrl.u32 v3, $0x3  }
0x15c: {  	v4 =	vmul.u32 $0x30, v60  }
0x15d: {  	v3 =	vand.u32 $0x7, v3  }
0x15e: {  	v3 =	vor.u32 v3, v4  }
0x15f: {  	v4 =	vperm.xlane v3, v0;
	_ =	sdelay $0x1  }
0x160: {  	v4 =	vadd.s32 v1, v4;
	_ =	sdelay $0x3  }
0x161: {  	s12 =	simm.s32 $0xC800;
	v3 =	vperm.xlane v3, v2  }
0x162: {  	[hbm4b:s4+s2] =	stream.indirect_vreg.scatter [tilespmem:s12], [sflag:$0xD], $0x80, v4, vm0, $0xb8;
	[tilespmem:$0x18800] =	vst v63  }
0x163: {  	s16 =	simm.s32 $0xD000;
	v3 =	vadd.s32 v1, v3  }
0x164: {  	[hbm4b:s5+s2] =	stream.indirect_vreg.scatter [tilespmem:s16], [sflag:$0xD], $0x80, v4, vm0, $0xb8;
	[tilespmem:$0x18800] =	vst v63  }
0x165: {  	s12 =	simm.s32 $0xD800  }
0x166: {  	[hbm4b:s6+s2] =	stream.indirect_vreg.scatter [tilespmem:s12], [sflag:$0xD], $0x80, v4, vm0, $0xb8;
	[tilespmem:$0x18800] =	vst v63  }
0x167: {  	s16 =	simm.s32 $0xE000  }
0x168: {  	[hbm4b:s4+s2] =	stream.indirect_vreg.scatter [tilespmem:s16], [sflag:$0xD], $0x80, v3, vm0, $0xb8;
	[tilespmem:$0x18800] =	vst v63  }
0x169: {  	s12 =	simm.s32 $0xE800  }
0x16a: {  	[hbm4b:s5+s2] =	stream.indirect_vreg.scatter [tilespmem:s12], [sflag:$0xD], $0x80, v3, vm0, $0xb8;
	[tilespmem:$0x18800] =	vst v63  }
0x16b: {  	s16 =	simm.s32 $0xF000  }
0x16c: {  	[hbm4b:s6+s2] =	stream.indirect_vreg.scatter [tilespmem:s16], [sflag:$0xD], $0x80, v3, vm0, $0xb8;
	[tilespmem:$0x18800] =	vst v63  }
0x16d: {  	_ =	swait.ge [sflag:s7], $0x3000  }
0x16e: {  	[sflag:s7] =	ssyncset.done $0x0  }
0x16f: {  	[sflag:s7] =	ssyncadd.s32 $0xFFFFD000  }
0x170: {  	v3 =	vld [tilespmem:$0x680];
	_ =	sdelay $0x4  }
0x171: {  	v61 =	vshrl.u32 v3, $0x3  }
0x172: {  	v4 =	vmul.u32 $0x30, v61  }
0x173: {  	v3 =	vand.u32 $0x7, v3  }
0x174: {  	v3 =	vor.u32 v3, v4  }
0x175: {  	v4 =	vperm.xlane v3, v0;
	_ =	sdelay $0x1  }
0x176: {  	v4 =	vadd.s32 v1, v4;
	_ =	sdelay $0x3  }
0x177: {  	s12 =	simm.s32 $0xF800;
	v3 =	vperm.xlane v3, v2  }
0x178: {  	[hbm4b:s4+s2] =	stream.indirect_vreg.scatter [tilespmem:s12], [sflag:$0xE], $0x80, v4, vm0, $0xb8;
	[tilespmem:$0x18800] =	vst v63  }
0x179: {  	s16 =	simm.s32 $0x10000;
	v3 =	vadd.s32 v1, v3  }
0x17a: {  	[hbm4b:s5+s2] =	stream.indirect_vreg.scatter [tilespmem:s16], [sflag:$0xE], $0x80, v4, vm0, $0xb8;
	[tilespmem:$0x18800] =	vst v63  }
0x17b: {  	s12 =	simm.s32 $0x10800  }
0x17c: {  	[hbm4b:s6+s2] =	stream.indirect_vreg.scatter [tilespmem:s12], [sflag:$0xE], $0x80, v4, vm0, $0xb8;
	[tilespmem:$0x18800] =	vst v63  }
0x17d: {  	s16 =	simm.s32 $0x11000  }
0x17e: {  	[hbm4b:s4+s2] =	stream.indirect_vreg.scatter [tilespmem:s16], [sflag:$0xE], $0x80, v3, vm0, $0xb8;
	[tilespmem:$0x18800] =	vst v63  }
0x17f: {  	s12 =	simm.s32 $0x11800  }
0x180: {  	[hbm4b:s5+s2] =	stream.indirect_vreg.scatter [tilespmem:s12], [sflag:$0xE], $0x80, v3, vm0, $0xb8;
	[tilespmem:$0x18800] =	vst v63  }
0x181: {  	s16 =	simm.s32 $0x12000  }
0x182: {  	[hbm4b:s6+s2] =	stream.indirect_vreg.scatter [tilespmem:s16], [sflag:$0xE], $0x80, v3, vm0, $0xb8;
	[tilespmem:$0x18800] =	vst v63  }
0x183: {  	_ =	swait.ge [sflag:s29], $0x3000  }
0x184: {  	[sflag:s29] =	ssyncset.done $0x0  }
0x185: {  	[sflag:s29] =	ssyncadd.s32 $0xFFFFD000  }
0x186: {  	v3 =	vld [tilespmem:$0x700];
	_ =	sdelay $0x4  }
0x187: {  	v62 =	vshrl.u32 v3, $0x3  }
0x188: {  	v4 =	vmul.u32 $0x30, v62  }
0x189: {  	v3 =	vand.u32 $0x7, v3  }
0x18a: {  	v3 =	vor.u32 v3, v4  }
0x18b: {  	v4 =	vperm.xlane v3, v0;
	_ =	sdelay $0x1  }
0x18c: {  	v4 =	vadd.s32 v1, v4;
	_ =	sdelay $0x3  }
0x18d: {  	s12 =	simm.s32 $0x12800;
	v3 =	vperm.xlane v3, v2  }
0x18e: {  	[hbm4b:s4+s2] =	stream.indirect_vreg.scatter [tilespmem:s12], [sflag:$0xF], $0x80, v4, vm0, $0xb8;
	[tilespmem:$0x18800] =	vst v63  }
0x18f: {  	s16 =	simm.s32 $0x13000;
	v3 =	vadd.s32 v1, v3  }
0x190: {  	[hbm4b:s5+s2] =	stream.indirect_vreg.scatter [tilespmem:s16], [sflag:$0xF], $0x80, v4, vm0, $0xb8;
	[tilespmem:$0x18800] =	vst v63  }
0x191: {  	s12 =	simm.s32 $0x13800  }
0x192: {  	[hbm4b:s6+s2] =	stream.indirect_vreg.scatter [tilespmem:s12], [sflag:$0xF], $0x80, v4, vm0, $0xb8;
	[tilespmem:$0x18800] =	vst v63  }
0x193: {  	s16 =	simm.s32 $0x14000  }
0x194: {  	[hbm4b:s4+s2] =	stream.indirect_vreg.scatter [tilespmem:s16], [sflag:$0xF], $0x80, v3, vm0, $0xb8;
	[tilespmem:$0x18800] =	vst v63  }
0x195: {  	s12 =	simm.s32 $0x14800  }
0x196: {  	[hbm4b:s5+s2] =	stream.indirect_vreg.scatter [tilespmem:s12], [sflag:$0xF], $0x80, v3, vm0, $0xb8;
	[tilespmem:$0x18800] =	vst v63  }
0x197: {  	s16 =	simm.s32 $0x15000  }
0x198: {  	[hbm4b:s6+s2] =	stream.indirect_vreg.scatter [tilespmem:s16], [sflag:$0xF], $0x80, v3, vm0, $0xb8;
	[tilespmem:$0x18800] =	vst v63  }
0x199: {  	_ =	swait.ge [sflag:s31], $0x3000  }
0x19a: {  	[sflag:s31] =	ssyncset.done $0x0  }
0x19b: {  	[sflag:s31] =	ssyncadd.s32 $0xFFFFD000  }
0x19c: {  	v3 =	vld [tilespmem:$0x780];
	_ =	sdelay $0x4  }
0x19d: {  	v63 =	vshrl.u32 v3, $0x3  }
0x19e: {  	v4 =	vmul.u32 $0x30, v63  }
0x19f: {  	v3 =	vand.u32 $0x7, v3  }
0x1a0: {  	v3 =	vor.u32 v3, v4  }
0x1a1: {  	v4 =	vperm.xlane v3, v0;
	_ =	sdelay $0x1  }
0x1a2: {  	v4 =	vadd.s32 v1, v4;
	_ =	sdelay $0x3  }
0x1a3: {  	s8 =	simm.s32 $0x15800;
	v3 =	vperm.xlane v3, v2  }
0x1a4: {  	[hbm4b:s4+s2] =	stream.indirect_vreg.scatter [tilespmem:s8], [sflag:$0x10], $0x80, v4, vm0, $0xb8;
	[tilespmem:$0x18800] =	vst v63  }
0x1a5: {  	v3 =	vadd.s32 v1, v3  }
0x1a6: {  	[hbm4b:s5+s2] =	stream.indirect_vreg.scatter [tilespmem:s28], [sflag:$0x10], $0x80, v4, vm0, $0xb8;
	[tilespmem:$0x18800] =	vst v63  }
0x1a7: {  	s28 =	simm.s32 $0x16800  }
0x1a8: {  	[hbm4b:s6+s2] =	stream.indirect_vreg.scatter [tilespmem:s28], [sflag:$0x10], $0x80, v4, vm0, $0xb8;
	[tilespmem:$0x18800] =	vst v63  }
0x1a9: {  	_ = 	snop  }
0x1aa: {  	[hbm4b:s4+s2] =	stream.indirect_vreg.scatter [tilespmem:s18], [sflag:$0x10], $0x80, v3, vm0, $0xb8;
	[tilespmem:$0x18800] =	vst v63  }
0x1ab: {  	_ = 	snop  }
0x1ac: {  	[hbm4b:s5+s2] =	stream.indirect_vreg.scatter [tilespmem:s19], [sflag:$0x10], $0x80, v3, vm0, $0xb8;
	[tilespmem:$0x18800] =	vst v63  }
0x1ad: {  	_ = 	snop  }
0x1ae: {  	[hbm4b:s6+s2] =	stream.indirect_vreg.scatter [tilespmem:s24], [sflag:$0x10], $0x80, v3, vm0, $0xb8;
	[tilespmem:$0x18800] =	vst v63  }
0x1af: {  	_ =	swait.ge [sflag:s22], $0x3000  }
0x1b0: {  	[sflag:s22] =	ssyncset.done $0x0  }
0x1b1: {  	[sflag:s22] =	ssyncadd.s32 $0xFFFFD000  }
0x1b2: {  	_ =	swait.ge [sflag:s11], $0x3000  }
0x1b3: {  	[sflag:s11] =	ssyncset.done $0x0  }
0x1b4: {  	[sflag:s11] =	ssyncadd.s32 $0xFFFFD000  }
0x1b5: {  	_ =	swait.ge [sflag:s26], $0x3000  }
0x1b6: {  	[sflag:s26] =	ssyncset.done $0x0  }
0x1b7: {  	[sflag:s26] =	ssyncadd.s32 $0xFFFFD000  }
0x1b8: {  	_ =	swait.ge [sflag:s10], $0x3000  }
0x1b9: {  	[sflag:s10] =	ssyncset.done $0x0  }
0x1ba: {  	[sflag:s10] =	ssyncadd.s32 $0xFFFFD000  }
0x1bb: {  	_ =	swait.ge [sflag:s9], $0x3000  }
0x1bc: {  	[sflag:s9] =	ssyncset.done $0x0  }
0x1bd: {  	[sflag:s9] =	ssyncadd.s32 $0xFFFFD000  }
0x1be: {  	_ =	swait.ge [sflag:s3], $0x3000  }
0x1bf: {  	[sflag:s3] =	ssyncset.done $0x0  }
0x1c0: {  	[sflag:s3] =	ssyncadd.s32 $0xFFFFD000  }
0x1c1: {  	p0 =	sne.s32 s17, $0x1;
	_ =	swait.ge [sflag:s1], $0x3000  }
.Ltmp0:
0x1c2: {  	[sflag:s1] =	ssyncset.done $0x0;
	(pc) =	sbr.rel @p0 .LBB2_1-.Ltmp0, $4  }
0x1c3: {  	[sflag:s1] =	ssyncadd.s32 $0xFFFFD000  }
0x1c4: {  	_ =	swait.ge [sflag:s30], $0x3000  }
0x1c5: {  	[sflag:s30] =	ssyncset.done $0x0  }
0x1c6: {  	s17 =	sadd.s32 $0xFFFFFFFF, s17;
	[sflag:s30] =	ssyncadd.s32 $0xFFFFD000  }
0x1c7: {  	_ =	sfence.sel $0x180000  }
0x1c8: {  	[bflag:$0x0] =	sbarrier.arrive $0xFFFF  }
0x1c9: {  	_ =	strace $0x90000047  }
0x1ca: {  	s0 =	stileid.u32;
	[bflag:$0x2] =	sbarrier.arrive $0xFFFF  }
0x1cb: {  	p0 =	sne.s32 s0, $0x0;
	s0 =	rddreg [dreg:$0x2]  }
0x1cc: {  	s0 =	sadd.s32 @!p0 $0x100000, s0  }
0x1cd: {  	[sflag:s0] =	ssyncadd.tile.s32 @!p0 $0x1;
	_ =	shalt  }
.Lfunc_end2:
_tile_overlayer_lowered:
.L_overlay_start_2:
0x1ce: {  	(tag) =	ssettag $0x2  }
0x1cf: {  	s0 =	rddreg [dreg:$0x0];
	s2 =	stileid.u32  }
0x1d0: {  	s1 =	rddreg [dreg:$0x1];
	p0 =	sne.s32 s2, $0x0  }
0x1d1: {  	s3 =	rddreg [dreg:$0x2];
	[bflag:$0x3] =	sbarrier.arrive $0xFFFF;
	s2 =	simm.s32 @!p0 $0x1C11  }
0x1d2: {  	[timem:s3], [sflag:s2] =	dma.local @!p0 [hbm:s0], s1  }
0x1d3: {  	s0 =	simm.s32 @!p0 $0x11  }
0x1d4: {  	_ =	swait.ge @!p0 [sflag:s0], s1  }
0x1d5: {  	s1 =	ssub.s32 @!p0 $0x0, s1;
	[sflag:s0] =	ssyncset.done @!p0 $0x0  }
0x1d6: {  	[sflag:s0] =	ssyncadd.s32 @!p0 s1  }
0x1d7: {  	[bflag:$0x3] =	sbarrier.arrive $0xFFFF  }
0x1d8: {  	_ =	shalt  }

// kernel: kernel.9.cloned.1.call-start
scs
__scs_entry_jumppad:
0x0: {  	(pc) =	sbr.rel $0x88, $3  }
0x1: {  	(tag) =	ssettag $0x0;
	lr =	simm.s32 $0x1  }
0x2: {  	[smem:$0x3F99] =	sst lr;
	_ =	strace $0xD0000000  }
0x3: {  	_ = 	snop  }
0x4: {  	_ = 	snop  }
0x5: {  	_ = 	snop  }
0x6: {  	_ = 	snop  }
0x7: {  	_ = 	snop  }
__scs_overlays_trampoline_lowered:
0x8: {  	[smem:$0x3FA8] =	sst s0  }
0x9: {  	[smem:$0x3FA9] =	sst s1  }
0xa: {  	[smem:$0x3FAA] =	sst s2  }
0xb: {  	[smem:$0x3FAB] =	sst s3  }
0xc: {  	[smem:$0x3FAC] =	sst s4  }
0xd: {  	[smem:$0x3FAD] =	sst s5  }
0xe: {  	[smem:$0x3FAE] =	sst s6  }
0xf: {  	[smem:$0x3FAF] =	sst s7  }
0x10: {  	[smem:$0x3FB0] =	sst s8  }
0x11: {  	[smem:$0x3FB1] =	sst s9;
	s0 =	simm.s32 @!p0 $0x0  }
0x12: {  	s1 =	sld [smem:$0x3F97];
	s0 =	simm.s32 @p0 $0x1  }
0x13: {  	[smem:$0x3FB2] =	sst s0;
	s0 =	simm.s32 @!p1 $0x0  }
0x14: {  	s2 =	sld [smem:$0x3F96];
	s0 =	simm.s32 @p1 $0x1  }
0x15: {  	[smem:$0x3FB3] =	sst s0;
	s0 =	simm.s32 @!p2 $0x0  }
0x16: {  	s3 =	sld [smem:$0x3FDB];
	s0 =	simm.s32 @p2 $0x1  }
0x17: {  	s4 =	simm.s32 $0x1BF5;
	[smem:$0x3FB5] =	sst s0  }
0x18: {  	s0 =	sld [smem:$0x3F98];
	_ =	swait.ge [sflag:s4], $0x0  }
0x19: {  	s7 =	sld [smem:$0x3F99]  }
0x1a: {  	s8 =	sadd.s32 $0xFFFFE003, lr  }
0x1b: {  	s9 =	sadd.s32 $0xFFFFFEF7, lr;
	s5 =	simm.s32 $0xFFFFFFFF;
	p2 =	slt.u32 s8, $0xFFFFF086  }
0x1c: {  	p1 =	slt.u32 s9, $0xF7A;
	s5 =	simm.s32 @!p2 $0x0  }
0x1d: {  	s5 =	simm.s32 @p1 $0x1;
	p0 =	seq.s32 s7, s2  }
0x1e: {  	s7 =	smul.u32 @!p0 $0xF7A, s2;
	p2 =	seq.s32 @!p0 s5, $0x0  }
0x1f: {  	s9 =	smul.u32 $0xF7A, s1;
	s8 =	simm.s32 @!p0 $0x1BF5;
	p2 =	por !p2, p0  }
0x20: {  	[sflag:s8] =	ssyncset.s32 @!p0 $0xFFFFF086;
	s6 =	sadd.s32 @!p0 s3, s7;
	s7 =	simm.s32 @!p0 $0x108  }
0x21: {  	s3 =	sadd.s32 s3, s9;
	s6 =	sadd.s32 @!p0 $0x88, s6;
	s7 =	simm.s32 @p2 $0x1082  }
0x22: {  	[simem:s7], [sflag:s8] =	dma.local @!p0 [hbm:s6], $0xF7A  }
0x23: {  	s9 =	sor.u32 $0xD0000000, s2;
	s6 =	simm.s32 $0x108;
	_ =	swait.ge @!p0 [sflag:s8], $0x0  }
0x24: {  	s3 =	sadd.s32 $0x88, s3;
	s6 =	simm.s32 @!p1 $0x1082;
	[sflag:s4] =	ssyncset.s32 $0xFFFFF086  }
0x25: {  	[simem:s6], [sflag:s4] =	dma.local [hbm:s3], $0xF7A  }
0x26: {  	[smem:$0x3F99] =	sst s1;
	(tag) =	ssettag s2;
	_ =	strace s9  }
0x27: {  	s1 =	sld [smem:$0x3FA9]  }
0x28: {  	s2 =	sld [smem:$0x3FAA]  }
0x29: {  	s4 =	sld [smem:$0x3FAC]  }
0x2a: {  	p0 =	seq.s32 s5, $0x0;
	s5 =	sld [smem:$0x3FAD]  }
0x2b: {  	s6 =	sld [smem:$0x3FAE]  }
0x2c: {  	s7 =	sld [smem:$0x3FAF]  }
0x2d: {  	s3 =	simm.s32 $0x108;
	s8 =	sld [smem:$0x3FB0]  }
0x2e: {  	s3 =	simm.s32 @!p0 $0x1082;
	s9 =	sld [smem:$0x3FB1]  }
0x2f: {  	lr =	sadd.s32 s0, s3;
	s0 =	sld [smem:$0x3FA8]  }
0x30: {  	s3 =	sld [smem:$0x3FAB]  }
0x31: {  	[smem:$0x3FB4] =	sst s10  }
0x32: {  	s10 =	sld [smem:$0x3FB2];
	_ =	sdelay $0x3  }
0x33: {  	p0 =	seq.s32 s10, $0x1;
	s10 =	sld [smem:$0x3FB4];
	_ =	sdelay $0x3  }
0x34: {  	[smem:$0x3FB4] =	sst s10  }
0x35: {  	s10 =	sld [smem:$0x3FB3];
	_ =	sdelay $0x3  }
0x36: {  	p1 =	seq.s32 s10, $0x1;
	s10 =	sld [smem:$0x3FB4];
	_ =	sdelay $0x3  }
0x37: {  	[smem:$0x3FB4] =	sst s10  }
0x38: {  	s10 =	sld [smem:$0x3FB5]  }
0x39: {  	_ = 	snop;
	(pc) =	sbr.ind lr, $3  }
0x3a: {  	_ = 	snop  }
0x3b: {  	_ = 	snop  }
0x3c: {  	p2 =	seq.s32 s10, $0x1;
	s10 =	sld [smem:$0x3FB4]  }
0x3d: {  	_ =	shalt  }
0x3e: {  	_ =	shalt  }
0x3f: {  	_ =	shalt  }
0x40: {  	_ =	shalt  }
0x41: {  	_ =	shalt  }
0x42: {  	_ =	shalt  }
0x43: {  	_ =	shalt  }
0x44: {  	_ =	shalt  }
0x45: {  	_ =	shalt  }
0x46: {  	_ =	shalt  }
0x47: {  	_ =	shalt  }
0x48: {  	_ =	shalt  }
0x49: {  	_ =	shalt  }
0x4a: {  	_ =	shalt  }
0x4b: {  	_ =	shalt  }
0x4c: {  	_ =	shalt  }
0x4d: {  	_ =	shalt  }
0x4e: {  	_ =	shalt  }
0x4f: {  	_ =	shalt  }
0x50: {  	_ =	shalt  }
0x51: {  	_ =	shalt  }
0x52: {  	_ =	shalt  }
0x53: {  	_ =	shalt  }
0x54: {  	_ =	shalt  }
0x55: {  	_ =	shalt  }
0x56: {  	_ =	shalt  }
0x57: {  	_ =	shalt  }
0x58: {  	_ =	shalt  }
0x59: {  	_ =	shalt  }
0x5a: {  	_ =	shalt  }
0x5b: {  	_ =	shalt  }
0x5c: {  	_ =	shalt  }
0x5d: {  	_ =	shalt  }
0x5e: {  	_ =	shalt  }
0x5f: {  	_ =	shalt  }
0x60: {  	_ =	shalt  }
0x61: {  	_ =	shalt  }
0x62: {  	_ =	shalt  }
0x63: {  	_ =	shalt  }
0x64: {  	_ =	shalt  }
0x65: {  	_ =	shalt  }
0x66: {  	_ =	shalt  }
0x67: {  	_ =	shalt  }
0x68: {  	_ =	shalt  }
0x69: {  	_ =	shalt  }
0x6a: {  	_ =	shalt  }
0x6b: {  	_ =	shalt  }
0x6c: {  	_ =	shalt  }
0x6d: {  	_ =	shalt  }
0x6e: {  	_ =	shalt  }
0x6f: {  	_ =	shalt  }
0x70: {  	_ =	shalt  }
0x71: {  	_ =	shalt  }
0x72: {  	_ =	shalt  }
0x73: {  	_ =	shalt  }
0x74: {  	_ =	shalt  }
0x75: {  	_ =	shalt  }
0x76: {  	_ =	shalt  }
0x77: {  	_ =	shalt  }
0x78: {  	_ =	shalt  }
0x79: {  	_ =	shalt  }
0x7a: {  	_ =	shalt  }
0x7b: {  	_ =	shalt  }
0x7c: {  	_ =	shalt  }
0x7d: {  	_ =	shalt  }
0x7e: {  	_ =	shalt  }
0x7f: {  	_ =	shalt  }
0x80: {  	_ =	shalt  }
0x81: {  	_ =	shalt  }
0x82: {  	_ =	shalt  }
0x83: {  	_ =	shalt  }
0x84: {  	_ =	shalt  }
0x85: {  	_ =	shalt  }
0x86: {  	_ =	shalt  }
0x87: {  	_ =	shalt  }
.Lfunc_end0:
.L_simem_size_0:
called_computation.1_lowered:
.L_overlay_start_0:
0x88: {  	s2 =	sld [smem:$0x3FD9]  }
0x89: {  	s3 =	sld [smem:$0x3FFE];
	_ =	sdelay $0x1  }
0x8a: {  	s1 =	srdreg.scid  }
0x8b: {  	s0 =	sand.u32 $0x1, s1  }
0x8c: {  	s17 =	sshll.u32 s0, $0xA;
	s2 =	sadd.s32 s3, s2  }
0x8d: {  	s2 =	sadd.s32 s2, s17  }
0x8e: {  	[smem:$0x3FC0] =	sst s2  }
0x8f: {  	_ = 	snop  }
0x90: {  	s2 =	sld [smem:$0x3FD0];
	(tm) =	ssettm $0x1  }
0x91: {  	s18 =	sld [smem:$0x3FFB];
	_ =	sdelay $0x3  }
0x92: {  	_ =	strace s18  }
0x93: {  	s3 =	sld [smem:$0x3FFC];
	_ =	sdelay $0x3  }
0x94: {  	_ =	strace s3  }
0x95: {  	s3 =	sld [smem:$0x3FFD];
	_ =	sdelay $0x3  }
0x96: {  	_ =	strace s3  }
0x97: {  	_ =	strace $0x8FFFFFFF  }
0x98: {  	s19 =	sld [smem:$0x3FDB];
	_ =	sdelay $0x1  }
0x99: {  	s4 =	simm.s32 $_scs_section_size  }
0x9a: {  	s5 =	simm.s32 $_size__tile_overlayer_lowered;
	s6 =	simm.s32 $_tile_overlayer_lowered  }
0x9b: {  	s22 =	simm.s32 $0x1BFF;
	s21 =	sshll.u32 s6, $0x1;
	s3 =	sadd.s32 s4, s19  }
0x9c: {  	s7 =	simm.s32 $0x0;
	s20 =	sshll.u32 s5, $0x1;
	s5 =	sadd.s32 s21, s3  }
0x9d: {  	[timem:s7], [sflag:s22] =	dma.local [hbm:s5], s20  }
0x9e: {  	_ =	swait.ge [sflag:s22], s20  }
0x9f: {  	s4 =	ssub.s32 $0x0, s20;
	[sflag:s22] =	ssyncset.done $0x0  }
0xa0: {  	[sflag:s22] =	ssyncadd.s32 s4;
	_ =	sdelay $0x1  }
0xa1: {  	s23 =	simm.s32 $0x1B8B  }
0xa2: {  	_ =	swait.ge [sflag:s23], $0x1  }
0xa3: {  	[sflag:s23] =	ssyncset.done $0x0  }
0xa4: {  	s25 =	simm.s32 $0x1B8E;
	s24 =	sld [smem:$0x3FFE];
	[sflag:s23] =	ssyncadd.s32 $0xFFFFFFFF  }
0xa5: {  	s26 =	simm.s32 $execute0_lowered;
	[smem:$0x3FD2] =	sst s25  }
0xa6: {  	s5 =	sshll.u32 s26, $0x1;
	_ =	strace $0x80000049;
	[dreg:$0x1] =	wrdreg $0xFFFFFFFF  }
0xa7: {  	s28 =	simm.s32 $_size_execute0_lowered;
	s3 =	sadd.s32 s3, s5;
	[dreg:$0x0] =	wrdreg $0x0  }
0xa8: {  	s5 =	sshll.u32 s28, $0x1;
	[dreg:$0x2] =	wrdreg s3  }
0xa9: {  	[dreg:$0x3] =	wrdreg s5  }
0xaa: {  	[dreg:$0x4] =	wrdreg $0xC0  }
0xab: {  	_ =	task [dreg:s7], $0x5FFFF  }
0xac: {  	[dreg:$0x1] =	wrdreg $0xFFFFFFFF  }
0xad: {  	[dreg:$0x0] =	wrdreg $0x60  }
0xae: {  	[dreg:$0x2] =	wrdreg s24  }
0xaf: {  	[dreg:$0x3] =	wrdreg s2  }
0xb0: {  	[dreg:$0x4] =	wrdreg $0x9  }
0xb1: {  	_ =	task.clear_ibuf [dreg:s7], $0x5FFFF;
	_ =	strace $0x90000049  }
0xb2: {  	s29 =	simm.s32 $0x9;
	_ =	strace $0x8000004B  }
0xb3: {  	_ =	swait.ge [sflag:s29], $0x1  }
0xb4: {  	[sflag:s29] =	ssyncadd.s32 $0xFFFFFFFF  }
0xb5: {  	_ =	strace $0x9000004B  }
0xb6: {  	_ =	sfence  }
0xb7: {  	s30 =	sld [smem:$0x0];
	_ =	sdelay $0x2  }
0xb8: {  	s31 =	sshll.u32 s1, $0xD;
	s1 =	sshrl.u32 s1, $0x2  }
0xb9: {  	s3 =	sand.u32 $0x4000, s31;
	s1 =	sadd.s32 s1, s30  }
0xba: {  	s0 =	sor.u32 s3, s0;
	s1 =	sshll.u32 s1, $0x11  }
0xbb: {  	s0 =	sor.u32 s1, s0  }
0xbc: {  	s0 =	sadd.s32 $0x8F2B, s0  }
0xbd: {  	[sflag:s0] =	ssyncadd.remote.s32 $0x1  }
0xbe: {  	_ =	sfence.sel $0xFFFF  }
0xbf: {  	[dreg:$0x0] =	wrdreg $0xFFFFFFFF;
	(pc) =	sbr.abs _section_cstart, $3  }
0xc0: {  	[dreg:$0x1] =	wrdreg $0xFFFFFFFF  }
0xc1: {  	_ =	task.clear_ibuf [dreg:s7], $0x2FFFF;
	_ =	strace $0x9FFFFFFF  }
0xc2: {  	(tm) =	ssettm $0x7FFFFFFF  }
0xc3: {  	_ =	shalt  }
tec
execute0_lowered:
.L_overlay_start_1:
0x0: {  	(tag) =	ssettag $0x1  }
0x1: {  	s1 =	srdreg.scid;
	s2 =	stileid.u32  }
0x2: {  	s1 =	sand.u32 $0x1, s1;
	s2 =	sshll.u32 s2, $0x1  }
0x3: {  	s0 =	rddreg [dreg:$0x0];
	s4 =	sor.u32 s1, s2  }
0x4: {  	s3 =	rddreg [dreg:$0x1];
	s5 =	sshll.u32 s4, $0x8  }
0x5: {  	s2 =	simm.s32 $0x0;
	s6 =	smul.u32 $0x6000, s4;
	s5 =	sadd.s32 s5, s0  }
0x6: {  	[smem:$0x7FF] =	sst s2;
	s5 =	sadd.s32 $0xE00, s5  }
0x7: {  	_ =	strace $0x8000004A;
	s6 =	sadd.s32 s3, s6;
	[dreg:$0x3] =	wrdreg s5  }
0x8: {  	s30 =	simm.s32 $0xA000;
	s14 =	sadd.s32 $0x600, s6;
	[dreg:$0x13] =	wrdreg s6  }
0x9: {  	s4 =	smul.u32 $0x30000, s4;
	s15 =	sadd.s32 $0xC00, s6;
	[dreg:$0x4] =	wrdreg s14  }
0xa: {  	s31 =	simm.s32 $0xA800;
	s16 =	sadd.s32 $0x1200, s6;
	[dreg:$0x5] =	wrdreg s15  }
0xb: {  	s4 =	sshrl.u32 s4, $0x3;
	s17 =	sadd.s32 $0x1800, s6;
	[dreg:$0x6] =	wrdreg s16  }
0xc: {  	s18 =	sadd.s32 $0x1E00, s6;
	s3 =	sadd.s32 s3, s4;
	[dreg:$0x7] =	wrdreg s17  }
0xd: {  	s11 =	simm.s32 $0x12800;
	[dreg:$0x8] =	wrdreg s18;
	s4 =	sadd.s32 $0x2400, s3  }
0xe: {  	s1 =	ssub.s32 $0x2, s1;
	s19 =	sadd.s32 $0x2A00, s3;
	[dreg:$0x9] =	wrdreg s4  }
0xf: {  	s26 =	sshrl.u32 s1, $0x1;
	s20 =	sadd.s32 $0x3000, s3;
	[dreg:$0xa] =	wrdreg s19  }
0x10: {  	s1 =	ssub.s32 s1, s26;
	s21 =	sadd.s32 $0x3600, s3;
	[dreg:$0xb] =	wrdreg s20  }
0x11: {  	s29 =	smax.u32 s1, $0x1;
	s22 =	sadd.s32 $0x3C00, s3;
	[dreg:$0xc] =	wrdreg s21  }
0x12: {  	s1 =	simm.s32 $0x9;
	s23 =	sadd.s32 $0x4200, s3;
	[dreg:$0xd] =	wrdreg s22  }
0x13: {  	s5 =	sadd.s32 $0x182F00, s0;
	s24 =	sadd.s32 $0x4800, s3;
	[dreg:$0xe] =	wrdreg s23  }
0x14: {  	s6 =	sadd.s32 $0x183000, s0;
	s25 =	sadd.s32 $0x4E00, s3;
	[dreg:$0xf] =	wrdreg s24  }
0x15: {  	v2 =	vlaneseq.u32;
	s28 =	sadd.s32 $0x5400, s3;
	s3 =	sadd.s32 $0x5A00, s3;
	[dreg:$0x10] =	wrdreg s25  }
0x16: {  	vm0 =	vmmov $0xffff;
	v1 =	vshrl.u32 v2, $0x3;
	s17 =	simm.s32 $0xC800;
	s15 =	simm.s32 $0xF800;
	[dreg:$0x11] =	wrdreg s28  }
0x17: {  	v0 =	vand.u32 $0x7, v2;
	v2 =	vor.u32 $0x8, v2;
	v1 =	vmul.u32 $0x8, v1;
	s4 =	sadd.s32 $0x182E00, s0;
	[dreg:$0x12] =	wrdreg s3;
	s3 =	simm.s32 $0x15800  }
.LBB2_1:
0x18: {  	s14 =	rddreg [dreg:$0x3];
	s8 =	simm.s32 $0x11  }
0x19: {  	[tilespmem:s2], [sflag:$0x11] =	stream.linear.gather [hbm4b:s14+s2], $0x800, $0x38;
	[tilespmem:$0x18800] =	vst v63  }
0x1a: {  	_ =	swait.ge [sflag:s8], $0x800  }
0x1b: {  	[sflag:s8] =	ssyncset.done $0x0  }
0x1c: {  	[sflag:s8] =	ssyncadd.s32 $0xFFFFF800  }
0x1d: {  	v3 =	vld [tilespmem:$0x0];
	_ =	sdelay $0x4  }
0x1e: {  	v4 =	vshrl.u32 v3, $0x3  }
0x1f: {  	v4 =	vmul.u32 $0x30, v4  }
0x20: {  	v3 =	vand.u32 $0x7, v3  }
0x21: {  	v3 =	vor.u32 v3, v4  }
0x22: {  	v4 =	vperm.xlane v3, v0;
	_ =	sdelay $0x1  }
0x23: {  	v4 =	vadd.s32 v1, v4;
	_ =	sdelay $0x3  }
0x24: {  	s0 =	simm.s32 $0x800;
	v3 =	vperm.xlane v3, v2  }
0x25: {  	[tilespmem:s0], [sflag:$0x1] =	stream.indirect_vreg.gather [hbm4b:s4+s2], $0x80, v4, vm0, $0xb8;
	[tilespmem:$0x18800] =	vst v63  }
0x26: {  	s8 =	simm.s32 $0x1000;
	v3 =	vadd.s32 v1, v3  }
0x27: {  	[tilespmem:s8], [sflag:$0x1] =	stream.indirect_vreg.gather [hbm4b:s5+s2], $0x80, v4, vm0, $0xb8;
	[tilespmem:$0x18800] =	vst v63  }
0x28: {  	s9 =	simm.s32 $0x1800  }
0x29: {  	[tilespmem:s9], [sflag:$0x1] =	stream.indirect_vreg.gather [hbm4b:s6+s2], $0x80, v4, vm0, $0xb8;
	[tilespmem:$0x18800] =	vst v63  }
0x2a: {  	s21 =	simm.s32 $0x2000  }
0x2b: {  	[tilespmem:s21], [sflag:$0x1] =	stream.indirect_vreg.gather [hbm4b:s4+s2], $0x80, v3, vm0, $0xb8;
	[tilespmem:$0x18800] =	vst v63  }
0x2c: {  	s28 =	simm.s32 $0x2800  }
0x2d: {  	[tilespmem:s28], [sflag:$0x1] =	stream.indirect_vreg.gather [hbm4b:s5+s2], $0x80, v3, vm0, $0xb8;
	[tilespmem:$0x18800] =	vst v63  }
0x2e: {  	s10 =	simm.s32 $0x3000  }
0x2f: {  	[tilespmem:s10], [sflag:$0x1] =	stream.indirect_vreg.gather [hbm4b:s6+s2], $0x80, v3, vm0, $0xb8;
	[tilespmem:$0x18800] =	vst v63  }
0x30: {  	v3 =	vld [tilespmem:$0x80];
	_ =	sdelay $0x4  }
0x31: {  	v49 =	vshrl.u32 v3, $0x3  }
0x32: {  	v4 =	vmul.u32 $0x30, v49  }
0x33: {  	v3 =	vand.u32 $0x7, v3  }
0x34: {  	v3 =	vor.u32 v3, v4  }
0x35: {  	v4 =	vperm.xlane v3, v0;
	_ =	sdelay $0x1  }
0x36: {  	v4 =	vadd.s32 v1, v4;
	_ =	sdelay $0x3  }
0x37: {  	s26 =	simm.s32 $0x3800;
	v3 =	vperm.xlane v3, v2  }
0x38: {  	[tilespmem:s26], [sflag:$0x2] =	stream.indirect_vreg.gather [hbm4b:s4+s2], $0x80, v4, vm0, $0xb8;
	[tilespmem:$0x18800] =	vst v63  }
0x39: {  	s24 =	simm.s32 $0x4000;
	v3 =	vadd.s32 v1, v3  }
0x3a: {  	[tilespmem:s24], [sflag:$0x2] =	stream.indirect_vreg.gather [hbm4b:s5+s2], $0x80, v4, vm0, $0xb8;
	[tilespmem:$0x18800] =	vst v63  }
0x3b: {  	s13 =	simm.s32 $0x4800  }
0x3c: {  	[tilespmem:s13], [sflag:$0x2] =	stream.indirect_vreg.gather [hbm4b:s6+s2], $0x80, v4, vm0, $0xb8;
	[tilespmem:$0x18800] =	vst v63  }
0x3d: {  	s16 =	simm.s32 $0x5000  }
0x3e: {  	[tilespmem:s16], [sflag:$0x2] =	stream.indirect_vreg.gather [hbm4b:s4+s2], $0x80, v3, vm0, $0xb8;
	[tilespmem:$0x18800] =	vst v63  }
0x3f: {  	s18 =	simm.s32 $0x5800  }
0x40: {  	[tilespmem:s18], [sflag:$0x2] =	stream.indirect_vreg.gather [hbm4b:s5+s2], $0x80, v3, vm0, $0xb8;
	[tilespmem:$0x18800] =	vst v63  }
0x41: {  	s12 =	simm.s32 $0x6000  }
0x42: {  	[tilespmem:s12], [sflag:$0x2] =	stream.indirect_vreg.gather [hbm4b:s6+s2], $0x80, v3, vm0, $0xb8;
	[tilespmem:$0x18800] =	vst v63  }
0x43: {  	v3 =	vld [tilespmem:$0x100];
	_ =	sdelay $0x4  }
0x44: {  	v50 =	vshrl.u32 v3, $0x3  }
0x45: {  	v4 =	vmul.u32 $0x30, v50  }
0x46: {  	v3 =	vand.u32 $0x7, v3  }
0x47: {  	v3 =	vor.u32 v3, v4  }
0x48: {  	v4 =	vperm.xlane v3, v0;
	_ =	sdelay $0x1  }
0x49: {  	v4 =	vadd.s32 v1, v4;
	_ =	sdelay $0x3  }
0x4a: {  	s7 =	simm.s32 $0x6800;
	v3 =	vperm.xlane v3, v2  }
0x4b: {  	[tilespmem:s7], [sflag:$0x3] =	stream.indirect_vreg.gather [hbm4b:s4+s2], $0x80, v4, vm0, $0xb8;
	[tilespmem:$0x18800] =	vst v63  }
0x4c: {  	s20 =	simm.s32 $0x7000;
	v3 =	vadd.s32 v1, v3  }
0x4d: {  	[tilespmem:s20], [sflag:$0x3] =	stream.indirect_vreg.gather [hbm4b:s5+s2], $0x80, v4, vm0, $0xb8;
	[tilespmem:$0x18800] =	vst v63  }
0x4e: {  	s22 =	simm.s32 $0x7800  }
0x4f: {  	[tilespmem:s22], [sflag:$0x3] =	stream.indirect_vreg.gather [hbm4b:s6+s2], $0x80, v4, vm0, $0xb8;
	[tilespmem:$0x18800] =	vst v63  }
0x50: {  	s23 =	simm.s32 $0x8000  }
0x51: {  	[tilespmem:s23], [sflag:$0x3] =	stream.indirect_vreg.gather [hbm4b:s4+s2], $0x80, v3, vm0, $0xb8;
	[tilespmem:$0x18800] =	vst v63  }
0x52: {  	s25 =	simm.s32 $0x8800  }
0x53: {  	[tilespmem:s25], [sflag:$0x3] =	stream.indirect_vreg.gather [hbm4b:s5+s2], $0x80, v3, vm0, $0xb8;
	[tilespmem:$0x18800] =	vst v63  }
0x54: {  	s26 =	simm.s32 $0x9000  }
0x55: {  	[tilespmem:s26], [sflag:$0x3] =	stream.indirect_vreg.gather [hbm4b:s6+s2], $0x80, v3, vm0, $0xb8;
	[tilespmem:$0x18800] =	vst v63  }
0x56: {  	v3 =	vld [tilespmem:$0x180];
	_ =	sdelay $0x4  }
0x57: {  	v51 =	vshrl.u32 v3, $0x3  }
0x58: {  	v4 =	vmul.u32 $0x30, v51  }
0x59: {  	v3 =	vand.u32 $0x7, v3  }
0x5a: {  	v3 =	vor.u32 v3, v4  }
0x5b: {  	v4 =	vperm.xlane v3, v0;
	_ =	sdelay $0x1  }
0x5c: {  	v4 =	vadd.s32 v1, v4;
	_ =	sdelay $0x3  }
0x5d: {  	s14 =	simm.s32 $0x9800;
	v3 =	vperm.xlane v3, v2  }
0x5e: {  	[tilespmem:s14], [sflag:$0x4] =	stream.indirect_vreg.gather [hbm4b:s4+s2], $0x80, v4, vm0, $0xb8;
	[tilespmem:$0x18800] =	vst v63  }
0x5f: {  	v3 =	vadd.s32 v1, v3  }
0x60: {  	[tilespmem:s30], [sflag:$0x4] =	stream.indirect_vreg.gather [hbm4b:s5+s2], $0x80, v4, vm0, $0xb8;
	[tilespmem:$0x18800] =	vst v63  }
0x61: {  	_ = 	snop  }
0x62: {  	[tilespmem:s31], [sflag:$0x4] =	stream.indirect_vreg.gather [hbm4b:s6+s2], $0x80, v4, vm0, $0xb8;
	[tilespmem:$0x18800] =	vst v63  }
0x63: {  	s19 =	simm.s32 $0xB000  }
0x64: {  	[tilespmem:s19], [sflag:$0x4] =	stream.indirect_vreg.gather [hbm4b:s4+s2], $0x80, v3, vm0, $0xb8;
	[tilespmem:$0x18800] =	vst v63  }
0x65: {  	s7 =	simm.s32 $0xB800  }
0x66: {  	[tilespmem:s7], [sflag:$0x4] =	stream.indirect_vreg.gather [hbm4b:s5+s2], $0x80, v3, vm0, $0xb8;
	[tilespmem:$0x18800] =	vst v63  }
0x67: {  	s19 =	simm.s32 $0xC000  }
0x68: {  	[tilespmem:s19], [sflag:$0x4] =	stream.indirect_vreg.gather [hbm4b:s6+s2], $0x80, v3, vm0, $0xb8;
	[tilespmem:$0x18800] =	vst v63  }
0x69: {  	v3 =	vld [tilespmem:$0x200];
	_ =	sdelay $0x4  }
0x6a: {  	v52 =	vshrl.u32 v3, $0x3  }
0x6b: {  	v4 =	vmul.u32 $0x30, v52  }
0x6c: {  	v3 =	vand.u32 $0x7, v3  }
0x6d: {  	v3 =	vor.u32 v3, v4  }
0x6e: {  	v4 =	vperm.xlane v3, v0;
	_ =	sdelay $0x1  }
0x6f: {  	v4 =	vadd.s32 v1, v4;
	_ =	sdelay $0x3  }
0x70: {  	v3 =	vperm.xlane v3, v2  }
0x71: {  	[tilespmem:s17], [sflag:$0x5] =	stream.indirect_vreg.gather [hbm4b:s4+s2], $0x80, v4, vm0, $0xb8;
	[tilespmem:$0x18800] =	vst v63  }
0x72: {  	s14 =	simm.s32 $0xD000;
	v3 =	vadd.s32 v1, v3  }
0x73: {  	[tilespmem:s14], [sflag:$0x5] =	stream.indirect_vreg.gather [hbm4b:s5+s2], $0x80, v4, vm0, $0xb8;
	[tilespmem:$0x18800] =	vst v63  }
0x74: {  	s7 =	simm.s32 $0xD800  }
0x75: {  	[tilespmem:s7], [sflag:$0x5] =	stream.indirect_vreg.gather [hbm4b:s6+s2], $0x80, v4, vm0, $0xb8;
	[tilespmem:$0x18800] =	vst v63  }
0x76: {  	s14 =	simm.s32 $0xE000  }
0x77: {  	[tilespmem:s14], [sflag:$0x5] =	stream.indirect_vreg.gather [hbm4b:s4+s2], $0x80, v3, vm0, $0xb8;
	[tilespmem:$0x18800] =	vst v63  }
0x78: {  	s7 =	simm.s32 $0xE800  }
0x79: {  	[tilespmem:s7], [sflag:$0x5] =	stream.indirect_vreg.gather [hbm4b:s5+s2], $0x80, v3, vm0, $0xb8;
	[tilespmem:$0x18800] =	vst v63  }
0x7a: {  	s14 =	simm.s32 $0xF000  }
0x7b: {  	[tilespmem:s14], [sflag:$0x5] =	stream.indirect_vreg.gather [hbm4b:s6+s2], $0x80, v3, vm0, $0xb8;
	[tilespmem:$0x18800] =	vst v63  }
0x7c: {  	v3 =	vld [tilespmem:$0x280];
	_ =	sdelay $0x4  }
0x7d: {  	v53 =	vshrl.u32 v3, $0x3  }
0x7e: {  	v4 =	vmul.u32 $0x30, v53  }
0x7f: {  	v3 =	vand.u32 $0x7, v3  }
0x80: {  	v3 =	vor.u32 v3, v4  }
0x81: {  	v4 =	vperm.xlane v3, v0;
	_ =	sdelay $0x1  }
0x82: {  	v4 =	vadd.s32 v1, v4;
	_ =	sdelay $0x3  }
0x83: {  	v3 =	vperm.xlane v3, v2  }
0x84: {  	[tilespmem:s15], [sflag:$0x6] =	stream.indirect_vreg.gather [hbm4b:s4+s2], $0x80, v4, vm0, $0xb8;
	[tilespmem:$0x18800] =	vst v63  }
0x85: {  	s7 =	simm.s32 $0x10000;
	v3 =	vadd.s32 v1, v3  }
0x86: {  	[tilespmem:s7], [sflag:$0x6] =	stream.indirect_vreg.gather [hbm4b:s5+s2], $0x80, v4, vm0, $0xb8;
	[tilespmem:$0x18800] =	vst v63  }
0x87: {  	s14 =	simm.s32 $0x10800  }
0x88: {  	[tilespmem:s14], [sflag:$0x6] =	stream.indirect_vreg.gather [hbm4b:s6+s2], $0x80, v4, vm0, $0xb8;
	[tilespmem:$0x18800] =	vst v63  }
0x89: {  	s7 =	simm.s32 $0x11000  }
0x8a: {  	[tilespmem:s7], [sflag:$0x6] =	stream.indirect_vreg.gather [hbm4b:s4+s2], $0x80, v3, vm0, $0xb8;
	[tilespmem:$0x18800] =	vst v63  }
0x8b: {  	s14 =	simm.s32 $0x11800  }
0x8c: {  	[tilespmem:s14], [sflag:$0x6] =	stream.indirect_vreg.gather [hbm4b:s5+s2], $0x80, v3, vm0, $0xb8;
	[tilespmem:$0x18800] =	vst v63  }
0x8d: {  	s7 =	simm.s32 $0x12000  }
0x8e: {  	[tilespmem:s7], [sflag:$0x6] =	stream.indirect_vreg.gather [hbm4b:s6+s2], $0x80, v3, vm0, $0xb8;
	[tilespmem:$0x18800] =	vst v63  }
0x8f: {  	v3 =	vld [tilespmem:$0x300];
	_ =	sdelay $0x4  }
0x90: {  	v54 =	vshrl.u32 v3, $0x3  }
0x91: {  	v4 =	vmul.u32 $0x30, v54  }
0x92: {  	v3 =	vand.u32 $0x7, v3  }
0x93: {  	v3 =	vor.u32 v3, v4  }
0x94: {  	v4 =	vperm.xlane v3, v0;
	_ =	sdelay $0x1  }
0x95: {  	v4 =	vadd.s32 v1, v4;
	_ =	sdelay $0x3  }
0x96: {  	v3 =	vperm.xlane v3, v2  }
0x97: {  	[tilespmem:s11], [sflag:$0x7] =	stream.indirect_vreg.gather [hbm4b:s4+s2], $0x80, v4, vm0, $0xb8;
	[tilespmem:$0x18800] =	vst v63  }
0x98: {  	s14 =	simm.s32 $0x13000;
	v3 =	vadd.s32 v1, v3  }
0x99: {  	[tilespmem:s14], [sflag:$0x7] =	stream.indirect_vreg.gather [hbm4b:s5+s2], $0x80, v4, vm0, $0xb8;
	[tilespmem:$0x18800] =	vst v63  }
0x9a: {  	s7 =	simm.s32 $0x13800  }
0x9b: {  	[tilespmem:s7], [sflag:$0x7] =	stream.indirect_vreg.gather [hbm4b:s6+s2], $0x80, v4, vm0, $0xb8;
	[tilespmem:$0x18800] =	vst v63  }
0x9c: {  	s14 =	simm.s32 $0x14000  }
0x9d: {  	[tilespmem:s14], [sflag:$0x7] =	stream.indirect_vreg.gather [hbm4b:s4+s2], $0x80, v3, vm0, $0xb8;
	[tilespmem:$0x18800] =	vst v63  }
0x9e: {  	s7 =	simm.s32 $0x14800  }
0x9f: {  	[tilespmem:s7], [sflag:$0x7] =	stream.indirect_vreg.gather [hbm4b:s5+s2], $0x80, v3, vm0, $0xb8;
	[tilespmem:$0x18800] =	vst v63  }
0xa0: {  	s14 =	simm.s32 $0x15000  }
0xa1: {  	[tilespmem:s14], [sflag:$0x7] =	stream.indirect_vreg.gather [hbm4b:s6+s2], $0x80, v3, vm0, $0xb8;
	[tilespmem:$0x18800] =	vst v63  }
0xa2: {  	v3 =	vld [tilespmem:$0x380];
	_ =	sdelay $0x4  }
0xa3: {  	v55 =	vshrl.u32 v3, $0x3  }
0xa4: {  	v4 =	vmul.u32 $0x30, v55  }
0xa5: {  	v3 =	vand.u32 $0x7, v3  }
0xa6: {  	v3 =	vor.u32 v3, v4  }
0xa7: {  	v4 =	vperm.xlane v3, v0;
	_ =	sdelay $0x1  }
0xa8: {  	v4 =	vadd.s32 v1, v4;
	_ =	sdelay $0x3  }
0xa9: {  	v3 =	vperm.xlane v3, v2  }
0xaa: {  	[tilespmem:s3], [sflag:$0x8] =	stream.indirect_vreg.gather [hbm4b:s4+s2], $0x80, v4, vm0, $0xb8;
	[tilespmem:$0x18800] =	vst v63  }
0xab: {  	s7 =	simm.s32 $0x16000;
	v3 =	vadd.s32 v1, v3  }
0xac: {  	[tilespmem:s7], [sflag:$0x8] =	stream.indirect_vreg.gather [hbm4b:s5+s2], $0x80, v4, vm0, $0xb8;
	[tilespmem:$0x18800] =	vst v63  }
0xad: {  	s14 =	simm.s32 $0x16800  }
0xae: {  	[tilespmem:s14], [sflag:$0x8] =	stream.indirect_vreg.gather [hbm4b:s6+s2], $0x80, v4, vm0, $0xb8;
	[tilespmem:$0x18800] =	vst v63  }
0xaf: {  	s7 =	simm.s32 $0x17000  }
0xb0: {  	[tilespmem:s7], [sflag:$0x8] =	stream.indirect_vreg.gather [hbm4b:s4+s2], $0x80, v3, vm0, $0xb8;
	[tilespmem:$0x18800] =	vst v63  }
0xb1: {  	s14 =	simm.s32 $0x17800  }
0xb2: {  	[tilespmem:s14], [sflag:$0x8] =	stream.indirect_vreg.gather [hbm4b:s5+s2], $0x80, v3, vm0, $0xb8;
	[tilespmem:$0x18800] =	vst v63  }
0xb3: {  	s0 =	simm.s32 $0x1;
	s7 =	simm.s32 $0x18000  }
0xb4: {  	[tilespmem:s7], [sflag:$0x8] =	stream.indirect_vreg.gather [hbm4b:s6+s2], $0x80, v3, vm0, $0xb8;
	[tilespmem:$0x18800] =	vst v63  }
0xb5: {  	_ =	swait.ge [sflag:s0], $0x3000  }
0xb6: {  	[sflag:s0] =	ssyncset.done $0x0  }
0xb7: {  	s7 =	simm.s32 $0x800;
	s14 =	rddreg [dreg:$0x13];
	[sflag:s0] =	ssyncadd.s32 $0xFFFFD000  }
0xb8: {  	[hbm4b:s14+s2] =	stream.linear.scatter [tilespmem:s7], [sflag:$0x9], $0x3000, $0x38;
	[tilespmem:$0x18800] =	vst v63  }
0xb9: {  	_ =	swait.ge [sflag:s1], $0x3000  }
0xba: {  	[sflag:s1] =	ssyncset.done $0x0  }
0xbb: {  	[sflag:s1] =	ssyncadd.s32 $0xFFFFD000  }
0xbc: {  	v3 =	vld [tilespmem:$0x400];
	_ =	sdelay $0x4  }
0xbd: {  	v56 =	vshrl.u32 v3, $0x3  }
0xbe: {  	v4 =	vmul.u32 $0x30, v56  }
0xbf: {  	v3 =	vand.u32 $0x7, v3  }
0xc0: {  	v3 =	vor.u32 v3, v4  }
0xc1: {  	v4 =	vperm.xlane v3, v0;
	_ =	sdelay $0x1  }
0xc2: {  	v4 =	vadd.s32 v1, v4;
	_ =	sdelay $0x3  }
0xc3: {  	v3 =	vperm.xlane v3, v2  }
0xc4: {  	[tilespmem:s7], [sflag:$0x1] =	stream.indirect_vreg.gather [hbm4b:s4+s2], $0x80, v4, vm0, $0xb8;
	[tilespmem:$0x18800] =	vst v63  }
0xc5: {  	v3 =	vadd.s32 v1, v3  }
0xc6: {  	[tilespmem:s8], [sflag:$0x1] =	stream.indirect_vreg.gather [hbm4b:s5+s2], $0x80, v4, vm0, $0xb8;
	[tilespmem:$0x18800] =	vst v63  }
0xc7: {  	_ = 	snop  }
0xc8: {  	[tilespmem:s9], [sflag:$0x1] =	stream.indirect_vreg.gather [hbm4b:s6+s2], $0x80, v4, vm0, $0xb8;
	[tilespmem:$0x18800] =	vst v63  }
0xc9: {  	_ = 	snop  }
0xca: {  	[tilespmem:s21], [sflag:$0x1] =	stream.indirect_vreg.gather [hbm4b:s4+s2], $0x80, v3, vm0, $0xb8;
	[tilespmem:$0x18800] =	vst v63  }
0xcb: {  	_ = 	snop  }
0xcc: {  	[tilespmem:s28], [sflag:$0x1] =	stream.indirect_vreg.gather [hbm4b:s5+s2], $0x80, v3, vm0, $0xb8;
	[tilespmem:$0x18800] =	vst v63  }
0xcd: {  	s8 =	simm.s32 $0x2  }
0xce: {  	[tilespmem:s10], [sflag:$0x1] =	stream.indirect_vreg.gather [hbm4b:s6+s2], $0x80, v3, vm0, $0xb8;
	[tilespmem:$0x18800] =	vst v63  }
0xcf: {  	_ =	swait.ge [sflag:s8], $0x3000  }
0xd0: {  	[sflag:s8] =	ssyncset.done $0x0  }
0xd1: {  	s10 =	simm.s32 $0x3800;
	s9 =	rddreg [dreg:$0x4];
	[sflag:s8] =	ssyncadd.s32 $0xFFFFD000  }
0xd2: {  	[hbm4b:s9+s2] =	stream.linear.scatter [tilespmem:s10], [sflag:$0xA], $0x3000, $0x38;
	[tilespmem:$0x18800] =	vst v63  }
0xd3: {  	s9 =	simm.s32 $0xA  }
0xd4: {  	_ =	swait.ge [sflag:s9], $0x3000  }
0xd5: {  	[sflag:s9] =	ssyncset.done $0x0  }
0xd6: {  	[sflag:s9] =	ssyncadd.s32 $0xFFFFD000  }
0xd7: {  	v3 =	vld [tilespmem:$0x480];
	_ =	sdelay $0x4  }
0xd8: {  	v57 =	vshrl.u32 v3, $0x3  }
0xd9: {  	v4 =	vmul.u32 $0x30, v57  }
0xda: {  	v3 =	vand.u32 $0x7, v3  }
0xdb: {  	v3 =	vor.u32 v3, v4  }
0xdc: {  	v4 =	vperm.xlane v3, v0;
	_ =	sdelay $0x1  }
0xdd: {  	v4 =	vadd.s32 v1, v4;
	_ =	sdelay $0x3  }
0xde: {  	v3 =	vperm.xlane v3, v2  }
0xdf: {  	[tilespmem:s10], [sflag:$0x2] =	stream.indirect_vreg.gather [hbm4b:s4+s2], $0x80, v4, vm0, $0xb8;
	[tilespmem:$0x18800] =	vst v63  }
0xe0: {  	v3 =	vadd.s32 v1, v3  }
0xe1: {  	[tilespmem:s24], [sflag:$0x2] =	stream.indirect_vreg.gather [hbm4b:s5+s2], $0x80, v4, vm0, $0xb8;
	[tilespmem:$0x18800] =	vst v63  }
0xe2: {  	_ = 	snop  }
0xe3: {  	[tilespmem:s13], [sflag:$0x2] =	stream.indirect_vreg.gather [hbm4b:s6+s2], $0x80, v4, vm0, $0xb8;
	[tilespmem:$0x18800] =	vst v63  }
0xe4: {  	_ = 	snop  }
0xe5: {  	[tilespmem:s16], [sflag:$0x2] =	stream.indirect_vreg.gather [hbm4b:s4+s2], $0x80, v3, vm0, $0xb8;
	[tilespmem:$0x18800] =	vst v63  }
0xe6: {  	_ = 	snop  }
0xe7: {  	[tilespmem:s18], [sflag:$0x2] =	stream.indirect_vreg.gather [hbm4b:s5+s2], $0x80, v3, vm0, $0xb8;
	[tilespmem:$0x18800] =	vst v63  }
0xe8: {  	s10 =	simm.s32 $0x3  }
0xe9: {  	[tilespmem:s12], [sflag:$0x2] =	stream.indirect_vreg.gather [hbm4b:s6+s2], $0x80, v3, vm0, $0xb8;
	[tilespmem:$0x18800] =	vst v63  }
0xea: {  	_ =	swait.ge [sflag:s10], $0x3000  }
0xeb: {  	s24 =	simm.s32 $0x6800;
	[sflag:s10] =	ssyncset.done $0x0  }
0xec: {  	s12 =	simm.s32 $0xB;
	s21 =	rddreg [dreg:$0x5];
	[sflag:s10] =	ssyncadd.s32 $0xFFFFD000  }
0xed: {  	[hbm4b:s21+s2] =	stream.linear.scatter [tilespmem:s24], [sflag:$0xB], $0x3000, $0x38;
	[tilespmem:$0x18800] =	vst v63  }
0xee: {  	_ =	swait.ge [sflag:s12], $0x3000  }
0xef: {  	[sflag:s12] =	ssyncset.done $0x0  }
0xf0: {  	[sflag:s12] =	ssyncadd.s32 $0xFFFFD000  }
0xf1: {  	v3 =	vld [tilespmem:$0x500];
	_ =	sdelay $0x4  }
0xf2: {  	v58 =	vshrl.u32 v3, $0x3  }
0xf3: {  	v4 =	vmul.u32 $0x30, v58  }
0xf4: {  	v3 =	vand.u32 $0x7, v3  }
0xf5: {  	v3 =	vor.u32 v3, v4  }
0xf6: {  	v4 =	vperm.xlane v3, v0;
	_ =	sdelay $0x1  }
0xf7: {  	v4 =	vadd.s32 v1, v4;
	_ =	sdelay $0x3  }
0xf8: {  	v3 =	vperm.xlane v3, v2  }
0xf9: {  	[tilespmem:s24], [sflag:$0x3] =	stream.indirect_vreg.gather [hbm4b:s4+s2], $0x80, v4, vm0, $0xb8;
	[tilespmem:$0x18800] =	vst v63  }
0xfa: {  	v3 =	vadd.s32 v1, v3  }
0xfb: {  	[tilespmem:s20], [sflag:$0x3] =	stream.indirect_vreg.gather [hbm4b:s5+s2], $0x80, v4, vm0, $0xb8;
	[tilespmem:$0x18800] =	vst v63  }
0xfc: {  	_ = 	snop  }
0xfd: {  	[tilespmem:s22], [sflag:$0x3] =	stream.indirect_vreg.gather [hbm4b:s6+s2], $0x80, v4, vm0, $0xb8;
	[tilespmem:$0x18800] =	vst v63  }
0xfe: {  	_ = 	snop  }
0xff: {  	[tilespmem:s23], [sflag:$0x3] =	stream.indirect_vreg.gather [hbm4b:s4+s2], $0x80, v3, vm0, $0xb8;
	[tilespmem:$0x18800] =	vst v63  }
0x100: {  	_ = 	snop  }
0x101: {  	[tilespmem:s25], [sflag:$0x3] =	stream.indirect_vreg.gather [hbm4b:s5+s2], $0x80, v3, vm0, $0xb8;
	[tilespmem:$0x18800] =	vst v63  }
0x102: {  	s13 =	simm.s32 $0x4  }
0x103: {  	[tilespmem:s26], [sflag:$0x3] =	stream.indirect_vreg.gather [hbm4b:s6+s2], $0x80, v3, vm0, $0xb8;
	[tilespmem:$0x18800] =	vst v63  }
0x104: {  	_ =	swait.ge [sflag:s13], $0x3000  }
0x105: {  	s16 =	simm.s32 $0xC;
	[sflag:s13] =	ssyncset.done $0x0  }
0x106: {  	s26 =	simm.s32 $0x9800;
	s25 =	rddreg [dreg:$0x6];
	[sflag:s13] =	ssyncadd.s32 $0xFFFFD000  }
0x107: {  	[hbm4b:s25+s2] =	stream.linear.scatter [tilespmem:s26], [sflag:$0xC], $0x3000, $0x38;
	[tilespmem:$0x18800] =	vst v63  }
0x108: {  	_ =	swait.ge [sflag:s16], $0x3000  }
0x109: {  	[sflag:s16] =	ssyncset.done $0x0  }
0x10a: {  	[sflag:s16] =	ssyncadd.s32 $0xFFFFD000  }
0x10b: {  	v3 =	vld [tilespmem:$0x580];
	_ =	sdelay $0x4  }
0x10c: {  	v59 =	vshrl.u32 v3, $0x3  }
0x10d: {  	v4 =	vmul.u32 $0x30, v59  }
0x10e: {  	v3 =	vand.u32 $0x7, v3  }
0x10f: {  	v3 =	vor.u32 v3, v4  }
0x110: {  	v4 =	vperm.xlane v3, v0;
	_ =	sdelay $0x1  }
0x111: {  	v4 =	vadd.s32 v1, v4;
	_ =	sdelay $0x3  }
0x112: {  	v3 =	vperm.xlane v3, v2  }
0x113: {  	[tilespmem:s26], [sflag:$0x4] =	stream.indirect_vreg.gather [hbm4b:s4+s2], $0x80, v4, vm0, $0xb8;
	[tilespmem:$0x18800] =	vst v63  }
0x114: {  	v3 =	vadd.s32 v1, v3  }
0x115: {  	[tilespmem:s30], [sflag:$0x4] =	stream.indirect_vreg.gather [hbm4b:s5+s2], $0x80, v4, vm0, $0xb8;
	[tilespmem:$0x18800] =	vst v63  }
0x116: {  	_ = 	snop  }
0x117: {  	[tilespmem:s31], [sflag:$0x4] =	stream.indirect_vreg.gather [hbm4b:s6+s2], $0x80, v4, vm0, $0xb8;
	[tilespmem:$0x18800] =	vst v63  }
0x118: {  	s18 =	simm.s32 $0xB000  }
0x119: {  	[tilespmem:s18], [sflag:$0x4] =	stream.indirect_vreg.gather [hbm4b:s4+s2], $0x80, v3, vm0, $0xb8;
	[tilespmem:$0x18800] =	vst v63  }
0x11a: {  	s20 =	simm.s32 $0xB800  }
0x11b: {  	[tilespmem:s20], [sflag:$0x4] =	stream.indirect_vreg.gather [hbm4b:s5+s2], $0x80, v3, vm0, $0xb8;
	[tilespmem:$0x18800] =	vst v63  }
0x11c: {  	s18 =	simm.s32 $0x5  }
0x11d: {  	[tilespmem:s19], [sflag:$0x4] =	stream.indirect_vreg.gather [hbm4b:s6+s2], $0x80, v3, vm0, $0xb8;
	[tilespmem:$0x18800] =	vst v63  }
0x11e: {  	_ =	swait.ge [sflag:s18], $0x3000  }
0x11f: {  	[sflag:s18] =	ssyncset.done $0x0  }
0x120: {  	s19 =	simm.s32 $0xD;
	s21 =	rddreg [dreg:$0x7];
	[sflag:s18] =	ssyncadd.s32 $0xFFFFD000  }
0x121: {  	[hbm4b:s21+s2] =	stream.linear.scatter [tilespmem:s17], [sflag:$0xD], $0x3000, $0x38;
	[tilespmem:$0x18800] =	vst v63  }
0x122: {  	_ =	swait.ge [sflag:s19], $0x3000  }
0x123: {  	[sflag:s19] =	ssyncset.done $0x0  }
0x124: {  	[sflag:s19] =	ssyncadd.s32 $0xFFFFD000  }
0x125: {  	v3 =	vld [tilespmem:$0x600];
	_ =	sdelay $0x4  }
0x126: {  	v60 =	vshrl.u32 v3, $0x3  }
0x127: {  	v4 =	vmul.u32 $0x30, v60  }
0x128: {  	v3 =	vand.u32 $0x7, v3  }
0x129: {  	v3 =	vor.u32 v3, v4  }
0x12a: {  	v4 =	vperm.xlane v3, v0;
	_ =	sdelay $0x1  }
0x12b: {  	v4 =	vadd.s32 v1, v4;
	_ =	sdelay $0x3  }
0x12c: {  	v3 =	vperm.xlane v3, v2  }
0x12d: {  	[tilespmem:s17], [sflag:$0x5] =	stream.indirect_vreg.gather [hbm4b:s4+s2], $0x80, v4, vm0, $0xb8;
	[tilespmem:$0x18800] =	vst v63  }
0x12e: {  	s22 =	simm.s32 $0xD000;
	v3 =	vadd.s32 v1, v3  }
0x12f: {  	[tilespmem:s22], [sflag:$0x5] =	stream.indirect_vreg.gather [hbm4b:s5+s2], $0x80, v4, vm0, $0xb8;
	[tilespmem:$0x18800] =	vst v63  }
0x130: {  	s23 =	simm.s32 $0xD800  }
0x131: {  	[tilespmem:s23], [sflag:$0x5] =	stream.indirect_vreg.gather [hbm4b:s6+s2], $0x80, v4, vm0, $0xb8;
	[tilespmem:$0x18800] =	vst v63  }
0x132: {  	s24 =	simm.s32 $0xE000  }
0x133: {  	[tilespmem:s24], [sflag:$0x5] =	stream.indirect_vreg.gather [hbm4b:s4+s2], $0x80, v3, vm0, $0xb8;
	[tilespmem:$0x18800] =	vst v63  }
0x134: {  	s25 =	simm.s32 $0xE800  }
0x135: {  	[tilespmem:s25], [sflag:$0x5] =	stream.indirect_vreg.gather [hbm4b:s5+s2], $0x80, v3, vm0, $0xb8;
	[tilespmem:$0x18800] =	vst v63  }
0x136: {  	s20 =	simm.s32 $0xF000  }
0x137: {  	[tilespmem:s20], [sflag:$0x5] =	stream.indirect_vreg.gather [hbm4b:s6+s2], $0x80, v3, vm0, $0xb8;
	[tilespmem:$0x18800] =	vst v63  }
0x138: {  	s20 =	simm.s32 $0x6  }
0x139: {  	_ =	swait.ge [sflag:s20], $0x3000  }
0x13a: {  	[sflag:s20] =	ssyncset.done $0x0  }
0x13b: {  	s21 =	rddreg [dreg:$0x8];
	[sflag:s20] =	ssyncadd.s32 $0xFFFFD000  }
0x13c: {  	[hbm4b:s21+s2] =	stream.linear.scatter [tilespmem:s15], [sflag:$0xE], $0x3000, $0x38;
	[tilespmem:$0x18800] =	vst v63  }
0x13d: {  	s21 =	simm.s32 $0xE  }
0x13e: {  	_ =	swait.ge [sflag:s21], $0x3000  }
0x13f: {  	[sflag:s21] =	ssyncset.done $0x0  }
0x140: {  	[sflag:s21] =	ssyncadd.s32 $0xFFFFD000  }
0x141: {  	v3 =	vld [tilespmem:$0x680];
	_ =	sdelay $0x4  }
0x142: {  	v61 =	vshrl.u32 v3, $0x3  }
0x143: {  	v4 =	vmul.u32 $0x30, v61  }
0x144: {  	v3 =	vand.u32 $0x7, v3  }
0x145: {  	v3 =	vor.u32 v3, v4  }
0x146: {  	v4 =	vperm.xlane v3, v0;
	_ =	sdelay $0x1  }
0x147: {  	v4 =	vadd.s32 v1, v4;
	_ =	sdelay $0x3  }
0x148: {  	v3 =	vperm.xlane v3, v2  }
0x149: {  	[tilespmem:s15], [sflag:$0x6] =	stream.indirect_vreg.gather [hbm4b:s4+s2], $0x80, v4, vm0, $0xb8;
	[tilespmem:$0x18800] =	vst v63  }
0x14a: {  	s22 =	simm.s32 $0x10000;
	v3 =	vadd.s32 v1, v3  }
0x14b: {  	[tilespmem:s22], [sflag:$0x6] =	stream.indirect_vreg.gather [hbm4b:s5+s2], $0x80, v4, vm0, $0xb8;
	[tilespmem:$0x18800] =	vst v63  }
0x14c: {  	s23 =	simm.s32 $0x10800  }
0x14d: {  	[tilespmem:s23], [sflag:$0x6] =	stream.indirect_vreg.gather [hbm4b:s6+s2], $0x80, v4, vm0, $0xb8;
	[tilespmem:$0x18800] =	vst v63  }
0x14e: {  	s24 =	simm.s32 $0x11000  }
0x14f: {  	[tilespmem:s24], [sflag:$0x6] =	stream.indirect_vreg.gather [hbm4b:s4+s2], $0x80, v3, vm0, $0xb8;
	[tilespmem:$0x18800] =	vst v63  }
0x150: {  	s25 =	simm.s32 $0x11800  }
0x151: {  	[tilespmem:s25], [sflag:$0x6] =	stream.indirect_vreg.gather [hbm4b:s5+s2], $0x80, v3, vm0, $0xb8;
	[tilespmem:$0x18800] =	vst v63  }
0x152: {  	s22 =	simm.s32 $0x12000  }
0x153: {  	[tilespmem:s22], [sflag:$0x6] =	stream.indirect_vreg.gather [hbm4b:s6+s2], $0x80, v3, vm0, $0xb8;
	[tilespmem:$0x18800] =	vst v63  }
0x154: {  	s22 =	simm.s32 $0x7  }
0x155: {  	_ =	swait.ge [sflag:s22], $0x3000  }
0x156: {  	[sflag:s22] =	ssyncset.done $0x0  }
0x157: {  	s23 =	rddreg [dreg:$0x9];
	[sflag:s22] =	ssyncadd.s32 $0xFFFFD000  }
0x158: {  	[hbm4b:s23+s2] =	stream.linear.scatter [tilespmem:s11], [sflag:$0xF], $0x3000, $0x38;
	[tilespmem:$0x18800] =	vst v63  }
0x159: {  	s23 =	simm.s32 $0xF  }
0x15a: {  	_ =	swait.ge [sflag:s23], $0x3000  }
0x15b: {  	[sflag:s23] =	ssyncset.done $0x0  }
0x15c: {  	[sflag:s23] =	ssyncadd.s32 $0xFFFFD000  }
0x15d: {  	v3 =	vld [tilespmem:$0x700];
	_ =	sdelay $0x4  }
0x15e: {  	v62 =	vshrl.u32 v3, $0x3  }
0x15f: {  	v4 =	vmul.u32 $0x30, v62  }
0x160: {  	v3 =	vand.u32 $0x7, v3  }
0x161: {  	v3 =	vor.u32 v3, v4  }
0x162: {  	v4 =	vperm.xlane v3, v0;
	_ =	sdelay $0x1  }
0x163: {  	v4 =	vadd.s32 v1, v4;
	_ =	sdelay $0x3  }
0x164: {  	v3 =	vperm.xlane v3, v2  }
0x165: {  	[tilespmem:s11], [sflag:$0x7] =	stream.indirect_vreg.gather [hbm4b:s4+s2], $0x80, v4, vm0, $0xb8;
	[tilespmem:$0x18800] =	vst v63  }
0x166: {  	s24 =	simm.s32 $0x13000;
	v3 =	vadd.s32 v1, v3  }
0x167: {  	[tilespmem:s24], [sflag:$0x7] =	stream.indirect_vreg.gather [hbm4b:s5+s2], $0x80, v4, vm0, $0xb8;
	[tilespmem:$0x18800] =	vst v63  }
0x168: {  	s25 =	simm.s32 $0x13800  }
0x169: {  	[tilespmem:s25], [sflag:$0x7] =	stream.indirect_vreg.gather [hbm4b:s6+s2], $0x80, v4, vm0, $0xb8;
	[tilespmem:$0x18800] =	vst v63  }
0x16a: {  	s24 =	simm.s32 $0x14000  }
0x16b: {  	[tilespmem:s24], [sflag:$0x7] =	stream.indirect_vreg.gather [hbm4b:s4+s2], $0x80, v3, vm0, $0xb8;
	[tilespmem:$0x18800] =	vst v63  }
0x16c: {  	s25 =	simm.s32 $0x14800  }
0x16d: {  	[tilespmem:s25], [sflag:$0x7] =	stream.indirect_vreg.gather [hbm4b:s5+s2], $0x80, v3, vm0, $0xb8;
	[tilespmem:$0x18800] =	vst v63  }
0x16e: {  	s24 =	simm.s32 $0x15000  }
0x16f: {  	[tilespmem:s24], [sflag:$0x7] =	stream.indirect_vreg.gather [hbm4b:s6+s2], $0x80, v3, vm0, $0xb8;
	[tilespmem:$0x18800] =	vst v63  }
0x170: {  	s24 =	simm.s32 $0x8  }
0x171: {  	_ =	swait.ge [sflag:s24], $0x3000  }
0x172: {  	[sflag:s24] =	ssyncset.done $0x0  }
0x173: {  	s25 =	rddreg [dreg:$0xa];
	[sflag:s24] =	ssyncadd.s32 $0xFFFFD000  }
0x174: {  	[hbm4b:s25+s2] =	stream.linear.scatter [tilespmem:s3], [sflag:$0x10], $0x3000, $0x38;
	[tilespmem:$0x18800] =	vst v63  }
0x175: {  	s25 =	simm.s32 $0x10  }
0x176: {  	_ =	swait.ge [sflag:s25], $0x3000  }
0x177: {  	[sflag:s25] =	ssyncset.done $0x0  }
0x178: {  	[sflag:s25] =	ssyncadd.s32 $0xFFFFD000  }
0x179: {  	v3 =	vld [tilespmem:$0x780];
	_ =	sdelay $0x4  }
0x17a: {  	v63 =	vshrl.u32 v3, $0x3  }
0x17b: {  	v4 =	vmul.u32 $0x30, v63  }
0x17c: {  	v3 =	vand.u32 $0x7, v3  }
0x17d: {  	v3 =	vor.u32 v3, v4  }
0x17e: {  	v4 =	vperm.xlane v3, v0;
	_ =	sdelay $0x1  }
0x17f: {  	v4 =	vadd.s32 v1, v4;
	_ =	sdelay $0x3  }
0x180: {  	v3 =	vperm.xlane v3, v2  }
0x181: {  	[tilespmem:s3], [sflag:$0x8] =	stream.indirect_vreg.gather [hbm4b:s4+s2], $0x80, v4, vm0, $0xb8;
	[tilespmem:$0x18800] =	vst v63  }
0x182: {  	s14 =	simm.s32 $0x16000;
	v3 =	vadd.s32 v1, v3  }
0x183: {  	[tilespmem:s14], [sflag:$0x8] =	stream.indirect_vreg.gather [hbm4b:s5+s2], $0x80, v4, vm0, $0xb8;
	[tilespmem:$0x18800] =	vst v63  }
0x184: {  	s14 =	simm.s32 $0x16800  }
0x185: {  	[tilespmem:s14], [sflag:$0x8] =	stream.indirect_vreg.gather [hbm4b:s6+s2], $0x80, v4, vm0, $0xb8;
	[tilespmem:$0x18800] =	vst v63  }
0x186: {  	s14 =	simm.s32 $0x17000  }
0x187: {  	[tilespmem:s14], [sflag:$0x8] =	stream.indirect_vreg.gather [hbm4b:s4+s2], $0x80, v3, vm0, $0xb8;
	[tilespmem:$0x18800] =	vst v63  }
0x188: {  	s14 =	simm.s32 $0x17800  }
0x189: {  	[tilespmem:s14], [sflag:$0x8] =	stream.indirect_vreg.gather [hbm4b:s5+s2], $0x80, v3, vm0, $0xb8;
	[tilespmem:$0x18800] =	vst v63  }
0x18a: {  	s14 =	simm.s32 $0x18000  }
0x18b: {  	[tilespmem:s14], [sflag:$0x8] =	stream.indirect_vreg.gather [hbm4b:s6+s2], $0x80, v3, vm0, $0xb8;
	[tilespmem:$0x18800] =	vst v63  }
0x18c: {  	_ =	swait.ge [sflag:s0], $0x3000  }
0x18d: {  	[sflag:s0] =	ssyncset.done $0x0  }
0x18e: {  	s14 =	rddreg [dreg:$0xb];
	[sflag:s0] =	ssyncadd.s32 $0xFFFFD000;
	s0 =	simm.s32 $0x800  }
0x18f: {  	[hbm4b:s14+s2] =	stream.linear.scatter [tilespmem:s0], [sflag:$0x9], $0x3000, $0x38;
	[tilespmem:$0x18800] =	vst v63  }
0x190: {  	_ =	swait.ge [sflag:s8], $0x3000  }
0x191: {  	[sflag:s8] =	ssyncset.done $0x0  }
0x192: {  	s7 =	simm.s32 $0x3800;
	s0 =	rddreg [dreg:$0xc];
	[sflag:s8] =	ssyncadd.s32 $0xFFFFD000  }
0x193: {  	[hbm4b:s0+s2] =	stream.linear.scatter [tilespmem:s7], [sflag:$0xA], $0x3000, $0x38;
	[tilespmem:$0x18800] =	vst v63  }
0x194: {  	_ =	swait.ge [sflag:s10], $0x3000  }
0x195: {  	[sflag:s10] =	ssyncset.done $0x0  }
0x196: {  	s28 =	simm.s32 $0x6800;
	s8 =	rddreg [dreg:$0xd];
	[sflag:s10] =	ssyncadd.s32 $0xFFFFD000  }
0x197: {  	[hbm4b:s8+s2] =	stream.linear.scatter [tilespmem:s28], [sflag:$0xB], $0x3000, $0x38;
	[tilespmem:$0x18800] =	vst v63  }
0x198: {  	_ =	swait.ge [sflag:s13], $0x3000  }
0x199: {  	[sflag:s13] =	ssyncset.done $0x0  }
0x19a: {  	s26 =	simm.s32 $0x9800;
	s10 =	rddreg [dreg:$0xe];
	[sflag:s13] =	ssyncadd.s32 $0xFFFFD000  }
0x19b: {  	[hbm4b:s10+s2] =	stream.linear.scatter [tilespmem:s26], [sflag:$0xC], $0x3000, $0x38;
	[tilespmem:$0x18800] =	vst v63  }
0x19c: {  	_ =	swait.ge [sflag:s18], $0x3000  }
0x19d: {  	[sflag:s18] =	ssyncset.done $0x0  }
0x19e: {  	s13 =	rddreg [dreg:$0xf];
	[sflag:s18] =	ssyncadd.s32 $0xFFFFD000  }
0x19f: {  	[hbm4b:s13+s2] =	stream.linear.scatter [tilespmem:s17], [sflag:$0xD], $0x3000, $0x38;
	[tilespmem:$0x18800] =	vst v63  }
0x1a0: {  	_ =	swait.ge [sflag:s20], $0x3000  }
0x1a1: {  	[sflag:s20] =	ssyncset.done $0x0  }
0x1a2: {  	s18 =	rddreg [dreg:$0x10];
	[sflag:s20] =	ssyncadd.s32 $0xFFFFD000  }
0x1a3: {  	[hbm4b:s18+s2] =	stream.linear.scatter [tilespmem:s15], [sflag:$0xE], $0x3000, $0x38;
	[tilespmem:$0x18800] =	vst v63  }
0x1a4: {  	_ =	swait.ge [sflag:s22], $0x3000  }
0x1a5: {  	[sflag:s22] =	ssyncset.done $0x0  }
0x1a6: {  	s26 =	rddreg [dreg:$0x11];
	[sflag:s22] =	ssyncadd.s32 $0xFFFFD000  }
0x1a7: {  	[hbm4b:s26+s2] =	stream.linear.scatter [tilespmem:s11], [sflag:$0xF], $0x3000, $0x38;
	[tilespmem:$0x18800] =	vst v63  }
0x1a8: {  	_ =	swait.ge [sflag:s24], $0x3000  }
0x1a9: {  	[sflag:s24] =	ssyncset.done $0x0  }
0x1aa: {  	s28 =	rddreg [dreg:$0x12];
	[sflag:s24] =	ssyncadd.s32 $0xFFFFD000  }
0x1ab: {  	[hbm4b:s28+s2] =	stream.linear.scatter [tilespmem:s3], [sflag:$0x10], $0x3000, $0x38;
	[tilespmem:$0x18800] =	vst v63  }
0x1ac: {  	_ =	swait.ge [sflag:s1], $0x3000  }
0x1ad: {  	[sflag:s1] =	ssyncset.done $0x0  }
0x1ae: {  	[sflag:s1] =	ssyncadd.s32 $0xFFFFD000  }
0x1af: {  	_ =	swait.ge [sflag:s9], $0x3000  }
0x1b0: {  	[sflag:s9] =	ssyncset.done $0x0  }
0x1b1: {  	[sflag:s9] =	ssyncadd.s32 $0xFFFFD000  }
0x1b2: {  	_ =	swait.ge [sflag:s12], $0x3000  }
0x1b3: {  	[sflag:s12] =	ssyncset.done $0x0  }
0x1b4: {  	[sflag:s12] =	ssyncadd.s32 $0xFFFFD000  }
0x1b5: {  	_ =	swait.ge [sflag:s16], $0x3000  }
0x1b6: {  	[sflag:s16] =	ssyncset.done $0x0  }
0x1b7: {  	[sflag:s16] =	ssyncadd.s32 $0xFFFFD000  }
0x1b8: {  	_ =	swait.ge [sflag:s19], $0x3000  }
0x1b9: {  	[sflag:s19] =	ssyncset.done $0x0  }
0x1ba: {  	[sflag:s19] =	ssyncadd.s32 $0xFFFFD000  }
0x1bb: {  	_ =	swait.ge [sflag:s21], $0x3000  }
0x1bc: {  	[sflag:s21] =	ssyncset.done $0x0  }
0x1bd: {  	[sflag:s21] =	ssyncadd.s32 $0xFFFFD000  }
0x1be: {  	p0 =	sne.s32 s29, $0x1;
	_ =	swait.ge [sflag:s23], $0x3000  }
.Ltmp0:
0x1bf: {  	[sflag:s23] =	ssyncset.done $0x0;
	(pc) =	sbr.rel @p0 .LBB2_1-.Ltmp0, $4  }
0x1c0: {  	[sflag:s23] =	ssyncadd.s32 $0xFFFFD000  }
0x1c1: {  	_ =	swait.ge [sflag:s25], $0x3000  }
0x1c2: {  	[sflag:s25] =	ssyncset.done $0x0  }
0x1c3: {  	s29 =	sadd.s32 $0xFFFFFFFF, s29;
	[sflag:s25] =	ssyncadd.s32 $0xFFFFD000  }
0x1c4: {  	_ =	sfence.sel $0x180000  }
0x1c5: {  	[bflag:$0x0] =	sbarrier.arrive $0xFFFF  }
0x1c6: {  	_ =	strace $0x9000004A  }
0x1c7: {  	s0 =	stileid.u32;
	[bflag:$0x2] =	sbarrier.arrive $0xFFFF  }
0x1c8: {  	p0 =	sne.s32 s0, $0x0;
	s0 =	rddreg [dreg:$0x2]  }
0x1c9: {  	s0 =	sadd.s32 @!p0 $0x100000, s0  }
0x1ca: {  	[sflag:s0] =	ssyncadd.tile.s32 @!p0 $0x1;
	_ =	shalt  }
.Lfunc_end2:
_tile_overlayer_lowered:
.L_overlay_start_2:
0x1cb: {  	(tag) =	ssettag $0x2  }
0x1cc: {  	s0 =	rddreg [dreg:$0x0];
	s2 =	stileid.u32  }
0x1cd: {  	s1 =	rddreg [dreg:$0x1];
	p0 =	sne.s32 s2, $0x0  }
0x1ce: {  	s3 =	rddreg [dreg:$0x2];
	[bflag:$0x3] =	sbarrier.arrive $0xFFFF;
	s2 =	simm.s32 @!p0 $0x1C11  }
0x1cf: {  	[timem:s3], [sflag:s2] =	dma.local @!p0 [hbm:s0], s1  }
0x1d0: {  	s0 =	simm.s32 @!p0 $0x11  }
0x1d1: {  	_ =	swait.ge @!p0 [sflag:s0], s1  }
0x1d2: {  	s1 =	ssub.s32 @!p0 $0x0, s1;
	[sflag:s0] =	ssyncset.done @!p0 $0x0  }
0x1d3: {  	[sflag:s0] =	ssyncadd.s32 @!p0 s1  }
0x1d4: {  	[bflag:$0x3] =	sbarrier.arrive $0xFFFF  }
0x1d5: {  	_ =	shalt  }

</sc_bundles>
